<compile_context>
chip_gen: v7x
topology: tpu7x:2x2x1
jax: 0.10.2.dev20260603
libtpu: 0.0.44.dev20260713+nightly
codegen_flags: <defaults>
</compile_context>

<pallas_src>
import functools

import jax
import jax.numpy as jnp
from jax import lax
from jax.experimental import pallas as pl
from jax.experimental.pallas import tpu as pltpu
from jax.experimental.pallas import tpu_sc as plsc

N = 10000
D = 128
E = 320000
NT = 10240
NC, NS = 2, 16
NW = NC * NS
K = 128
WIN = 80
CH = 40
NCHUNK = WIN // CH
EP = NW * WIN * K
ROWS_PER_SUB = NT // NS
DEG_REGIONS = 8
DEG_FLAT = DEG_REGIONS * NT
DEG_PER_SUB = DEG_FLAT // NS
DWIN = 6 * EP // (NW * K)
BLK = 256
NBLK = NT // BLK
_PREC = lax.Precision.HIGHEST


def _mesh():
    return plsc.VectorSubcoreMesh(core_axis_name="c", subcore_axis_name="s")


def _sc_degrees(deg_idx):
    @functools.partial(
        pl.kernel,
        out_type=jax.ShapeDtypeStruct((NC, DEG_FLAT), jnp.float32),
        mesh=_mesh(),
        scratch_types=[
            pltpu.VMEM((DWIN, K), jnp.int32),
            pltpu.VMEM((K,), jnp.float32),
            pltpu.VMEM((K,), jnp.float32),
            pltpu.VMEM_SHARED((DEG_FLAT,), jnp.float32),
            pltpu.SemaphoreType.DMA,
        ],
    )
    def k(idx_hbm, out_hbm, idx_v, ones_v, zeros_v, acc, sem):
        c = lax.axis_index("c")
        s = lax.axis_index("s")
        wid = s * NC + c

        @pl.loop(0, K, step=16)
        def _(i):
            ones_v[pl.ds(i, 16)] = jnp.ones((16,), jnp.float32)
            zeros_v[pl.ds(i, 16)] = jnp.zeros((16,), jnp.float32)

        @pl.loop(0, DEG_PER_SUB, step=K)
        def _(i):
            pltpu.sync_copy(zeros_v, acc.at[pl.ds(s * DEG_PER_SUB + i, K)])

        plsc.subcore_barrier()
        pltpu.sync_copy(idx_hbm.at[wid], idx_v)

        @pl.loop(0, DWIN)
        def _(j):
            pltpu.make_async_copy(
                ones_v, acc.at[idx_v.at[j]], sem).start(add=True)

            @pl.when(j >= 8)
            def _():
                pltpu.make_async_copy(ones_v, acc.at[idx_v.at[0]],
                                      sem).wait()

        @pl.loop(0, 8)
        def _(j):
            pltpu.make_async_copy(ones_v, acc.at[idx_v.at[0]], sem).wait()

        plsc.subcore_barrier()
        pltpu.sync_copy(acc.at[pl.ds(s * DEG_PER_SUB, DEG_PER_SUB)],
                        out_hbm.at[c, pl.ds(s * DEG_PER_SUB, DEG_PER_SUB)])

    return k(deg_idx)


def _sc_scatter(table, srcp, dstp):
    @functools.partial(
        pl.kernel,
        out_type=jax.ShapeDtypeStruct((NC * 3 * NT, D), jnp.float32),
        mesh=_mesh(),
        scratch_types=[
            pltpu.VMEM((CH, K), jnp.int32),
            pltpu.VMEM((CH, K), jnp.int32),
            pltpu.VMEM((K, D), jnp.float32),
            pltpu.VMEM((K, D), jnp.float32),
            pltpu.VMEM_SHARED((NT, D), jnp.float32),
            pltpu.SemaphoreType.DMA,
            pltpu.SemaphoreType.DMA,
            pltpu.SemaphoreType.DMA,
            pltpu.SemaphoreType.DMA,
        ],
    )
    def k(table_hbm, srcp_hbm, dstp_hbm, out_hbm,
          src_idx, dst_idx, rows0, rows1, acc, sem0, sem1, ssem0, ssem1):
        c = lax.axis_index("c")
        s = lax.axis_index("s")
        wid = s * NC + c

        def g_start(idx_ref, j, rows, sem):
            pltpu.make_async_copy(
                table_hbm.at[idx_ref.at[j, pl.ds(0, K // 2)]],
                rows.at[pl.ds(0, K // 2)], sem).start()
            pltpu.make_async_copy(
                table_hbm.at[idx_ref.at[j, pl.ds(K // 2, K // 2)]],
                rows.at[pl.ds(K // 2, K // 2)], sem).start()

        for r in range(3):
            @pl.loop(0, K)
            def _(i):
                @pl.loop(0, D, step=16)
                def _(j):
                    rows0[i, pl.ds(j, 16)] = jnp.zeros((16,), jnp.float32)

            @pl.loop(0, ROWS_PER_SUB, step=K)
            def _(i):
                pltpu.sync_copy(rows0, acc.at[pl.ds(s * ROWS_PER_SUB + i, K)])

            plsc.subcore_barrier()

            @pl.loop(0, NCHUNK)
            def _(ch):
                pltpu.sync_copy(
                    srcp_hbm.at[r * NW + wid, pl.ds(ch * CH, CH)], src_idx)
                pltpu.sync_copy(
                    dstp_hbm.at[r * NW + wid, pl.ds(ch * CH, CH)], dst_idx)

                g_start(src_idx, 0, rows0, sem0)
                g_start(src_idx, 1, rows1, sem1)

                @pl.loop(0, CH, step=2)
                def _(j):
                    pltpu.make_async_copy(
                        table_hbm.at[src_idx.at[j]], rows0, sem0).wait()
                    pltpu.make_async_copy(
                        rows0, acc.at[dst_idx.at[j]], ssem0).start(add=True)
                    pltpu.make_async_copy(
                        table_hbm.at[src_idx.at[j + 1]], rows1, sem1).wait()
                    pltpu.make_async_copy(
                        rows1, acc.at[dst_idx.at[j + 1]], ssem1).start(add=True)

                    @pl.when(j + 2 < CH)
                    def _():
                        pltpu.make_async_copy(
                            rows0, acc.at[dst_idx.at[j]], ssem0).wait()
                        g_start(src_idx, j + 2, rows0, sem0)

                    @pl.when(j + 3 < CH)
                    def _():
                        pltpu.make_async_copy(
                            rows1, acc.at[dst_idx.at[j + 1]], ssem1).wait()
                        g_start(src_idx, j + 3, rows1, sem1)

                pltpu.make_async_copy(
                    rows0, acc.at[dst_idx.at[CH - 2]], ssem0).wait()
                pltpu.make_async_copy(
                    rows1, acc.at[dst_idx.at[CH - 1]], ssem1).wait()

            plsc.subcore_barrier()
            pltpu.sync_copy(
                acc.at[pl.ds(s * ROWS_PER_SUB, ROWS_PER_SUB)],
                out_hbm.at[pl.ds((c * 3 + r) * NT + s * ROWS_PER_SUB,
                                 ROWS_PER_SUB)])

    return k(table, srcp, dstp)


def _tc_prep(x_pad, degp):
    def body(x_ref, d_ref, t_ref, rf_ref):
        deg = d_ref[0] + d_ref[1]
        rf = lax.rsqrt(jnp.maximum(deg, 1.0))
        rf_ref[...] = rf
        x = x_ref[...]
        t_ref[...] = jnp.stack([x * rf[r][:, None] for r in range(3)])

    return pl.pallas_call(
        body,
        grid=(NBLK,),
        in_specs=[
            pl.BlockSpec((BLK, D), lambda i: (i, 0)),
            pl.BlockSpec((NC, DEG_REGIONS, BLK), lambda i: (0, 0, i)),
        ],
        out_specs=[
            pl.BlockSpec((3, BLK, D), lambda i: (0, i, 0)),
            pl.BlockSpec((DEG_REGIONS, BLK), lambda i: (0, i)),
        ],
        out_shape=[
            jax.ShapeDtypeStruct((3, NT, D), jnp.float32),
            jax.ShapeDtypeStruct((DEG_REGIONS, NT), jnp.float32),
        ],
    )(x_pad, degp)


def _tc_mid(p, rfac, W0, prm0, fc0_W):
    def body(p_ref, rf_ref, w_ref, prm_ref, fc_ref, t_ref, h_scr, st_scr):
        ph = pl.program_id(0)
        i = pl.program_id(1)
        rowid = i * BLK + lax.broadcasted_iota(jnp.int32, (BLK, 1), 0)

        @pl.when(ph == 0)
        def _():
            p_ = p_ref[...]
            rf = rf_ref[...]
            acc = jnp.zeros((BLK, D), jnp.float32)
            for r in range(3):
                agg = (p_[0, r] + p_[1, r]) * rf[3 + r][:, None]
                acc += jnp.dot(agg, w_ref[r], precision=_PREC,
                               preferred_element_type=jnp.float32)
            acc += (prm_ref[0] + prm_ref[1] + prm_ref[2])[None]
            h2 = jnp.dot(acc, fc_ref[...], precision=_PREC,
                         preferred_element_type=jnp.float32) \
                + prm_ref[3][None]
            hr = jnp.maximum(h2, 0.0)
            hr = jnp.where(rowid < N, hr, 0.0)
            h_scr[pl.ds(i * BLK, BLK), :] = hr

            @pl.when(i == 0)
            def _():
                st_scr[...] = jnp.zeros((8, D), jnp.float32)

            st_scr[...] += jnp.concatenate(
                [jnp.sum(hr, axis=0)[None], jnp.sum(hr * hr, axis=0)[None],
                 jnp.zeros((6, D), jnp.float32)], axis=0)
            t_ref[...] = jnp.zeros((3, BLK, D), jnp.float32)

        @pl.when(ph == 1)
        def _():
            mu = st_scr[0] / N
            var = st_scr[1] / N - mu * mu
            sc = lax.rsqrt(var + 1e-5) * prm_ref[4]
            hb = (h_scr[pl.ds(i * BLK, BLK), :] - mu[None]) * sc[None] \
                + prm_ref[5][None]
            hb = jnp.where(rowid < N, hb, 0.0)
            rf = rf_ref[...]
            t_ref[...] = jnp.stack([hb * rf[r][:, None] for r in range(3)])

    return pl.pallas_call(
        body,
        grid=(2, NBLK),
        in_specs=[
            pl.BlockSpec((NC, 3, BLK, D),
                         lambda ph, i: (0, 0, i * (1 - ph), 0)),
            pl.BlockSpec((DEG_REGIONS, BLK), lambda ph, i: (0, i)),
            pl.BlockSpec((3, D, D), lambda ph, i: (0, 0, 0)),
            pl.BlockSpec((8, D), lambda ph, i: (0, 0)),
            pl.BlockSpec((D, D), lambda ph, i: (0, 0)),
        ],
        out_specs=pl.BlockSpec((3, BLK, D), lambda ph, i: (0, i, 0)),
        out_shape=jax.ShapeDtypeStruct((3, NT, D), jnp.float32),
        scratch_shapes=[
            pltpu.VMEM((NT, D), jnp.float32),
            pltpu.VMEM((8, D), jnp.float32),
        ],
    )(p, rfac, W0, prm0, fc0_W)


def _tc_final(p, rfac, W1, prm1, fc1_W):
    def body(p_ref, rf_ref, w_ref, prm_ref, fc_ref, y_ref):
        p_ = p_ref[...]
        rf = rf_ref[...]
        acc = jnp.zeros((BLK, D), jnp.float32)
        for r in range(3):
            agg = (p_[0, r] + p_[1, r]) * rf[3 + r][:, None]
            acc += jnp.dot(agg, w_ref[r], precision=_PREC,
                           preferred_element_type=jnp.float32)
        acc += (prm_ref[0] + prm_ref[1] + prm_ref[2])[None]
        y_ref[...] = jnp.dot(acc, fc_ref[...], precision=_PREC,
                             preferred_element_type=jnp.float32) \
            + prm_ref[3][None]

    return pl.pallas_call(
        body,
        grid=(NBLK,),
        in_specs=[
            pl.BlockSpec((NC, 3, BLK, D), lambda i: (0, 0, i, 0)),
            pl.BlockSpec((DEG_REGIONS, BLK), lambda i: (0, i)),
            pl.BlockSpec((3, D, D), lambda i: (0, 0, 0)),
            pl.BlockSpec((8, D), lambda i: (0, 0)),
            pl.BlockSpec((D, D), lambda i: (0, 0)),
        ],
        out_specs=pl.BlockSpec((BLK, D), lambda i: (i, 0)),
        out_shape=jax.ShapeDtypeStruct((NT, D), jnp.float32),
    )(p, rfac, W1, prm1, fc1_W)


def _pad_edges(idx, region_offset):
    fill = (N + (jnp.arange(EP - E, dtype=jnp.int32) % (NT - N))
            + region_offset)
    return jnp.concatenate([idx + region_offset, fill]).reshape(NW, WIN, K)


def kernel(x, ei_seq, ei_knn, ei_dis,
           W0_seq, b0_seq, W0_knn, b0_knn, W0_dis, b0_dis,
           fc0_W, fc0_b, bn0_gamma, bn0_beta,
           W1_seq, b1_seq, W1_knn, b1_knn, W1_dis, b1_dis,
           fc1_W, fc1_b):
    eis = (ei_seq, ei_knn, ei_dis)

    deg_idx = jnp.concatenate(
        [_pad_edges(eis[r][side], (side * 3 + r) * NT).reshape(-1)
         for side in (0, 1) for r in range(3)]).reshape(NW, DWIN, K)

    srcp = jnp.concatenate([_pad_edges(eis[r][0], r * NT) for r in range(3)])
    dstp = jnp.concatenate([_pad_edges(eis[r][1], 0) for r in range(3)])

    degp = _sc_degrees(deg_idx).reshape(NC, DEG_REGIONS, NT)

    x_pad = jnp.pad(x, ((0, NT - N), (0, 0)))
    tables0, rfac = _tc_prep(x_pad, degp)

    p0 = _sc_scatter(tables0.reshape(3 * NT, D), srcp, dstp)
    p0 = p0.reshape(NC, 3, NT, D)

    W0 = jnp.stack([W0_seq, W0_knn, W0_dis])
    prm0 = jnp.stack([b0_seq, b0_knn, b0_dis, fc0_b, bn0_gamma, bn0_beta,
                      jnp.zeros_like(fc0_b), jnp.zeros_like(fc0_b)])
    tables1 = _tc_mid(p0, rfac, W0, prm0, fc0_W)

    p1 = _sc_scatter(tables1.reshape(3 * NT, D), srcp, dstp)
    p1 = p1.reshape(NC, 3, NT, D)

    W1 = jnp.stack([W1_seq, W1_knn, W1_dis])
    prm1 = jnp.stack([b1_seq, b1_knn, b1_dis, fc1_b,
                      jnp.zeros_like(fc1_b), jnp.zeros_like(fc1_b),
                      jnp.zeros_like(fc1_b), jnp.zeros_like(fc1_b)])
    y = _tc_final(p1, rfac, W1, prm1, fc1_W)
    return y[:N]

# --- scband reference (transcript-rebuilt; emitter-appended) ---
"""Pipeline reference for scband-gcn-decoder-4853313044733 (READ-ONLY COPY).

The authoritative reference and input builder live on the scoring server;
editing this copy changes nothing except your own understanding.
"""

import jax, jax.numpy as jnp
import numpy as np

N = 10000
E = 320000
D = 128
OUT = 128


def setup_inputs(seed: int = 0) -> dict:
    key = jax.random.key(seed)
    ks = jax.random.split(key, 16)
    inp = {}
    inp["x"] = jax.random.normal(ks[0], (N, D), dtype=jnp.float32)
    inp["ei_seq"] = jax.random.randint(ks[1], (2, E), 0, N, dtype=jnp.int32)
    inp["ei_knn"] = jax.random.randint(ks[2], (2, E), 0, N, dtype=jnp.int32)
    inp["ei_dis"] = jax.random.randint(ks[3], (2, E), 0, N, dtype=jnp.int32)
    # layer 0 hetero conv weights (GraphConv per relation)
    inp["W0_seq"] = jax.random.normal(ks[4], (D, D), dtype=jnp.float32) * 0.05
    inp["b0_seq"] = jnp.zeros((D,), dtype=jnp.float32)
    inp["W0_knn"] = jax.random.normal(ks[5], (D, D), dtype=jnp.float32) * 0.05
    inp["b0_knn"] = jnp.zeros((D,), dtype=jnp.float32)
    inp["W0_dis"] = jax.random.normal(ks[6], (D, D), dtype=jnp.float32) * 0.05
    inp["b0_dis"] = jnp.zeros((D,), dtype=jnp.float32)
    inp["fc0_W"] = jax.random.normal(ks[7], (D, D), dtype=jnp.float32) * 0.05
    inp["fc0_b"] = jnp.zeros((D,), dtype=jnp.float32)
    inp["bn0_gamma"] = jnp.ones((D,), dtype=jnp.float32)
    inp["bn0_beta"] = jnp.zeros((D,), dtype=jnp.float32)
    # layer 1 hetero conv weights
    inp["W1_seq"] = jax.random.normal(ks[8], (D, D), dtype=jnp.float32) * 0.05
    inp["b1_seq"] = jnp.zeros((D,), dtype=jnp.float32)
    inp["W1_knn"] = jax.random.normal(ks[9], (D, D), dtype=jnp.float32) * 0.05
    inp["b1_knn"] = jnp.zeros((D,), dtype=jnp.float32)
    inp["W1_dis"] = jax.random.normal(ks[10], (D, D), dtype=jnp.float32) * 0.05
    inp["b1_dis"] = jnp.zeros((D,), dtype=jnp.float32)
    inp["fc1_W"] = jax.random.normal(ks[11], (D, OUT), dtype=jnp.float32) * 0.05
    inp["fc1_b"] = jnp.zeros((OUT,), dtype=jnp.float32)
    return inp


def _gconv(x, ei, W, b):
    # DGL GraphConv with norm='both': D_dst^{-1/2} A D_src^{-1/2} X W + b
    src = ei[0]
    dst = ei[1]
    n = x.shape[0]
    deg_out = jnp.clip(jnp.zeros((n,), jnp.float32).at[src].add(1.0), 1.0, None)
    deg_in = jnp.clip(jnp.zeros((n,), jnp.float32).at[dst].add(1.0), 1.0, None)
    h = x * jax.lax.rsqrt(deg_out)[:, None]
    h = h @ W
    agg = jnp.zeros((n, W.shape[1]), jnp.float32).at[dst].add(h[src])
    agg = agg * jax.lax.rsqrt(deg_in)[:, None]
    return agg + b


def _batchnorm(h, gamma, beta, eps=1e-5):
    mu = h.mean(axis=0)
    var = h.var(axis=0)
    return (h - mu) * jax.lax.rsqrt(var + eps) * gamma + beta


def reference(x, ei_seq, ei_knn, ei_dis,
              W0_seq, b0_seq, W0_knn, b0_knn, W0_dis, b0_dis,
              fc0_W, fc0_b, bn0_gamma, bn0_beta,
              W1_seq, b1_seq, W1_knn, b1_knn, W1_dis, b1_dis,
              fc1_W, fc1_b):
    # layer 0: HeteroGraphConv(sum over SEQ/STR_KNN/STR_DIS)
    h = (_gconv(x, ei_seq, W0_seq, b0_seq)
         + _gconv(x, ei_knn, W0_knn, b0_knn)
         + _gconv(x, ei_dis, W0_dis, b0_dis))
    h = h @ fc0_W + fc0_b
    h = jax.nn.relu(h)
    h = _batchnorm(h, bn0_gamma, bn0_beta)
    # dropout is identity in eval / for deterministic reference
    # layer 1 (final): no norm/relu/dropout
    h = (_gconv(h, ei_seq, W1_seq, b1_seq)
         + _gconv(h, ei_knn, W1_knn, b1_knn)
         + _gconv(h, ei_dis, W1_dis, b1_dis))
    h = h @ fc1_W + fc1_b
    return h

if __name__ == "__main__":
    import jax
    _d = setup_inputs()
    print(jax.jit(kernel)(*tuple(_d.values())))

</pallas_src>

<mosaic_0001>
#map = affine_map<(d0, d1) -> (0, 0)>
#map1 = affine_map<(d0, d1) -> (0, 0, 0)>
module attributes {stable_mosaic.version = 14 : i64} {
  func.func @k(%arg0: i32, %arg1: i32, %arg2: memref<30720x128xf32, #tpu.memory_space<hbm>>, %arg3: memref<96x80x128xi32, #tpu.memory_space<hbm>>, %arg4: memref<96x80x128xi32, #tpu.memory_space<hbm>>, %arg5: memref<61440x128xf32, #tpu.memory_space<hbm>>, %arg6: memref<40x128xi32, #tpu.memory_space<vmem>>, %arg7: memref<40x128xi32, #tpu.memory_space<vmem>>, %arg8: memref<128x128xf32, #tpu.memory_space<vmem>>, %arg9: memref<128x128xf32, #tpu.memory_space<vmem>>, %arg10: memref<10240x128xf32, #tpu.memory_space<vmem_shared>>, %arg11: memref<!tpu.dma_semaphore, #tpu.memory_space<semaphore_mem>>, %arg12: memref<!tpu.dma_semaphore, #tpu.memory_space<semaphore_mem>>, %arg13: memref<!tpu.dma_semaphore, #tpu.memory_space<semaphore_mem>>, %arg14: memref<!tpu.dma_semaphore, #tpu.memory_space<semaphore_mem>>) attributes {dimension_semantics = [#tpu.dimension_semantics<core_parallel>, #tpu.dimension_semantics<subcore_parallel>], iteration_bounds = array<i64: 2, 16>, scalar_prefetch = 0 : i64, scratch_operands = 9 : i64, tpu.core_type = #tpu.core_type<sc_vector_subcore>, window_params = [{transform_indices = #map}, {transform_indices = #map1}, {transform_indices = #map1}, {transform_indices = #map}]} {
    %mul3A = arith.constant 2 : i32
    %mul3A_0 = arith.muli %arg1, %mul3A : i32
    %add3A = arith.addi %mul3A_0, %arg0 : i32
    %scan3A = arith.constant 0 : i32
    %scan3A_1 = arith.constant 128 : i32
    %scan3A_2 = arith.addi %scan3A, %scan3A_1 : i32
    %scan3A_3 = arith.constant 1 : i32
    scf.for %scan3A_83 = %scan3A to %scan3A_2 step %scan3A_3  : i32 {
      %mul3A_84 = arith.constant 1 : i32
      %mul3A_85 = arith.muli %scan3A_83, %mul3A_84 : i32
      %add3A_86 = arith.constant 0 : i32
      %add3A_87 = arith.addi %add3A_86, %mul3A_85 : i32
      %scan3A_88 = arith.constant 0 : i32
      %scan3A_89 = arith.constant 8 : i32
      %scan3A_90 = arith.addi %scan3A_88, %scan3A_89 : i32
      %scan3A_91 = arith.constant 1 : i32
      scf.for %scan3A_93 = %scan3A_88 to %scan3A_90 step %scan3A_91  : i32 {
        %mul3A_94 = arith.constant 16 : i32
        %mul3A_95 = arith.muli %scan3A_93, %mul3A_94 : i32
        %add3A_96 = arith.constant 0 : i32
        %add3A_97 = arith.addi %add3A_96, %mul3A_95 : i32
        %broadcast_in_dim3A = arith.constant 0.000000e+00 : f32
        %broadcast_in_dim3A_98 = vector.broadcast %broadcast_in_dim3A : f32 to vector<16xf32>
        %swap3A = arith.index_cast %add3A_87 : i32 to index
        %swap3A_99 = arith.index_cast %add3A_97 : i32 to index
        %swap3A_100 = tpu.vector_load %arg8[%swap3A, %swap3A_99] {strides = array<i32>} : memref<128x128xf32, #tpu.memory_space<vmem>>, vector<1x16xf32>,
        %swap3A_101 = vector.shape_cast %swap3A_100 : vector<1x16xf32> to vector<16xf32>
        %swap3A_102 = vector.shape_cast %broadcast_in_dim3A_98 : vector<16xf32> to vector<1x16xf32>
        tpu.vector_store %arg8[%swap3A, %swap3A_99], %swap3A_102 {strides = array<i32>} : memref<128x128xf32, #tpu.memory_space<vmem>>, vector<1x16xf32>,
      }
      %scan3A_92 = arith.constant 8 : i32
    }
    %scan3A_4 = arith.constant 128 : i32
    %scan3A_5 = arith.constant 0 : i32
    %scan3A_6 = arith.constant 5 : i32
    %scan3A_7 = arith.addi %scan3A_5, %scan3A_6 : i32
    %scan3A_8 = arith.constant 1 : i32
    scf.for %scan3A_83 = %scan3A_5 to %scan3A_7 step %scan3A_8  : i32 {
      %mul3A_84 = arith.constant 128 : i32
      %mul3A_85 = arith.muli %scan3A_83, %mul3A_84 : i32
      %add3A_86 = arith.constant 0 : i32
      %add3A_87 = arith.addi %add3A_86, %mul3A_85 : i32
      %mul3A_88 = arith.constant 640 : i32
      %mul3A_89 = arith.muli %arg1, %mul3A_88 : i32
      %add3A_90 = arith.addi %mul3A_89, %add3A_87 : i32
      "tpu.region"() ({
        %run_scoped3A = tpu.sem_alloc : memref<!tpu.dma_semaphore, #tpu.memory_space<semaphore_mem>>
        %dma_start3A = arith.constant 0 : i32
        %dma_start3A_91 = tpu.memref_slice %arg10[%add3A_90, %dma_start3A] : memref<10240x128xf32, #tpu.memory_space<vmem_shared>> -> memref<128x128xf32, #tpu.memory_space<vmem_shared>>
        %dma_start3A_92 = arith.constant 0 : i32
        %dma_start3A_93 = tpu.memref_slice %arg10[%add3A_90, %dma_start3A_92] : memref<10240x128xf32, #tpu.memory_space<vmem_shared>> -> memref<128x128xf32, #tpu.memory_space<vmem_shared>>
        tpu.enqueue_dma source(%arg8 : memref<128x128xf32, #tpu.memory_space<vmem>>) target(%dma_start3A_93 : memref<128x128xf32, #tpu.memory_space<vmem_shared>>) target_semaphore(%run_scoped3A : memref<!tpu.dma_semaphore, #tpu.memory_space<semaphore_mem>>)
        %dma_wait3A = arith.constant 0 : i32
        %dma_wait3A_94 = tpu.memref_slice %arg10[%add3A_90, %dma_wait3A] : memref<10240x128xf32, #tpu.memory_space<vmem_shared>> -> memref<128x128xf32, #tpu.memory_space<vmem_shared>>
        %dma_wait3A_95 = arith.constant 0 : i32
        %dma_wait3A_96 = tpu.memref_slice %arg10[%add3A_90, %dma_wait3A_95] : memref<10240x128xf32, #tpu.memory_space<vmem_shared>> -> memref<128x128xf32, #tpu.memory_space<vmem_shared>>
        tpu.wait_dma2 semaphore(%run_scoped3A : memref<!tpu.dma_semaphore, #tpu.memory_space<semaphore_mem>>) src(%arg8 : memref<128x128xf32, #tpu.memory_space<vmem>>) dst(%dma_wait3A_96 : memref<128x128xf32, #tpu.memory_space<vmem_shared>>)
        tpu.yield
      }) : () -> ()
    }
    %scan3A_9 = arith.constant 5 : i32
    %barrier3A = arith.constant 0 : index
    tpu.barrier barrier_id(%barrier3A)
    %scan3A_10 = arith.constant 0 : i32
    %scan3A_11 = arith.constant 2 : i32
    %scan3A_12 = arith.addi %scan3A_10, %scan3A_11 : i32
    %scan3A_13 = arith.constant 1 : i32
    scf.for %scan3A_83 = %scan3A_10 to %scan3A_12 step %scan3A_13  : i32 {
      %mul3A_84 = arith.constant 1 : i32
      %mul3A_85 = arith.muli %scan3A_83, %mul3A_84 : i32
      %add3A_86 = arith.constant 0 : i32
      %add3A_87 = arith.addi %add3A_86, %mul3A_85 : i32
      %add3A_88 = arith.constant 0 : i32
      %add3A_89 = arith.addi %add3A_88, %add3A : i32
      %mul3A_90 = arith.constant 40 : i32
      %mul3A_91 = arith.muli %add3A_87, %mul3A_90 : i32
      "tpu.region"() ({
        %run_scoped3A = tpu.sem_alloc : memref<!tpu.dma_semaphore, #tpu.memory_space<semaphore_mem>>
        %dma_start3A_153 = arith.constant 0 : i32
        %dma_start3A_154 = tpu.memref_slice %arg3[%add3A_89, %mul3A_91, %dma_start3A_153] : memref<96x80x128xi32, #tpu.memory_space<hbm>> -> memref<1x40x128xi32, #tpu.memory_space<hbm>>
        %dma_start3A_155 = tpu.memref_squeeze %dma_start3A_154 : memref<1x40x128xi32, #tpu.memory_space<hbm>> -> memref<40x128xi32, #tpu.memory_space<hbm>>
        %dma_start3A_156 = arith.constant 0 : i32
        %dma_start3A_157 = tpu.memref_slice %arg3[%add3A_89, %mul3A_91, %dma_start3A_156] : memref<96x80x128xi32, #tpu.memory_space<hbm>> -> memref<1x40x128xi32, #tpu.memory_space<hbm>>
        %dma_start3A_158 = tpu.memref_squeeze %dma_start3A_157 : memref<1x40x128xi32, #tpu.memory_space<hbm>> -> memref<40x128xi32, #tpu.memory_space<hbm>>
        tpu.enqueue_dma source(%dma_start3A_158 : memref<40x128xi32, #tpu.memory_space<hbm>>) target(%arg6 : memref<40x128xi32, #tpu.memory_space<vmem>>) target_semaphore(%run_scoped3A : memref<!tpu.dma_semaphore, #tpu.memory_space<semaphore_mem>>)
        %dma_wait3A_159 = arith.constant 0 : i32
        %dma_wait3A_160 = tpu.memref_slice %arg3[%add3A_89, %mul3A_91, %dma_wait3A_159] : memref<96x80x128xi32, #tpu.memory_space<hbm>> -> memref<1x40x128xi32, #tpu.memory_space<hbm>>
        %dma_wait3A_161 = tpu.memref_squeeze %dma_wait3A_160 : memref<1x40x128xi32, #tpu.memory_space<hbm>> -> memref<40x128xi32, #tpu.memory_space<hbm>>
        %dma_wait3A_162 = arith.constant 0 : i32
        %dma_wait3A_163 = tpu.memref_slice %arg3[%add3A_89, %mul3A_91, %dma_wait3A_162] : memref<96x80x128xi32, #tpu.memory_space<hbm>> -> memref<1x40x128xi32, #tpu.memory_space<hbm>>
        %dma_wait3A_164 = tpu.memref_squeeze %dma_wait3A_163 : memref<1x40x128xi32, #tpu.memory_space<hbm>> -> memref<40x128xi32, #tpu.memory_space<hbm>>
        tpu.wait_dma2 semaphore(%run_scoped3A : memref<!tpu.dma_semaphore, #tpu.memory_space<semaphore_mem>>) src(%dma_wait3A_164 : memref<40x128xi32, #tpu.memory_space<hbm>>) dst(%arg6 : memref<40x128xi32, #tpu.memory_space<vmem>>)
        tpu.yield
      }) : () -> ()
      %add3A_92 = arith.constant 0 : i32
      %add3A_93 = arith.addi %add3A_92, %add3A : i32
      %mul3A_94 = arith.constant 40 : i32
      %mul3A_95 = arith.muli %add3A_87, %mul3A_94 : i32
      "tpu.region"() ({
        %run_scoped3A = tpu.sem_alloc : memref<!tpu.dma_semaphore, #tpu.memory_space<semaphore_mem>>
        %dma_start3A_153 = arith.constant 0 : i32
        %dma_start3A_154 = tpu.memref_slice %arg4[%add3A_93, %mul3A_95, %dma_start3A_153] : memref<96x80x128xi32, #tpu.memory_space<hbm>> -> memref<1x40x128xi32, #tpu.memory_space<hbm>>
        %dma_start3A_155 = tpu.memref_squeeze %dma_start3A_154 : memref<1x40x128xi32, #tpu.memory_space<hbm>> -> memref<40x128xi32, #tpu.memory_space<hbm>>
        %dma_start3A_156 = arith.constant 0 : i32
        %dma_start3A_157 = tpu.memref_slice %arg4[%add3A_93, %mul3A_95, %dma_start3A_156] : memref<96x80x128xi32, #tpu.memory_space<hbm>> -> memref<1x40x128xi32, #tpu.memory_space<hbm>>
        %dma_start3A_158 = tpu.memref_squeeze %dma_start3A_157 : memref<1x40x128xi32, #tpu.memory_space<hbm>> -> memref<40x128xi32, #tpu.memory_space<hbm>>
        tpu.enqueue_dma source(%dma_start3A_158 : memref<40x128xi32, #tpu.memory_space<hbm>>) target(%arg7 : memref<40x128xi32, #tpu.memory_space<vmem>>) target_semaphore(%run_scoped3A : memref<!tpu.dma_semaphore, #tpu.memory_space<semaphore_mem>>)
        %dma_wait3A_159 = arith.constant 0 : i32
        %dma_wait3A_160 = tpu.memref_slice %arg4[%add3A_93, %mul3A_95, %dma_wait3A_159] : memref<96x80x128xi32, #tpu.memory_space<hbm>> -> memref<1x40x128xi32, #tpu.memory_space<hbm>>
        %dma_wait3A_161 = tpu.memref_squeeze %dma_wait3A_160 : memref<1x40x128xi32, #tpu.memory_space<hbm>> -> memref<40x128xi32, #tpu.memory_space<hbm>>
        %dma_wait3A_162 = arith.constant 0 : i32
        %dma_wait3A_163 = tpu.memref_slice %arg4[%add3A_93, %mul3A_95, %dma_wait3A_162] : memref<96x80x128xi32, #tpu.memory_space<hbm>> -> memref<1x40x128xi32, #tpu.memory_space<hbm>>
        %dma_wait3A_164 = tpu.memref_squeeze %dma_wait3A_163 : memref<1x40x128xi32, #tpu.memory_space<hbm>> -> memref<40x128xi32, #tpu.memory_space<hbm>>
        tpu.wait_dma2 semaphore(%run_scoped3A : memref<!tpu.dma_semaphore, #tpu.memory_space<semaphore_mem>>) src(%dma_wait3A_164 : memref<40x128xi32, #tpu.memory_space<hbm>>) dst(%arg7 : memref<40x128xi32, #tpu.memory_space<vmem>>)
        tpu.yield
      }) : () -> ()
      %dma_start3A = arith.constant 0 : i32
      %dma_start3A_96 = arith.constant 0 : i32
      %dma_start3A_97 = arith.constant 0 : i32
      %dma_start3A_98 = tpu.memref_slice %arg8[%dma_start3A_96, %dma_start3A_97] : memref<128x128xf32, #tpu.memory_space<vmem>> -> memref<64x128xf32, #tpu.memory_space<vmem>>
      %dma_start3A_99 = arith.constant 0 : i32
      %dma_start3A_100 = tpu.memref_slice %arg6[%dma_start3A, %dma_start3A_99] : memref<40x128xi32, #tpu.memory_space<vmem>> -> memref<1x64xi32, #tpu.memory_space<vmem>>
      %dma_start3A_101 = tpu.memref_squeeze %dma_start3A_100 : memref<1x64xi32, #tpu.memory_space<vmem>> -> memref<64xi32, #tpu.memory_space<vmem>>
      %dma_start3A_102 = arith.constant 0 : i32
      %dma_start3A_103 = arith.constant 0 : i32
      %dma_start3A_104 = tpu.memref_slice %arg2[%dma_start3A_102, %dma_start3A_103] : memref<30720x128xf32, #tpu.memory_space<hbm>> -> memref<30720x128xf32, #tpu.memory_space<hbm>>
      tpu.enqueue_indirect_dma source(%dma_start3A_104 : memref<30720x128xf32, #tpu.memory_space<hbm>>) target(%dma_start3A_98 : memref<64x128xf32, #tpu.memory_space<vmem>>) offsets(%dma_start3A_101 : memref<64xi32, #tpu.memory_space<vmem>>) semaphore(%arg11 : memref<!tpu.dma_semaphore, #tpu.memory_space<semaphore_mem>>)
      %dma_start3A_105 = arith.constant 0 : i32
      %dma_start3A_106 = arith.constant 64 : i32
      %dma_start3A_107 = arith.constant 0 : i32
      %dma_start3A_108 = tpu.memref_slice %arg8[%dma_start3A_106, %dma_start3A_107] : memref<128x128xf32, #tpu.memory_space<vmem>> -> memref<64x128xf32, #tpu.memory_space<vmem>>
      %dma_start3A_109 = arith.constant 64 : i32
      %dma_start3A_110 = tpu.memref_slice %arg6[%dma_start3A_105, %dma_start3A_109] : memref<40x128xi32, #tpu.memory_space<vmem>> -> memref<1x64xi32, #tpu.memory_space<vmem>>
      %dma_start3A_111 = tpu.memref_squeeze %dma_start3A_110 : memref<1x64xi32, #tpu.memory_space<vmem>> -> memref<64xi32, #tpu.memory_space<vmem>>
      %dma_start3A_112 = arith.constant 0 : i32
      %dma_start3A_113 = arith.constant 0 : i32
      %dma_start3A_114 = tpu.memref_slice %arg2[%dma_start3A_112, %dma_start3A_113] : memref<30720x128xf32, #tpu.memory_space<hbm>> -> memref<30720x128xf32, #tpu.memory_space<hbm>>
      tpu.enqueue_indirect_dma source(%dma_start3A_114 : memref<30720x128xf32, #tpu.memory_space<hbm>>) target(%dma_start3A_108 : memref<64x128xf32, #tpu.memory_space<vmem>>) offsets(%dma_start3A_111 : memref<64xi32, #tpu.memory_space<vmem>>) semaphore(%arg11 : memref<!tpu.dma_semaphore, #tpu.memory_space<semaphore_mem>>)
      %dma_start3A_115 = arith.constant 1 : i32
      %dma_start3A_116 = arith.constant 0 : i32
      %dma_start3A_117 = arith.constant 0 : i32
      %dma_start3A_118 = tpu.memref_slice %arg9[%dma_start3A_116, %dma_start3A_117] : memref<128x128xf32, #tpu.memory_space<vmem>> -> memref<64x128xf32, #tpu.memory_space<vmem>>
      %dma_start3A_119 = arith.constant 0 : i32
      %dma_start3A_120 = tpu.memref_slice %arg6[%dma_start3A_115, %dma_start3A_119] : memref<40x128xi32, #tpu.memory_space<vmem>> -> memref<1x64xi32, #tpu.memory_space<vmem>>
      %dma_start3A_121 = tpu.memref_squeeze %dma_start3A_120 : memref<1x64xi32, #tpu.memory_space<vmem>> -> memref<64xi32, #tpu.memory_space<vmem>>
      %dma_start3A_122 = arith.constant 0 : i32
      %dma_start3A_123 = arith.constant 0 : i32
      %dma_start3A_124 = tpu.memref_slice %arg2[%dma_start3A_122, %dma_start3A_123] : memref<30720x128xf32, #tpu.memory_space<hbm>> -> memref<30720x128xf32, #tpu.memory_space<hbm>>
      tpu.enqueue_indirect_dma source(%dma_start3A_124 : memref<30720x128xf32, #tpu.memory_space<hbm>>) target(%dma_start3A_118 : memref<64x128xf32, #tpu.memory_space<vmem>>) offsets(%dma_start3A_121 : memref<64xi32, #tpu.memory_space<vmem>>) semaphore(%arg12 : memref<!tpu.dma_semaphore, #tpu.memory_space<semaphore_mem>>)
      %dma_start3A_125 = arith.constant 1 : i32
      %dma_start3A_126 = arith.constant 64 : i32
      %dma_start3A_127 = arith.constant 0 : i32
      %dma_start3A_128 = tpu.memref_slice %arg9[%dma_start3A_126, %dma_start3A_127] : memref<128x128xf32, #tpu.memory_space<vmem>> -> memref<64x128xf32, #tpu.memory_space<vmem>>
      %dma_start3A_129 = arith.constant 64 : i32
      %dma_start3A_130 = tpu.memref_slice %arg6[%dma_start3A_125, %dma_start3A_129] : memref<40x128xi32, #tpu.memory_space<vmem>> -> memref<1x64xi32, #tpu.memory_space<vmem>>
      %dma_start3A_131 = tpu.memref_squeeze %dma_start3A_130 : memref<1x64xi32, #tpu.memory_space<vmem>> -> memref<64xi32, #tpu.memory_space<vmem>>
      %dma_start3A_132 = arith.constant 0 : i32
      %dma_start3A_133 = arith.constant 0 : i32
      %dma_start3A_134 = tpu.memref_slice %arg2[%dma_start3A_132, %dma_start3A_133] : memref<30720x128xf32, #tpu.memory_space<hbm>> -> memref<30720x128xf32, #tpu.memory_space<hbm>>
      tpu.enqueue_indirect_dma source(%dma_start3A_134 : memref<30720x128xf32, #tpu.memory_space<hbm>>) target(%dma_start3A_128 : memref<64x128xf32, #tpu.memory_space<vmem>>) offsets(%dma_start3A_131 : memref<64xi32, #tpu.memory_space<vmem>>) semaphore(%arg12 : memref<!tpu.dma_semaphore, #tpu.memory_space<semaphore_mem>>)
      %scan3A_135 = arith.constant 0 : i32
      %scan3A_136 = arith.constant 20 : i32
      %scan3A_137 = arith.addi %scan3A_135, %scan3A_136 : i32
      %scan3A_138 = arith.constant 1 : i32
      scf.for %scan3A_153 = %scan3A_135 to %scan3A_137 step %scan3A_138  : i32 {
        %mul3A_154 = arith.constant 2 : i32
        %mul3A_155 = arith.muli %scan3A_153, %mul3A_154 : i32
        %add3A_156 = arith.constant 0 : i32
        %add3A_157 = arith.addi %add3A_156, %mul3A_155 : i32
        %dma_wait3A_158 = arith.constant 0 : i32
        %dma_wait3A_159 = tpu.memref_slice %arg6[%add3A_157, %dma_wait3A_158] : memref<40x128xi32, #tpu.memory_space<vmem>> -> memref<1x128xi32, #tpu.memory_space<vmem>>
        %dma_wait3A_160 = tpu.memref_squeeze %dma_wait3A_159 : memref<1x128xi32, #tpu.memory_space<vmem>> -> memref<128xi32, #tpu.memory_space<vmem>>
        %dma_wait3A_161 = arith.constant 0 : i32
        %dma_wait3A_162 = arith.constant 0 : i32
        %dma_wait3A_163 = tpu.memref_slice %arg2[%dma_wait3A_161, %dma_wait3A_162] : memref<30720x128xf32, #tpu.memory_space<hbm>> -> memref<30720x128xf32, #tpu.memory_space<hbm>>
        tpu.wait_indirect_dma semaphore(%arg11 : memref<!tpu.dma_semaphore, #tpu.memory_space<semaphore_mem>>) src(%dma_wait3A_163 : memref<30720x128xf32, #tpu.memory_space<hbm>>) dst(%arg8 : memref<128x128xf32, #tpu.memory_space<vmem>>)
        %dma_start3A_164 = arith.constant 0 : i32
        %dma_start3A_165 = tpu.memref_slice %arg7[%add3A_157, %dma_start3A_164] : memref<40x128xi32, #tpu.memory_space<vmem>> -> memref<1x128xi32, #tpu.memory_space<vmem>>
        %dma_start3A_166 = tpu.memref_squeeze %dma_start3A_165 : memref<1x128xi32, #tpu.memory_space<vmem>> -> memref<128xi32, #tpu.memory_space<vmem>>
        %dma_start3A_167 = arith.constant 0 : i32
        %dma_start3A_168 = arith.constant 0 : i32
        %dma_start3A_169 = tpu.memref_slice %arg10[%dma_start3A_167, %dma_start3A_168] : memref<10240x128xf32, #tpu.memory_space<vmem_shared>> -> memref<10240x128xf32, #tpu.memory_space<vmem_shared>>
        tpu.enqueue_indirect_dma source(%arg8 : memref<128x128xf32, #tpu.memory_space<vmem>>) target(%dma_start3A_169 : memref<10240x128xf32, #tpu.memory_space<vmem_shared>>) offsets(%dma_start3A_166 : memref<128xi32, #tpu.memory_space<vmem>>) semaphore(%arg13 : memref<!tpu.dma_semaphore, #tpu.memory_space<semaphore_mem>>) {add = true}
        %add3A_170 = arith.constant 1 : i32
        %add3A_171 = arith.addi %add3A_157, %add3A_170 : i32
        %dma_wait3A_172 = arith.constant 0 : i32
        %dma_wait3A_173 = tpu.memref_slice %arg6[%add3A_171, %dma_wait3A_172] : memref<40x128xi32, #tpu.memory_space<vmem>> -> memref<1x128xi32, #tpu.memory_space<vmem>>
        %dma_wait3A_174 = tpu.memref_squeeze %dma_wait3A_173 : memref<1x128xi32, #tpu.memory_space<vmem>> -> memref<128xi32, #tpu.memory_space<vmem>>
        %dma_wait3A_175 = arith.constant 0 : i32
        %dma_wait3A_176 = arith.constant 0 : i32
        %dma_wait3A_177 = tpu.memref_slice %arg2[%dma_wait3A_175, %dma_wait3A_176] : memref<30720x128xf32, #tpu.memory_space<hbm>> -> memref<30720x128xf32, #tpu.memory_space<hbm>>
        tpu.wait_indirect_dma semaphore(%arg12 : memref<!tpu.dma_semaphore, #tpu.memory_space<semaphore_mem>>) src(%dma_wait3A_177 : memref<30720x128xf32, #tpu.memory_space<hbm>>) dst(%arg9 : memref<128x128xf32, #tpu.memory_space<vmem>>)
        %add3A_178 = arith.constant 1 : i32
        %add3A_179 = arith.addi %add3A_157, %add3A_178 : i32
        %dma_start3A_180 = arith.constant 0 : i32
        %dma_start3A_181 = tpu.memref_slice %arg7[%add3A_179, %dma_start3A_180] : memref<40x128xi32, #tpu.memory_space<vmem>> -> memref<1x128xi32, #tpu.memory_space<vmem>>
        %dma_start3A_182 = tpu.memref_squeeze %dma_start3A_181 : memref<1x128xi32, #tpu.memory_space<vmem>> -> memref<128xi32, #tpu.memory_space<vmem>>
        %dma_start3A_183 = arith.constant 0 : i32
        %dma_start3A_184 = arith.constant 0 : i32
        %dma_start3A_185 = tpu.memref_slice %arg10[%dma_start3A_183, %dma_start3A_184] : memref<10240x128xf32, #tpu.memory_space<vmem_shared>> -> memref<10240x128xf32, #tpu.memory_space<vmem_shared>>
        tpu.enqueue_indirect_dma source(%arg9 : memref<128x128xf32, #tpu.memory_space<vmem>>) target(%dma_start3A_185 : memref<10240x128xf32, #tpu.memory_space<vmem_shared>>) offsets(%dma_start3A_182 : memref<128xi32, #tpu.memory_space<vmem>>) semaphore(%arg14 : memref<!tpu.dma_semaphore, #tpu.memory_space<semaphore_mem>>) {add = true}
        %add3A_186 = arith.constant 2 : i32
        %add3A_187 = arith.addi %add3A_157, %add3A_186 : i32
        %lt3A = arith.constant 40 : i32
        %lt3A_188 = arith.cmpi slt, %add3A_187, %lt3A : i32
        %convert_element_type3A = arith.extui %lt3A_188 : i1 to i32
        %cond3A = arith.constant 0 : i32
        %cond3A_189 = arith.cmpi ne, %convert_element_type3A, %cond3A : i32
        scf.if %cond3A_189 {
          %dma_wait3A_197 = arith.constant 0 : i32
          %dma_wait3A_198 = tpu.memref_slice %arg7[%add3A_157, %dma_wait3A_197] : memref<40x128xi32, #tpu.memory_space<vmem>> -> memref<1x128xi32, #tpu.memory_space<vmem>>
          %dma_wait3A_199 = tpu.memref_squeeze %dma_wait3A_198 : memref<1x128xi32, #tpu.memory_space<vmem>> -> memref<128xi32, #tpu.memory_space<vmem>>
          %dma_wait3A_200 = arith.constant 0 : i32
          %dma_wait3A_201 = arith.constant 0 : i32
          %dma_wait3A_202 = tpu.memref_slice %arg10[%dma_wait3A_200, %dma_wait3A_201] : memref<10240x128xf32, #tpu.memory_space<vmem_shared>> -> memref<10240x128xf32, #tpu.memory_space<vmem_shared>>
          tpu.wait_indirect_dma semaphore(%arg13 : memref<!tpu.dma_semaphore, #tpu.memory_space<semaphore_mem>>) src(%arg8 : memref<128x128xf32, #tpu.memory_space<vmem>>) dst(%dma_wait3A_202 : memref<10240x128xf32, #tpu.memory_space<vmem_shared>>)
          %add3A_203 = arith.constant 2 : i32
          %add3A_204 = arith.addi %add3A_157, %add3A_203 : i32
          %dma_start3A_205 = arith.constant 0 : i32
          %dma_start3A_206 = arith.constant 0 : i32
          %dma_start3A_207 = tpu.memref_slice %arg8[%dma_start3A_205, %dma_start3A_206] : memref<128x128xf32, #tpu.memory_space<vmem>> -> memref<64x128xf32, #tpu.memory_space<vmem>>
          %dma_start3A_208 = arith.constant 0 : i32
          %dma_start3A_209 = tpu.memref_slice %arg6[%add3A_204, %dma_start3A_208] : memref<40x128xi32, #tpu.memory_space<vmem>> -> memref<1x64xi32, #tpu.memory_space<vmem>>
          %dma_start3A_210 = tpu.memref_squeeze %dma_start3A_209 : memref<1x64xi32, #tpu.memory_space<vmem>> -> memref<64xi32, #tpu.memory_space<vmem>>
          %dma_start3A_211 = arith.constant 0 : i32
          %dma_start3A_212 = arith.constant 0 : i32
          %dma_start3A_213 = tpu.memref_slice %arg2[%dma_start3A_211, %dma_start3A_212] : memref<30720x128xf32, #tpu.memory_space<hbm>> -> memref<30720x128xf32, #tpu.memory_space<hbm>>
          tpu.enqueue_indirect_dma source(%dma_start3A_213 : memref<30720x128xf32, #tpu.memory_space<hbm>>) target(%dma_start3A_207 : memref<64x128xf32, #tpu.memory_space<vmem>>) offsets(%dma_start3A_210 : memref<64xi32, #tpu.memory_space<vmem>>) semaphore(%arg11 : memref<!tpu.dma_semaphore, #tpu.memory_space<semaphore_mem>>)
          %dma_start3A_214 = arith.constant 64 : i32
          %dma_start3A_215 = arith.constant 0 : i32
          %dma_start3A_216 = tpu.memref_slice %arg8[%dma_start3A_214, %dma_start3A_215] : memref<128x128xf32, #tpu.memory_space<vmem>> -> memref<64x128xf32, #tpu.memory_space<vmem>>
          %dma_start3A_217 = arith.constant 64 : i32
          %dma_start3A_218 = tpu.memref_slice %arg6[%add3A_204, %dma_start3A_217] : memref<40x128xi32, #tpu.memory_space<vmem>> -> memref<1x64xi32, #tpu.memory_space<vmem>>
          %dma_start3A_219 = tpu.memref_squeeze %dma_start3A_218 : memref<1x64xi32, #tpu.memory_space<vmem>> -> memref<64xi32, #tpu.memory_space<vmem>>
          %dma_start3A_220 = arith.constant 0 : i32
          %dma_start3A_221 = arith.constant 0 : i32
          %dma_start3A_222 = tpu.memref_slice %arg2[%dma_start3A_220, %dma_start3A_221] : memref<30720x128xf32, #tpu.memory_space<hbm>> -> memref<30720x128xf32, #tpu.memory_space<hbm>>
          tpu.enqueue_indirect_dma source(%dma_start3A_222 : memref<30720x128xf32, #tpu.memory_space<hbm>>) target(%dma_start3A_216 : memref<64x128xf32, #tpu.memory_space<vmem>>) offsets(%dma_start3A_219 : memref<64xi32, #tpu.memory_space<vmem>>) semaphore(%arg11 : memref<!tpu.dma_semaphore, #tpu.memory_space<semaphore_mem>>)
        } else {
        }
        %add3A_190 = arith.constant 3 : i32
        %add3A_191 = arith.addi %add3A_157, %add3A_190 : i32
        %lt3A_192 = arith.constant 40 : i32
        %lt3A_193 = arith.cmpi slt, %add3A_191, %lt3A_192 : i32
        %convert_element_type3A_194 = arith.extui %lt3A_193 : i1 to i32
        %cond3A_195 = arith.constant 0 : i32
        %cond3A_196 = arith.cmpi ne, %convert_element_type3A_194, %cond3A_195 : i32
        scf.if %cond3A_196 {
          %add3A_197 = arith.constant 1 : i32
          %add3A_198 = arith.addi %add3A_157, %add3A_197 : i32
          %dma_wait3A_199 = arith.constant 0 : i32
          %dma_wait3A_200 = tpu.memref_slice %arg7[%add3A_198, %dma_wait3A_199] : memref<40x128xi32, #tpu.memory_space<vmem>> -> memref<1x128xi32, #tpu.memory_space<vmem>>
          %dma_wait3A_201 = tpu.memref_squeeze %dma_wait3A_200 : memref<1x128xi32, #tpu.memory_space<vmem>> -> memref<128xi32, #tpu.memory_space<vmem>>
          %dma_wait3A_202 = arith.constant 0 : i32
          %dma_wait3A_203 = arith.constant 0 : i32
          %dma_wait3A_204 = tpu.memref_slice %arg10[%dma_wait3A_202, %dma_wait3A_203] : memref<10240x128xf32, #tpu.memory_space<vmem_shared>> -> memref<10240x128xf32, #tpu.memory_space<vmem_shared>>
          tpu.wait_indirect_dma semaphore(%arg14 : memref<!tpu.dma_semaphore, #tpu.memory_space<semaphore_mem>>) src(%arg9 : memref<128x128xf32, #tpu.memory_space<vmem>>) dst(%dma_wait3A_204 : memref<10240x128xf32, #tpu.memory_space<vmem_shared>>)
          %add3A_205 = arith.constant 3 : i32
          %add3A_206 = arith.addi %add3A_157, %add3A_205 : i32
          %dma_start3A_207 = arith.constant 0 : i32
          %dma_start3A_208 = arith.constant 0 : i32
          %dma_start3A_209 = tpu.memref_slice %arg9[%dma_start3A_207, %dma_start3A_208] : memref<128x128xf32, #tpu.memory_space<vmem>> -> memref<64x128xf32, #tpu.memory_space<vmem>>
          %dma_start3A_210 = arith.constant 0 : i32
          %dma_start3A_211 = tpu.memref_slice %arg6[%add3A_206, %dma_start3A_210] : memref<40x128xi32, #tpu.memory_space<vmem>> -> memref<1x64xi32, #tpu.memory_space<vmem>>
          %dma_start3A_212 = tpu.memref_squeeze %dma_start3A_211 : memref<1x64xi32, #tpu.memory_space<vmem>> -> memref<64xi32, #tpu.memory_space<vmem>>
          %dma_start3A_213 = arith.constant 0 : i32
          %dma_start3A_214 = arith.constant 0 : i32
          %dma_start3A_215 = tpu.memref_slice %arg2[%dma_start3A_213, %dma_start3A_214] : memref<30720x128xf32, #tpu.memory_space<hbm>> -> memref<30720x128xf32, #tpu.memory_space<hbm>>
          tpu.enqueue_indirect_dma source(%dma_start3A_215 : memref<30720x128xf32, #tpu.memory_space<hbm>>) target(%dma_start3A_209 : memref<64x128xf32, #tpu.memory_space<vmem>>) offsets(%dma_start3A_212 : memref<64xi32, #tpu.memory_space<vmem>>) semaphore(%arg12 : memref<!tpu.dma_semaphore, #tpu.memory_space<semaphore_mem>>)
          %dma_start3A_216 = arith.constant 64 : i32
          %dma_start3A_217 = arith.constant 0 : i32
          %dma_start3A_218 = tpu.memref_slice %arg9[%dma_start3A_216, %dma_start3A_217] : memref<128x128xf32, #tpu.memory_space<vmem>> -> memref<64x128xf32, #tpu.memory_space<vmem>>
          %dma_start3A_219 = arith.constant 64 : i32
          %dma_start3A_220 = tpu.memref_slice %arg6[%add3A_206, %dma_start3A_219] : memref<40x128xi32, #tpu.memory_space<vmem>> -> memref<1x64xi32, #tpu.memory_space<vmem>>
          %dma_start3A_221 = tpu.memref_squeeze %dma_start3A_220 : memref<1x64xi32, #tpu.memory_space<vmem>> -> memref<64xi32, #tpu.memory_space<vmem>>
          %dma_start3A_222 = arith.constant 0 : i32
          %dma_start3A_223 = arith.constant 0 : i32
          %dma_start3A_224 = tpu.memref_slice %arg2[%dma_start3A_222, %dma_start3A_223] : memref<30720x128xf32, #tpu.memory_space<hbm>> -> memref<30720x128xf32, #tpu.memory_space<hbm>>
          tpu.enqueue_indirect_dma source(%dma_start3A_224 : memref<30720x128xf32, #tpu.memory_space<hbm>>) target(%dma_start3A_218 : memref<64x128xf32, #tpu.memory_space<vmem>>) offsets(%dma_start3A_221 : memref<64xi32, #tpu.memory_space<vmem>>) semaphore(%arg12 : memref<!tpu.dma_semaphore, #tpu.memory_space<semaphore_mem>>)
        } else {
        }
      }
      %scan3A_139 = arith.constant 20 : i32
      %dma_wait3A = arith.constant 38 : i32
      %dma_wait3A_140 = arith.constant 0 : i32
      %dma_wait3A_141 = tpu.memref_slice %arg7[%dma_wait3A, %dma_wait3A_140] : memref<40x128xi32, #tpu.memory_space<vmem>> -> memref<1x128xi32, #tpu.memory_space<vmem>>
      %dma_wait3A_142 = tpu.memref_squeeze %dma_wait3A_141 : memref<1x128xi32, #tpu.memory_space<vmem>> -> memref<128xi32, #tpu.memory_space<vmem>>
      %dma_wait3A_143 = arith.constant 0 : i32
      %dma_wait3A_144 = arith.constant 0 : i32
      %dma_wait3A_145 = tpu.memref_slice %arg10[%dma_wait3A_143, %dma_wait3A_144] : memref<10240x128xf32, #tpu.memory_space<vmem_shared>> -> memref<10240x128xf32, #tpu.memory_space<vmem_shared>>
      tpu.wait_indirect_dma semaphore(%arg13 : memref<!tpu.dma_semaphore, #tpu.memory_space<semaphore_mem>>) src(%arg8 : memref<128x128xf32, #tpu.memory_space<vmem>>) dst(%dma_wait3A_145 : memref<10240x128xf32, #tpu.memory_space<vmem_shared>>)
      %dma_wait3A_146 = arith.constant 39 : i32
      %dma_wait3A_147 = arith.constant 0 : i32
      %dma_wait3A_148 = tpu.memref_slice %arg7[%dma_wait3A_146, %dma_wait3A_147] : memref<40x128xi32, #tpu.memory_space<vmem>> -> memref<1x128xi32, #tpu.memory_space<vmem>>
      %dma_wait3A_149 = tpu.memref_squeeze %dma_wait3A_148 : memref<1x128xi32, #tpu.memory_space<vmem>> -> memref<128xi32, #tpu.memory_space<vmem>>
      %dma_wait3A_150 = arith.constant 0 : i32
      %dma_wait3A_151 = arith.constant 0 : i32
      %dma_wait3A_152 = tpu.memref_slice %arg10[%dma_wait3A_150, %dma_wait3A_151] : memref<10240x128xf32, #tpu.memory_space<vmem_shared>> -> memref<10240x128xf32, #tpu.memory_space<vmem_shared>>
      tpu.wait_indirect_dma semaphore(%arg14 : memref<!tpu.dma_semaphore, #tpu.memory_space<semaphore_mem>>) src(%arg9 : memref<128x128xf32, #tpu.memory_space<vmem>>) dst(%dma_wait3A_152 : memref<10240x128xf32, #tpu.memory_space<vmem_shared>>)
    }
    %scan3A_14 = arith.constant 2 : i32
    %barrier3A_15 = arith.constant 0 : index
    tpu.barrier barrier_id(%barrier3A_15)
    %mul3A_16 = arith.constant 640 : i32
    %mul3A_17 = arith.muli %arg1, %mul3A_16 : i32
    %mul3A_18 = arith.constant 3 : i32
    %mul3A_19 = arith.muli %arg0, %mul3A_18 : i32
    %add3A_20 = arith.constant 0 : i32
    %add3A_21 = arith.addi %mul3A_19, %add3A_20 : i32
    %mul3A_22 = arith.constant 10240 : i32
    %mul3A_23 = arith.muli %add3A_21, %mul3A_22 : i32
    %mul3A_24 = arith.constant 640 : i32
    %mul3A_25 = arith.muli %arg1, %mul3A_24 : i32
    %add3A_26 = arith.addi %mul3A_23, %mul3A_25 : i32
    "tpu.region"() ({
      %run_scoped3A = tpu.sem_alloc : memref<!tpu.dma_semaphore, #tpu.memory_space<semaphore_mem>>
      %dma_start3A = arith.constant 0 : i32
      %dma_start3A_83 = tpu.memref_slice %arg5[%add3A_26, %dma_start3A] : memref<61440x128xf32, #tpu.memory_space<hbm>> -> memref<640x128xf32, #tpu.memory_space<hbm>>
      %dma_start3A_84 = arith.constant 0 : i32
      %dma_start3A_85 = tpu.memref_slice %arg10[%mul3A_17, %dma_start3A_84] : memref<10240x128xf32, #tpu.memory_space<vmem_shared>> -> memref<640x128xf32, #tpu.memory_space<vmem_shared>>
      tpu.enqueue_dma source(%dma_start3A_85 : memref<640x128xf32, #tpu.memory_space<vmem_shared>>) target(%dma_start3A_83 : memref<640x128xf32, #tpu.memory_space<hbm>>) target_semaphore(%run_scoped3A : memref<!tpu.dma_semaphore, #tpu.memory_space<semaphore_mem>>)
      %dma_wait3A = arith.constant 0 : i32
      %dma_wait3A_86 = tpu.memref_slice %arg5[%add3A_26, %dma_wait3A] : memref<61440x128xf32, #tpu.memory_space<hbm>> -> memref<640x128xf32, #tpu.memory_space<hbm>>
      %dma_wait3A_87 = arith.constant 0 : i32
      %dma_wait3A_88 = tpu.memref_slice %arg10[%mul3A_17, %dma_wait3A_87] : memref<10240x128xf32, #tpu.memory_space<vmem_shared>> -> memref<640x128xf32, #tpu.memory_space<vmem_shared>>
      tpu.wait_dma2 semaphore(%run_scoped3A : memref<!tpu.dma_semaphore, #tpu.memory_space<semaphore_mem>>) src(%dma_wait3A_88 : memref<640x128xf32, #tpu.memory_space<vmem_shared>>) dst(%dma_wait3A_86 : memref<640x128xf32, #tpu.memory_space<hbm>>)
      tpu.yield
    }) : () -> ()
    %scan3A_27 = arith.constant 0 : i32
    %scan3A_28 = arith.constant 128 : i32
    %scan3A_29 = arith.addi %scan3A_27, %scan3A_28 : i32
    %scan3A_30 = arith.constant 1 : i32
    scf.for %scan3A_83 = %scan3A_27 to %scan3A_29 step %scan3A_30  : i32 {
      %mul3A_84 = arith.constant 1 : i32
      %mul3A_85 = arith.muli %scan3A_83, %mul3A_84 : i32
      %add3A_86 = arith.constant 0 : i32
      %add3A_87 = arith.addi %add3A_86, %mul3A_85 : i32
      %scan3A_88 = arith.constant 0 : i32
      %scan3A_89 = arith.constant 8 : i32
      %scan3A_90 = arith.addi %scan3A_88, %scan3A_89 : i32
      %scan3A_91 = arith.constant 1 : i32
      scf.for %scan3A_93 = %scan3A_88 to %scan3A_90 step %scan3A_91  : i32 {
        %mul3A_94 = arith.constant 16 : i32
        %mul3A_95 = arith.muli %scan3A_93, %mul3A_94 : i32
        %add3A_96 = arith.constant 0 : i32
        %add3A_97 = arith.addi %add3A_96, %mul3A_95 : i32
        %broadcast_in_dim3A = arith.constant 0.000000e+00 : f32
        %broadcast_in_dim3A_98 = vector.broadcast %broadcast_in_dim3A : f32 to vector<16xf32>
        %swap3A = arith.index_cast %add3A_87 : i32 to index
        %swap3A_99 = arith.index_cast %add3A_97 : i32 to index
        %swap3A_100 = tpu.vector_load %arg8[%swap3A, %swap3A_99] {strides = array<i32>} : memref<128x128xf32, #tpu.memory_space<vmem>>, vector<1x16xf32>,
        %swap3A_101 = vector.shape_cast %swap3A_100 : vector<1x16xf32> to vector<16xf32>
        %swap3A_102 = vector.shape_cast %broadcast_in_dim3A_98 : vector<16xf32> to vector<1x16xf32>
        tpu.vector_store %arg8[%swap3A, %swap3A_99], %swap3A_102 {strides = array<i32>} : memref<128x128xf32, #tpu.memory_space<vmem>>, vector<1x16xf32>,
      }
      %scan3A_92 = arith.constant 8 : i32
    }
    %scan3A_31 = arith.constant 128 : i32
    %scan3A_32 = arith.constant 0 : i32
    %scan3A_33 = arith.constant 5 : i32
    %scan3A_34 = arith.addi %scan3A_32, %scan3A_33 : i32
    %scan3A_35 = arith.constant 1 : i32
    scf.for %scan3A_83 = %scan3A_32 to %scan3A_34 step %scan3A_35  : i32 {
      %mul3A_84 = arith.constant 128 : i32
      %mul3A_85 = arith.muli %scan3A_83, %mul3A_84 : i32
      %add3A_86 = arith.constant 0 : i32
      %add3A_87 = arith.addi %add3A_86, %mul3A_85 : i32
      %mul3A_88 = arith.constant 640 : i32
      %mul3A_89 = arith.muli %arg1, %mul3A_88 : i32
      %add3A_90 = arith.addi %mul3A_89, %add3A_87 : i32
      "tpu.region"() ({
        %run_scoped3A = tpu.sem_alloc : memref<!tpu.dma_semaphore, #tpu.memory_space<semaphore_mem>>
        %dma_start3A = arith.constant 0 : i32
        %dma_start3A_91 = tpu.memref_slice %arg10[%add3A_90, %dma_start3A] : memref<10240x128xf32, #tpu.memory_space<vmem_shared>> -> memref<128x128xf32, #tpu.memory_space<vmem_shared>>
        %dma_start3A_92 = arith.constant 0 : i32
        %dma_start3A_93 = tpu.memref_slice %arg10[%add3A_90, %dma_start3A_92] : memref<10240x128xf32, #tpu.memory_space<vmem_shared>> -> memref<128x128xf32, #tpu.memory_space<vmem_shared>>
        tpu.enqueue_dma source(%arg8 : memref<128x128xf32, #tpu.memory_space<vmem>>) target(%dma_start3A_93 : memref<128x128xf32, #tpu.memory_space<vmem_shared>>) target_semaphore(%run_scoped3A : memref<!tpu.dma_semaphore, #tpu.memory_space<semaphore_mem>>)
        %dma_wait3A = arith.constant 0 : i32
        %dma_wait3A_94 = tpu.memref_slice %arg10[%add3A_90, %dma_wait3A] : memref<10240x128xf32, #tpu.memory_space<vmem_shared>> -> memref<128x128xf32, #tpu.memory_space<vmem_shared>>
        %dma_wait3A_95 = arith.constant 0 : i32
        %dma_wait3A_96 = tpu.memref_slice %arg10[%add3A_90, %dma_wait3A_95] : memref<10240x128xf32, #tpu.memory_space<vmem_shared>> -> memref<128x128xf32, #tpu.memory_space<vmem_shared>>
        tpu.wait_dma2 semaphore(%run_scoped3A : memref<!tpu.dma_semaphore, #tpu.memory_space<semaphore_mem>>) src(%arg8 : memref<128x128xf32, #tpu.memory_space<vmem>>) dst(%dma_wait3A_96 : memref<128x128xf32, #tpu.memory_space<vmem_shared>>)
        tpu.yield
      }) : () -> ()
    }
    %scan3A_36 = arith.constant 5 : i32
    %barrier3A_37 = arith.constant 0 : index
    tpu.barrier barrier_id(%barrier3A_37)
    %scan3A_38 = arith.constant 0 : i32
    %scan3A_39 = arith.constant 2 : i32
    %scan3A_40 = arith.addi %scan3A_38, %scan3A_39 : i32
    %scan3A_41 = arith.constant 1 : i32
    scf.for %scan3A_83 = %scan3A_38 to %scan3A_40 step %scan3A_41  : i32 {
      %mul3A_84 = arith.constant 1 : i32
      %mul3A_85 = arith.muli %scan3A_83, %mul3A_84 : i32
      %add3A_86 = arith.constant 0 : i32
      %add3A_87 = arith.addi %add3A_86, %mul3A_85 : i32
      %add3A_88 = arith.constant 32 : i32
      %add3A_89 = arith.addi %add3A_88, %add3A : i32
      %mul3A_90 = arith.constant 40 : i32
      %mul3A_91 = arith.muli %add3A_87, %mul3A_90 : i32
      "tpu.region"() ({
        %run_scoped3A = tpu.sem_alloc : memref<!tpu.dma_semaphore, #tpu.memory_space<semaphore_mem>>
        %dma_start3A_153 = arith.constant 0 : i32
        %dma_start3A_154 = tpu.memref_slice %arg3[%add3A_89, %mul3A_91, %dma_start3A_153] : memref<96x80x128xi32, #tpu.memory_space<hbm>> -> memref<1x40x128xi32, #tpu.memory_space<hbm>>
        %dma_start3A_155 = tpu.memref_squeeze %dma_start3A_154 : memref<1x40x128xi32, #tpu.memory_space<hbm>> -> memref<40x128xi32, #tpu.memory_space<hbm>>
        %dma_start3A_156 = arith.constant 0 : i32
        %dma_start3A_157 = tpu.memref_slice %arg3[%add3A_89, %mul3A_91, %dma_start3A_156] : memref<96x80x128xi32, #tpu.memory_space<hbm>> -> memref<1x40x128xi32, #tpu.memory_space<hbm>>
        %dma_start3A_158 = tpu.memref_squeeze %dma_start3A_157 : memref<1x40x128xi32, #tpu.memory_space<hbm>> -> memref<40x128xi32, #tpu.memory_space<hbm>>
        tpu.enqueue_dma source(%dma_start3A_158 : memref<40x128xi32, #tpu.memory_space<hbm>>) target(%arg6 : memref<40x128xi32, #tpu.memory_space<vmem>>) target_semaphore(%run_scoped3A : memref<!tpu.dma_semaphore, #tpu.memory_space<semaphore_mem>>)
        %dma_wait3A_159 = arith.constant 0 : i32
        %dma_wait3A_160 = tpu.memref_slice %arg3[%add3A_89, %mul3A_91, %dma_wait3A_159] : memref<96x80x128xi32, #tpu.memory_space<hbm>> -> memref<1x40x128xi32, #tpu.memory_space<hbm>>
        %dma_wait3A_161 = tpu.memref_squeeze %dma_wait3A_160 : memref<1x40x128xi32, #tpu.memory_space<hbm>> -> memref<40x128xi32, #tpu.memory_space<hbm>>
        %dma_wait3A_162 = arith.constant 0 : i32
        %dma_wait3A_163 = tpu.memref_slice %arg3[%add3A_89, %mul3A_91, %dma_wait3A_162] : memref<96x80x128xi32, #tpu.memory_space<hbm>> -> memref<1x40x128xi32, #tpu.memory_space<hbm>>
        %dma_wait3A_164 = tpu.memref_squeeze %dma_wait3A_163 : memref<1x40x128xi32, #tpu.memory_space<hbm>> -> memref<40x128xi32, #tpu.memory_space<hbm>>
        tpu.wait_dma2 semaphore(%run_scoped3A : memref<!tpu.dma_semaphore, #tpu.memory_space<semaphore_mem>>) src(%dma_wait3A_164 : memref<40x128xi32, #tpu.memory_space<hbm>>) dst(%arg6 : memref<40x128xi32, #tpu.memory_space<vmem>>)
        tpu.yield
      }) : () -> ()
      %add3A_92 = arith.constant 32 : i32
      %add3A_93 = arith.addi %add3A_92, %add3A : i32
      %mul3A_94 = arith.constant 40 : i32
      %mul3A_95 = arith.muli %add3A_87, %mul3A_94 : i32
      "tpu.region"() ({
        %run_scoped3A = tpu.sem_alloc : memref<!tpu.dma_semaphore, #tpu.memory_space<semaphore_mem>>
        %dma_start3A_153 = arith.constant 0 : i32
        %dma_start3A_154 = tpu.memref_slice %arg4[%add3A_93, %mul3A_95, %dma_start3A_153] : memref<96x80x128xi32, #tpu.memory_space<hbm>> -> memref<1x40x128xi32, #tpu.memory_space<hbm>>
        %dma_start3A_155 = tpu.memref_squeeze %dma_start3A_154 : memref<1x40x128xi32, #tpu.memory_space<hbm>> -> memref<40x128xi32, #tpu.memory_space<hbm>>
        %dma_start3A_156 = arith.constant 0 : i32
        %dma_start3A_157 = tpu.memref_slice %arg4[%add3A_93, %mul3A_95, %dma_start3A_156] : memref<96x80x128xi32, #tpu.memory_space<hbm>> -> memref<1x40x128xi32, #tpu.memory_space<hbm>>
        %dma_start3A_158 = tpu.memref_squeeze %dma_start3A_157 : memref<1x40x128xi32, #tpu.memory_space<hbm>> -> memref<40x128xi32, #tpu.memory_space<hbm>>
        tpu.enqueue_dma source(%dma_start3A_158 : memref<40x128xi32, #tpu.memory_space<hbm>>) target(%arg7 : memref<40x128xi32, #tpu.memory_space<vmem>>) target_semaphore(%run_scoped3A : memref<!tpu.dma_semaphore, #tpu.memory_space<semaphore_mem>>)
        %dma_wait3A_159 = arith.constant 0 : i32
        %dma_wait3A_160 = tpu.memref_slice %arg4[%add3A_93, %mul3A_95, %dma_wait3A_159] : memref<96x80x128xi32, #tpu.memory_space<hbm>> -> memref<1x40x128xi32, #tpu.memory_space<hbm>>
        %dma_wait3A_161 = tpu.memref_squeeze %dma_wait3A_160 : memref<1x40x128xi32, #tpu.memory_space<hbm>> -> memref<40x128xi32, #tpu.memory_space<hbm>>
        %dma_wait3A_162 = arith.constant 0 : i32
        %dma_wait3A_163 = tpu.memref_slice %arg4[%add3A_93, %mul3A_95, %dma_wait3A_162] : memref<96x80x128xi32, #tpu.memory_space<hbm>> -> memref<1x40x128xi32, #tpu.memory_space<hbm>>
        %dma_wait3A_164 = tpu.memref_squeeze %dma_wait3A_163 : memref<1x40x128xi32, #tpu.memory_space<hbm>> -> memref<40x128xi32, #tpu.memory_space<hbm>>
        tpu.wait_dma2 semaphore(%run_scoped3A : memref<!tpu.dma_semaphore, #tpu.memory_space<semaphore_mem>>) src(%dma_wait3A_164 : memref<40x128xi32, #tpu.memory_space<hbm>>) dst(%arg7 : memref<40x128xi32, #tpu.memory_space<vmem>>)
        tpu.yield
      }) : () -> ()
      %dma_start3A = arith.constant 0 : i32
      %dma_start3A_96 = arith.constant 0 : i32
      %dma_start3A_97 = arith.constant 0 : i32
      %dma_start3A_98 = tpu.memref_slice %arg8[%dma_start3A_96, %dma_start3A_97] : memref<128x128xf32, #tpu.memory_space<vmem>> -> memref<64x128xf32, #tpu.memory_space<vmem>>
      %dma_start3A_99 = arith.constant 0 : i32
      %dma_start3A_100 = tpu.memref_slice %arg6[%dma_start3A, %dma_start3A_99] : memref<40x128xi32, #tpu.memory_space<vmem>> -> memref<1x64xi32, #tpu.memory_space<vmem>>
      %dma_start3A_101 = tpu.memref_squeeze %dma_start3A_100 : memref<1x64xi32, #tpu.memory_space<vmem>> -> memref<64xi32, #tpu.memory_space<vmem>>
      %dma_start3A_102 = arith.constant 0 : i32
      %dma_start3A_103 = arith.constant 0 : i32
      %dma_start3A_104 = tpu.memref_slice %arg2[%dma_start3A_102, %dma_start3A_103] : memref<30720x128xf32, #tpu.memory_space<hbm>> -> memref<30720x128xf32, #tpu.memory_space<hbm>>
      tpu.enqueue_indirect_dma source(%dma_start3A_104 : memref<30720x128xf32, #tpu.memory_space<hbm>>) target(%dma_start3A_98 : memref<64x128xf32, #tpu.memory_space<vmem>>) offsets(%dma_start3A_101 : memref<64xi32, #tpu.memory_space<vmem>>) semaphore(%arg11 : memref<!tpu.dma_semaphore, #tpu.memory_space<semaphore_mem>>)
      %dma_start3A_105 = arith.constant 0 : i32
      %dma_start3A_106 = arith.constant 64 : i32
      %dma_start3A_107 = arith.constant 0 : i32
      %dma_start3A_108 = tpu.memref_slice %arg8[%dma_start3A_106, %dma_start3A_107] : memref<128x128xf32, #tpu.memory_space<vmem>> -> memref<64x128xf32, #tpu.memory_space<vmem>>
      %dma_start3A_109 = arith.constant 64 : i32
      %dma_start3A_110 = tpu.memref_slice %arg6[%dma_start3A_105, %dma_start3A_109] : memref<40x128xi32, #tpu.memory_space<vmem>> -> memref<1x64xi32, #tpu.memory_space<vmem>>
      %dma_start3A_111 = tpu.memref_squeeze %dma_start3A_110 : memref<1x64xi32, #tpu.memory_space<vmem>> -> memref<64xi32, #tpu.memory_space<vmem>>
      %dma_start3A_112 = arith.constant 0 : i32
      %dma_start3A_113 = arith.constant 0 : i32
      %dma_start3A_114 = tpu.memref_slice %arg2[%dma_start3A_112, %dma_start3A_113] : memref<30720x128xf32, #tpu.memory_space<hbm>> -> memref<30720x128xf32, #tpu.memory_space<hbm>>
      tpu.enqueue_indirect_dma source(%dma_start3A_114 : memref<30720x128xf32, #tpu.memory_space<hbm>>) target(%dma_start3A_108 : memref<64x128xf32, #tpu.memory_space<vmem>>) offsets(%dma_start3A_111 : memref<64xi32, #tpu.memory_space<vmem>>) semaphore(%arg11 : memref<!tpu.dma_semaphore, #tpu.memory_space<semaphore_mem>>)
      %dma_start3A_115 = arith.constant 1 : i32
      %dma_start3A_116 = arith.constant 0 : i32
      %dma_start3A_117 = arith.constant 0 : i32
      %dma_start3A_118 = tpu.memref_slice %arg9[%dma_start3A_116, %dma_start3A_117] : memref<128x128xf32, #tpu.memory_space<vmem>> -> memref<64x128xf32, #tpu.memory_space<vmem>>
      %dma_start3A_119 = arith.constant 0 : i32
      %dma_start3A_120 = tpu.memref_slice %arg6[%dma_start3A_115, %dma_start3A_119] : memref<40x128xi32, #tpu.memory_space<vmem>> -> memref<1x64xi32, #tpu.memory_space<vmem>>
      %dma_start3A_121 = tpu.memref_squeeze %dma_start3A_120 : memref<1x64xi32, #tpu.memory_space<vmem>> -> memref<64xi32, #tpu.memory_space<vmem>>
      %dma_start3A_122 = arith.constant 0 : i32
      %dma_start3A_123 = arith.constant 0 : i32
      %dma_start3A_124 = tpu.memref_slice %arg2[%dma_start3A_122, %dma_start3A_123] : memref<30720x128xf32, #tpu.memory_space<hbm>> -> memref<30720x128xf32, #tpu.memory_space<hbm>>
      tpu.enqueue_indirect_dma source(%dma_start3A_124 : memref<30720x128xf32, #tpu.memory_space<hbm>>) target(%dma_start3A_118 : memref<64x128xf32, #tpu.memory_space<vmem>>) offsets(%dma_start3A_121 : memref<64xi32, #tpu.memory_space<vmem>>) semaphore(%arg12 : memref<!tpu.dma_semaphore, #tpu.memory_space<semaphore_mem>>)
      %dma_start3A_125 = arith.constant 1 : i32
      %dma_start3A_126 = arith.constant 64 : i32
      %dma_start3A_127 = arith.constant 0 : i32
      %dma_start3A_128 = tpu.memref_slice %arg9[%dma_start3A_126, %dma_start3A_127] : memref<128x128xf32, #tpu.memory_space<vmem>> -> memref<64x128xf32, #tpu.memory_space<vmem>>
      %dma_start3A_129 = arith.constant 64 : i32
      %dma_start3A_130 = tpu.memref_slice %arg6[%dma_start3A_125, %dma_start3A_129] : memref<40x128xi32, #tpu.memory_space<vmem>> -> memref<1x64xi32, #tpu.memory_space<vmem>>
      %dma_start3A_131 = tpu.memref_squeeze %dma_start3A_130 : memref<1x64xi32, #tpu.memory_space<vmem>> -> memref<64xi32, #tpu.memory_space<vmem>>
      %dma_start3A_132 = arith.constant 0 : i32
      %dma_start3A_133 = arith.constant 0 : i32
      %dma_start3A_134 = tpu.memref_slice %arg2[%dma_start3A_132, %dma_start3A_133] : memref<30720x128xf32, #tpu.memory_space<hbm>> -> memref<30720x128xf32, #tpu.memory_space<hbm>>
      tpu.enqueue_indirect_dma source(%dma_start3A_134 : memref<30720x128xf32, #tpu.memory_space<hbm>>) target(%dma_start3A_128 : memref<64x128xf32, #tpu.memory_space<vmem>>) offsets(%dma_start3A_131 : memref<64xi32, #tpu.memory_space<vmem>>) semaphore(%arg12 : memref<!tpu.dma_semaphore, #tpu.memory_space<semaphore_mem>>)
      %scan3A_135 = arith.constant 0 : i32
      %scan3A_136 = arith.constant 20 : i32
      %scan3A_137 = arith.addi %scan3A_135, %scan3A_136 : i32
      %scan3A_138 = arith.constant 1 : i32
      scf.for %scan3A_153 = %scan3A_135 to %scan3A_137 step %scan3A_138  : i32 {
        %mul3A_154 = arith.constant 2 : i32
        %mul3A_155 = arith.muli %scan3A_153, %mul3A_154 : i32
        %add3A_156 = arith.constant 0 : i32
        %add3A_157 = arith.addi %add3A_156, %mul3A_155 : i32
        %dma_wait3A_158 = arith.constant 0 : i32
        %dma_wait3A_159 = tpu.memref_slice %arg6[%add3A_157, %dma_wait3A_158] : memref<40x128xi32, #tpu.memory_space<vmem>> -> memref<1x128xi32, #tpu.memory_space<vmem>>
        %dma_wait3A_160 = tpu.memref_squeeze %dma_wait3A_159 : memref<1x128xi32, #tpu.memory_space<vmem>> -> memref<128xi32, #tpu.memory_space<vmem>>
        %dma_wait3A_161 = arith.constant 0 : i32
        %dma_wait3A_162 = arith.constant 0 : i32
        %dma_wait3A_163 = tpu.memref_slice %arg2[%dma_wait3A_161, %dma_wait3A_162] : memref<30720x128xf32, #tpu.memory_space<hbm>> -> memref<30720x128xf32, #tpu.memory_space<hbm>>
        tpu.wait_indirect_dma semaphore(%arg11 : memref<!tpu.dma_semaphore, #tpu.memory_space<semaphore_mem>>) src(%dma_wait3A_163 : memref<30720x128xf32, #tpu.memory_space<hbm>>) dst(%arg8 : memref<128x128xf32, #tpu.memory_space<vmem>>)
        %dma_start3A_164 = arith.constant 0 : i32
        %dma_start3A_165 = tpu.memref_slice %arg7[%add3A_157, %dma_start3A_164] : memref<40x128xi32, #tpu.memory_space<vmem>> -> memref<1x128xi32, #tpu.memory_space<vmem>>
        %dma_start3A_166 = tpu.memref_squeeze %dma_start3A_165 : memref<1x128xi32, #tpu.memory_space<vmem>> -> memref<128xi32, #tpu.memory_space<vmem>>
        %dma_start3A_167 = arith.constant 0 : i32
        %dma_start3A_168 = arith.constant 0 : i32
        %dma_start3A_169 = tpu.memref_slice %arg10[%dma_start3A_167, %dma_start3A_168] : memref<10240x128xf32, #tpu.memory_space<vmem_shared>> -> memref<10240x128xf32, #tpu.memory_space<vmem_shared>>
        tpu.enqueue_indirect_dma source(%arg8 : memref<128x128xf32, #tpu.memory_space<vmem>>) target(%dma_start3A_169 : memref<10240x128xf32, #tpu.memory_space<vmem_shared>>) offsets(%dma_start3A_166 : memref<128xi32, #tpu.memory_space<vmem>>) semaphore(%arg13 : memref<!tpu.dma_semaphore, #tpu.memory_space<semaphore_mem>>) {add = true}
        %add3A_170 = arith.constant 1 : i32
        %add3A_171 = arith.addi %add3A_157, %add3A_170 : i32
        %dma_wait3A_172 = arith.constant 0 : i32
        %dma_wait3A_173 = tpu.memref_slice %arg6[%add3A_171, %dma_wait3A_172] : memref<40x128xi32, #tpu.memory_space<vmem>> -> memref<1x128xi32, #tpu.memory_space<vmem>>
        %dma_wait3A_174 = tpu.memref_squeeze %dma_wait3A_173 : memref<1x128xi32, #tpu.memory_space<vmem>> -> memref<128xi32, #tpu.memory_space<vmem>>
        %dma_wait3A_175 = arith.constant 0 : i32
        %dma_wait3A_176 = arith.constant 0 : i32
        %dma_wait3A_177 = tpu.memref_slice %arg2[%dma_wait3A_175, %dma_wait3A_176] : memref<30720x128xf32, #tpu.memory_space<hbm>> -> memref<30720x128xf32, #tpu.memory_space<hbm>>
        tpu.wait_indirect_dma semaphore(%arg12 : memref<!tpu.dma_semaphore, #tpu.memory_space<semaphore_mem>>) src(%dma_wait3A_177 : memref<30720x128xf32, #tpu.memory_space<hbm>>) dst(%arg9 : memref<128x128xf32, #tpu.memory_space<vmem>>)
        %add3A_178 = arith.constant 1 : i32
        %add3A_179 = arith.addi %add3A_157, %add3A_178 : i32
        %dma_start3A_180 = arith.constant 0 : i32
        %dma_start3A_181 = tpu.memref_slice %arg7[%add3A_179, %dma_start3A_180] : memref<40x128xi32, #tpu.memory_space<vmem>> -> memref<1x128xi32, #tpu.memory_space<vmem>>
        %dma_start3A_182 = tpu.memref_squeeze %dma_start3A_181 : memref<1x128xi32, #tpu.memory_space<vmem>> -> memref<128xi32, #tpu.memory_space<vmem>>
        %dma_start3A_183 = arith.constant 0 : i32
        %dma_start3A_184 = arith.constant 0 : i32
        %dma_start3A_185 = tpu.memref_slice %arg10[%dma_start3A_183, %dma_start3A_184] : memref<10240x128xf32, #tpu.memory_space<vmem_shared>> -> memref<10240x128xf32, #tpu.memory_space<vmem_shared>>
        tpu.enqueue_indirect_dma source(%arg9 : memref<128x128xf32, #tpu.memory_space<vmem>>) target(%dma_start3A_185 : memref<10240x128xf32, #tpu.memory_space<vmem_shared>>) offsets(%dma_start3A_182 : memref<128xi32, #tpu.memory_space<vmem>>) semaphore(%arg14 : memref<!tpu.dma_semaphore, #tpu.memory_space<semaphore_mem>>) {add = true}
        %add3A_186 = arith.constant 2 : i32
        %add3A_187 = arith.addi %add3A_157, %add3A_186 : i32
        %lt3A = arith.constant 40 : i32
        %lt3A_188 = arith.cmpi slt, %add3A_187, %lt3A : i32
        %convert_element_type3A = arith.extui %lt3A_188 : i1 to i32
        %cond3A = arith.constant 0 : i32
        %cond3A_189 = arith.cmpi ne, %convert_element_type3A, %cond3A : i32
        scf.if %cond3A_189 {
          %dma_wait3A_197 = arith.constant 0 : i32
          %dma_wait3A_198 = tpu.memref_slice %arg7[%add3A_157, %dma_wait3A_197] : memref<40x128xi32, #tpu.memory_space<vmem>> -> memref<1x128xi32, #tpu.memory_space<vmem>>
          %dma_wait3A_199 = tpu.memref_squeeze %dma_wait3A_198 : memref<1x128xi32, #tpu.memory_space<vmem>> -> memref<128xi32, #tpu.memory_space<vmem>>
          %dma_wait3A_200 = arith.constant 0 : i32
          %dma_wait3A_201 = arith.constant 0 : i32
          %dma_wait3A_202 = tpu.memref_slice %arg10[%dma_wait3A_200, %dma_wait3A_201] : memref<10240x128xf32, #tpu.memory_space<vmem_shared>> -> memref<10240x128xf32, #tpu.memory_space<vmem_shared>>
          tpu.wait_indirect_dma semaphore(%arg13 : memref<!tpu.dma_semaphore, #tpu.memory_space<semaphore_mem>>) src(%arg8 : memref<128x128xf32, #tpu.memory_space<vmem>>) dst(%dma_wait3A_202 : memref<10240x128xf32, #tpu.memory_space<vmem_shared>>)
          %add3A_203 = arith.constant 2 : i32
          %add3A_204 = arith.addi %add3A_157, %add3A_203 : i32
          %dma_start3A_205 = arith.constant 0 : i32
          %dma_start3A_206 = arith.constant 0 : i32
          %dma_start3A_207 = tpu.memref_slice %arg8[%dma_start3A_205, %dma_start3A_206] : memref<128x128xf32, #tpu.memory_space<vmem>> -> memref<64x128xf32, #tpu.memory_space<vmem>>
          %dma_start3A_208 = arith.constant 0 : i32
          %dma_start3A_209 = tpu.memref_slice %arg6[%add3A_204, %dma_start3A_208] : memref<40x128xi32, #tpu.memory_space<vmem>> -> memref<1x64xi32, #tpu.memory_space<vmem>>
          %dma_start3A_210 = tpu.memref_squeeze %dma_start3A_209 : memref<1x64xi32, #tpu.memory_space<vmem>> -> memref<64xi32, #tpu.memory_space<vmem>>
          %dma_start3A_211 = arith.constant 0 : i32
          %dma_start3A_212 = arith.constant 0 : i32
          %dma_start3A_213 = tpu.memref_slice %arg2[%dma_start3A_211, %dma_start3A_212] : memref<30720x128xf32, #tpu.memory_space<hbm>> -> memref<30720x128xf32, #tpu.memory_space<hbm>>
          tpu.enqueue_indirect_dma source(%dma_start3A_213 : memref<30720x128xf32, #tpu.memory_space<hbm>>) target(%dma_start3A_207 : memref<64x128xf32, #tpu.memory_space<vmem>>) offsets(%dma_start3A_210 : memref<64xi32, #tpu.memory_space<vmem>>) semaphore(%arg11 : memref<!tpu.dma_semaphore, #tpu.memory_space<semaphore_mem>>)
          %dma_start3A_214 = arith.constant 64 : i32
          %dma_start3A_215 = arith.constant 0 : i32
          %dma_start3A_216 = tpu.memref_slice %arg8[%dma_start3A_214, %dma_start3A_215] : memref<128x128xf32, #tpu.memory_space<vmem>> -> memref<64x128xf32, #tpu.memory_space<vmem>>
          %dma_start3A_217 = arith.constant 64 : i32
          %dma_start3A_218 = tpu.memref_slice %arg6[%add3A_204, %dma_start3A_217] : memref<40x128xi32, #tpu.memory_space<vmem>> -> memref<1x64xi32, #tpu.memory_space<vmem>>
          %dma_start3A_219 = tpu.memref_squeeze %dma_start3A_218 : memref<1x64xi32, #tpu.memory_space<vmem>> -> memref<64xi32, #tpu.memory_space<vmem>>
          %dma_start3A_220 = arith.constant 0 : i32
          %dma_start3A_221 = arith.constant 0 : i32
          %dma_start3A_222 = tpu.memref_slice %arg2[%dma_start3A_220, %dma_start3A_221] : memref<30720x128xf32, #tpu.memory_space<hbm>> -> memref<30720x128xf32, #tpu.memory_space<hbm>>
          tpu.enqueue_indirect_dma source(%dma_start3A_222 : memref<30720x128xf32, #tpu.memory_space<hbm>>) target(%dma_start3A_216 : memref<64x128xf32, #tpu.memory_space<vmem>>) offsets(%dma_start3A_219 : memref<64xi32, #tpu.memory_space<vmem>>) semaphore(%arg11 : memref<!tpu.dma_semaphore, #tpu.memory_space<semaphore_mem>>)
        } else {
        }
        %add3A_190 = arith.constant 3 : i32
        %add3A_191 = arith.addi %add3A_157, %add3A_190 : i32
        %lt3A_192 = arith.constant 40 : i32
        %lt3A_193 = arith.cmpi slt, %add3A_191, %lt3A_192 : i32
        %convert_element_type3A_194 = arith.extui %lt3A_193 : i1 to i32
        %cond3A_195 = arith.constant 0 : i32
        %cond3A_196 = arith.cmpi ne, %convert_element_type3A_194, %cond3A_195 : i32
        scf.if %cond3A_196 {
          %add3A_197 = arith.constant 1 : i32
          %add3A_198 = arith.addi %add3A_157, %add3A_197 : i32
          %dma_wait3A_199 = arith.constant 0 : i32
          %dma_wait3A_200 = tpu.memref_slice %arg7[%add3A_198, %dma_wait3A_199] : memref<40x128xi32, #tpu.memory_space<vmem>> -> memref<1x128xi32, #tpu.memory_space<vmem>>
          %dma_wait3A_201 = tpu.memref_squeeze %dma_wait3A_200 : memref<1x128xi32, #tpu.memory_space<vmem>> -> memref<128xi32, #tpu.memory_space<vmem>>
          %dma_wait3A_202 = arith.constant 0 : i32
          %dma_wait3A_203 = arith.constant 0 : i32
          %dma_wait3A_204 = tpu.memref_slice %arg10[%dma_wait3A_202, %dma_wait3A_203] : memref<10240x128xf32, #tpu.memory_space<vmem_shared>> -> memref<10240x128xf32, #tpu.memory_space<vmem_shared>>
          tpu.wait_indirect_dma semaphore(%arg14 : memref<!tpu.dma_semaphore, #tpu.memory_space<semaphore_mem>>) src(%arg9 : memref<128x128xf32, #tpu.memory_space<vmem>>) dst(%dma_wait3A_204 : memref<10240x128xf32, #tpu.memory_space<vmem_shared>>)
          %add3A_205 = arith.constant 3 : i32
          %add3A_206 = arith.addi %add3A_157, %add3A_205 : i32
          %dma_start3A_207 = arith.constant 0 : i32
          %dma_start3A_208 = arith.constant 0 : i32
          %dma_start3A_209 = tpu.memref_slice %arg9[%dma_start3A_207, %dma_start3A_208] : memref<128x128xf32, #tpu.memory_space<vmem>> -> memref<64x128xf32, #tpu.memory_space<vmem>>
          %dma_start3A_210 = arith.constant 0 : i32
          %dma_start3A_211 = tpu.memref_slice %arg6[%add3A_206, %dma_start3A_210] : memref<40x128xi32, #tpu.memory_space<vmem>> -> memref<1x64xi32, #tpu.memory_space<vmem>>
          %dma_start3A_212 = tpu.memref_squeeze %dma_start3A_211 : memref<1x64xi32, #tpu.memory_space<vmem>> -> memref<64xi32, #tpu.memory_space<vmem>>
          %dma_start3A_213 = arith.constant 0 : i32
          %dma_start3A_214 = arith.constant 0 : i32
          %dma_start3A_215 = tpu.memref_slice %arg2[%dma_start3A_213, %dma_start3A_214] : memref<30720x128xf32, #tpu.memory_space<hbm>> -> memref<30720x128xf32, #tpu.memory_space<hbm>>
          tpu.enqueue_indirect_dma source(%dma_start3A_215 : memref<30720x128xf32, #tpu.memory_space<hbm>>) target(%dma_start3A_209 : memref<64x128xf32, #tpu.memory_space<vmem>>) offsets(%dma_start3A_212 : memref<64xi32, #tpu.memory_space<vmem>>) semaphore(%arg12 : memref<!tpu.dma_semaphore, #tpu.memory_space<semaphore_mem>>)
          %dma_start3A_216 = arith.constant 64 : i32
          %dma_start3A_217 = arith.constant 0 : i32
          %dma_start3A_218 = tpu.memref_slice %arg9[%dma_start3A_216, %dma_start3A_217] : memref<128x128xf32, #tpu.memory_space<vmem>> -> memref<64x128xf32, #tpu.memory_space<vmem>>
          %dma_start3A_219 = arith.constant 64 : i32
          %dma_start3A_220 = tpu.memref_slice %arg6[%add3A_206, %dma_start3A_219] : memref<40x128xi32, #tpu.memory_space<vmem>> -> memref<1x64xi32, #tpu.memory_space<vmem>>
          %dma_start3A_221 = tpu.memref_squeeze %dma_start3A_220 : memref<1x64xi32, #tpu.memory_space<vmem>> -> memref<64xi32, #tpu.memory_space<vmem>>
          %dma_start3A_222 = arith.constant 0 : i32
          %dma_start3A_223 = arith.constant 0 : i32
          %dma_start3A_224 = tpu.memref_slice %arg2[%dma_start3A_222, %dma_start3A_223] : memref<30720x128xf32, #tpu.memory_space<hbm>> -> memref<30720x128xf32, #tpu.memory_space<hbm>>
          tpu.enqueue_indirect_dma source(%dma_start3A_224 : memref<30720x128xf32, #tpu.memory_space<hbm>>) target(%dma_start3A_218 : memref<64x128xf32, #tpu.memory_space<vmem>>) offsets(%dma_start3A_221 : memref<64xi32, #tpu.memory_space<vmem>>) semaphore(%arg12 : memref<!tpu.dma_semaphore, #tpu.memory_space<semaphore_mem>>)
        } else {
        }
      }
      %scan3A_139 = arith.constant 20 : i32
      %dma_wait3A = arith.constant 38 : i32
      %dma_wait3A_140 = arith.constant 0 : i32
      %dma_wait3A_141 = tpu.memref_slice %arg7[%dma_wait3A, %dma_wait3A_140] : memref<40x128xi32, #tpu.memory_space<vmem>> -> memref<1x128xi32, #tpu.memory_space<vmem>>
      %dma_wait3A_142 = tpu.memref_squeeze %dma_wait3A_141 : memref<1x128xi32, #tpu.memory_space<vmem>> -> memref<128xi32, #tpu.memory_space<vmem>>
      %dma_wait3A_143 = arith.constant 0 : i32
      %dma_wait3A_144 = arith.constant 0 : i32
      %dma_wait3A_145 = tpu.memref_slice %arg10[%dma_wait3A_143, %dma_wait3A_144] : memref<10240x128xf32, #tpu.memory_space<vmem_shared>> -> memref<10240x128xf32, #tpu.memory_space<vmem_shared>>
      tpu.wait_indirect_dma semaphore(%arg13 : memref<!tpu.dma_semaphore, #tpu.memory_space<semaphore_mem>>) src(%arg8 : memref<128x128xf32, #tpu.memory_space<vmem>>) dst(%dma_wait3A_145 : memref<10240x128xf32, #tpu.memory_space<vmem_shared>>)
      %dma_wait3A_146 = arith.constant 39 : i32
      %dma_wait3A_147 = arith.constant 0 : i32
      %dma_wait3A_148 = tpu.memref_slice %arg7[%dma_wait3A_146, %dma_wait3A_147] : memref<40x128xi32, #tpu.memory_space<vmem>> -> memref<1x128xi32, #tpu.memory_space<vmem>>
      %dma_wait3A_149 = tpu.memref_squeeze %dma_wait3A_148 : memref<1x128xi32, #tpu.memory_space<vmem>> -> memref<128xi32, #tpu.memory_space<vmem>>
      %dma_wait3A_150 = arith.constant 0 : i32
      %dma_wait3A_151 = arith.constant 0 : i32
      %dma_wait3A_152 = tpu.memref_slice %arg10[%dma_wait3A_150, %dma_wait3A_151] : memref<10240x128xf32, #tpu.memory_space<vmem_shared>> -> memref<10240x128xf32, #tpu.memory_space<vmem_shared>>
      tpu.wait_indirect_dma semaphore(%arg14 : memref<!tpu.dma_semaphore, #tpu.memory_space<semaphore_mem>>) src(%arg9 : memref<128x128xf32, #tpu.memory_space<vmem>>) dst(%dma_wait3A_152 : memref<10240x128xf32, #tpu.memory_space<vmem_shared>>)
    }
    %scan3A_42 = arith.constant 2 : i32
    %barrier3A_43 = arith.constant 0 : index
    tpu.barrier barrier_id(%barrier3A_43)
    %mul3A_44 = arith.constant 640 : i32
    %mul3A_45 = arith.muli %arg1, %mul3A_44 : i32
    %mul3A_46 = arith.constant 3 : i32
    %mul3A_47 = arith.muli %arg0, %mul3A_46 : i32
    %add3A_48 = arith.constant 1 : i32
    %add3A_49 = arith.addi %mul3A_47, %add3A_48 : i32
    %mul3A_50 = arith.constant 10240 : i32
    %mul3A_51 = arith.muli %add3A_49, %mul3A_50 : i32
    %mul3A_52 = arith.constant 640 : i32
    %mul3A_53 = arith.muli %arg1, %mul3A_52 : i32
    %add3A_54 = arith.addi %mul3A_51, %mul3A_53 : i32
    "tpu.region"() ({
      %run_scoped3A = tpu.sem_alloc : memref<!tpu.dma_semaphore, #tpu.memory_space<semaphore_mem>>
      %dma_start3A = arith.constant 0 : i32
      %dma_start3A_83 = tpu.memref_slice %arg5[%add3A_54, %dma_start3A] : memref<61440x128xf32, #tpu.memory_space<hbm>> -> memref<640x128xf32, #tpu.memory_space<hbm>>
      %dma_start3A_84 = arith.constant 0 : i32
      %dma_start3A_85 = tpu.memref_slice %arg10[%mul3A_45, %dma_start3A_84] : memref<10240x128xf32, #tpu.memory_space<vmem_shared>> -> memref<640x128xf32, #tpu.memory_space<vmem_shared>>
      tpu.enqueue_dma source(%dma_start3A_85 : memref<640x128xf32, #tpu.memory_space<vmem_shared>>) target(%dma_start3A_83 : memref<640x128xf32, #tpu.memory_space<hbm>>) target_semaphore(%run_scoped3A : memref<!tpu.dma_semaphore, #tpu.memory_space<semaphore_mem>>)
      %dma_wait3A = arith.constant 0 : i32
      %dma_wait3A_86 = tpu.memref_slice %arg5[%add3A_54, %dma_wait3A] : memref<61440x128xf32, #tpu.memory_space<hbm>> -> memref<640x128xf32, #tpu.memory_space<hbm>>
      %dma_wait3A_87 = arith.constant 0 : i32
      %dma_wait3A_88 = tpu.memref_slice %arg10[%mul3A_45, %dma_wait3A_87] : memref<10240x128xf32, #tpu.memory_space<vmem_shared>> -> memref<640x128xf32, #tpu.memory_space<vmem_shared>>
      tpu.wait_dma2 semaphore(%run_scoped3A : memref<!tpu.dma_semaphore, #tpu.memory_space<semaphore_mem>>) src(%dma_wait3A_88 : memref<640x128xf32, #tpu.memory_space<vmem_shared>>) dst(%dma_wait3A_86 : memref<640x128xf32, #tpu.memory_space<hbm>>)
      tpu.yield
    }) : () -> ()
    %scan3A_55 = arith.constant 0 : i32
    %scan3A_56 = arith.constant 128 : i32
    %scan3A_57 = arith.addi %scan3A_55, %scan3A_56 : i32
    %scan3A_58 = arith.constant 1 : i32
    scf.for %scan3A_83 = %scan3A_55 to %scan3A_57 step %scan3A_58  : i32 {
      %mul3A_84 = arith.constant 1 : i32
      %mul3A_85 = arith.muli %scan3A_83, %mul3A_84 : i32
      %add3A_86 = arith.constant 0 : i32
      %add3A_87 = arith.addi %add3A_86, %mul3A_85 : i32
      %scan3A_88 = arith.constant 0 : i32
      %scan3A_89 = arith.constant 8 : i32
      %scan3A_90 = arith.addi %scan3A_88, %scan3A_89 : i32
      %scan3A_91 = arith.constant 1 : i32
      scf.for %scan3A_93 = %scan3A_88 to %scan3A_90 step %scan3A_91  : i32 {
        %mul3A_94 = arith.constant 16 : i32
        %mul3A_95 = arith.muli %scan3A_93, %mul3A_94 : i32
        %add3A_96 = arith.constant 0 : i32
        %add3A_97 = arith.addi %add3A_96, %mul3A_95 : i32
        %broadcast_in_dim3A = arith.constant 0.000000e+00 : f32
        %broadcast_in_dim3A_98 = vector.broadcast %broadcast_in_dim3A : f32 to vector<16xf32>
        %swap3A = arith.index_cast %add3A_87 : i32 to index
        %swap3A_99 = arith.index_cast %add3A_97 : i32 to index
        %swap3A_100 = tpu.vector_load %arg8[%swap3A, %swap3A_99] {strides = array<i32>} : memref<128x128xf32, #tpu.memory_space<vmem>>, vector<1x16xf32>,
        %swap3A_101 = vector.shape_cast %swap3A_100 : vector<1x16xf32> to vector<16xf32>
        %swap3A_102 = vector.shape_cast %broadcast_in_dim3A_98 : vector<16xf32> to vector<1x16xf32>
        tpu.vector_store %arg8[%swap3A, %swap3A_99], %swap3A_102 {strides = array<i32>} : memref<128x128xf32, #tpu.memory_space<vmem>>, vector<1x16xf32>,
      }
      %scan3A_92 = arith.constant 8 : i32
    }
    %scan3A_59 = arith.constant 128 : i32
    %scan3A_60 = arith.constant 0 : i32
    %scan3A_61 = arith.constant 5 : i32
    %scan3A_62 = arith.addi %scan3A_60, %scan3A_61 : i32
    %scan3A_63 = arith.constant 1 : i32
    scf.for %scan3A_83 = %scan3A_60 to %scan3A_62 step %scan3A_63  : i32 {
      %mul3A_84 = arith.constant 128 : i32
      %mul3A_85 = arith.muli %scan3A_83, %mul3A_84 : i32
      %add3A_86 = arith.constant 0 : i32
      %add3A_87 = arith.addi %add3A_86, %mul3A_85 : i32
      %mul3A_88 = arith.constant 640 : i32
      %mul3A_89 = arith.muli %arg1, %mul3A_88 : i32
      %add3A_90 = arith.addi %mul3A_89, %add3A_87 : i32
      "tpu.region"() ({
        %run_scoped3A = tpu.sem_alloc : memref<!tpu.dma_semaphore, #tpu.memory_space<semaphore_mem>>
        %dma_start3A = arith.constant 0 : i32
        %dma_start3A_91 = tpu.memref_slice %arg10[%add3A_90, %dma_start3A] : memref<10240x128xf32, #tpu.memory_space<vmem_shared>> -> memref<128x128xf32, #tpu.memory_space<vmem_shared>>
        %dma_start3A_92 = arith.constant 0 : i32
        %dma_start3A_93 = tpu.memref_slice %arg10[%add3A_90, %dma_start3A_92] : memref<10240x128xf32, #tpu.memory_space<vmem_shared>> -> memref<128x128xf32, #tpu.memory_space<vmem_shared>>
        tpu.enqueue_dma source(%arg8 : memref<128x128xf32, #tpu.memory_space<vmem>>) target(%dma_start3A_93 : memref<128x128xf32, #tpu.memory_space<vmem_shared>>) target_semaphore(%run_scoped3A : memref<!tpu.dma_semaphore, #tpu.memory_space<semaphore_mem>>)
        %dma_wait3A = arith.constant 0 : i32
        %dma_wait3A_94 = tpu.memref_slice %arg10[%add3A_90, %dma_wait3A] : memref<10240x128xf32, #tpu.memory_space<vmem_shared>> -> memref<128x128xf32, #tpu.memory_space<vmem_shared>>
        %dma_wait3A_95 = arith.constant 0 : i32
        %dma_wait3A_96 = tpu.memref_slice %arg10[%add3A_90, %dma_wait3A_95] : memref<10240x128xf32, #tpu.memory_space<vmem_shared>> -> memref<128x128xf32, #tpu.memory_space<vmem_shared>>
        tpu.wait_dma2 semaphore(%run_scoped3A : memref<!tpu.dma_semaphore, #tpu.memory_space<semaphore_mem>>) src(%arg8 : memref<128x128xf32, #tpu.memory_space<vmem>>) dst(%dma_wait3A_96 : memref<128x128xf32, #tpu.memory_space<vmem_shared>>)
        tpu.yield
      }) : () -> ()
    }
    %scan3A_64 = arith.constant 5 : i32
    %barrier3A_65 = arith.constant 0 : index
    tpu.barrier barrier_id(%barrier3A_65)
    %scan3A_66 = arith.constant 0 : i32
    %scan3A_67 = arith.constant 2 : i32
    %scan3A_68 = arith.addi %scan3A_66, %scan3A_67 : i32
    %scan3A_69 = arith.constant 1 : i32
    scf.for %scan3A_83 = %scan3A_66 to %scan3A_68 step %scan3A_69  : i32 {
      %mul3A_84 = arith.constant 1 : i32
      %mul3A_85 = arith.muli %scan3A_83, %mul3A_84 : i32
      %add3A_86 = arith.constant 0 : i32
      %add3A_87 = arith.addi %add3A_86, %mul3A_85 : i32
      %add3A_88 = arith.constant 64 : i32
      %add3A_89 = arith.addi %add3A_88, %add3A : i32
      %mul3A_90 = arith.constant 40 : i32
      %mul3A_91 = arith.muli %add3A_87, %mul3A_90 : i32
      "tpu.region"() ({
        %run_scoped3A = tpu.sem_alloc : memref<!tpu.dma_semaphore, #tpu.memory_space<semaphore_mem>>
        %dma_start3A_153 = arith.constant 0 : i32
        %dma_start3A_154 = tpu.memref_slice %arg3[%add3A_89, %mul3A_91, %dma_start3A_153] : memref<96x80x128xi32, #tpu.memory_space<hbm>> -> memref<1x40x128xi32, #tpu.memory_space<hbm>>
        %dma_start3A_155 = tpu.memref_squeeze %dma_start3A_154 : memref<1x40x128xi32, #tpu.memory_space<hbm>> -> memref<40x128xi32, #tpu.memory_space<hbm>>
        %dma_start3A_156 = arith.constant 0 : i32
        %dma_start3A_157 = tpu.memref_slice %arg3[%add3A_89, %mul3A_91, %dma_start3A_156] : memref<96x80x128xi32, #tpu.memory_space<hbm>> -> memref<1x40x128xi32, #tpu.memory_space<hbm>>
        %dma_start3A_158 = tpu.memref_squeeze %dma_start3A_157 : memref<1x40x128xi32, #tpu.memory_space<hbm>> -> memref<40x128xi32, #tpu.memory_space<hbm>>
        tpu.enqueue_dma source(%dma_start3A_158 : memref<40x128xi32, #tpu.memory_space<hbm>>) target(%arg6 : memref<40x128xi32, #tpu.memory_space<vmem>>) target_semaphore(%run_scoped3A : memref<!tpu.dma_semaphore, #tpu.memory_space<semaphore_mem>>)
        %dma_wait3A_159 = arith.constant 0 : i32
        %dma_wait3A_160 = tpu.memref_slice %arg3[%add3A_89, %mul3A_91, %dma_wait3A_159] : memref<96x80x128xi32, #tpu.memory_space<hbm>> -> memref<1x40x128xi32, #tpu.memory_space<hbm>>
        %dma_wait3A_161 = tpu.memref_squeeze %dma_wait3A_160 : memref<1x40x128xi32, #tpu.memory_space<hbm>> -> memref<40x128xi32, #tpu.memory_space<hbm>>
        %dma_wait3A_162 = arith.constant 0 : i32
        %dma_wait3A_163 = tpu.memref_slice %arg3[%add3A_89, %mul3A_91, %dma_wait3A_162] : memref<96x80x128xi32, #tpu.memory_space<hbm>> -> memref<1x40x128xi32, #tpu.memory_space<hbm>>
        %dma_wait3A_164 = tpu.memref_squeeze %dma_wait3A_163 : memref<1x40x128xi32, #tpu.memory_space<hbm>> -> memref<40x128xi32, #tpu.memory_space<hbm>>
        tpu.wait_dma2 semaphore(%run_scoped3A : memref<!tpu.dma_semaphore, #tpu.memory_space<semaphore_mem>>) src(%dma_wait3A_164 : memref<40x128xi32, #tpu.memory_space<hbm>>) dst(%arg6 : memref<40x128xi32, #tpu.memory_space<vmem>>)
        tpu.yield
      }) : () -> ()
      %add3A_92 = arith.constant 64 : i32
      %add3A_93 = arith.addi %add3A_92, %add3A : i32
      %mul3A_94 = arith.constant 40 : i32
      %mul3A_95 = arith.muli %add3A_87, %mul3A_94 : i32
      "tpu.region"() ({
        %run_scoped3A = tpu.sem_alloc : memref<!tpu.dma_semaphore, #tpu.memory_space<semaphore_mem>>
        %dma_start3A_153 = arith.constant 0 : i32
        %dma_start3A_154 = tpu.memref_slice %arg4[%add3A_93, %mul3A_95, %dma_start3A_153] : memref<96x80x128xi32, #tpu.memory_space<hbm>> -> memref<1x40x128xi32, #tpu.memory_space<hbm>>
        %dma_start3A_155 = tpu.memref_squeeze %dma_start3A_154 : memref<1x40x128xi32, #tpu.memory_space<hbm>> -> memref<40x128xi32, #tpu.memory_space<hbm>>
        %dma_start3A_156 = arith.constant 0 : i32
        %dma_start3A_157 = tpu.memref_slice %arg4[%add3A_93, %mul3A_95, %dma_start3A_156] : memref<96x80x128xi32, #tpu.memory_space<hbm>> -> memref<1x40x128xi32, #tpu.memory_space<hbm>>
        %dma_start3A_158 = tpu.memref_squeeze %dma_start3A_157 : memref<1x40x128xi32, #tpu.memory_space<hbm>> -> memref<40x128xi32, #tpu.memory_space<hbm>>
        tpu.enqueue_dma source(%dma_start3A_158 : memref<40x128xi32, #tpu.memory_space<hbm>>) target(%arg7 : memref<40x128xi32, #tpu.memory_space<vmem>>) target_semaphore(%run_scoped3A : memref<!tpu.dma_semaphore, #tpu.memory_space<semaphore_mem>>)
        %dma_wait3A_159 = arith.constant 0 : i32
        %dma_wait3A_160 = tpu.memref_slice %arg4[%add3A_93, %mul3A_95, %dma_wait3A_159] : memref<96x80x128xi32, #tpu.memory_space<hbm>> -> memref<1x40x128xi32, #tpu.memory_space<hbm>>
        %dma_wait3A_161 = tpu.memref_squeeze %dma_wait3A_160 : memref<1x40x128xi32, #tpu.memory_space<hbm>> -> memref<40x128xi32, #tpu.memory_space<hbm>>
        %dma_wait3A_162 = arith.constant 0 : i32
        %dma_wait3A_163 = tpu.memref_slice %arg4[%add3A_93, %mul3A_95, %dma_wait3A_162] : memref<96x80x128xi32, #tpu.memory_space<hbm>> -> memref<1x40x128xi32, #tpu.memory_space<hbm>>
        %dma_wait3A_164 = tpu.memref_squeeze %dma_wait3A_163 : memref<1x40x128xi32, #tpu.memory_space<hbm>> -> memref<40x128xi32, #tpu.memory_space<hbm>>
        tpu.wait_dma2 semaphore(%run_scoped3A : memref<!tpu.dma_semaphore, #tpu.memory_space<semaphore_mem>>) src(%dma_wait3A_164 : memref<40x128xi32, #tpu.memory_space<hbm>>) dst(%arg7 : memref<40x128xi32, #tpu.memory_space<vmem>>)
        tpu.yield
      }) : () -> ()
      %dma_start3A = arith.constant 0 : i32
      %dma_start3A_96 = arith.constant 0 : i32
      %dma_start3A_97 = arith.constant 0 : i32
      %dma_start3A_98 = tpu.memref_slice %arg8[%dma_start3A_96, %dma_start3A_97] : memref<128x128xf32, #tpu.memory_space<vmem>> -> memref<64x128xf32, #tpu.memory_space<vmem>>
      %dma_start3A_99 = arith.constant 0 : i32
      %dma_start3A_100 = tpu.memref_slice %arg6[%dma_start3A, %dma_start3A_99] : memref<40x128xi32, #tpu.memory_space<vmem>> -> memref<1x64xi32, #tpu.memory_space<vmem>>
      %dma_start3A_101 = tpu.memref_squeeze %dma_start3A_100 : memref<1x64xi32, #tpu.memory_space<vmem>> -> memref<64xi32, #tpu.memory_space<vmem>>
      %dma_start3A_102 = arith.constant 0 : i32
      %dma_start3A_103 = arith.constant 0 : i32
      %dma_start3A_104 = tpu.memref_slice %arg2[%dma_start3A_102, %dma_start3A_103] : memref<30720x128xf32, #tpu.memory_space<hbm>> -> memref<30720x128xf32, #tpu.memory_space<hbm>>
      tpu.enqueue_indirect_dma source(%dma_start3A_104 : memref<30720x128xf32, #tpu.memory_space<hbm>>) target(%dma_start3A_98 : memref<64x128xf32, #tpu.memory_space<vmem>>) offsets(%dma_start3A_101 : memref<64xi32, #tpu.memory_space<vmem>>) semaphore(%arg11 : memref<!tpu.dma_semaphore, #tpu.memory_space<semaphore_mem>>)
      %dma_start3A_105 = arith.constant 0 : i32
      %dma_start3A_106 = arith.constant 64 : i32
      %dma_start3A_107 = arith.constant 0 : i32
      %dma_start3A_108 = tpu.memref_slice %arg8[%dma_start3A_106, %dma_start3A_107] : memref<128x128xf32, #tpu.memory_space<vmem>> -> memref<64x128xf32, #tpu.memory_space<vmem>>
      %dma_start3A_109 = arith.constant 64 : i32
      %dma_start3A_110 = tpu.memref_slice %arg6[%dma_start3A_105, %dma_start3A_109] : memref<40x128xi32, #tpu.memory_space<vmem>> -> memref<1x64xi32, #tpu.memory_space<vmem>>
      %dma_start3A_111 = tpu.memref_squeeze %dma_start3A_110 : memref<1x64xi32, #tpu.memory_space<vmem>> -> memref<64xi32, #tpu.memory_space<vmem>>
      %dma_start3A_112 = arith.constant 0 : i32
      %dma_start3A_113 = arith.constant 0 : i32
      %dma_start3A_114 = tpu.memref_slice %arg2[%dma_start3A_112, %dma_start3A_113] : memref<30720x128xf32, #tpu.memory_space<hbm>> -> memref<30720x128xf32, #tpu.memory_space<hbm>>
      tpu.enqueue_indirect_dma source(%dma_start3A_114 : memref<30720x128xf32, #tpu.memory_space<hbm>>) target(%dma_start3A_108 : memref<64x128xf32, #tpu.memory_space<vmem>>) offsets(%dma_start3A_111 : memref<64xi32, #tpu.memory_space<vmem>>) semaphore(%arg11 : memref<!tpu.dma_semaphore, #tpu.memory_space<semaphore_mem>>)
      %dma_start3A_115 = arith.constant 1 : i32
      %dma_start3A_116 = arith.constant 0 : i32
      %dma_start3A_117 = arith.constant 0 : i32
      %dma_start3A_118 = tpu.memref_slice %arg9[%dma_start3A_116, %dma_start3A_117] : memref<128x128xf32, #tpu.memory_space<vmem>> -> memref<64x128xf32, #tpu.memory_space<vmem>>
      %dma_start3A_119 = arith.constant 0 : i32
      %dma_start3A_120 = tpu.memref_slice %arg6[%dma_start3A_115, %dma_start3A_119] : memref<40x128xi32, #tpu.memory_space<vmem>> -> memref<1x64xi32, #tpu.memory_space<vmem>>
      %dma_start3A_121 = tpu.memref_squeeze %dma_start3A_120 : memref<1x64xi32, #tpu.memory_space<vmem>> -> memref<64xi32, #tpu.memory_space<vmem>>
      %dma_start3A_122 = arith.constant 0 : i32
      %dma_start3A_123 = arith.constant 0 : i32
      %dma_start3A_124 = tpu.memref_slice %arg2[%dma_start3A_122, %dma_start3A_123] : memref<30720x128xf32, #tpu.memory_space<hbm>> -> memref<30720x128xf32, #tpu.memory_space<hbm>>
      tpu.enqueue_indirect_dma source(%dma_start3A_124 : memref<30720x128xf32, #tpu.memory_space<hbm>>) target(%dma_start3A_118 : memref<64x128xf32, #tpu.memory_space<vmem>>) offsets(%dma_start3A_121 : memref<64xi32, #tpu.memory_space<vmem>>) semaphore(%arg12 : memref<!tpu.dma_semaphore, #tpu.memory_space<semaphore_mem>>)
      %dma_start3A_125 = arith.constant 1 : i32
      %dma_start3A_126 = arith.constant 64 : i32
      %dma_start3A_127 = arith.constant 0 : i32
      %dma_start3A_128 = tpu.memref_slice %arg9[%dma_start3A_126, %dma_start3A_127] : memref<128x128xf32, #tpu.memory_space<vmem>> -> memref<64x128xf32, #tpu.memory_space<vmem>>
      %dma_start3A_129 = arith.constant 64 : i32
      %dma_start3A_130 = tpu.memref_slice %arg6[%dma_start3A_125, %dma_start3A_129] : memref<40x128xi32, #tpu.memory_space<vmem>> -> memref<1x64xi32, #tpu.memory_space<vmem>>
      %dma_start3A_131 = tpu.memref_squeeze %dma_start3A_130 : memref<1x64xi32, #tpu.memory_space<vmem>> -> memref<64xi32, #tpu.memory_space<vmem>>
      %dma_start3A_132 = arith.constant 0 : i32
      %dma_start3A_133 = arith.constant 0 : i32
      %dma_start3A_134 = tpu.memref_slice %arg2[%dma_start3A_132, %dma_start3A_133] : memref<30720x128xf32, #tpu.memory_space<hbm>> -> memref<30720x128xf32, #tpu.memory_space<hbm>>
      tpu.enqueue_indirect_dma source(%dma_start3A_134 : memref<30720x128xf32, #tpu.memory_space<hbm>>) target(%dma_start3A_128 : memref<64x128xf32, #tpu.memory_space<vmem>>) offsets(%dma_start3A_131 : memref<64xi32, #tpu.memory_space<vmem>>) semaphore(%arg12 : memref<!tpu.dma_semaphore, #tpu.memory_space<semaphore_mem>>)
      %scan3A_135 = arith.constant 0 : i32
      %scan3A_136 = arith.constant 20 : i32
      %scan3A_137 = arith.addi %scan3A_135, %scan3A_136 : i32
      %scan3A_138 = arith.constant 1 : i32
      scf.for %scan3A_153 = %scan3A_135 to %scan3A_137 step %scan3A_138  : i32 {
        %mul3A_154 = arith.constant 2 : i32
        %mul3A_155 = arith.muli %scan3A_153, %mul3A_154 : i32
        %add3A_156 = arith.constant 0 : i32
        %add3A_157 = arith.addi %add3A_156, %mul3A_155 : i32
        %dma_wait3A_158 = arith.constant 0 : i32
        %dma_wait3A_159 = tpu.memref_slice %arg6[%add3A_157, %dma_wait3A_158] : memref<40x128xi32, #tpu.memory_space<vmem>> -> memref<1x128xi32, #tpu.memory_space<vmem>>
        %dma_wait3A_160 = tpu.memref_squeeze %dma_wait3A_159 : memref<1x128xi32, #tpu.memory_space<vmem>> -> memref<128xi32, #tpu.memory_space<vmem>>
        %dma_wait3A_161 = arith.constant 0 : i32
        %dma_wait3A_162 = arith.constant 0 : i32
        %dma_wait3A_163 = tpu.memref_slice %arg2[%dma_wait3A_161, %dma_wait3A_162] : memref<30720x128xf32, #tpu.memory_space<hbm>> -> memref<30720x128xf32, #tpu.memory_space<hbm>>
        tpu.wait_indirect_dma semaphore(%arg11 : memref<!tpu.dma_semaphore, #tpu.memory_space<semaphore_mem>>) src(%dma_wait3A_163 : memref<30720x128xf32, #tpu.memory_space<hbm>>) dst(%arg8 : memref<128x128xf32, #tpu.memory_space<vmem>>)
        %dma_start3A_164 = arith.constant 0 : i32
        %dma_start3A_165 = tpu.memref_slice %arg7[%add3A_157, %dma_start3A_164] : memref<40x128xi32, #tpu.memory_space<vmem>> -> memref<1x128xi32, #tpu.memory_space<vmem>>
        %dma_start3A_166 = tpu.memref_squeeze %dma_start3A_165 : memref<1x128xi32, #tpu.memory_space<vmem>> -> memref<128xi32, #tpu.memory_space<vmem>>
        %dma_start3A_167 = arith.constant 0 : i32
        %dma_start3A_168 = arith.constant 0 : i32
        %dma_start3A_169 = tpu.memref_slice %arg10[%dma_start3A_167, %dma_start3A_168] : memref<10240x128xf32, #tpu.memory_space<vmem_shared>> -> memref<10240x128xf32, #tpu.memory_space<vmem_shared>>
        tpu.enqueue_indirect_dma source(%arg8 : memref<128x128xf32, #tpu.memory_space<vmem>>) target(%dma_start3A_169 : memref<10240x128xf32, #tpu.memory_space<vmem_shared>>) offsets(%dma_start3A_166 : memref<128xi32, #tpu.memory_space<vmem>>) semaphore(%arg13 : memref<!tpu.dma_semaphore, #tpu.memory_space<semaphore_mem>>) {add = true}
        %add3A_170 = arith.constant 1 : i32
        %add3A_171 = arith.addi %add3A_157, %add3A_170 : i32
        %dma_wait3A_172 = arith.constant 0 : i32
        %dma_wait3A_173 = tpu.memref_slice %arg6[%add3A_171, %dma_wait3A_172] : memref<40x128xi32, #tpu.memory_space<vmem>> -> memref<1x128xi32, #tpu.memory_space<vmem>>
        %dma_wait3A_174 = tpu.memref_squeeze %dma_wait3A_173 : memref<1x128xi32, #tpu.memory_space<vmem>> -> memref<128xi32, #tpu.memory_space<vmem>>
        %dma_wait3A_175 = arith.constant 0 : i32
        %dma_wait3A_176 = arith.constant 0 : i32
        %dma_wait3A_177 = tpu.memref_slice %arg2[%dma_wait3A_175, %dma_wait3A_176] : memref<30720x128xf32, #tpu.memory_space<hbm>> -> memref<30720x128xf32, #tpu.memory_space<hbm>>
        tpu.wait_indirect_dma semaphore(%arg12 : memref<!tpu.dma_semaphore, #tpu.memory_space<semaphore_mem>>) src(%dma_wait3A_177 : memref<30720x128xf32, #tpu.memory_space<hbm>>) dst(%arg9 : memref<128x128xf32, #tpu.memory_space<vmem>>)
        %add3A_178 = arith.constant 1 : i32
        %add3A_179 = arith.addi %add3A_157, %add3A_178 : i32
        %dma_start3A_180 = arith.constant 0 : i32
        %dma_start3A_181 = tpu.memref_slice %arg7[%add3A_179, %dma_start3A_180] : memref<40x128xi32, #tpu.memory_space<vmem>> -> memref<1x128xi32, #tpu.memory_space<vmem>>
        %dma_start3A_182 = tpu.memref_squeeze %dma_start3A_181 : memref<1x128xi32, #tpu.memory_space<vmem>> -> memref<128xi32, #tpu.memory_space<vmem>>
        %dma_start3A_183 = arith.constant 0 : i32
        %dma_start3A_184 = arith.constant 0 : i32
        %dma_start3A_185 = tpu.memref_slice %arg10[%dma_start3A_183, %dma_start3A_184] : memref<10240x128xf32, #tpu.memory_space<vmem_shared>> -> memref<10240x128xf32, #tpu.memory_space<vmem_shared>>
        tpu.enqueue_indirect_dma source(%arg9 : memref<128x128xf32, #tpu.memory_space<vmem>>) target(%dma_start3A_185 : memref<10240x128xf32, #tpu.memory_space<vmem_shared>>) offsets(%dma_start3A_182 : memref<128xi32, #tpu.memory_space<vmem>>) semaphore(%arg14 : memref<!tpu.dma_semaphore, #tpu.memory_space<semaphore_mem>>) {add = true}
        %add3A_186 = arith.constant 2 : i32
        %add3A_187 = arith.addi %add3A_157, %add3A_186 : i32
        %lt3A = arith.constant 40 : i32
        %lt3A_188 = arith.cmpi slt, %add3A_187, %lt3A : i32
        %convert_element_type3A = arith.extui %lt3A_188 : i1 to i32
        %cond3A = arith.constant 0 : i32
        %cond3A_189 = arith.cmpi ne, %convert_element_type3A, %cond3A : i32
        scf.if %cond3A_189 {
          %dma_wait3A_197 = arith.constant 0 : i32
          %dma_wait3A_198 = tpu.memref_slice %arg7[%add3A_157, %dma_wait3A_197] : memref<40x128xi32, #tpu.memory_space<vmem>> -> memref<1x128xi32, #tpu.memory_space<vmem>>
          %dma_wait3A_199 = tpu.memref_squeeze %dma_wait3A_198 : memref<1x128xi32, #tpu.memory_space<vmem>> -> memref<128xi32, #tpu.memory_space<vmem>>
          %dma_wait3A_200 = arith.constant 0 : i32
          %dma_wait3A_201 = arith.constant 0 : i32
          %dma_wait3A_202 = tpu.memref_slice %arg10[%dma_wait3A_200, %dma_wait3A_201] : memref<10240x128xf32, #tpu.memory_space<vmem_shared>> -> memref<10240x128xf32, #tpu.memory_space<vmem_shared>>
          tpu.wait_indirect_dma semaphore(%arg13 : memref<!tpu.dma_semaphore, #tpu.memory_space<semaphore_mem>>) src(%arg8 : memref<128x128xf32, #tpu.memory_space<vmem>>) dst(%dma_wait3A_202 : memref<10240x128xf32, #tpu.memory_space<vmem_shared>>)
          %add3A_203 = arith.constant 2 : i32
          %add3A_204 = arith.addi %add3A_157, %add3A_203 : i32
          %dma_start3A_205 = arith.constant 0 : i32
          %dma_start3A_206 = arith.constant 0 : i32
          %dma_start3A_207 = tpu.memref_slice %arg8[%dma_start3A_205, %dma_start3A_206] : memref<128x128xf32, #tpu.memory_space<vmem>> -> memref<64x128xf32, #tpu.memory_space<vmem>>
          %dma_start3A_208 = arith.constant 0 : i32
          %dma_start3A_209 = tpu.memref_slice %arg6[%add3A_204, %dma_start3A_208] : memref<40x128xi32, #tpu.memory_space<vmem>> -> memref<1x64xi32, #tpu.memory_space<vmem>>
          %dma_start3A_210 = tpu.memref_squeeze %dma_start3A_209 : memref<1x64xi32, #tpu.memory_space<vmem>> -> memref<64xi32, #tpu.memory_space<vmem>>
          %dma_start3A_211 = arith.constant 0 : i32
          %dma_start3A_212 = arith.constant 0 : i32
          %dma_start3A_213 = tpu.memref_slice %arg2[%dma_start3A_211, %dma_start3A_212] : memref<30720x128xf32, #tpu.memory_space<hbm>> -> memref<30720x128xf32, #tpu.memory_space<hbm>>
          tpu.enqueue_indirect_dma source(%dma_start3A_213 : memref<30720x128xf32, #tpu.memory_space<hbm>>) target(%dma_start3A_207 : memref<64x128xf32, #tpu.memory_space<vmem>>) offsets(%dma_start3A_210 : memref<64xi32, #tpu.memory_space<vmem>>) semaphore(%arg11 : memref<!tpu.dma_semaphore, #tpu.memory_space<semaphore_mem>>)
          %dma_start3A_214 = arith.constant 64 : i32
          %dma_start3A_215 = arith.constant 0 : i32
          %dma_start3A_216 = tpu.memref_slice %arg8[%dma_start3A_214, %dma_start3A_215] : memref<128x128xf32, #tpu.memory_space<vmem>> -> memref<64x128xf32, #tpu.memory_space<vmem>>
          %dma_start3A_217 = arith.constant 64 : i32
          %dma_start3A_218 = tpu.memref_slice %arg6[%add3A_204, %dma_start3A_217] : memref<40x128xi32, #tpu.memory_space<vmem>> -> memref<1x64xi32, #tpu.memory_space<vmem>>
          %dma_start3A_219 = tpu.memref_squeeze %dma_start3A_218 : memref<1x64xi32, #tpu.memory_space<vmem>> -> memref<64xi32, #tpu.memory_space<vmem>>
          %dma_start3A_220 = arith.constant 0 : i32
          %dma_start3A_221 = arith.constant 0 : i32
          %dma_start3A_222 = tpu.memref_slice %arg2[%dma_start3A_220, %dma_start3A_221] : memref<30720x128xf32, #tpu.memory_space<hbm>> -> memref<30720x128xf32, #tpu.memory_space<hbm>>
          tpu.enqueue_indirect_dma source(%dma_start3A_222 : memref<30720x128xf32, #tpu.memory_space<hbm>>) target(%dma_start3A_216 : memref<64x128xf32, #tpu.memory_space<vmem>>) offsets(%dma_start3A_219 : memref<64xi32, #tpu.memory_space<vmem>>) semaphore(%arg11 : memref<!tpu.dma_semaphore, #tpu.memory_space<semaphore_mem>>)
        } else {
        }
        %add3A_190 = arith.constant 3 : i32
        %add3A_191 = arith.addi %add3A_157, %add3A_190 : i32
        %lt3A_192 = arith.constant 40 : i32
        %lt3A_193 = arith.cmpi slt, %add3A_191, %lt3A_192 : i32
        %convert_element_type3A_194 = arith.extui %lt3A_193 : i1 to i32
        %cond3A_195 = arith.constant 0 : i32
        %cond3A_196 = arith.cmpi ne, %convert_element_type3A_194, %cond3A_195 : i32
        scf.if %cond3A_196 {
          %add3A_197 = arith.constant 1 : i32
          %add3A_198 = arith.addi %add3A_157, %add3A_197 : i32
          %dma_wait3A_199 = arith.constant 0 : i32
          %dma_wait3A_200 = tpu.memref_slice %arg7[%add3A_198, %dma_wait3A_199] : memref<40x128xi32, #tpu.memory_space<vmem>> -> memref<1x128xi32, #tpu.memory_space<vmem>>
          %dma_wait3A_201 = tpu.memref_squeeze %dma_wait3A_200 : memref<1x128xi32, #tpu.memory_space<vmem>> -> memref<128xi32, #tpu.memory_space<vmem>>
          %dma_wait3A_202 = arith.constant 0 : i32
          %dma_wait3A_203 = arith.constant 0 : i32
          %dma_wait3A_204 = tpu.memref_slice %arg10[%dma_wait3A_202, %dma_wait3A_203] : memref<10240x128xf32, #tpu.memory_space<vmem_shared>> -> memref<10240x128xf32, #tpu.memory_space<vmem_shared>>
          tpu.wait_indirect_dma semaphore(%arg14 : memref<!tpu.dma_semaphore, #tpu.memory_space<semaphore_mem>>) src(%arg9 : memref<128x128xf32, #tpu.memory_space<vmem>>) dst(%dma_wait3A_204 : memref<10240x128xf32, #tpu.memory_space<vmem_shared>>)
          %add3A_205 = arith.constant 3 : i32
          %add3A_206 = arith.addi %add3A_157, %add3A_205 : i32
          %dma_start3A_207 = arith.constant 0 : i32
          %dma_start3A_208 = arith.constant 0 : i32
          %dma_start3A_209 = tpu.memref_slice %arg9[%dma_start3A_207, %dma_start3A_208] : memref<128x128xf32, #tpu.memory_space<vmem>> -> memref<64x128xf32, #tpu.memory_space<vmem>>
          %dma_start3A_210 = arith.constant 0 : i32
          %dma_start3A_211 = tpu.memref_slice %arg6[%add3A_206, %dma_start3A_210] : memref<40x128xi32, #tpu.memory_space<vmem>> -> memref<1x64xi32, #tpu.memory_space<vmem>>
          %dma_start3A_212 = tpu.memref_squeeze %dma_start3A_211 : memref<1x64xi32, #tpu.memory_space<vmem>> -> memref<64xi32, #tpu.memory_space<vmem>>
          %dma_start3A_213 = arith.constant 0 : i32
          %dma_start3A_214 = arith.constant 0 : i32
          %dma_start3A_215 = tpu.memref_slice %arg2[%dma_start3A_213, %dma_start3A_214] : memref<30720x128xf32, #tpu.memory_space<hbm>> -> memref<30720x128xf32, #tpu.memory_space<hbm>>
          tpu.enqueue_indirect_dma source(%dma_start3A_215 : memref<30720x128xf32, #tpu.memory_space<hbm>>) target(%dma_start3A_209 : memref<64x128xf32, #tpu.memory_space<vmem>>) offsets(%dma_start3A_212 : memref<64xi32, #tpu.memory_space<vmem>>) semaphore(%arg12 : memref<!tpu.dma_semaphore, #tpu.memory_space<semaphore_mem>>)
          %dma_start3A_216 = arith.constant 64 : i32
          %dma_start3A_217 = arith.constant 0 : i32
          %dma_start3A_218 = tpu.memref_slice %arg9[%dma_start3A_216, %dma_start3A_217] : memref<128x128xf32, #tpu.memory_space<vmem>> -> memref<64x128xf32, #tpu.memory_space<vmem>>
          %dma_start3A_219 = arith.constant 64 : i32
          %dma_start3A_220 = tpu.memref_slice %arg6[%add3A_206, %dma_start3A_219] : memref<40x128xi32, #tpu.memory_space<vmem>> -> memref<1x64xi32, #tpu.memory_space<vmem>>
          %dma_start3A_221 = tpu.memref_squeeze %dma_start3A_220 : memref<1x64xi32, #tpu.memory_space<vmem>> -> memref<64xi32, #tpu.memory_space<vmem>>
          %dma_start3A_222 = arith.constant 0 : i32
          %dma_start3A_223 = arith.constant 0 : i32
          %dma_start3A_224 = tpu.memref_slice %arg2[%dma_start3A_222, %dma_start3A_223] : memref<30720x128xf32, #tpu.memory_space<hbm>> -> memref<30720x128xf32, #tpu.memory_space<hbm>>
          tpu.enqueue_indirect_dma source(%dma_start3A_224 : memref<30720x128xf32, #tpu.memory_space<hbm>>) target(%dma_start3A_218 : memref<64x128xf32, #tpu.memory_space<vmem>>) offsets(%dma_start3A_221 : memref<64xi32, #tpu.memory_space<vmem>>) semaphore(%arg12 : memref<!tpu.dma_semaphore, #tpu.memory_space<semaphore_mem>>)
        } else {
        }
      }
      %scan3A_139 = arith.constant 20 : i32
      %dma_wait3A = arith.constant 38 : i32
      %dma_wait3A_140 = arith.constant 0 : i32
      %dma_wait3A_141 = tpu.memref_slice %arg7[%dma_wait3A, %dma_wait3A_140] : memref<40x128xi32, #tpu.memory_space<vmem>> -> memref<1x128xi32, #tpu.memory_space<vmem>>
      %dma_wait3A_142 = tpu.memref_squeeze %dma_wait3A_141 : memref<1x128xi32, #tpu.memory_space<vmem>> -> memref<128xi32, #tpu.memory_space<vmem>>
      %dma_wait3A_143 = arith.constant 0 : i32
      %dma_wait3A_144 = arith.constant 0 : i32
      %dma_wait3A_145 = tpu.memref_slice %arg10[%dma_wait3A_143, %dma_wait3A_144] : memref<10240x128xf32, #tpu.memory_space<vmem_shared>> -> memref<10240x128xf32, #tpu.memory_space<vmem_shared>>
      tpu.wait_indirect_dma semaphore(%arg13 : memref<!tpu.dma_semaphore, #tpu.memory_space<semaphore_mem>>) src(%arg8 : memref<128x128xf32, #tpu.memory_space<vmem>>) dst(%dma_wait3A_145 : memref<10240x128xf32, #tpu.memory_space<vmem_shared>>)
      %dma_wait3A_146 = arith.constant 39 : i32
      %dma_wait3A_147 = arith.constant 0 : i32
      %dma_wait3A_148 = tpu.memref_slice %arg7[%dma_wait3A_146, %dma_wait3A_147] : memref<40x128xi32, #tpu.memory_space<vmem>> -> memref<1x128xi32, #tpu.memory_space<vmem>>
      %dma_wait3A_149 = tpu.memref_squeeze %dma_wait3A_148 : memref<1x128xi32, #tpu.memory_space<vmem>> -> memref<128xi32, #tpu.memory_space<vmem>>
      %dma_wait3A_150 = arith.constant 0 : i32
      %dma_wait3A_151 = arith.constant 0 : i32
      %dma_wait3A_152 = tpu.memref_slice %arg10[%dma_wait3A_150, %dma_wait3A_151] : memref<10240x128xf32, #tpu.memory_space<vmem_shared>> -> memref<10240x128xf32, #tpu.memory_space<vmem_shared>>
      tpu.wait_indirect_dma semaphore(%arg14 : memref<!tpu.dma_semaphore, #tpu.memory_space<semaphore_mem>>) src(%arg9 : memref<128x128xf32, #tpu.memory_space<vmem>>) dst(%dma_wait3A_152 : memref<10240x128xf32, #tpu.memory_space<vmem_shared>>)
    }
    %scan3A_70 = arith.constant 2 : i32
    %barrier3A_71 = arith.constant 0 : index
    tpu.barrier barrier_id(%barrier3A_71)
    %mul3A_72 = arith.constant 640 : i32
    %mul3A_73 = arith.muli %arg1, %mul3A_72 : i32
    %mul3A_74 = arith.constant 3 : i32
    %mul3A_75 = arith.muli %arg0, %mul3A_74 : i32
    %add3A_76 = arith.constant 2 : i32
    %add3A_77 = arith.addi %mul3A_75, %add3A_76 : i32
    %mul3A_78 = arith.constant 10240 : i32
    %mul3A_79 = arith.muli %add3A_77, %mul3A_78 : i32
    %mul3A_80 = arith.constant 640 : i32
    %mul3A_81 = arith.muli %arg1, %mul3A_80 : i32
    %add3A_82 = arith.addi %mul3A_79, %mul3A_81 : i32
    "tpu.region"() ({
      %run_scoped3A = tpu.sem_alloc : memref<!tpu.dma_semaphore, #tpu.memory_space<semaphore_mem>>
      %dma_start3A = arith.constant 0 : i32
      %dma_start3A_83 = tpu.memref_slice %arg5[%add3A_82, %dma_start3A] : memref<61440x128xf32, #tpu.memory_space<hbm>> -> memref<640x128xf32, #tpu.memory_space<hbm>>
      %dma_start3A_84 = arith.constant 0 : i32
      %dma_start3A_85 = tpu.memref_slice %arg10[%mul3A_73, %dma_start3A_84] : memref<10240x128xf32, #tpu.memory_space<vmem_shared>> -> memref<640x128xf32, #tpu.memory_space<vmem_shared>>
      tpu.enqueue_dma source(%dma_start3A_85 : memref<640x128xf32, #tpu.memory_space<vmem_shared>>) target(%dma_start3A_83 : memref<640x128xf32, #tpu.memory_space<hbm>>) target_semaphore(%run_scoped3A : memref<!tpu.dma_semaphore, #tpu.memory_space<semaphore_mem>>)
      %dma_wait3A = arith.constant 0 : i32
      %dma_wait3A_86 = tpu.memref_slice %arg5[%add3A_82, %dma_wait3A] : memref<61440x128xf32, #tpu.memory_space<hbm>> -> memref<640x128xf32, #tpu.memory_space<hbm>>
      %dma_wait3A_87 = arith.constant 0 : i32
      %dma_wait3A_88 = tpu.memref_slice %arg10[%mul3A_73, %dma_wait3A_87] : memref<10240x128xf32, #tpu.memory_space<vmem_shared>> -> memref<640x128xf32, #tpu.memory_space<vmem_shared>>
      tpu.wait_dma2 semaphore(%run_scoped3A : memref<!tpu.dma_semaphore, #tpu.memory_space<semaphore_mem>>) src(%dma_wait3A_88 : memref<640x128xf32, #tpu.memory_space<vmem_shared>>) dst(%dma_wait3A_86 : memref<640x128xf32, #tpu.memory_space<hbm>>)
      tpu.yield
    }) : () -> ()
    return
  }
}

#map = affine_map<(d0, d1) -> (0, 0, 0)>
#map1 = affine_map<(d0, d1) -> (0, 0)>
module attributes {stable_mosaic.version = 14 : i64} {
  func.func @k(%arg0: i32, %arg1: i32, %arg2: memref<32x480x128xi32, #tpu.memory_space<hbm>>, %arg3: memref<2x81920xf32, #tpu.memory_space<hbm>>, %arg4: memref<480x128xi32, #tpu.memory_space<vmem>>, %arg5: memref<128xf32, #tpu.memory_space<vmem>>, %arg6: memref<128xf32, #tpu.memory_space<vmem>>, %arg7: memref<81920xf32, #tpu.memory_space<vmem_shared>>, %arg8: memref<!tpu.dma_semaphore, #tpu.memory_space<semaphore_mem>>) attributes {dimension_semantics = [#tpu.dimension_semantics<core_parallel>, #tpu.dimension_semantics<subcore_parallel>], iteration_bounds = array<i64: 2, 16>, scalar_prefetch = 0 : i64, scratch_operands = 5 : i64, tpu.core_type = #tpu.core_type<sc_vector_subcore>, window_params = [{transform_indices = #map}, {transform_indices = #map1}]} {
    %mul3A = arith.constant 2 : i32
    %mul3A_0 = arith.muli %arg1, %mul3A : i32
    %add3A = arith.addi %mul3A_0, %arg0 : i32
    %scan3A = arith.constant 0 : i32
    %scan3A_1 = arith.constant 8 : i32
    %scan3A_2 = arith.addi %scan3A, %scan3A_1 : i32
    %scan3A_3 = arith.constant 1 : i32
    scf.for %scan3A_25 = %scan3A to %scan3A_2 step %scan3A_3  : i32 {
      %mul3A_26 = arith.constant 16 : i32
      %mul3A_27 = arith.muli %scan3A_25, %mul3A_26 : i32
      %add3A_28 = arith.constant 0 : i32
      %add3A_29 = arith.addi %add3A_28, %mul3A_27 : i32
      %broadcast_in_dim3A = arith.constant 1.000000e+00 : f32
      %broadcast_in_dim3A_30 = vector.broadcast %broadcast_in_dim3A : f32 to vector<16xf32>
      %swap3A = arith.index_cast %add3A_29 : i32 to index
      %swap3A_31 = tpu.vector_load %arg5[%swap3A] {strides = array<i32>} : memref<128xf32, #tpu.memory_space<vmem>>, vector<16xf32>,
      %swap3A_32 = vector.shape_cast %swap3A_31 : vector<16xf32> to vector<16xf32>
      %swap3A_33 = vector.shape_cast %broadcast_in_dim3A_30 : vector<16xf32> to vector<16xf32>
      tpu.vector_store %arg5[%swap3A], %swap3A_33 {strides = array<i32>} : memref<128xf32, #tpu.memory_space<vmem>>, vector<16xf32>,
      %broadcast_in_dim3A_34 = arith.constant 0.000000e+00 : f32
      %broadcast_in_dim3A_35 = vector.broadcast %broadcast_in_dim3A_34 : f32 to vector<16xf32>
      %swap3A_36 = arith.index_cast %add3A_29 : i32 to index
      %swap3A_37 = tpu.vector_load %arg6[%swap3A_36] {strides = array<i32>} : memref<128xf32, #tpu.memory_space<vmem>>, vector<16xf32>,
      %swap3A_38 = vector.shape_cast %swap3A_37 : vector<16xf32> to vector<16xf32>
      %swap3A_39 = vector.shape_cast %broadcast_in_dim3A_35 : vector<16xf32> to vector<16xf32>
      tpu.vector_store %arg6[%swap3A_36], %swap3A_39 {strides = array<i32>} : memref<128xf32, #tpu.memory_space<vmem>>, vector<16xf32>,
    }
    %scan3A_4 = arith.constant 8 : i32
    %scan3A_5 = arith.constant 0 : i32
    %scan3A_6 = arith.constant 40 : i32
    %scan3A_7 = arith.addi %scan3A_5, %scan3A_6 : i32
    %scan3A_8 = arith.constant 1 : i32
    scf.for %scan3A_25 = %scan3A_5 to %scan3A_7 step %scan3A_8  : i32 {
      %mul3A_26 = arith.constant 128 : i32
      %mul3A_27 = arith.muli %scan3A_25, %mul3A_26 : i32
      %add3A_28 = arith.constant 0 : i32
      %add3A_29 = arith.addi %add3A_28, %mul3A_27 : i32
      %mul3A_30 = arith.constant 5120 : i32
      %mul3A_31 = arith.muli %arg1, %mul3A_30 : i32
      %add3A_32 = arith.addi %mul3A_31, %add3A_29 : i32
      "tpu.region"() ({
        %run_scoped3A = tpu.sem_alloc : memref<!tpu.dma_semaphore, #tpu.memory_space<semaphore_mem>>
        %dma_start3A = tpu.memref_slice %arg7[%add3A_32] : memref<81920xf32, #tpu.memory_space<vmem_shared>> -> memref<128xf32, #tpu.memory_space<vmem_shared>>
        %dma_start3A_33 = tpu.memref_slice %arg7[%add3A_32] : memref<81920xf32, #tpu.memory_space<vmem_shared>> -> memref<128xf32, #tpu.memory_space<vmem_shared>>
        tpu.enqueue_dma source(%arg6 : memref<128xf32, #tpu.memory_space<vmem>>) target(%dma_start3A_33 : memref<128xf32, #tpu.memory_space<vmem_shared>>) target_semaphore(%run_scoped3A : memref<!tpu.dma_semaphore, #tpu.memory_space<semaphore_mem>>)
        %dma_wait3A = tpu.memref_slice %arg7[%add3A_32] : memref<81920xf32, #tpu.memory_space<vmem_shared>> -> memref<128xf32, #tpu.memory_space<vmem_shared>>
        %dma_wait3A_34 = tpu.memref_slice %arg7[%add3A_32] : memref<81920xf32, #tpu.memory_space<vmem_shared>> -> memref<128xf32, #tpu.memory_space<vmem_shared>>
        tpu.wait_dma2 semaphore(%run_scoped3A : memref<!tpu.dma_semaphore, #tpu.memory_space<semaphore_mem>>) src(%arg6 : memref<128xf32, #tpu.memory_space<vmem>>) dst(%dma_wait3A_34 : memref<128xf32, #tpu.memory_space<vmem_shared>>)
        tpu.yield
      }) : () -> ()
    }
    %scan3A_9 = arith.constant 40 : i32
    %barrier3A = arith.constant 0 : index
    tpu.barrier barrier_id(%barrier3A)
    "tpu.region"() ({
      %run_scoped3A = tpu.sem_alloc : memref<!tpu.dma_semaphore, #tpu.memory_space<semaphore_mem>>
      %dma_start3A = arith.constant 0 : i32
      %dma_start3A_25 = arith.constant 0 : i32
      %dma_start3A_26 = tpu.memref_slice %arg2[%add3A, %dma_start3A, %dma_start3A_25] : memref<32x480x128xi32, #tpu.memory_space<hbm>> -> memref<1x480x128xi32, #tpu.memory_space<hbm>>
      %dma_start3A_27 = tpu.memref_squeeze %dma_start3A_26 : memref<1x480x128xi32, #tpu.memory_space<hbm>> -> memref<480x128xi32, #tpu.memory_space<hbm>>
      %dma_start3A_28 = arith.constant 0 : i32
      %dma_start3A_29 = arith.constant 0 : i32
      %dma_start3A_30 = tpu.memref_slice %arg2[%add3A, %dma_start3A_28, %dma_start3A_29] : memref<32x480x128xi32, #tpu.memory_space<hbm>> -> memref<1x480x128xi32, #tpu.memory_space<hbm>>
      %dma_start3A_31 = tpu.memref_squeeze %dma_start3A_30 : memref<1x480x128xi32, #tpu.memory_space<hbm>> -> memref<480x128xi32, #tpu.memory_space<hbm>>
      tpu.enqueue_dma source(%dma_start3A_31 : memref<480x128xi32, #tpu.memory_space<hbm>>) target(%arg4 : memref<480x128xi32, #tpu.memory_space<vmem>>) target_semaphore(%run_scoped3A : memref<!tpu.dma_semaphore, #tpu.memory_space<semaphore_mem>>)
      %dma_wait3A = arith.constant 0 : i32
      %dma_wait3A_32 = arith.constant 0 : i32
      %dma_wait3A_33 = tpu.memref_slice %arg2[%add3A, %dma_wait3A, %dma_wait3A_32] : memref<32x480x128xi32, #tpu.memory_space<hbm>> -> memref<1x480x128xi32, #tpu.memory_space<hbm>>
      %dma_wait3A_34 = tpu.memref_squeeze %dma_wait3A_33 : memref<1x480x128xi32, #tpu.memory_space<hbm>> -> memref<480x128xi32, #tpu.memory_space<hbm>>
      %dma_wait3A_35 = arith.constant 0 : i32
      %dma_wait3A_36 = arith.constant 0 : i32
      %dma_wait3A_37 = tpu.memref_slice %arg2[%add3A, %dma_wait3A_35, %dma_wait3A_36] : memref<32x480x128xi32, #tpu.memory_space<hbm>> -> memref<1x480x128xi32, #tpu.memory_space<hbm>>
      %dma_wait3A_38 = tpu.memref_squeeze %dma_wait3A_37 : memref<1x480x128xi32, #tpu.memory_space<hbm>> -> memref<480x128xi32, #tpu.memory_space<hbm>>
      tpu.wait_dma2 semaphore(%run_scoped3A : memref<!tpu.dma_semaphore, #tpu.memory_space<semaphore_mem>>) src(%dma_wait3A_38 : memref<480x128xi32, #tpu.memory_space<hbm>>) dst(%arg4 : memref<480x128xi32, #tpu.memory_space<vmem>>)
      tpu.yield
    }) : () -> ()
    %scan3A_10 = arith.constant 0 : i32
    %scan3A_11 = arith.constant 480 : i32
    %scan3A_12 = arith.addi %scan3A_10, %scan3A_11 : i32
    %scan3A_13 = arith.constant 1 : i32
    scf.for %scan3A_25 = %scan3A_10 to %scan3A_12 step %scan3A_13  : i32 {
      %mul3A_26 = arith.constant 1 : i32
      %mul3A_27 = arith.muli %scan3A_25, %mul3A_26 : i32
      %add3A_28 = arith.constant 0 : i32
      %add3A_29 = arith.addi %add3A_28, %mul3A_27 : i32
      %dma_start3A = arith.constant 0 : i32
      %dma_start3A_30 = tpu.memref_slice %arg4[%add3A_29, %dma_start3A] : memref<480x128xi32, #tpu.memory_space<vmem>> -> memref<1x128xi32, #tpu.memory_space<vmem>>
      %dma_start3A_31 = tpu.memref_squeeze %dma_start3A_30 : memref<1x128xi32, #tpu.memory_space<vmem>> -> memref<128xi32, #tpu.memory_space<vmem>>
      %dma_start3A_32 = arith.constant 0 : i32
      %dma_start3A_33 = tpu.memref_slice %arg7[%dma_start3A_32] : memref<81920xf32, #tpu.memory_space<vmem_shared>> -> memref<81920xf32, #tpu.memory_space<vmem_shared>>
      tpu.enqueue_indirect_dma source(%arg5 : memref<128xf32, #tpu.memory_space<vmem>>) target(%dma_start3A_33 : memref<81920xf32, #tpu.memory_space<vmem_shared>>) offsets(%dma_start3A_31 : memref<128xi32, #tpu.memory_space<vmem>>) semaphore(%arg8 : memref<!tpu.dma_semaphore, #tpu.memory_space<semaphore_mem>>) {add = true}
      %ge3A = arith.constant 8 : i32
      %ge3A_34 = arith.cmpi sge, %add3A_29, %ge3A : i32
      %convert_element_type3A = arith.extui %ge3A_34 : i1 to i32
      %cond3A = arith.constant 0 : i32
      %cond3A_35 = arith.cmpi ne, %convert_element_type3A, %cond3A : i32
      scf.if %cond3A_35 {
        %dma_wait3A = arith.constant 0 : i32
        %dma_wait3A_36 = arith.constant 0 : i32
        %dma_wait3A_37 = tpu.memref_slice %arg4[%dma_wait3A, %dma_wait3A_36] : memref<480x128xi32, #tpu.memory_space<vmem>> -> memref<1x128xi32, #tpu.memory_space<vmem>>
        %dma_wait3A_38 = tpu.memref_squeeze %dma_wait3A_37 : memref<1x128xi32, #tpu.memory_space<vmem>> -> memref<128xi32, #tpu.memory_space<vmem>>
        %dma_wait3A_39 = arith.constant 0 : i32
        %dma_wait3A_40 = tpu.memref_slice %arg7[%dma_wait3A_39] : memref<81920xf32, #tpu.memory_space<vmem_shared>> -> memref<81920xf32, #tpu.memory_space<vmem_shared>>
        tpu.wait_indirect_dma semaphore(%arg8 : memref<!tpu.dma_semaphore, #tpu.memory_space<semaphore_mem>>) src(%arg5 : memref<128xf32, #tpu.memory_space<vmem>>) dst(%dma_wait3A_40 : memref<81920xf32, #tpu.memory_space<vmem_shared>>)
      } else {
      }
    }
    %scan3A_14 = arith.constant 480 : i32
    %scan3A_15 = arith.constant 0 : i32
    %scan3A_16 = arith.constant 8 : i32
    %scan3A_17 = arith.addi %scan3A_15, %scan3A_16 : i32
    %scan3A_18 = arith.constant 1 : i32
    scf.for %scan3A_25 = %scan3A_15 to %scan3A_17 step %scan3A_18  : i32 {
      %mul3A_26 = arith.constant 1 : i32
      %mul3A_27 = arith.muli %scan3A_25, %mul3A_26 : i32
      %add3A_28 = arith.constant 0 : i32
      %add3A_29 = arith.addi %add3A_28, %mul3A_27 : i32
      %dma_wait3A = arith.constant 0 : i32
      %dma_wait3A_30 = arith.constant 0 : i32
      %dma_wait3A_31 = tpu.memref_slice %arg4[%dma_wait3A, %dma_wait3A_30] : memref<480x128xi32, #tpu.memory_space<vmem>> -> memref<1x128xi32, #tpu.memory_space<vmem>>
      %dma_wait3A_32 = tpu.memref_squeeze %dma_wait3A_31 : memref<1x128xi32, #tpu.memory_space<vmem>> -> memref<128xi32, #tpu.memory_space<vmem>>
      %dma_wait3A_33 = arith.constant 0 : i32
      %dma_wait3A_34 = tpu.memref_slice %arg7[%dma_wait3A_33] : memref<81920xf32, #tpu.memory_space<vmem_shared>> -> memref<81920xf32, #tpu.memory_space<vmem_shared>>
      tpu.wait_indirect_dma semaphore(%arg8 : memref<!tpu.dma_semaphore, #tpu.memory_space<semaphore_mem>>) src(%arg5 : memref<128xf32, #tpu.memory_space<vmem>>) dst(%dma_wait3A_34 : memref<81920xf32, #tpu.memory_space<vmem_shared>>)
    }
    %scan3A_19 = arith.constant 8 : i32
    %barrier3A_20 = arith.constant 0 : index
    tpu.barrier barrier_id(%barrier3A_20)
    %mul3A_21 = arith.constant 5120 : i32
    %mul3A_22 = arith.muli %arg1, %mul3A_21 : i32
    %mul3A_23 = arith.constant 5120 : i32
    %mul3A_24 = arith.muli %arg1, %mul3A_23 : i32
    "tpu.region"() ({
      %run_scoped3A = tpu.sem_alloc : memref<!tpu.dma_semaphore, #tpu.memory_space<semaphore_mem>>
      %dma_start3A = tpu.memref_slice %arg3[%arg0, %mul3A_24] : memref<2x81920xf32, #tpu.memory_space<hbm>> -> memref<1x5120xf32, #tpu.memory_space<hbm>>
      %dma_start3A_25 = tpu.memref_squeeze %dma_start3A : memref<1x5120xf32, #tpu.memory_space<hbm>> -> memref<5120xf32, #tpu.memory_space<hbm>>
      %dma_start3A_26 = tpu.memref_slice %arg7[%mul3A_22] : memref<81920xf32, #tpu.memory_space<vmem_shared>> -> memref<5120xf32, #tpu.memory_space<vmem_shared>>
      tpu.enqueue_dma source(%dma_start3A_26 : memref<5120xf32, #tpu.memory_space<vmem_shared>>) target(%dma_start3A_25 : memref<5120xf32, #tpu.memory_space<hbm>>) target_semaphore(%run_scoped3A : memref<!tpu.dma_semaphore, #tpu.memory_space<semaphore_mem>>)
      %dma_wait3A = tpu.memref_slice %arg3[%arg0, %mul3A_24] : memref<2x81920xf32, #tpu.memory_space<hbm>> -> memref<1x5120xf32, #tpu.memory_space<hbm>>
      %dma_wait3A_27 = tpu.memref_squeeze %dma_wait3A : memref<1x5120xf32, #tpu.memory_space<hbm>> -> memref<5120xf32, #tpu.memory_space<hbm>>
      %dma_wait3A_28 = tpu.memref_slice %arg7[%mul3A_22] : memref<81920xf32, #tpu.memory_space<vmem_shared>> -> memref<5120xf32, #tpu.memory_space<vmem_shared>>
      tpu.wait_dma2 semaphore(%run_scoped3A : memref<!tpu.dma_semaphore, #tpu.memory_space<semaphore_mem>>) src(%dma_wait3A_28 : memref<5120xf32, #tpu.memory_space<vmem_shared>>) dst(%dma_wait3A_27 : memref<5120xf32, #tpu.memory_space<hbm>>)
      tpu.yield
    }) : () -> ()
    return
  }
}

#map = affine_map<(d0, d1) -> (0, 0)>
#map1 = affine_map<(d0, d1) -> (0, 0, 0)>
module attributes {stable_mosaic.version = 14 : i64} {
  func.func @k(%arg0: i32, %arg1: i32, %arg2: memref<30720x128xf32, #tpu.memory_space<hbm>>, %arg3: memref<96x80x128xi32, #tpu.memory_space<hbm>>, %arg4: memref<96x80x128xi32, #tpu.memory_space<hbm>>, %arg5: memref<61440x128xf32, #tpu.memory_space<hbm>>, %arg6: memref<40x128xi32, #tpu.memory_space<vmem>>, %arg7: memref<40x128xi32, #tpu.memory_space<vmem>>, %arg8: memref<128x128xf32, #tpu.memory_space<vmem>>, %arg9: memref<128x128xf32, #tpu.memory_space<vmem>>, %arg10: memref<10240x128xf32, #tpu.memory_space<vmem_shared>>, %arg11: memref<!tpu.dma_semaphore, #tpu.memory_space<semaphore_mem>>, %arg12: memref<!tpu.dma_semaphore, #tpu.memory_space<semaphore_mem>>, %arg13: memref<!tpu.dma_semaphore, #tpu.memory_space<semaphore_mem>>, %arg14: memref<!tpu.dma_semaphore, #tpu.memory_space<semaphore_mem>>) attributes {dimension_semantics = [#tpu.dimension_semantics<core_parallel>, #tpu.dimension_semantics<subcore_parallel>], iteration_bounds = array<i64: 2, 16>, scalar_prefetch = 0 : i64, scratch_operands = 9 : i64, tpu.core_type = #tpu.core_type<sc_vector_subcore>, window_params = [{transform_indices = #map}, {transform_indices = #map1}, {transform_indices = #map1}, {transform_indices = #map}]} {
    %mul3A = arith.constant 2 : i32
    %mul3A_0 = arith.muli %arg1, %mul3A : i32
    %add3A = arith.addi %mul3A_0, %arg0 : i32
    %scan3A = arith.constant 0 : i32
    %scan3A_1 = arith.constant 128 : i32
    %scan3A_2 = arith.addi %scan3A, %scan3A_1 : i32
    %scan3A_3 = arith.constant 1 : i32
    scf.for %scan3A_83 = %scan3A to %scan3A_2 step %scan3A_3  : i32 {
      %mul3A_84 = arith.constant 1 : i32
      %mul3A_85 = arith.muli %scan3A_83, %mul3A_84 : i32
      %add3A_86 = arith.constant 0 : i32
      %add3A_87 = arith.addi %add3A_86, %mul3A_85 : i32
      %scan3A_88 = arith.constant 0 : i32
      %scan3A_89 = arith.constant 8 : i32
      %scan3A_90 = arith.addi %scan3A_88, %scan3A_89 : i32
      %scan3A_91 = arith.constant 1 : i32
      scf.for %scan3A_93 = %scan3A_88 to %scan3A_90 step %scan3A_91  : i32 {
        %mul3A_94 = arith.constant 16 : i32
        %mul3A_95 = arith.muli %scan3A_93, %mul3A_94 : i32
        %add3A_96 = arith.constant 0 : i32
        %add3A_97 = arith.addi %add3A_96, %mul3A_95 : i32
        %broadcast_in_dim3A = arith.constant 0.000000e+00 : f32
        %broadcast_in_dim3A_98 = vector.broadcast %broadcast_in_dim3A : f32 to vector<16xf32>
        %swap3A = arith.index_cast %add3A_87 : i32 to index
        %swap3A_99 = arith.index_cast %add3A_97 : i32 to index
        %swap3A_100 = tpu.vector_load %arg8[%swap3A, %swap3A_99] {strides = array<i32>} : memref<128x128xf32, #tpu.memory_space<vmem>>, vector<1x16xf32>,
        %swap3A_101 = vector.shape_cast %swap3A_100 : vector<1x16xf32> to vector<16xf32>
        %swap3A_102 = vector.shape_cast %broadcast_in_dim3A_98 : vector<16xf32> to vector<1x16xf32>
        tpu.vector_store %arg8[%swap3A, %swap3A_99], %swap3A_102 {strides = array<i32>} : memref<128x128xf32, #tpu.memory_space<vmem>>, vector<1x16xf32>,
      }
      %scan3A_92 = arith.constant 8 : i32
    }
    %scan3A_4 = arith.constant 128 : i32
    %scan3A_5 = arith.constant 0 : i32
    %scan3A_6 = arith.constant 5 : i32
    %scan3A_7 = arith.addi %scan3A_5, %scan3A_6 : i32
    %scan3A_8 = arith.constant 1 : i32
    scf.for %scan3A_83 = %scan3A_5 to %scan3A_7 step %scan3A_8  : i32 {
      %mul3A_84 = arith.constant 128 : i32
      %mul3A_85 = arith.muli %scan3A_83, %mul3A_84 : i32
      %add3A_86 = arith.constant 0 : i32
      %add3A_87 = arith.addi %add3A_86, %mul3A_85 : i32
      %mul3A_88 = arith.constant 640 : i32
      %mul3A_89 = arith.muli %arg1, %mul3A_88 : i32
      %add3A_90 = arith.addi %mul3A_89, %add3A_87 : i32
      "tpu.region"() ({
        %run_scoped3A = tpu.sem_alloc : memref<!tpu.dma_semaphore, #tpu.memory_space<semaphore_mem>>
        %dma_start3A = arith.constant 0 : i32
        %dma_start3A_91 = tpu.memref_slice %arg10[%add3A_90, %dma_start3A] : memref<10240x128xf32, #tpu.memory_space<vmem_shared>> -> memref<128x128xf32, #tpu.memory_space<vmem_shared>>
        %dma_start3A_92 = arith.constant 0 : i32
        %dma_start3A_93 = tpu.memref_slice %arg10[%add3A_90, %dma_start3A_92] : memref<10240x128xf32, #tpu.memory_space<vmem_shared>> -> memref<128x128xf32, #tpu.memory_space<vmem_shared>>
        tpu.enqueue_dma source(%arg8 : memref<128x128xf32, #tpu.memory_space<vmem>>) target(%dma_start3A_93 : memref<128x128xf32, #tpu.memory_space<vmem_shared>>) target_semaphore(%run_scoped3A : memref<!tpu.dma_semaphore, #tpu.memory_space<semaphore_mem>>)
        %dma_wait3A = arith.constant 0 : i32
        %dma_wait3A_94 = tpu.memref_slice %arg10[%add3A_90, %dma_wait3A] : memref<10240x128xf32, #tpu.memory_space<vmem_shared>> -> memref<128x128xf32, #tpu.memory_space<vmem_shared>>
        %dma_wait3A_95 = arith.constant 0 : i32
        %dma_wait3A_96 = tpu.memref_slice %arg10[%add3A_90, %dma_wait3A_95] : memref<10240x128xf32, #tpu.memory_space<vmem_shared>> -> memref<128x128xf32, #tpu.memory_space<vmem_shared>>
        tpu.wait_dma2 semaphore(%run_scoped3A : memref<!tpu.dma_semaphore, #tpu.memory_space<semaphore_mem>>) src(%arg8 : memref<128x128xf32, #tpu.memory_space<vmem>>) dst(%dma_wait3A_96 : memref<128x128xf32, #tpu.memory_space<vmem_shared>>)
        tpu.yield
      }) : () -> ()
    }
    %scan3A_9 = arith.constant 5 : i32
    %barrier3A = arith.constant 0 : index
    tpu.barrier barrier_id(%barrier3A)
    %scan3A_10 = arith.constant 0 : i32
    %scan3A_11 = arith.constant 2 : i32
    %scan3A_12 = arith.addi %scan3A_10, %scan3A_11 : i32
    %scan3A_13 = arith.constant 1 : i32
    scf.for %scan3A_83 = %scan3A_10 to %scan3A_12 step %scan3A_13  : i32 {
      %mul3A_84 = arith.constant 1 : i32
      %mul3A_85 = arith.muli %scan3A_83, %mul3A_84 : i32
      %add3A_86 = arith.constant 0 : i32
      %add3A_87 = arith.addi %add3A_86, %mul3A_85 : i32
      %add3A_88 = arith.constant 0 : i32
      %add3A_89 = arith.addi %add3A_88, %add3A : i32
      %mul3A_90 = arith.constant 40 : i32
      %mul3A_91 = arith.muli %add3A_87, %mul3A_90 : i32
      "tpu.region"() ({
        %run_scoped3A = tpu.sem_alloc : memref<!tpu.dma_semaphore, #tpu.memory_space<semaphore_mem>>
        %dma_start3A_153 = arith.constant 0 : i32
        %dma_start3A_154 = tpu.memref_slice %arg3[%add3A_89, %mul3A_91, %dma_start3A_153] : memref<96x80x128xi32, #tpu.memory_space<hbm>> -> memref<1x40x128xi32, #tpu.memory_space<hbm>>
        %dma_start3A_155 = tpu.memref_squeeze %dma_start3A_154 : memref<1x40x128xi32, #tpu.memory_space<hbm>> -> memref<40x128xi32, #tpu.memory_space<hbm>>
        %dma_start3A_156 = arith.constant 0 : i32
        %dma_start3A_157 = tpu.memref_slice %arg3[%add3A_89, %mul3A_91, %dma_start3A_156] : memref<96x80x128xi32, #tpu.memory_space<hbm>> -> memref<1x40x128xi32, #tpu.memory_space<hbm>>
        %dma_start3A_158 = tpu.memref_squeeze %dma_start3A_157 : memref<1x40x128xi32, #tpu.memory_space<hbm>> -> memref<40x128xi32, #tpu.memory_space<hbm>>
        tpu.enqueue_dma source(%dma_start3A_158 : memref<40x128xi32, #tpu.memory_space<hbm>>) target(%arg6 : memref<40x128xi32, #tpu.memory_space<vmem>>) target_semaphore(%run_scoped3A : memref<!tpu.dma_semaphore, #tpu.memory_space<semaphore_mem>>)
        %dma_wait3A_159 = arith.constant 0 : i32
        %dma_wait3A_160 = tpu.memref_slice %arg3[%add3A_89, %mul3A_91, %dma_wait3A_159] : memref<96x80x128xi32, #tpu.memory_space<hbm>> -> memref<1x40x128xi32, #tpu.memory_space<hbm>>
        %dma_wait3A_161 = tpu.memref_squeeze %dma_wait3A_160 : memref<1x40x128xi32, #tpu.memory_space<hbm>> -> memref<40x128xi32, #tpu.memory_space<hbm>>
        %dma_wait3A_162 = arith.constant 0 : i32
        %dma_wait3A_163 = tpu.memref_slice %arg3[%add3A_89, %mul3A_91, %dma_wait3A_162] : memref<96x80x128xi32, #tpu.memory_space<hbm>> -> memref<1x40x128xi32, #tpu.memory_space<hbm>>
        %dma_wait3A_164 = tpu.memref_squeeze %dma_wait3A_163 : memref<1x40x128xi32, #tpu.memory_space<hbm>> -> memref<40x128xi32, #tpu.memory_space<hbm>>
        tpu.wait_dma2 semaphore(%run_scoped3A : memref<!tpu.dma_semaphore, #tpu.memory_space<semaphore_mem>>) src(%dma_wait3A_164 : memref<40x128xi32, #tpu.memory_space<hbm>>) dst(%arg6 : memref<40x128xi32, #tpu.memory_space<vmem>>)
        tpu.yield
      }) : () -> ()
      %add3A_92 = arith.constant 0 : i32
      %add3A_93 = arith.addi %add3A_92, %add3A : i32
      %mul3A_94 = arith.constant 40 : i32
      %mul3A_95 = arith.muli %add3A_87, %mul3A_94 : i32
      "tpu.region"() ({
        %run_scoped3A = tpu.sem_alloc : memref<!tpu.dma_semaphore, #tpu.memory_space<semaphore_mem>>
        %dma_start3A_153 = arith.constant 0 : i32
        %dma_start3A_154 = tpu.memref_slice %arg4[%add3A_93, %mul3A_95, %dma_start3A_153] : memref<96x80x128xi32, #tpu.memory_space<hbm>> -> memref<1x40x128xi32, #tpu.memory_space<hbm>>
        %dma_start3A_155 = tpu.memref_squeeze %dma_start3A_154 : memref<1x40x128xi32, #tpu.memory_space<hbm>> -> memref<40x128xi32, #tpu.memory_space<hbm>>
        %dma_start3A_156 = arith.constant 0 : i32
        %dma_start3A_157 = tpu.memref_slice %arg4[%add3A_93, %mul3A_95, %dma_start3A_156] : memref<96x80x128xi32, #tpu.memory_space<hbm>> -> memref<1x40x128xi32, #tpu.memory_space<hbm>>
        %dma_start3A_158 = tpu.memref_squeeze %dma_start3A_157 : memref<1x40x128xi32, #tpu.memory_space<hbm>> -> memref<40x128xi32, #tpu.memory_space<hbm>>
        tpu.enqueue_dma source(%dma_start3A_158 : memref<40x128xi32, #tpu.memory_space<hbm>>) target(%arg7 : memref<40x128xi32, #tpu.memory_space<vmem>>) target_semaphore(%run_scoped3A : memref<!tpu.dma_semaphore, #tpu.memory_space<semaphore_mem>>)
        %dma_wait3A_159 = arith.constant 0 : i32
        %dma_wait3A_160 = tpu.memref_slice %arg4[%add3A_93, %mul3A_95, %dma_wait3A_159] : memref<96x80x128xi32, #tpu.memory_space<hbm>> -> memref<1x40x128xi32, #tpu.memory_space<hbm>>
        %dma_wait3A_161 = tpu.memref_squeeze %dma_wait3A_160 : memref<1x40x128xi32, #tpu.memory_space<hbm>> -> memref<40x128xi32, #tpu.memory_space<hbm>>
        %dma_wait3A_162 = arith.constant 0 : i32
        %dma_wait3A_163 = tpu.memref_slice %arg4[%add3A_93, %mul3A_95, %dma_wait3A_162] : memref<96x80x128xi32, #tpu.memory_space<hbm>> -> memref<1x40x128xi32, #tpu.memory_space<hbm>>
        %dma_wait3A_164 = tpu.memref_squeeze %dma_wait3A_163 : memref<1x40x128xi32, #tpu.memory_space<hbm>> -> memref<40x128xi32, #tpu.memory_space<hbm>>
        tpu.wait_dma2 semaphore(%run_scoped3A : memref<!tpu.dma_semaphore, #tpu.memory_space<semaphore_mem>>) src(%dma_wait3A_164 : memref<40x128xi32, #tpu.memory_space<hbm>>) dst(%arg7 : memref<40x128xi32, #tpu.memory_space<vmem>>)
        tpu.yield
      }) : () -> ()
      %dma_start3A = arith.constant 0 : i32
      %dma_start3A_96 = arith.constant 0 : i32
      %dma_start3A_97 = arith.constant 0 : i32
      %dma_start3A_98 = tpu.memref_slice %arg8[%dma_start3A_96, %dma_start3A_97] : memref<128x128xf32, #tpu.memory_space<vmem>> -> memref<64x128xf32, #tpu.memory_space<vmem>>
      %dma_start3A_99 = arith.constant 0 : i32
      %dma_start3A_100 = tpu.memref_slice %arg6[%dma_start3A, %dma_start3A_99] : memref<40x128xi32, #tpu.memory_space<vmem>> -> memref<1x64xi32, #tpu.memory_space<vmem>>
      %dma_start3A_101 = tpu.memref_squeeze %dma_start3A_100 : memref<1x64xi32, #tpu.memory_space<vmem>> -> memref<64xi32, #tpu.memory_space<vmem>>
      %dma_start3A_102 = arith.constant 0 : i32
      %dma_start3A_103 = arith.constant 0 : i32
      %dma_start3A_104 = tpu.memref_slice %arg2[%dma_start3A_102, %dma_start3A_103] : memref<30720x128xf32, #tpu.memory_space<hbm>> -> memref<30720x128xf32, #tpu.memory_space<hbm>>
      tpu.enqueue_indirect_dma source(%dma_start3A_104 : memref<30720x128xf32, #tpu.memory_space<hbm>>) target(%dma_start3A_98 : memref<64x128xf32, #tpu.memory_space<vmem>>) offsets(%dma_start3A_101 : memref<64xi32, #tpu.memory_space<vmem>>) semaphore(%arg11 : memref<!tpu.dma_semaphore, #tpu.memory_space<semaphore_mem>>)
      %dma_start3A_105 = arith.constant 0 : i32
      %dma_start3A_106 = arith.constant 64 : i32
      %dma_start3A_107 = arith.constant 0 : i32
      %dma_start3A_108 = tpu.memref_slice %arg8[%dma_start3A_106, %dma_start3A_107] : memref<128x128xf32, #tpu.memory_space<vmem>> -> memref<64x128xf32, #tpu.memory_space<vmem>>
      %dma_start3A_109 = arith.constant 64 : i32
      %dma_start3A_110 = tpu.memref_slice %arg6[%dma_start3A_105, %dma_start3A_109] : memref<40x128xi32, #tpu.memory_space<vmem>> -> memref<1x64xi32, #tpu.memory_space<vmem>>
      %dma_start3A_111 = tpu.memref_squeeze %dma_start3A_110 : memref<1x64xi32, #tpu.memory_space<vmem>> -> memref<64xi32, #tpu.memory_space<vmem>>
      %dma_start3A_112 = arith.constant 0 : i32
      %dma_start3A_113 = arith.constant 0 : i32
      %dma_start3A_114 = tpu.memref_slice %arg2[%dma_start3A_112, %dma_start3A_113] : memref<30720x128xf32, #tpu.memory_space<hbm>> -> memref<30720x128xf32, #tpu.memory_space<hbm>>
      tpu.enqueue_indirect_dma source(%dma_start3A_114 : memref<30720x128xf32, #tpu.memory_space<hbm>>) target(%dma_start3A_108 : memref<64x128xf32, #tpu.memory_space<vmem>>) offsets(%dma_start3A_111 : memref<64xi32, #tpu.memory_space<vmem>>) semaphore(%arg11 : memref<!tpu.dma_semaphore, #tpu.memory_space<semaphore_mem>>)
      %dma_start3A_115 = arith.constant 1 : i32
      %dma_start3A_116 = arith.constant 0 : i32
      %dma_start3A_117 = arith.constant 0 : i32
      %dma_start3A_118 = tpu.memref_slice %arg9[%dma_start3A_116, %dma_start3A_117] : memref<128x128xf32, #tpu.memory_space<vmem>> -> memref<64x128xf32, #tpu.memory_space<vmem>>
      %dma_start3A_119 = arith.constant 0 : i32
      %dma_start3A_120 = tpu.memref_slice %arg6[%dma_start3A_115, %dma_start3A_119] : memref<40x128xi32, #tpu.memory_space<vmem>> -> memref<1x64xi32, #tpu.memory_space<vmem>>
      %dma_start3A_121 = tpu.memref_squeeze %dma_start3A_120 : memref<1x64xi32, #tpu.memory_space<vmem>> -> memref<64xi32, #tpu.memory_space<vmem>>
      %dma_start3A_122 = arith.constant 0 : i32
      %dma_start3A_123 = arith.constant 0 : i32
      %dma_start3A_124 = tpu.memref_slice %arg2[%dma_start3A_122, %dma_start3A_123] : memref<30720x128xf32, #tpu.memory_space<hbm>> -> memref<30720x128xf32, #tpu.memory_space<hbm>>
      tpu.enqueue_indirect_dma source(%dma_start3A_124 : memref<30720x128xf32, #tpu.memory_space<hbm>>) target(%dma_start3A_118 : memref<64x128xf32, #tpu.memory_space<vmem>>) offsets(%dma_start3A_121 : memref<64xi32, #tpu.memory_space<vmem>>) semaphore(%arg12 : memref<!tpu.dma_semaphore, #tpu.memory_space<semaphore_mem>>)
      %dma_start3A_125 = arith.constant 1 : i32
      %dma_start3A_126 = arith.constant 64 : i32
      %dma_start3A_127 = arith.constant 0 : i32
      %dma_start3A_128 = tpu.memref_slice %arg9[%dma_start3A_126, %dma_start3A_127] : memref<128x128xf32, #tpu.memory_space<vmem>> -> memref<64x128xf32, #tpu.memory_space<vmem>>
      %dma_start3A_129 = arith.constant 64 : i32
      %dma_start3A_130 = tpu.memref_slice %arg6[%dma_start3A_125, %dma_start3A_129] : memref<40x128xi32, #tpu.memory_space<vmem>> -> memref<1x64xi32, #tpu.memory_space<vmem>>
      %dma_start3A_131 = tpu.memref_squeeze %dma_start3A_130 : memref<1x64xi32, #tpu.memory_space<vmem>> -> memref<64xi32, #tpu.memory_space<vmem>>
      %dma_start3A_132 = arith.constant 0 : i32
      %dma_start3A_133 = arith.constant 0 : i32
      %dma_start3A_134 = tpu.memref_slice %arg2[%dma_start3A_132, %dma_start3A_133] : memref<30720x128xf32, #tpu.memory_space<hbm>> -> memref<30720x128xf32, #tpu.memory_space<hbm>>
      tpu.enqueue_indirect_dma source(%dma_start3A_134 : memref<30720x128xf32, #tpu.memory_space<hbm>>) target(%dma_start3A_128 : memref<64x128xf32, #tpu.memory_space<vmem>>) offsets(%dma_start3A_131 : memref<64xi32, #tpu.memory_space<vmem>>) semaphore(%arg12 : memref<!tpu.dma_semaphore, #tpu.memory_space<semaphore_mem>>)
      %scan3A_135 = arith.constant 0 : i32
      %scan3A_136 = arith.constant 20 : i32
      %scan3A_137 = arith.addi %scan3A_135, %scan3A_136 : i32
      %scan3A_138 = arith.constant 1 : i32
      scf.for %scan3A_153 = %scan3A_135 to %scan3A_137 step %scan3A_138  : i32 {
        %mul3A_154 = arith.constant 2 : i32
        %mul3A_155 = arith.muli %scan3A_153, %mul3A_154 : i32
        %add3A_156 = arith.constant 0 : i32
        %add3A_157 = arith.addi %add3A_156, %mul3A_155 : i32
        %dma_wait3A_158 = arith.constant 0 : i32
        %dma_wait3A_159 = tpu.memref_slice %arg6[%add3A_157, %dma_wait3A_158] : memref<40x128xi32, #tpu.memory_space<vmem>> -> memref<1x128xi32, #tpu.memory_space<vmem>>
        %dma_wait3A_160 = tpu.memref_squeeze %dma_wait3A_159 : memref<1x128xi32, #tpu.memory_space<vmem>> -> memref<128xi32, #tpu.memory_space<vmem>>
        %dma_wait3A_161 = arith.constant 0 : i32
        %dma_wait3A_162 = arith.constant 0 : i32
        %dma_wait3A_163 = tpu.memref_slice %arg2[%dma_wait3A_161, %dma_wait3A_162] : memref<30720x128xf32, #tpu.memory_space<hbm>> -> memref<30720x128xf32, #tpu.memory_space<hbm>>
        tpu.wait_indirect_dma semaphore(%arg11 : memref<!tpu.dma_semaphore, #tpu.memory_space<semaphore_mem>>) src(%dma_wait3A_163 : memref<30720x128xf32, #tpu.memory_space<hbm>>) dst(%arg8 : memref<128x128xf32, #tpu.memory_space<vmem>>)
        %dma_start3A_164 = arith.constant 0 : i32
        %dma_start3A_165 = tpu.memref_slice %arg7[%add3A_157, %dma_start3A_164] : memref<40x128xi32, #tpu.memory_space<vmem>> -> memref<1x128xi32, #tpu.memory_space<vmem>>
        %dma_start3A_166 = tpu.memref_squeeze %dma_start3A_165 : memref<1x128xi32, #tpu.memory_space<vmem>> -> memref<128xi32, #tpu.memory_space<vmem>>
        %dma_start3A_167 = arith.constant 0 : i32
        %dma_start3A_168 = arith.constant 0 : i32
        %dma_start3A_169 = tpu.memref_slice %arg10[%dma_start3A_167, %dma_start3A_168] : memref<10240x128xf32, #tpu.memory_space<vmem_shared>> -> memref<10240x128xf32, #tpu.memory_space<vmem_shared>>
        tpu.enqueue_indirect_dma source(%arg8 : memref<128x128xf32, #tpu.memory_space<vmem>>) target(%dma_start3A_169 : memref<10240x128xf32, #tpu.memory_space<vmem_shared>>) offsets(%dma_start3A_166 : memref<128xi32, #tpu.memory_space<vmem>>) semaphore(%arg13 : memref<!tpu.dma_semaphore, #tpu.memory_space<semaphore_mem>>) {add = true}
        %add3A_170 = arith.constant 1 : i32
        %add3A_171 = arith.addi %add3A_157, %add3A_170 : i32
        %dma_wait3A_172 = arith.constant 0 : i32
        %dma_wait3A_173 = tpu.memref_slice %arg6[%add3A_171, %dma_wait3A_172] : memref<40x128xi32, #tpu.memory_space<vmem>> -> memref<1x128xi32, #tpu.memory_space<vmem>>
        %dma_wait3A_174 = tpu.memref_squeeze %dma_wait3A_173 : memref<1x128xi32, #tpu.memory_space<vmem>> -> memref<128xi32, #tpu.memory_space<vmem>>
        %dma_wait3A_175 = arith.constant 0 : i32
        %dma_wait3A_176 = arith.constant 0 : i32
        %dma_wait3A_177 = tpu.memref_slice %arg2[%dma_wait3A_175, %dma_wait3A_176] : memref<30720x128xf32, #tpu.memory_space<hbm>> -> memref<30720x128xf32, #tpu.memory_space<hbm>>
        tpu.wait_indirect_dma semaphore(%arg12 : memref<!tpu.dma_semaphore, #tpu.memory_space<semaphore_mem>>) src(%dma_wait3A_177 : memref<30720x128xf32, #tpu.memory_space<hbm>>) dst(%arg9 : memref<128x128xf32, #tpu.memory_space<vmem>>)
        %add3A_178 = arith.constant 1 : i32
        %add3A_179 = arith.addi %add3A_157, %add3A_178 : i32
        %dma_start3A_180 = arith.constant 0 : i32
        %dma_start3A_181 = tpu.memref_slice %arg7[%add3A_179, %dma_start3A_180] : memref<40x128xi32, #tpu.memory_space<vmem>> -> memref<1x128xi32, #tpu.memory_space<vmem>>
        %dma_start3A_182 = tpu.memref_squeeze %dma_start3A_181 : memref<1x128xi32, #tpu.memory_space<vmem>> -> memref<128xi32, #tpu.memory_space<vmem>>
        %dma_start3A_183 = arith.constant 0 : i32
        %dma_start3A_184 = arith.constant 0 : i32
        %dma_start3A_185 = tpu.memref_slice %arg10[%dma_start3A_183, %dma_start3A_184] : memref<10240x128xf32, #tpu.memory_space<vmem_shared>> -> memref<10240x128xf32, #tpu.memory_space<vmem_shared>>
        tpu.enqueue_indirect_dma source(%arg9 : memref<128x128xf32, #tpu.memory_space<vmem>>) target(%dma_start3A_185 : memref<10240x128xf32, #tpu.memory_space<vmem_shared>>) offsets(%dma_start3A_182 : memref<128xi32, #tpu.memory_space<vmem>>) semaphore(%arg14 : memref<!tpu.dma_semaphore, #tpu.memory_space<semaphore_mem>>) {add = true}
        %add3A_186 = arith.constant 2 : i32
        %add3A_187 = arith.addi %add3A_157, %add3A_186 : i32
        %lt3A = arith.constant 40 : i32
        %lt3A_188 = arith.cmpi slt, %add3A_187, %lt3A : i32
        %convert_element_type3A = arith.extui %lt3A_188 : i1 to i32
        %cond3A = arith.constant 0 : i32
        %cond3A_189 = arith.cmpi ne, %convert_element_type3A, %cond3A : i32
        scf.if %cond3A_189 {
          %dma_wait3A_197 = arith.constant 0 : i32
          %dma_wait3A_198 = tpu.memref_slice %arg7[%add3A_157, %dma_wait3A_197] : memref<40x128xi32, #tpu.memory_space<vmem>> -> memref<1x128xi32, #tpu.memory_space<vmem>>
          %dma_wait3A_199 = tpu.memref_squeeze %dma_wait3A_198 : memref<1x128xi32, #tpu.memory_space<vmem>> -> memref<128xi32, #tpu.memory_space<vmem>>
          %dma_wait3A_200 = arith.constant 0 : i32
          %dma_wait3A_201 = arith.constant 0 : i32
          %dma_wait3A_202 = tpu.memref_slice %arg10[%dma_wait3A_200, %dma_wait3A_201] : memref<10240x128xf32, #tpu.memory_space<vmem_shared>> -> memref<10240x128xf32, #tpu.memory_space<vmem_shared>>
          tpu.wait_indirect_dma semaphore(%arg13 : memref<!tpu.dma_semaphore, #tpu.memory_space<semaphore_mem>>) src(%arg8 : memref<128x128xf32, #tpu.memory_space<vmem>>) dst(%dma_wait3A_202 : memref<10240x128xf32, #tpu.memory_space<vmem_shared>>)
          %add3A_203 = arith.constant 2 : i32
          %add3A_204 = arith.addi %add3A_157, %add3A_203 : i32
          %dma_start3A_205 = arith.constant 0 : i32
          %dma_start3A_206 = arith.constant 0 : i32
          %dma_start3A_207 = tpu.memref_slice %arg8[%dma_start3A_205, %dma_start3A_206] : memref<128x128xf32, #tpu.memory_space<vmem>> -> memref<64x128xf32, #tpu.memory_space<vmem>>
          %dma_start3A_208 = arith.constant 0 : i32
          %dma_start3A_209 = tpu.memref_slice %arg6[%add3A_204, %dma_start3A_208] : memref<40x128xi32, #tpu.memory_space<vmem>> -> memref<1x64xi32, #tpu.memory_space<vmem>>
          %dma_start3A_210 = tpu.memref_squeeze %dma_start3A_209 : memref<1x64xi32, #tpu.memory_space<vmem>> -> memref<64xi32, #tpu.memory_space<vmem>>
          %dma_start3A_211 = arith.constant 0 : i32
          %dma_start3A_212 = arith.constant 0 : i32
          %dma_start3A_213 = tpu.memref_slice %arg2[%dma_start3A_211, %dma_start3A_212] : memref<30720x128xf32, #tpu.memory_space<hbm>> -> memref<30720x128xf32, #tpu.memory_space<hbm>>
          tpu.enqueue_indirect_dma source(%dma_start3A_213 : memref<30720x128xf32, #tpu.memory_space<hbm>>) target(%dma_start3A_207 : memref<64x128xf32, #tpu.memory_space<vmem>>) offsets(%dma_start3A_210 : memref<64xi32, #tpu.memory_space<vmem>>) semaphore(%arg11 : memref<!tpu.dma_semaphore, #tpu.memory_space<semaphore_mem>>)
          %dma_start3A_214 = arith.constant 64 : i32
          %dma_start3A_215 = arith.constant 0 : i32
          %dma_start3A_216 = tpu.memref_slice %arg8[%dma_start3A_214, %dma_start3A_215] : memref<128x128xf32, #tpu.memory_space<vmem>> -> memref<64x128xf32, #tpu.memory_space<vmem>>
          %dma_start3A_217 = arith.constant 64 : i32
          %dma_start3A_218 = tpu.memref_slice %arg6[%add3A_204, %dma_start3A_217] : memref<40x128xi32, #tpu.memory_space<vmem>> -> memref<1x64xi32, #tpu.memory_space<vmem>>
          %dma_start3A_219 = tpu.memref_squeeze %dma_start3A_218 : memref<1x64xi32, #tpu.memory_space<vmem>> -> memref<64xi32, #tpu.memory_space<vmem>>
          %dma_start3A_220 = arith.constant 0 : i32
          %dma_start3A_221 = arith.constant 0 : i32
          %dma_start3A_222 = tpu.memref_slice %arg2[%dma_start3A_220, %dma_start3A_221] : memref<30720x128xf32, #tpu.memory_space<hbm>> -> memref<30720x128xf32, #tpu.memory_space<hbm>>
          tpu.enqueue_indirect_dma source(%dma_start3A_222 : memref<30720x128xf32, #tpu.memory_space<hbm>>) target(%dma_start3A_216 : memref<64x128xf32, #tpu.memory_space<vmem>>) offsets(%dma_start3A_219 : memref<64xi32, #tpu.memory_space<vmem>>) semaphore(%arg11 : memref<!tpu.dma_semaphore, #tpu.memory_space<semaphore_mem>>)
        } else {
        }
        %add3A_190 = arith.constant 3 : i32
        %add3A_191 = arith.addi %add3A_157, %add3A_190 : i32
        %lt3A_192 = arith.constant 40 : i32
        %lt3A_193 = arith.cmpi slt, %add3A_191, %lt3A_192 : i32
        %convert_element_type3A_194 = arith.extui %lt3A_193 : i1 to i32
        %cond3A_195 = arith.constant 0 : i32
        %cond3A_196 = arith.cmpi ne, %convert_element_type3A_194, %cond3A_195 : i32
        scf.if %cond3A_196 {
          %add3A_197 = arith.constant 1 : i32
          %add3A_198 = arith.addi %add3A_157, %add3A_197 : i32
          %dma_wait3A_199 = arith.constant 0 : i32
          %dma_wait3A_200 = tpu.memref_slice %arg7[%add3A_198, %dma_wait3A_199] : memref<40x128xi32, #tpu.memory_space<vmem>> -> memref<1x128xi32, #tpu.memory_space<vmem>>
          %dma_wait3A_201 = tpu.memref_squeeze %dma_wait3A_200 : memref<1x128xi32, #tpu.memory_space<vmem>> -> memref<128xi32, #tpu.memory_space<vmem>>
          %dma_wait3A_202 = arith.constant 0 : i32
          %dma_wait3A_203 = arith.constant 0 : i32
          %dma_wait3A_204 = tpu.memref_slice %arg10[%dma_wait3A_202, %dma_wait3A_203] : memref<10240x128xf32, #tpu.memory_space<vmem_shared>> -> memref<10240x128xf32, #tpu.memory_space<vmem_shared>>
          tpu.wait_indirect_dma semaphore(%arg14 : memref<!tpu.dma_semaphore, #tpu.memory_space<semaphore_mem>>) src(%arg9 : memref<128x128xf32, #tpu.memory_space<vmem>>) dst(%dma_wait3A_204 : memref<10240x128xf32, #tpu.memory_space<vmem_shared>>)
          %add3A_205 = arith.constant 3 : i32
          %add3A_206 = arith.addi %add3A_157, %add3A_205 : i32
          %dma_start3A_207 = arith.constant 0 : i32
          %dma_start3A_208 = arith.constant 0 : i32
          %dma_start3A_209 = tpu.memref_slice %arg9[%dma_start3A_207, %dma_start3A_208] : memref<128x128xf32, #tpu.memory_space<vmem>> -> memref<64x128xf32, #tpu.memory_space<vmem>>
          %dma_start3A_210 = arith.constant 0 : i32
          %dma_start3A_211 = tpu.memref_slice %arg6[%add3A_206, %dma_start3A_210] : memref<40x128xi32, #tpu.memory_space<vmem>> -> memref<1x64xi32, #tpu.memory_space<vmem>>
          %dma_start3A_212 = tpu.memref_squeeze %dma_start3A_211 : memref<1x64xi32, #tpu.memory_space<vmem>> -> memref<64xi32, #tpu.memory_space<vmem>>
          %dma_start3A_213 = arith.constant 0 : i32
          %dma_start3A_214 = arith.constant 0 : i32
          %dma_start3A_215 = tpu.memref_slice %arg2[%dma_start3A_213, %dma_start3A_214] : memref<30720x128xf32, #tpu.memory_space<hbm>> -> memref<30720x128xf32, #tpu.memory_space<hbm>>
          tpu.enqueue_indirect_dma source(%dma_start3A_215 : memref<30720x128xf32, #tpu.memory_space<hbm>>) target(%dma_start3A_209 : memref<64x128xf32, #tpu.memory_space<vmem>>) offsets(%dma_start3A_212 : memref<64xi32, #tpu.memory_space<vmem>>) semaphore(%arg12 : memref<!tpu.dma_semaphore, #tpu.memory_space<semaphore_mem>>)
          %dma_start3A_216 = arith.constant 64 : i32
          %dma_start3A_217 = arith.constant 0 : i32
          %dma_start3A_218 = tpu.memref_slice %arg9[%dma_start3A_216, %dma_start3A_217] : memref<128x128xf32, #tpu.memory_space<vmem>> -> memref<64x128xf32, #tpu.memory_space<vmem>>
          %dma_start3A_219 = arith.constant 64 : i32
          %dma_start3A_220 = tpu.memref_slice %arg6[%add3A_206, %dma_start3A_219] : memref<40x128xi32, #tpu.memory_space<vmem>> -> memref<1x64xi32, #tpu.memory_space<vmem>>
          %dma_start3A_221 = tpu.memref_squeeze %dma_start3A_220 : memref<1x64xi32, #tpu.memory_space<vmem>> -> memref<64xi32, #tpu.memory_space<vmem>>
          %dma_start3A_222 = arith.constant 0 : i32
          %dma_start3A_223 = arith.constant 0 : i32
          %dma_start3A_224 = tpu.memref_slice %arg2[%dma_start3A_222, %dma_start3A_223] : memref<30720x128xf32, #tpu.memory_space<hbm>> -> memref<30720x128xf32, #tpu.memory_space<hbm>>
          tpu.enqueue_indirect_dma source(%dma_start3A_224 : memref<30720x128xf32, #tpu.memory_space<hbm>>) target(%dma_start3A_218 : memref<64x128xf32, #tpu.memory_space<vmem>>) offsets(%dma_start3A_221 : memref<64xi32, #tpu.memory_space<vmem>>) semaphore(%arg12 : memref<!tpu.dma_semaphore, #tpu.memory_space<semaphore_mem>>)
        } else {
        }
      }
      %scan3A_139 = arith.constant 20 : i32
      %dma_wait3A = arith.constant 38 : i32
      %dma_wait3A_140 = arith.constant 0 : i32
      %dma_wait3A_141 = tpu.memref_slice %arg7[%dma_wait3A, %dma_wait3A_140] : memref<40x128xi32, #tpu.memory_space<vmem>> -> memref<1x128xi32, #tpu.memory_space<vmem>>
      %dma_wait3A_142 = tpu.memref_squeeze %dma_wait3A_141 : memref<1x128xi32, #tpu.memory_space<vmem>> -> memref<128xi32, #tpu.memory_space<vmem>>
      %dma_wait3A_143 = arith.constant 0 : i32
      %dma_wait3A_144 = arith.constant 0 : i32
      %dma_wait3A_145 = tpu.memref_slice %arg10[%dma_wait3A_143, %dma_wait3A_144] : memref<10240x128xf32, #tpu.memory_space<vmem_shared>> -> memref<10240x128xf32, #tpu.memory_space<vmem_shared>>
      tpu.wait_indirect_dma semaphore(%arg13 : memref<!tpu.dma_semaphore, #tpu.memory_space<semaphore_mem>>) src(%arg8 : memref<128x128xf32, #tpu.memory_space<vmem>>) dst(%dma_wait3A_145 : memref<10240x128xf32, #tpu.memory_space<vmem_shared>>)
      %dma_wait3A_146 = arith.constant 39 : i32
      %dma_wait3A_147 = arith.constant 0 : i32
      %dma_wait3A_148 = tpu.memref_slice %arg7[%dma_wait3A_146, %dma_wait3A_147] : memref<40x128xi32, #tpu.memory_space<vmem>> -> memref<1x128xi32, #tpu.memory_space<vmem>>
      %dma_wait3A_149 = tpu.memref_squeeze %dma_wait3A_148 : memref<1x128xi32, #tpu.memory_space<vmem>> -> memref<128xi32, #tpu.memory_space<vmem>>
      %dma_wait3A_150 = arith.constant 0 : i32
      %dma_wait3A_151 = arith.constant 0 : i32
      %dma_wait3A_152 = tpu.memref_slice %arg10[%dma_wait3A_150, %dma_wait3A_151] : memref<10240x128xf32, #tpu.memory_space<vmem_shared>> -> memref<10240x128xf32, #tpu.memory_space<vmem_shared>>
      tpu.wait_indirect_dma semaphore(%arg14 : memref<!tpu.dma_semaphore, #tpu.memory_space<semaphore_mem>>) src(%arg9 : memref<128x128xf32, #tpu.memory_space<vmem>>) dst(%dma_wait3A_152 : memref<10240x128xf32, #tpu.memory_space<vmem_shared>>)
    }
    %scan3A_14 = arith.constant 2 : i32
    %barrier3A_15 = arith.constant 0 : index
    tpu.barrier barrier_id(%barrier3A_15)
    %mul3A_16 = arith.constant 640 : i32
    %mul3A_17 = arith.muli %arg1, %mul3A_16 : i32
    %mul3A_18 = arith.constant 3 : i32
    %mul3A_19 = arith.muli %arg0, %mul3A_18 : i32
    %add3A_20 = arith.constant 0 : i32
    %add3A_21 = arith.addi %mul3A_19, %add3A_20 : i32
    %mul3A_22 = arith.constant 10240 : i32
    %mul3A_23 = arith.muli %add3A_21, %mul3A_22 : i32
    %mul3A_24 = arith.constant 640 : i32
    %mul3A_25 = arith.muli %arg1, %mul3A_24 : i32
    %add3A_26 = arith.addi %mul3A_23, %mul3A_25 : i32
    "tpu.region"() ({
      %run_scoped3A = tpu.sem_alloc : memref<!tpu.dma_semaphore, #tpu.memory_space<semaphore_mem>>
      %dma_start3A = arith.constant 0 : i32
      %dma_start3A_83 = tpu.memref_slice %arg5[%add3A_26, %dma_start3A] : memref<61440x128xf32, #tpu.memory_space<hbm>> -> memref<640x128xf32, #tpu.memory_space<hbm>>
      %dma_start3A_84 = arith.constant 0 : i32
      %dma_start3A_85 = tpu.memref_slice %arg10[%mul3A_17, %dma_start3A_84] : memref<10240x128xf32, #tpu.memory_space<vmem_shared>> -> memref<640x128xf32, #tpu.memory_space<vmem_shared>>
      tpu.enqueue_dma source(%dma_start3A_85 : memref<640x128xf32, #tpu.memory_space<vmem_shared>>) target(%dma_start3A_83 : memref<640x128xf32, #tpu.memory_space<hbm>>) target_semaphore(%run_scoped3A : memref<!tpu.dma_semaphore, #tpu.memory_space<semaphore_mem>>)
      %dma_wait3A = arith.constant 0 : i32
      %dma_wait3A_86 = tpu.memref_slice %arg5[%add3A_26, %dma_wait3A] : memref<61440x128xf32, #tpu.memory_space<hbm>> -> memref<640x128xf32, #tpu.memory_space<hbm>>
      %dma_wait3A_87 = arith.constant 0 : i32
      %dma_wait3A_88 = tpu.memref_slice %arg10[%mul3A_17, %dma_wait3A_87] : memref<10240x128xf32, #tpu.memory_space<vmem_shared>> -> memref<640x128xf32, #tpu.memory_space<vmem_shared>>
      tpu.wait_dma2 semaphore(%run_scoped3A : memref<!tpu.dma_semaphore, #tpu.memory_space<semaphore_mem>>) src(%dma_wait3A_88 : memref<640x128xf32, #tpu.memory_space<vmem_shared>>) dst(%dma_wait3A_86 : memref<640x128xf32, #tpu.memory_space<hbm>>)
      tpu.yield
    }) : () -> ()
    %scan3A_27 = arith.constant 0 : i32
    %scan3A_28 = arith.constant 128 : i32
    %scan3A_29 = arith.addi %scan3A_27, %scan3A_28 : i32
    %scan3A_30 = arith.constant 1 : i32
    scf.for %scan3A_83 = %scan3A_27 to %scan3A_29 step %scan3A_30  : i32 {
      %mul3A_84 = arith.constant 1 : i32
      %mul3A_85 = arith.muli %scan3A_83, %mul3A_84 : i32
      %add3A_86 = arith.constant 0 : i32
      %add3A_87 = arith.addi %add3A_86, %mul3A_85 : i32
      %scan3A_88 = arith.constant 0 : i32
      %scan3A_89 = arith.constant 8 : i32
      %scan3A_90 = arith.addi %scan3A_88, %scan3A_89 : i32
      %scan3A_91 = arith.constant 1 : i32
      scf.for %scan3A_93 = %scan3A_88 to %scan3A_90 step %scan3A_91  : i32 {
        %mul3A_94 = arith.constant 16 : i32
        %mul3A_95 = arith.muli %scan3A_93, %mul3A_94 : i32
        %add3A_96 = arith.constant 0 : i32
        %add3A_97 = arith.addi %add3A_96, %mul3A_95 : i32
        %broadcast_in_dim3A = arith.constant 0.000000e+00 : f32
        %broadcast_in_dim3A_98 = vector.broadcast %broadcast_in_dim3A : f32 to vector<16xf32>
        %swap3A = arith.index_cast %add3A_87 : i32 to index
        %swap3A_99 = arith.index_cast %add3A_97 : i32 to index
        %swap3A_100 = tpu.vector_load %arg8[%swap3A, %swap3A_99] {strides = array<i32>} : memref<128x128xf32, #tpu.memory_space<vmem>>, vector<1x16xf32>,
        %swap3A_101 = vector.shape_cast %swap3A_100 : vector<1x16xf32> to vector<16xf32>
        %swap3A_102 = vector.shape_cast %broadcast_in_dim3A_98 : vector<16xf32> to vector<1x16xf32>
        tpu.vector_store %arg8[%swap3A, %swap3A_99], %swap3A_102 {strides = array<i32>} : memref<128x128xf32, #tpu.memory_space<vmem>>, vector<1x16xf32>,
      }
      %scan3A_92 = arith.constant 8 : i32
    }
    %scan3A_31 = arith.constant 128 : i32
    %scan3A_32 = arith.constant 0 : i32
    %scan3A_33 = arith.constant 5 : i32
    %scan3A_34 = arith.addi %scan3A_32, %scan3A_33 : i32
    %scan3A_35 = arith.constant 1 : i32
    scf.for %scan3A_83 = %scan3A_32 to %scan3A_34 step %scan3A_35  : i32 {
      %mul3A_84 = arith.constant 128 : i32
      %mul3A_85 = arith.muli %scan3A_83, %mul3A_84 : i32
      %add3A_86 = arith.constant 0 : i32
      %add3A_87 = arith.addi %add3A_86, %mul3A_85 : i32
      %mul3A_88 = arith.constant 640 : i32
      %mul3A_89 = arith.muli %arg1, %mul3A_88 : i32
      %add3A_90 = arith.addi %mul3A_89, %add3A_87 : i32
      "tpu.region"() ({
        %run_scoped3A = tpu.sem_alloc : memref<!tpu.dma_semaphore, #tpu.memory_space<semaphore_mem>>
        %dma_start3A = arith.constant 0 : i32
        %dma_start3A_91 = tpu.memref_slice %arg10[%add3A_90, %dma_start3A] : memref<10240x128xf32, #tpu.memory_space<vmem_shared>> -> memref<128x128xf32, #tpu.memory_space<vmem_shared>>
        %dma_start3A_92 = arith.constant 0 : i32
        %dma_start3A_93 = tpu.memref_slice %arg10[%add3A_90, %dma_start3A_92] : memref<10240x128xf32, #tpu.memory_space<vmem_shared>> -> memref<128x128xf32, #tpu.memory_space<vmem_shared>>
        tpu.enqueue_dma source(%arg8 : memref<128x128xf32, #tpu.memory_space<vmem>>) target(%dma_start3A_93 : memref<128x128xf32, #tpu.memory_space<vmem_shared>>) target_semaphore(%run_scoped3A : memref<!tpu.dma_semaphore, #tpu.memory_space<semaphore_mem>>)
        %dma_wait3A = arith.constant 0 : i32
        %dma_wait3A_94 = tpu.memref_slice %arg10[%add3A_90, %dma_wait3A] : memref<10240x128xf32, #tpu.memory_space<vmem_shared>> -> memref<128x128xf32, #tpu.memory_space<vmem_shared>>
        %dma_wait3A_95 = arith.constant 0 : i32
        %dma_wait3A_96 = tpu.memref_slice %arg10[%add3A_90, %dma_wait3A_95] : memref<10240x128xf32, #tpu.memory_space<vmem_shared>> -> memref<128x128xf32, #tpu.memory_space<vmem_shared>>
        tpu.wait_dma2 semaphore(%run_scoped3A : memref<!tpu.dma_semaphore, #tpu.memory_space<semaphore_mem>>) src(%arg8 : memref<128x128xf32, #tpu.memory_space<vmem>>) dst(%dma_wait3A_96 : memref<128x128xf32, #tpu.memory_space<vmem_shared>>)
        tpu.yield
      }) : () -> ()
    }
    %scan3A_36 = arith.constant 5 : i32
    %barrier3A_37 = arith.constant 0 : index
    tpu.barrier barrier_id(%barrier3A_37)
    %scan3A_38 = arith.constant 0 : i32
    %scan3A_39 = arith.constant 2 : i32
    %scan3A_40 = arith.addi %scan3A_38, %scan3A_39 : i32
    %scan3A_41 = arith.constant 1 : i32
    scf.for %scan3A_83 = %scan3A_38 to %scan3A_40 step %scan3A_41  : i32 {
      %mul3A_84 = arith.constant 1 : i32
      %mul3A_85 = arith.muli %scan3A_83, %mul3A_84 : i32
      %add3A_86 = arith.constant 0 : i32
      %add3A_87 = arith.addi %add3A_86, %mul3A_85 : i32
      %add3A_88 = arith.constant 32 : i32
      %add3A_89 = arith.addi %add3A_88, %add3A : i32
      %mul3A_90 = arith.constant 40 : i32
      %mul3A_91 = arith.muli %add3A_87, %mul3A_90 : i32
      "tpu.region"() ({
        %run_scoped3A = tpu.sem_alloc : memref<!tpu.dma_semaphore, #tpu.memory_space<semaphore_mem>>
        %dma_start3A_153 = arith.constant 0 : i32
        %dma_start3A_154 = tpu.memref_slice %arg3[%add3A_89, %mul3A_91, %dma_start3A_153] : memref<96x80x128xi32, #tpu.memory_space<hbm>> -> memref<1x40x128xi32, #tpu.memory_space<hbm>>
        %dma_start3A_155 = tpu.memref_squeeze %dma_start3A_154 : memref<1x40x128xi32, #tpu.memory_space<hbm>> -> memref<40x128xi32, #tpu.memory_space<hbm>>
        %dma_start3A_156 = arith.constant 0 : i32
        %dma_start3A_157 = tpu.memref_slice %arg3[%add3A_89, %mul3A_91, %dma_start3A_156] : memref<96x80x128xi32, #tpu.memory_space<hbm>> -> memref<1x40x128xi32, #tpu.memory_space<hbm>>
        %dma_start3A_158 = tpu.memref_squeeze %dma_start3A_157 : memref<1x40x128xi32, #tpu.memory_space<hbm>> -> memref<40x128xi32, #tpu.memory_space<hbm>>
        tpu.enqueue_dma source(%dma_start3A_158 : memref<40x128xi32, #tpu.memory_space<hbm>>) target(%arg6 : memref<40x128xi32, #tpu.memory_space<vmem>>) target_semaphore(%run_scoped3A : memref<!tpu.dma_semaphore, #tpu.memory_space<semaphore_mem>>)
        %dma_wait3A_159 = arith.constant 0 : i32
        %dma_wait3A_160 = tpu.memref_slice %arg3[%add3A_89, %mul3A_91, %dma_wait3A_159] : memref<96x80x128xi32, #tpu.memory_space<hbm>> -> memref<1x40x128xi32, #tpu.memory_space<hbm>>
        %dma_wait3A_161 = tpu.memref_squeeze %dma_wait3A_160 : memref<1x40x128xi32, #tpu.memory_space<hbm>> -> memref<40x128xi32, #tpu.memory_space<hbm>>
        %dma_wait3A_162 = arith.constant 0 : i32
        %dma_wait3A_163 = tpu.memref_slice %arg3[%add3A_89, %mul3A_91, %dma_wait3A_162] : memref<96x80x128xi32, #tpu.memory_space<hbm>> -> memref<1x40x128xi32, #tpu.memory_space<hbm>>
        %dma_wait3A_164 = tpu.memref_squeeze %dma_wait3A_163 : memref<1x40x128xi32, #tpu.memory_space<hbm>> -> memref<40x128xi32, #tpu.memory_space<hbm>>
        tpu.wait_dma2 semaphore(%run_scoped3A : memref<!tpu.dma_semaphore, #tpu.memory_space<semaphore_mem>>) src(%dma_wait3A_164 : memref<40x128xi32, #tpu.memory_space<hbm>>) dst(%arg6 : memref<40x128xi32, #tpu.memory_space<vmem>>)
        tpu.yield
      }) : () -> ()
      %add3A_92 = arith.constant 32 : i32
      %add3A_93 = arith.addi %add3A_92, %add3A : i32
      %mul3A_94 = arith.constant 40 : i32
      %mul3A_95 = arith.muli %add3A_87, %mul3A_94 : i32
      "tpu.region"() ({
        %run_scoped3A = tpu.sem_alloc : memref<!tpu.dma_semaphore, #tpu.memory_space<semaphore_mem>>
        %dma_start3A_153 = arith.constant 0 : i32
        %dma_start3A_154 = tpu.memref_slice %arg4[%add3A_93, %mul3A_95, %dma_start3A_153] : memref<96x80x128xi32, #tpu.memory_space<hbm>> -> memref<1x40x128xi32, #tpu.memory_space<hbm>>
        %dma_start3A_155 = tpu.memref_squeeze %dma_start3A_154 : memref<1x40x128xi32, #tpu.memory_space<hbm>> -> memref<40x128xi32, #tpu.memory_space<hbm>>
        %dma_start3A_156 = arith.constant 0 : i32
        %dma_start3A_157 = tpu.memref_slice %arg4[%add3A_93, %mul3A_95, %dma_start3A_156] : memref<96x80x128xi32, #tpu.memory_space<hbm>> -> memref<1x40x128xi32, #tpu.memory_space<hbm>>
        %dma_start3A_158 = tpu.memref_squeeze %dma_start3A_157 : memref<1x40x128xi32, #tpu.memory_space<hbm>> -> memref<40x128xi32, #tpu.memory_space<hbm>>
        tpu.enqueue_dma source(%dma_start3A_158 : memref<40x128xi32, #tpu.memory_space<hbm>>) target(%arg7 : memref<40x128xi32, #tpu.memory_space<vmem>>) target_semaphore(%run_scoped3A : memref<!tpu.dma_semaphore, #tpu.memory_space<semaphore_mem>>)
        %dma_wait3A_159 = arith.constant 0 : i32
        %dma_wait3A_160 = tpu.memref_slice %arg4[%add3A_93, %mul3A_95, %dma_wait3A_159] : memref<96x80x128xi32, #tpu.memory_space<hbm>> -> memref<1x40x128xi32, #tpu.memory_space<hbm>>
        %dma_wait3A_161 = tpu.memref_squeeze %dma_wait3A_160 : memref<1x40x128xi32, #tpu.memory_space<hbm>> -> memref<40x128xi32, #tpu.memory_space<hbm>>
        %dma_wait3A_162 = arith.constant 0 : i32
        %dma_wait3A_163 = tpu.memref_slice %arg4[%add3A_93, %mul3A_95, %dma_wait3A_162] : memref<96x80x128xi32, #tpu.memory_space<hbm>> -> memref<1x40x128xi32, #tpu.memory_space<hbm>>
        %dma_wait3A_164 = tpu.memref_squeeze %dma_wait3A_163 : memref<1x40x128xi32, #tpu.memory_space<hbm>> -> memref<40x128xi32, #tpu.memory_space<hbm>>
        tpu.wait_dma2 semaphore(%run_scoped3A : memref<!tpu.dma_semaphore, #tpu.memory_space<semaphore_mem>>) src(%dma_wait3A_164 : memref<40x128xi32, #tpu.memory_space<hbm>>) dst(%arg7 : memref<40x128xi32, #tpu.memory_space<vmem>>)
        tpu.yield
      }) : () -> ()
      %dma_start3A = arith.constant 0 : i32
      %dma_start3A_96 = arith.constant 0 : i32
      %dma_start3A_97 = arith.constant 0 : i32
      %dma_start3A_98 = tpu.memref_slice %arg8[%dma_start3A_96, %dma_start3A_97] : memref<128x128xf32, #tpu.memory_space<vmem>> -> memref<64x128xf32, #tpu.memory_space<vmem>>
      %dma_start3A_99 = arith.constant 0 : i32
      %dma_start3A_100 = tpu.memref_slice %arg6[%dma_start3A, %dma_start3A_99] : memref<40x128xi32, #tpu.memory_space<vmem>> -> memref<1x64xi32, #tpu.memory_space<vmem>>
      %dma_start3A_101 = tpu.memref_squeeze %dma_start3A_100 : memref<1x64xi32, #tpu.memory_space<vmem>> -> memref<64xi32, #tpu.memory_space<vmem>>
      %dma_start3A_102 = arith.constant 0 : i32
      %dma_start3A_103 = arith.constant 0 : i32
      %dma_start3A_104 = tpu.memref_slice %arg2[%dma_start3A_102, %dma_start3A_103] : memref<30720x128xf32, #tpu.memory_space<hbm>> -> memref<30720x128xf32, #tpu.memory_space<hbm>>
      tpu.enqueue_indirect_dma source(%dma_start3A_104 : memref<30720x128xf32, #tpu.memory_space<hbm>>) target(%dma_start3A_98 : memref<64x128xf32, #tpu.memory_space<vmem>>) offsets(%dma_start3A_101 : memref<64xi32, #tpu.memory_space<vmem>>) semaphore(%arg11 : memref<!tpu.dma_semaphore, #tpu.memory_space<semaphore_mem>>)
      %dma_start3A_105 = arith.constant 0 : i32
      %dma_start3A_106 = arith.constant 64 : i32
      %dma_start3A_107 = arith.constant 0 : i32
      %dma_start3A_108 = tpu.memref_slice %arg8[%dma_start3A_106, %dma_start3A_107] : memref<128x128xf32, #tpu.memory_space<vmem>> -> memref<64x128xf32, #tpu.memory_space<vmem>>
      %dma_start3A_109 = arith.constant 64 : i32
      %dma_start3A_110 = tpu.memref_slice %arg6[%dma_start3A_105, %dma_start3A_109] : memref<40x128xi32, #tpu.memory_space<vmem>> -> memref<1x64xi32, #tpu.memory_space<vmem>>
      %dma_start3A_111 = tpu.memref_squeeze %dma_start3A_110 : memref<1x64xi32, #tpu.memory_space<vmem>> -> memref<64xi32, #tpu.memory_space<vmem>>
      %dma_start3A_112 = arith.constant 0 : i32
      %dma_start3A_113 = arith.constant 0 : i32
      %dma_start3A_114 = tpu.memref_slice %arg2[%dma_start3A_112, %dma_start3A_113] : memref<30720x128xf32, #tpu.memory_space<hbm>> -> memref<30720x128xf32, #tpu.memory_space<hbm>>
      tpu.enqueue_indirect_dma source(%dma_start3A_114 : memref<30720x128xf32, #tpu.memory_space<hbm>>) target(%dma_start3A_108 : memref<64x128xf32, #tpu.memory_space<vmem>>) offsets(%dma_start3A_111 : memref<64xi32, #tpu.memory_space<vmem>>) semaphore(%arg11 : memref<!tpu.dma_semaphore, #tpu.memory_space<semaphore_mem>>)
      %dma_start3A_115 = arith.constant 1 : i32
      %dma_start3A_116 = arith.constant 0 : i32
      %dma_start3A_117 = arith.constant 0 : i32
      %dma_start3A_118 = tpu.memref_slice %arg9[%dma_start3A_116, %dma_start3A_117] : memref<128x128xf32, #tpu.memory_space<vmem>> -> memref<64x128xf32, #tpu.memory_space<vmem>>
      %dma_start3A_119 = arith.constant 0 : i32
      %dma_start3A_120 = tpu.memref_slice %arg6[%dma_start3A_115, %dma_start3A_119] : memref<40x128xi32, #tpu.memory_space<vmem>> -> memref<1x64xi32, #tpu.memory_space<vmem>>
      %dma_start3A_121 = tpu.memref_squeeze %dma_start3A_120 : memref<1x64xi32, #tpu.memory_space<vmem>> -> memref<64xi32, #tpu.memory_space<vmem>>
      %dma_start3A_122 = arith.constant 0 : i32
      %dma_start3A_123 = arith.constant 0 : i32
      %dma_start3A_124 = tpu.memref_slice %arg2[%dma_start3A_122, %dma_start3A_123] : memref<30720x128xf32, #tpu.memory_space<hbm>> -> memref<30720x128xf32, #tpu.memory_space<hbm>>
      tpu.enqueue_indirect_dma source(%dma_start3A_124 : memref<30720x128xf32, #tpu.memory_space<hbm>>) target(%dma_start3A_118 : memref<64x128xf32, #tpu.memory_space<vmem>>) offsets(%dma_start3A_121 : memref<64xi32, #tpu.memory_space<vmem>>) semaphore(%arg12 : memref<!tpu.dma_semaphore, #tpu.memory_space<semaphore_mem>>)
      %dma_start3A_125 = arith.constant 1 : i32
      %dma_start3A_126 = arith.constant 64 : i32
      %dma_start3A_127 = arith.constant 0 : i32
      %dma_start3A_128 = tpu.memref_slice %arg9[%dma_start3A_126, %dma_start3A_127] : memref<128x128xf32, #tpu.memory_space<vmem>> -> memref<64x128xf32, #tpu.memory_space<vmem>>
      %dma_start3A_129 = arith.constant 64 : i32
      %dma_start3A_130 = tpu.memref_slice %arg6[%dma_start3A_125, %dma_start3A_129] : memref<40x128xi32, #tpu.memory_space<vmem>> -> memref<1x64xi32, #tpu.memory_space<vmem>>
      %dma_start3A_131 = tpu.memref_squeeze %dma_start3A_130 : memref<1x64xi32, #tpu.memory_space<vmem>> -> memref<64xi32, #tpu.memory_space<vmem>>
      %dma_start3A_132 = arith.constant 0 : i32
      %dma_start3A_133 = arith.constant 0 : i32
      %dma_start3A_134 = tpu.memref_slice %arg2[%dma_start3A_132, %dma_start3A_133] : memref<30720x128xf32, #tpu.memory_space<hbm>> -> memref<30720x128xf32, #tpu.memory_space<hbm>>
      tpu.enqueue_indirect_dma source(%dma_start3A_134 : memref<30720x128xf32, #tpu.memory_space<hbm>>) target(%dma_start3A_128 : memref<64x128xf32, #tpu.memory_space<vmem>>) offsets(%dma_start3A_131 : memref<64xi32, #tpu.memory_space<vmem>>) semaphore(%arg12 : memref<!tpu.dma_semaphore, #tpu.memory_space<semaphore_mem>>)
      %scan3A_135 = arith.constant 0 : i32
      %scan3A_136 = arith.constant 20 : i32
      %scan3A_137 = arith.addi %scan3A_135, %scan3A_136 : i32
      %scan3A_138 = arith.constant 1 : i32
      scf.for %scan3A_153 = %scan3A_135 to %scan3A_137 step %scan3A_138  : i32 {
        %mul3A_154 = arith.constant 2 : i32
        %mul3A_155 = arith.muli %scan3A_153, %mul3A_154 : i32
        %add3A_156 = arith.constant 0 : i32
        %add3A_157 = arith.addi %add3A_156, %mul3A_155 : i32
        %dma_wait3A_158 = arith.constant 0 : i32
        %dma_wait3A_159 = tpu.memref_slice %arg6[%add3A_157, %dma_wait3A_158] : memref<40x128xi32, #tpu.memory_space<vmem>> -> memref<1x128xi32, #tpu.memory_space<vmem>>
        %dma_wait3A_160 = tpu.memref_squeeze %dma_wait3A_159 : memref<1x128xi32, #tpu.memory_space<vmem>> -> memref<128xi32, #tpu.memory_space<vmem>>
        %dma_wait3A_161 = arith.constant 0 : i32
        %dma_wait3A_162 = arith.constant 0 : i32
        %dma_wait3A_163 = tpu.memref_slice %arg2[%dma_wait3A_161, %dma_wait3A_162] : memref<30720x128xf32, #tpu.memory_space<hbm>> -> memref<30720x128xf32, #tpu.memory_space<hbm>>
        tpu.wait_indirect_dma semaphore(%arg11 : memref<!tpu.dma_semaphore, #tpu.memory_space<semaphore_mem>>) src(%dma_wait3A_163 : memref<30720x128xf32, #tpu.memory_space<hbm>>) dst(%arg8 : memref<128x128xf32, #tpu.memory_space<vmem>>)
        %dma_start3A_164 = arith.constant 0 : i32
        %dma_start3A_165 = tpu.memref_slice %arg7[%add3A_157, %dma_start3A_164] : memref<40x128xi32, #tpu.memory_space<vmem>> -> memref<1x128xi32, #tpu.memory_space<vmem>>
        %dma_start3A_166 = tpu.memref_squeeze %dma_start3A_165 : memref<1x128xi32, #tpu.memory_space<vmem>> -> memref<128xi32, #tpu.memory_space<vmem>>
        %dma_start3A_167 = arith.constant 0 : i32
        %dma_start3A_168 = arith.constant 0 : i32
        %dma_start3A_169 = tpu.memref_slice %arg10[%dma_start3A_167, %dma_start3A_168] : memref<10240x128xf32, #tpu.memory_space<vmem_shared>> -> memref<10240x128xf32, #tpu.memory_space<vmem_shared>>
        tpu.enqueue_indirect_dma source(%arg8 : memref<128x128xf32, #tpu.memory_space<vmem>>) target(%dma_start3A_169 : memref<10240x128xf32, #tpu.memory_space<vmem_shared>>) offsets(%dma_start3A_166 : memref<128xi32, #tpu.memory_space<vmem>>) semaphore(%arg13 : memref<!tpu.dma_semaphore, #tpu.memory_space<semaphore_mem>>) {add = true}
        %add3A_170 = arith.constant 1 : i32
        %add3A_171 = arith.addi %add3A_157, %add3A_170 : i32
        %dma_wait3A_172 = arith.constant 0 : i32
        %dma_wait3A_173 = tpu.memref_slice %arg6[%add3A_171, %dma_wait3A_172] : memref<40x128xi32, #tpu.memory_space<vmem>> -> memref<1x128xi32, #tpu.memory_space<vmem>>
        %dma_wait3A_174 = tpu.memref_squeeze %dma_wait3A_173 : memref<1x128xi32, #tpu.memory_space<vmem>> -> memref<128xi32, #tpu.memory_space<vmem>>
        %dma_wait3A_175 = arith.constant 0 : i32
        %dma_wait3A_176 = arith.constant 0 : i32
        %dma_wait3A_177 = tpu.memref_slice %arg2[%dma_wait3A_175, %dma_wait3A_176] : memref<30720x128xf32, #tpu.memory_space<hbm>> -> memref<30720x128xf32, #tpu.memory_space<hbm>>
        tpu.wait_indirect_dma semaphore(%arg12 : memref<!tpu.dma_semaphore, #tpu.memory_space<semaphore_mem>>) src(%dma_wait3A_177 : memref<30720x128xf32, #tpu.memory_space<hbm>>) dst(%arg9 : memref<128x128xf32, #tpu.memory_space<vmem>>)
        %add3A_178 = arith.constant 1 : i32
        %add3A_179 = arith.addi %add3A_157, %add3A_178 : i32
        %dma_start3A_180 = arith.constant 0 : i32
        %dma_start3A_181 = tpu.memref_slice %arg7[%add3A_179, %dma_start3A_180] : memref<40x128xi32, #tpu.memory_space<vmem>> -> memref<1x128xi32, #tpu.memory_space<vmem>>
        %dma_start3A_182 = tpu.memref_squeeze %dma_start3A_181 : memref<1x128xi32, #tpu.memory_space<vmem>> -> memref<128xi32, #tpu.memory_space<vmem>>
        %dma_start3A_183 = arith.constant 0 : i32
        %dma_start3A_184 = arith.constant 0 : i32
        %dma_start3A_185 = tpu.memref_slice %arg10[%dma_start3A_183, %dma_start3A_184] : memref<10240x128xf32, #tpu.memory_space<vmem_shared>> -> memref<10240x128xf32, #tpu.memory_space<vmem_shared>>
        tpu.enqueue_indirect_dma source(%arg9 : memref<128x128xf32, #tpu.memory_space<vmem>>) target(%dma_start3A_185 : memref<10240x128xf32, #tpu.memory_space<vmem_shared>>) offsets(%dma_start3A_182 : memref<128xi32, #tpu.memory_space<vmem>>) semaphore(%arg14 : memref<!tpu.dma_semaphore, #tpu.memory_space<semaphore_mem>>) {add = true}
        %add3A_186 = arith.constant 2 : i32
        %add3A_187 = arith.addi %add3A_157, %add3A_186 : i32
        %lt3A = arith.constant 40 : i32
        %lt3A_188 = arith.cmpi slt, %add3A_187, %lt3A : i32
        %convert_element_type3A = arith.extui %lt3A_188 : i1 to i32
        %cond3A = arith.constant 0 : i32
        %cond3A_189 = arith.cmpi ne, %convert_element_type3A, %cond3A : i32
        scf.if %cond3A_189 {
          %dma_wait3A_197 = arith.constant 0 : i32
          %dma_wait3A_198 = tpu.memref_slice %arg7[%add3A_157, %dma_wait3A_197] : memref<40x128xi32, #tpu.memory_space<vmem>> -> memref<1x128xi32, #tpu.memory_space<vmem>>
          %dma_wait3A_199 = tpu.memref_squeeze %dma_wait3A_198 : memref<1x128xi32, #tpu.memory_space<vmem>> -> memref<128xi32, #tpu.memory_space<vmem>>
          %dma_wait3A_200 = arith.constant 0 : i32
          %dma_wait3A_201 = arith.constant 0 : i32
          %dma_wait3A_202 = tpu.memref_slice %arg10[%dma_wait3A_200, %dma_wait3A_201] : memref<10240x128xf32, #tpu.memory_space<vmem_shared>> -> memref<10240x128xf32, #tpu.memory_space<vmem_shared>>
          tpu.wait_indirect_dma semaphore(%arg13 : memref<!tpu.dma_semaphore, #tpu.memory_space<semaphore_mem>>) src(%arg8 : memref<128x128xf32, #tpu.memory_space<vmem>>) dst(%dma_wait3A_202 : memref<10240x128xf32, #tpu.memory_space<vmem_shared>>)
          %add3A_203 = arith.constant 2 : i32
          %add3A_204 = arith.addi %add3A_157, %add3A_203 : i32
          %dma_start3A_205 = arith.constant 0 : i32
          %dma_start3A_206 = arith.constant 0 : i32
          %dma_start3A_207 = tpu.memref_slice %arg8[%dma_start3A_205, %dma_start3A_206] : memref<128x128xf32, #tpu.memory_space<vmem>> -> memref<64x128xf32, #tpu.memory_space<vmem>>
          %dma_start3A_208 = arith.constant 0 : i32
          %dma_start3A_209 = tpu.memref_slice %arg6[%add3A_204, %dma_start3A_208] : memref<40x128xi32, #tpu.memory_space<vmem>> -> memref<1x64xi32, #tpu.memory_space<vmem>>
          %dma_start3A_210 = tpu.memref_squeeze %dma_start3A_209 : memref<1x64xi32, #tpu.memory_space<vmem>> -> memref<64xi32, #tpu.memory_space<vmem>>
          %dma_start3A_211 = arith.constant 0 : i32
          %dma_start3A_212 = arith.constant 0 : i32
          %dma_start3A_213 = tpu.memref_slice %arg2[%dma_start3A_211, %dma_start3A_212] : memref<30720x128xf32, #tpu.memory_space<hbm>> -> memref<30720x128xf32, #tpu.memory_space<hbm>>
          tpu.enqueue_indirect_dma source(%dma_start3A_213 : memref<30720x128xf32, #tpu.memory_space<hbm>>) target(%dma_start3A_207 : memref<64x128xf32, #tpu.memory_space<vmem>>) offsets(%dma_start3A_210 : memref<64xi32, #tpu.memory_space<vmem>>) semaphore(%arg11 : memref<!tpu.dma_semaphore, #tpu.memory_space<semaphore_mem>>)
          %dma_start3A_214 = arith.constant 64 : i32
          %dma_start3A_215 = arith.constant 0 : i32
          %dma_start3A_216 = tpu.memref_slice %arg8[%dma_start3A_214, %dma_start3A_215] : memref<128x128xf32, #tpu.memory_space<vmem>> -> memref<64x128xf32, #tpu.memory_space<vmem>>
          %dma_start3A_217 = arith.constant 64 : i32
          %dma_start3A_218 = tpu.memref_slice %arg6[%add3A_204, %dma_start3A_217] : memref<40x128xi32, #tpu.memory_space<vmem>> -> memref<1x64xi32, #tpu.memory_space<vmem>>
          %dma_start3A_219 = tpu.memref_squeeze %dma_start3A_218 : memref<1x64xi32, #tpu.memory_space<vmem>> -> memref<64xi32, #tpu.memory_space<vmem>>
          %dma_start3A_220 = arith.constant 0 : i32
          %dma_start3A_221 = arith.constant 0 : i32
          %dma_start3A_222 = tpu.memref_slice %arg2[%dma_start3A_220, %dma_start3A_221] : memref<30720x128xf32, #tpu.memory_space<hbm>> -> memref<30720x128xf32, #tpu.memory_space<hbm>>
          tpu.enqueue_indirect_dma source(%dma_start3A_222 : memref<30720x128xf32, #tpu.memory_space<hbm>>) target(%dma_start3A_216 : memref<64x128xf32, #tpu.memory_space<vmem>>) offsets(%dma_start3A_219 : memref<64xi32, #tpu.memory_space<vmem>>) semaphore(%arg11 : memref<!tpu.dma_semaphore, #tpu.memory_space<semaphore_mem>>)
        } else {
        }
        %add3A_190 = arith.constant 3 : i32
        %add3A_191 = arith.addi %add3A_157, %add3A_190 : i32
        %lt3A_192 = arith.constant 40 : i32
        %lt3A_193 = arith.cmpi slt, %add3A_191, %lt3A_192 : i32
        %convert_element_type3A_194 = arith.extui %lt3A_193 : i1 to i32
        %cond3A_195 = arith.constant 0 : i32
        %cond3A_196 = arith.cmpi ne, %convert_element_type3A_194, %cond3A_195 : i32
        scf.if %cond3A_196 {
          %add3A_197 = arith.constant 1 : i32
          %add3A_198 = arith.addi %add3A_157, %add3A_197 : i32
          %dma_wait3A_199 = arith.constant 0 : i32
          %dma_wait3A_200 = tpu.memref_slice %arg7[%add3A_198, %dma_wait3A_199] : memref<40x128xi32, #tpu.memory_space<vmem>> -> memref<1x128xi32, #tpu.memory_space<vmem>>
          %dma_wait3A_201 = tpu.memref_squeeze %dma_wait3A_200 : memref<1x128xi32, #tpu.memory_space<vmem>> -> memref<128xi32, #tpu.memory_space<vmem>>
          %dma_wait3A_202 = arith.constant 0 : i32
          %dma_wait3A_203 = arith.constant 0 : i32
          %dma_wait3A_204 = tpu.memref_slice %arg10[%dma_wait3A_202, %dma_wait3A_203] : memref<10240x128xf32, #tpu.memory_space<vmem_shared>> -> memref<10240x128xf32, #tpu.memory_space<vmem_shared>>
          tpu.wait_indirect_dma semaphore(%arg14 : memref<!tpu.dma_semaphore, #tpu.memory_space<semaphore_mem>>) src(%arg9 : memref<128x128xf32, #tpu.memory_space<vmem>>) dst(%dma_wait3A_204 : memref<10240x128xf32, #tpu.memory_space<vmem_shared>>)
          %add3A_205 = arith.constant 3 : i32
          %add3A_206 = arith.addi %add3A_157, %add3A_205 : i32
          %dma_start3A_207 = arith.constant 0 : i32
          %dma_start3A_208 = arith.constant 0 : i32
          %dma_start3A_209 = tpu.memref_slice %arg9[%dma_start3A_207, %dma_start3A_208] : memref<128x128xf32, #tpu.memory_space<vmem>> -> memref<64x128xf32, #tpu.memory_space<vmem>>
          %dma_start3A_210 = arith.constant 0 : i32
          %dma_start3A_211 = tpu.memref_slice %arg6[%add3A_206, %dma_start3A_210] : memref<40x128xi32, #tpu.memory_space<vmem>> -> memref<1x64xi32, #tpu.memory_space<vmem>>
          %dma_start3A_212 = tpu.memref_squeeze %dma_start3A_211 : memref<1x64xi32, #tpu.memory_space<vmem>> -> memref<64xi32, #tpu.memory_space<vmem>>
          %dma_start3A_213 = arith.constant 0 : i32
          %dma_start3A_214 = arith.constant 0 : i32
          %dma_start3A_215 = tpu.memref_slice %arg2[%dma_start3A_213, %dma_start3A_214] : memref<30720x128xf32, #tpu.memory_space<hbm>> -> memref<30720x128xf32, #tpu.memory_space<hbm>>
          tpu.enqueue_indirect_dma source(%dma_start3A_215 : memref<30720x128xf32, #tpu.memory_space<hbm>>) target(%dma_start3A_209 : memref<64x128xf32, #tpu.memory_space<vmem>>) offsets(%dma_start3A_212 : memref<64xi32, #tpu.memory_space<vmem>>) semaphore(%arg12 : memref<!tpu.dma_semaphore, #tpu.memory_space<semaphore_mem>>)
          %dma_start3A_216 = arith.constant 64 : i32
          %dma_start3A_217 = arith.constant 0 : i32
          %dma_start3A_218 = tpu.memref_slice %arg9[%dma_start3A_216, %dma_start3A_217] : memref<128x128xf32, #tpu.memory_space<vmem>> -> memref<64x128xf32, #tpu.memory_space<vmem>>
          %dma_start3A_219 = arith.constant 64 : i32
          %dma_start3A_220 = tpu.memref_slice %arg6[%add3A_206, %dma_start3A_219] : memref<40x128xi32, #tpu.memory_space<vmem>> -> memref<1x64xi32, #tpu.memory_space<vmem>>
          %dma_start3A_221 = tpu.memref_squeeze %dma_start3A_220 : memref<1x64xi32, #tpu.memory_space<vmem>> -> memref<64xi32, #tpu.memory_space<vmem>>
          %dma_start3A_222 = arith.constant 0 : i32
          %dma_start3A_223 = arith.constant 0 : i32
          %dma_start3A_224 = tpu.memref_slice %arg2[%dma_start3A_222, %dma_start3A_223] : memref<30720x128xf32, #tpu.memory_space<hbm>> -> memref<30720x128xf32, #tpu.memory_space<hbm>>
          tpu.enqueue_indirect_dma source(%dma_start3A_224 : memref<30720x128xf32, #tpu.memory_space<hbm>>) target(%dma_start3A_218 : memref<64x128xf32, #tpu.memory_space<vmem>>) offsets(%dma_start3A_221 : memref<64xi32, #tpu.memory_space<vmem>>) semaphore(%arg12 : memref<!tpu.dma_semaphore, #tpu.memory_space<semaphore_mem>>)
        } else {
        }
      }
      %scan3A_139 = arith.constant 20 : i32
      %dma_wait3A = arith.constant 38 : i32
      %dma_wait3A_140 = arith.constant 0 : i32
      %dma_wait3A_141 = tpu.memref_slice %arg7[%dma_wait3A, %dma_wait3A_140] : memref<40x128xi32, #tpu.memory_space<vmem>> -> memref<1x128xi32, #tpu.memory_space<vmem>>
      %dma_wait3A_142 = tpu.memref_squeeze %dma_wait3A_141 : memref<1x128xi32, #tpu.memory_space<vmem>> -> memref<128xi32, #tpu.memory_space<vmem>>
      %dma_wait3A_143 = arith.constant 0 : i32
      %dma_wait3A_144 = arith.constant 0 : i32
      %dma_wait3A_145 = tpu.memref_slice %arg10[%dma_wait3A_143, %dma_wait3A_144] : memref<10240x128xf32, #tpu.memory_space<vmem_shared>> -> memref<10240x128xf32, #tpu.memory_space<vmem_shared>>
      tpu.wait_indirect_dma semaphore(%arg13 : memref<!tpu.dma_semaphore, #tpu.memory_space<semaphore_mem>>) src(%arg8 : memref<128x128xf32, #tpu.memory_space<vmem>>) dst(%dma_wait3A_145 : memref<10240x128xf32, #tpu.memory_space<vmem_shared>>)
      %dma_wait3A_146 = arith.constant 39 : i32
      %dma_wait3A_147 = arith.constant 0 : i32
      %dma_wait3A_148 = tpu.memref_slice %arg7[%dma_wait3A_146, %dma_wait3A_147] : memref<40x128xi32, #tpu.memory_space<vmem>> -> memref<1x128xi32, #tpu.memory_space<vmem>>
      %dma_wait3A_149 = tpu.memref_squeeze %dma_wait3A_148 : memref<1x128xi32, #tpu.memory_space<vmem>> -> memref<128xi32, #tpu.memory_space<vmem>>
      %dma_wait3A_150 = arith.constant 0 : i32
      %dma_wait3A_151 = arith.constant 0 : i32
      %dma_wait3A_152 = tpu.memref_slice %arg10[%dma_wait3A_150, %dma_wait3A_151] : memref<10240x128xf32, #tpu.memory_space<vmem_shared>> -> memref<10240x128xf32, #tpu.memory_space<vmem_shared>>
      tpu.wait_indirect_dma semaphore(%arg14 : memref<!tpu.dma_semaphore, #tpu.memory_space<semaphore_mem>>) src(%arg9 : memref<128x128xf32, #tpu.memory_space<vmem>>) dst(%dma_wait3A_152 : memref<10240x128xf32, #tpu.memory_space<vmem_shared>>)
    }
    %scan3A_42 = arith.constant 2 : i32
    %barrier3A_43 = arith.constant 0 : index
    tpu.barrier barrier_id(%barrier3A_43)
    %mul3A_44 = arith.constant 640 : i32
    %mul3A_45 = arith.muli %arg1, %mul3A_44 : i32
    %mul3A_46 = arith.constant 3 : i32
    %mul3A_47 = arith.muli %arg0, %mul3A_46 : i32
    %add3A_48 = arith.constant 1 : i32
    %add3A_49 = arith.addi %mul3A_47, %add3A_48 : i32
    %mul3A_50 = arith.constant 10240 : i32
    %mul3A_51 = arith.muli %add3A_49, %mul3A_50 : i32
    %mul3A_52 = arith.constant 640 : i32
    %mul3A_53 = arith.muli %arg1, %mul3A_52 : i32
    %add3A_54 = arith.addi %mul3A_51, %mul3A_53 : i32
    "tpu.region"() ({
      %run_scoped3A = tpu.sem_alloc : memref<!tpu.dma_semaphore, #tpu.memory_space<semaphore_mem>>
      %dma_start3A = arith.constant 0 : i32
      %dma_start3A_83 = tpu.memref_slice %arg5[%add3A_54, %dma_start3A] : memref<61440x128xf32, #tpu.memory_space<hbm>> -> memref<640x128xf32, #tpu.memory_space<hbm>>
      %dma_start3A_84 = arith.constant 0 : i32
      %dma_start3A_85 = tpu.memref_slice %arg10[%mul3A_45, %dma_start3A_84] : memref<10240x128xf32, #tpu.memory_space<vmem_shared>> -> memref<640x128xf32, #tpu.memory_space<vmem_shared>>
      tpu.enqueue_dma source(%dma_start3A_85 : memref<640x128xf32, #tpu.memory_space<vmem_shared>>) target(%dma_start3A_83 : memref<640x128xf32, #tpu.memory_space<hbm>>) target_semaphore(%run_scoped3A : memref<!tpu.dma_semaphore, #tpu.memory_space<semaphore_mem>>)
      %dma_wait3A = arith.constant 0 : i32
      %dma_wait3A_86 = tpu.memref_slice %arg5[%add3A_54, %dma_wait3A] : memref<61440x128xf32, #tpu.memory_space<hbm>> -> memref<640x128xf32, #tpu.memory_space<hbm>>
      %dma_wait3A_87 = arith.constant 0 : i32
      %dma_wait3A_88 = tpu.memref_slice %arg10[%mul3A_45, %dma_wait3A_87] : memref<10240x128xf32, #tpu.memory_space<vmem_shared>> -> memref<640x128xf32, #tpu.memory_space<vmem_shared>>
      tpu.wait_dma2 semaphore(%run_scoped3A : memref<!tpu.dma_semaphore, #tpu.memory_space<semaphore_mem>>) src(%dma_wait3A_88 : memref<640x128xf32, #tpu.memory_space<vmem_shared>>) dst(%dma_wait3A_86 : memref<640x128xf32, #tpu.memory_space<hbm>>)
      tpu.yield
    }) : () -> ()
    %scan3A_55 = arith.constant 0 : i32
    %scan3A_56 = arith.constant 128 : i32
    %scan3A_57 = arith.addi %scan3A_55, %scan3A_56 : i32
    %scan3A_58 = arith.constant 1 : i32
    scf.for %scan3A_83 = %scan3A_55 to %scan3A_57 step %scan3A_58  : i32 {
      %mul3A_84 = arith.constant 1 : i32
      %mul3A_85 = arith.muli %scan3A_83, %mul3A_84 : i32
      %add3A_86 = arith.constant 0 : i32
      %add3A_87 = arith.addi %add3A_86, %mul3A_85 : i32
      %scan3A_88 = arith.constant 0 : i32
      %scan3A_89 = arith.constant 8 : i32
      %scan3A_90 = arith.addi %scan3A_88, %scan3A_89 : i32
      %scan3A_91 = arith.constant 1 : i32
      scf.for %scan3A_93 = %scan3A_88 to %scan3A_90 step %scan3A_91  : i32 {
        %mul3A_94 = arith.constant 16 : i32
        %mul3A_95 = arith.muli %scan3A_93, %mul3A_94 : i32
        %add3A_96 = arith.constant 0 : i32
        %add3A_97 = arith.addi %add3A_96, %mul3A_95 : i32
        %broadcast_in_dim3A = arith.constant 0.000000e+00 : f32
        %broadcast_in_dim3A_98 = vector.broadcast %broadcast_in_dim3A : f32 to vector<16xf32>
        %swap3A = arith.index_cast %add3A_87 : i32 to index
        %swap3A_99 = arith.index_cast %add3A_97 : i32 to index
        %swap3A_100 = tpu.vector_load %arg8[%swap3A, %swap3A_99] {strides = array<i32>} : memref<128x128xf32, #tpu.memory_space<vmem>>, vector<1x16xf32>,
        %swap3A_101 = vector.shape_cast %swap3A_100 : vector<1x16xf32> to vector<16xf32>
        %swap3A_102 = vector.shape_cast %broadcast_in_dim3A_98 : vector<16xf32> to vector<1x16xf32>
        tpu.vector_store %arg8[%swap3A, %swap3A_99], %swap3A_102 {strides = array<i32>} : memref<128x128xf32, #tpu.memory_space<vmem>>, vector<1x16xf32>,
      }
      %scan3A_92 = arith.constant 8 : i32
    }
    %scan3A_59 = arith.constant 128 : i32
    %scan3A_60 = arith.constant 0 : i32
    %scan3A_61 = arith.constant 5 : i32
    %scan3A_62 = arith.addi %scan3A_60, %scan3A_61 : i32
    %scan3A_63 = arith.constant 1 : i32
    scf.for %scan3A_83 = %scan3A_60 to %scan3A_62 step %scan3A_63  : i32 {
      %mul3A_84 = arith.constant 128 : i32
      %mul3A_85 = arith.muli %scan3A_83, %mul3A_84 : i32
      %add3A_86 = arith.constant 0 : i32
      %add3A_87 = arith.addi %add3A_86, %mul3A_85 : i32
      %mul3A_88 = arith.constant 640 : i32
      %mul3A_89 = arith.muli %arg1, %mul3A_88 : i32
      %add3A_90 = arith.addi %mul3A_89, %add3A_87 : i32
      "tpu.region"() ({
        %run_scoped3A = tpu.sem_alloc : memref<!tpu.dma_semaphore, #tpu.memory_space<semaphore_mem>>
        %dma_start3A = arith.constant 0 : i32
        %dma_start3A_91 = tpu.memref_slice %arg10[%add3A_90, %dma_start3A] : memref<10240x128xf32, #tpu.memory_space<vmem_shared>> -> memref<128x128xf32, #tpu.memory_space<vmem_shared>>
        %dma_start3A_92 = arith.constant 0 : i32
        %dma_start3A_93 = tpu.memref_slice %arg10[%add3A_90, %dma_start3A_92] : memref<10240x128xf32, #tpu.memory_space<vmem_shared>> -> memref<128x128xf32, #tpu.memory_space<vmem_shared>>
        tpu.enqueue_dma source(%arg8 : memref<128x128xf32, #tpu.memory_space<vmem>>) target(%dma_start3A_93 : memref<128x128xf32, #tpu.memory_space<vmem_shared>>) target_semaphore(%run_scoped3A : memref<!tpu.dma_semaphore, #tpu.memory_space<semaphore_mem>>)
        %dma_wait3A = arith.constant 0 : i32
        %dma_wait3A_94 = tpu.memref_slice %arg10[%add3A_90, %dma_wait3A] : memref<10240x128xf32, #tpu.memory_space<vmem_shared>> -> memref<128x128xf32, #tpu.memory_space<vmem_shared>>
        %dma_wait3A_95 = arith.constant 0 : i32
        %dma_wait3A_96 = tpu.memref_slice %arg10[%add3A_90, %dma_wait3A_95] : memref<10240x128xf32, #tpu.memory_space<vmem_shared>> -> memref<128x128xf32, #tpu.memory_space<vmem_shared>>
        tpu.wait_dma2 semaphore(%run_scoped3A : memref<!tpu.dma_semaphore, #tpu.memory_space<semaphore_mem>>) src(%arg8 : memref<128x128xf32, #tpu.memory_space<vmem>>) dst(%dma_wait3A_96 : memref<128x128xf32, #tpu.memory_space<vmem_shared>>)
        tpu.yield
      }) : () -> ()
    }
    %scan3A_64 = arith.constant 5 : i32
    %barrier3A_65 = arith.constant 0 : index
    tpu.barrier barrier_id(%barrier3A_65)
    %scan3A_66 = arith.constant 0 : i32
    %scan3A_67 = arith.constant 2 : i32
    %scan3A_68 = arith.addi %scan3A_66, %scan3A_67 : i32
    %scan3A_69 = arith.constant 1 : i32
    scf.for %scan3A_83 = %scan3A_66 to %scan3A_68 step %scan3A_69  : i32 {
      %mul3A_84 = arith.constant 1 : i32
      %mul3A_85 = arith.muli %scan3A_83, %mul3A_84 : i32
      %add3A_86 = arith.constant 0 : i32
      %add3A_87 = arith.addi %add3A_86, %mul3A_85 : i32
      %add3A_88 = arith.constant 64 : i32
      %add3A_89 = arith.addi %add3A_88, %add3A : i32
      %mul3A_90 = arith.constant 40 : i32
      %mul3A_91 = arith.muli %add3A_87, %mul3A_90 : i32
      "tpu.region"() ({
        %run_scoped3A = tpu.sem_alloc : memref<!tpu.dma_semaphore, #tpu.memory_space<semaphore_mem>>
        %dma_start3A_153 = arith.constant 0 : i32
        %dma_start3A_154 = tpu.memref_slice %arg3[%add3A_89, %mul3A_91, %dma_start3A_153] : memref<96x80x128xi32, #tpu.memory_space<hbm>> -> memref<1x40x128xi32, #tpu.memory_space<hbm>>
        %dma_start3A_155 = tpu.memref_squeeze %dma_start3A_154 : memref<1x40x128xi32, #tpu.memory_space<hbm>> -> memref<40x128xi32, #tpu.memory_space<hbm>>
        %dma_start3A_156 = arith.constant 0 : i32
        %dma_start3A_157 = tpu.memref_slice %arg3[%add3A_89, %mul3A_91, %dma_start3A_156] : memref<96x80x128xi32, #tpu.memory_space<hbm>> -> memref<1x40x128xi32, #tpu.memory_space<hbm>>
        %dma_start3A_158 = tpu.memref_squeeze %dma_start3A_157 : memref<1x40x128xi32, #tpu.memory_space<hbm>> -> memref<40x128xi32, #tpu.memory_space<hbm>>
        tpu.enqueue_dma source(%dma_start3A_158 : memref<40x128xi32, #tpu.memory_space<hbm>>) target(%arg6 : memref<40x128xi32, #tpu.memory_space<vmem>>) target_semaphore(%run_scoped3A : memref<!tpu.dma_semaphore, #tpu.memory_space<semaphore_mem>>)
        %dma_wait3A_159 = arith.constant 0 : i32
        %dma_wait3A_160 = tpu.memref_slice %arg3[%add3A_89, %mul3A_91, %dma_wait3A_159] : memref<96x80x128xi32, #tpu.memory_space<hbm>> -> memref<1x40x128xi32, #tpu.memory_space<hbm>>
        %dma_wait3A_161 = tpu.memref_squeeze %dma_wait3A_160 : memref<1x40x128xi32, #tpu.memory_space<hbm>> -> memref<40x128xi32, #tpu.memory_space<hbm>>
        %dma_wait3A_162 = arith.constant 0 : i32
        %dma_wait3A_163 = tpu.memref_slice %arg3[%add3A_89, %mul3A_91, %dma_wait3A_162] : memref<96x80x128xi32, #tpu.memory_space<hbm>> -> memref<1x40x128xi32, #tpu.memory_space<hbm>>
        %dma_wait3A_164 = tpu.memref_squeeze %dma_wait3A_163 : memref<1x40x128xi32, #tpu.memory_space<hbm>> -> memref<40x128xi32, #tpu.memory_space<hbm>>
        tpu.wait_dma2 semaphore(%run_scoped3A : memref<!tpu.dma_semaphore, #tpu.memory_space<semaphore_mem>>) src(%dma_wait3A_164 : memref<40x128xi32, #tpu.memory_space<hbm>>) dst(%arg6 : memref<40x128xi32, #tpu.memory_space<vmem>>)
        tpu.yield
      }) : () -> ()
      %add3A_92 = arith.constant 64 : i32
      %add3A_93 = arith.addi %add3A_92, %add3A : i32
      %mul3A_94 = arith.constant 40 : i32
      %mul3A_95 = arith.muli %add3A_87, %mul3A_94 : i32
      "tpu.region"() ({
        %run_scoped3A = tpu.sem_alloc : memref<!tpu.dma_semaphore, #tpu.memory_space<semaphore_mem>>
        %dma_start3A_153 = arith.constant 0 : i32
        %dma_start3A_154 = tpu.memref_slice %arg4[%add3A_93, %mul3A_95, %dma_start3A_153] : memref<96x80x128xi32, #tpu.memory_space<hbm>> -> memref<1x40x128xi32, #tpu.memory_space<hbm>>
        %dma_start3A_155 = tpu.memref_squeeze %dma_start3A_154 : memref<1x40x128xi32, #tpu.memory_space<hbm>> -> memref<40x128xi32, #tpu.memory_space<hbm>>
        %dma_start3A_156 = arith.constant 0 : i32
        %dma_start3A_157 = tpu.memref_slice %arg4[%add3A_93, %mul3A_95, %dma_start3A_156] : memref<96x80x128xi32, #tpu.memory_space<hbm>> -> memref<1x40x128xi32, #tpu.memory_space<hbm>>
        %dma_start3A_158 = tpu.memref_squeeze %dma_start3A_157 : memref<1x40x128xi32, #tpu.memory_space<hbm>> -> memref<40x128xi32, #tpu.memory_space<hbm>>
        tpu.enqueue_dma source(%dma_start3A_158 : memref<40x128xi32, #tpu.memory_space<hbm>>) target(%arg7 : memref<40x128xi32, #tpu.memory_space<vmem>>) target_semaphore(%run_scoped3A : memref<!tpu.dma_semaphore, #tpu.memory_space<semaphore_mem>>)
        %dma_wait3A_159 = arith.constant 0 : i32
        %dma_wait3A_160 = tpu.memref_slice %arg4[%add3A_93, %mul3A_95, %dma_wait3A_159] : memref<96x80x128xi32, #tpu.memory_space<hbm>> -> memref<1x40x128xi32, #tpu.memory_space<hbm>>
        %dma_wait3A_161 = tpu.memref_squeeze %dma_wait3A_160 : memref<1x40x128xi32, #tpu.memory_space<hbm>> -> memref<40x128xi32, #tpu.memory_space<hbm>>
        %dma_wait3A_162 = arith.constant 0 : i32
        %dma_wait3A_163 = tpu.memref_slice %arg4[%add3A_93, %mul3A_95, %dma_wait3A_162] : memref<96x80x128xi32, #tpu.memory_space<hbm>> -> memref<1x40x128xi32, #tpu.memory_space<hbm>>
        %dma_wait3A_164 = tpu.memref_squeeze %dma_wait3A_163 : memref<1x40x128xi32, #tpu.memory_space<hbm>> -> memref<40x128xi32, #tpu.memory_space<hbm>>
        tpu.wait_dma2 semaphore(%run_scoped3A : memref<!tpu.dma_semaphore, #tpu.memory_space<semaphore_mem>>) src(%dma_wait3A_164 : memref<40x128xi32, #tpu.memory_space<hbm>>) dst(%arg7 : memref<40x128xi32, #tpu.memory_space<vmem>>)
        tpu.yield
      }) : () -> ()
      %dma_start3A = arith.constant 0 : i32
      %dma_start3A_96 = arith.constant 0 : i32
      %dma_start3A_97 = arith.constant 0 : i32
      %dma_start3A_98 = tpu.memref_slice %arg8[%dma_start3A_96, %dma_start3A_97] : memref<128x128xf32, #tpu.memory_space<vmem>> -> memref<64x128xf32, #tpu.memory_space<vmem>>
      %dma_start3A_99 = arith.constant 0 : i32
      %dma_start3A_100 = tpu.memref_slice %arg6[%dma_start3A, %dma_start3A_99] : memref<40x128xi32, #tpu.memory_space<vmem>> -> memref<1x64xi32, #tpu.memory_space<vmem>>
      %dma_start3A_101 = tpu.memref_squeeze %dma_start3A_100 : memref<1x64xi32, #tpu.memory_space<vmem>> -> memref<64xi32, #tpu.memory_space<vmem>>
      %dma_start3A_102 = arith.constant 0 : i32
      %dma_start3A_103 = arith.constant 0 : i32
      %dma_start3A_104 = tpu.memref_slice %arg2[%dma_start3A_102, %dma_start3A_103] : memref<30720x128xf32, #tpu.memory_space<hbm>> -> memref<30720x128xf32, #tpu.memory_space<hbm>>
      tpu.enqueue_indirect_dma source(%dma_start3A_104 : memref<30720x128xf32, #tpu.memory_space<hbm>>) target(%dma_start3A_98 : memref<64x128xf32, #tpu.memory_space<vmem>>) offsets(%dma_start3A_101 : memref<64xi32, #tpu.memory_space<vmem>>) semaphore(%arg11 : memref<!tpu.dma_semaphore, #tpu.memory_space<semaphore_mem>>)
      %dma_start3A_105 = arith.constant 0 : i32
      %dma_start3A_106 = arith.constant 64 : i32
      %dma_start3A_107 = arith.constant 0 : i32
      %dma_start3A_108 = tpu.memref_slice %arg8[%dma_start3A_106, %dma_start3A_107] : memref<128x128xf32, #tpu.memory_space<vmem>> -> memref<64x128xf32, #tpu.memory_space<vmem>>
      %dma_start3A_109 = arith.constant 64 : i32
      %dma_start3A_110 = tpu.memref_slice %arg6[%dma_start3A_105, %dma_start3A_109] : memref<40x128xi32, #tpu.memory_space<vmem>> -> memref<1x64xi32, #tpu.memory_space<vmem>>
      %dma_start3A_111 = tpu.memref_squeeze %dma_start3A_110 : memref<1x64xi32, #tpu.memory_space<vmem>> -> memref<64xi32, #tpu.memory_space<vmem>>
      %dma_start3A_112 = arith.constant 0 : i32
      %dma_start3A_113 = arith.constant 0 : i32
      %dma_start3A_114 = tpu.memref_slice %arg2[%dma_start3A_112, %dma_start3A_113] : memref<30720x128xf32, #tpu.memory_space<hbm>> -> memref<30720x128xf32, #tpu.memory_space<hbm>>
      tpu.enqueue_indirect_dma source(%dma_start3A_114 : memref<30720x128xf32, #tpu.memory_space<hbm>>) target(%dma_start3A_108 : memref<64x128xf32, #tpu.memory_space<vmem>>) offsets(%dma_start3A_111 : memref<64xi32, #tpu.memory_space<vmem>>) semaphore(%arg11 : memref<!tpu.dma_semaphore, #tpu.memory_space<semaphore_mem>>)
      %dma_start3A_115 = arith.constant 1 : i32
      %dma_start3A_116 = arith.constant 0 : i32
      %dma_start3A_117 = arith.constant 0 : i32
      %dma_start3A_118 = tpu.memref_slice %arg9[%dma_start3A_116, %dma_start3A_117] : memref<128x128xf32, #tpu.memory_space<vmem>> -> memref<64x128xf32, #tpu.memory_space<vmem>>
      %dma_start3A_119 = arith.constant 0 : i32
      %dma_start3A_120 = tpu.memref_slice %arg6[%dma_start3A_115, %dma_start3A_119] : memref<40x128xi32, #tpu.memory_space<vmem>> -> memref<1x64xi32, #tpu.memory_space<vmem>>
      %dma_start3A_121 = tpu.memref_squeeze %dma_start3A_120 : memref<1x64xi32, #tpu.memory_space<vmem>> -> memref<64xi32, #tpu.memory_space<vmem>>
      %dma_start3A_122 = arith.constant 0 : i32
      %dma_start3A_123 = arith.constant 0 : i32
      %dma_start3A_124 = tpu.memref_slice %arg2[%dma_start3A_122, %dma_start3A_123] : memref<30720x128xf32, #tpu.memory_space<hbm>> -> memref<30720x128xf32, #tpu.memory_space<hbm>>
      tpu.enqueue_indirect_dma source(%dma_start3A_124 : memref<30720x128xf32, #tpu.memory_space<hbm>>) target(%dma_start3A_118 : memref<64x128xf32, #tpu.memory_space<vmem>>) offsets(%dma_start3A_121 : memref<64xi32, #tpu.memory_space<vmem>>) semaphore(%arg12 : memref<!tpu.dma_semaphore, #tpu.memory_space<semaphore_mem>>)
      %dma_start3A_125 = arith.constant 1 : i32
      %dma_start3A_126 = arith.constant 64 : i32
      %dma_start3A_127 = arith.constant 0 : i32
      %dma_start3A_128 = tpu.memref_slice %arg9[%dma_start3A_126, %dma_start3A_127] : memref<128x128xf32, #tpu.memory_space<vmem>> -> memref<64x128xf32, #tpu.memory_space<vmem>>
      %dma_start3A_129 = arith.constant 64 : i32
      %dma_start3A_130 = tpu.memref_slice %arg6[%dma_start3A_125, %dma_start3A_129] : memref<40x128xi32, #tpu.memory_space<vmem>> -> memref<1x64xi32, #tpu.memory_space<vmem>>
      %dma_start3A_131 = tpu.memref_squeeze %dma_start3A_130 : memref<1x64xi32, #tpu.memory_space<vmem>> -> memref<64xi32, #tpu.memory_space<vmem>>
      %dma_start3A_132 = arith.constant 0 : i32
      %dma_start3A_133 = arith.constant 0 : i32
      %dma_start3A_134 = tpu.memref_slice %arg2[%dma_start3A_132, %dma_start3A_133] : memref<30720x128xf32, #tpu.memory_space<hbm>> -> memref<30720x128xf32, #tpu.memory_space<hbm>>
      tpu.enqueue_indirect_dma source(%dma_start3A_134 : memref<30720x128xf32, #tpu.memory_space<hbm>>) target(%dma_start3A_128 : memref<64x128xf32, #tpu.memory_space<vmem>>) offsets(%dma_start3A_131 : memref<64xi32, #tpu.memory_space<vmem>>) semaphore(%arg12 : memref<!tpu.dma_semaphore, #tpu.memory_space<semaphore_mem>>)
      %scan3A_135 = arith.constant 0 : i32
      %scan3A_136 = arith.constant 20 : i32
      %scan3A_137 = arith.addi %scan3A_135, %scan3A_136 : i32
      %scan3A_138 = arith.constant 1 : i32
      scf.for %scan3A_153 = %scan3A_135 to %scan3A_137 step %scan3A_138  : i32 {
        %mul3A_154 = arith.constant 2 : i32
        %mul3A_155 = arith.muli %scan3A_153, %mul3A_154 : i32
        %add3A_156 = arith.constant 0 : i32
        %add3A_157 = arith.addi %add3A_156, %mul3A_155 : i32
        %dma_wait3A_158 = arith.constant 0 : i32
        %dma_wait3A_159 = tpu.memref_slice %arg6[%add3A_157, %dma_wait3A_158] : memref<40x128xi32, #tpu.memory_space<vmem>> -> memref<1x128xi32, #tpu.memory_space<vmem>>
        %dma_wait3A_160 = tpu.memref_squeeze %dma_wait3A_159 : memref<1x128xi32, #tpu.memory_space<vmem>> -> memref<128xi32, #tpu.memory_space<vmem>>
        %dma_wait3A_161 = arith.constant 0 : i32
        %dma_wait3A_162 = arith.constant 0 : i32
        %dma_wait3A_163 = tpu.memref_slice %arg2[%dma_wait3A_161, %dma_wait3A_162] : memref<30720x128xf32, #tpu.memory_space<hbm>> -> memref<30720x128xf32, #tpu.memory_space<hbm>>
        tpu.wait_indirect_dma semaphore(%arg11 : memref<!tpu.dma_semaphore, #tpu.memory_space<semaphore_mem>>) src(%dma_wait3A_163 : memref<30720x128xf32, #tpu.memory_space<hbm>>) dst(%arg8 : memref<128x128xf32, #tpu.memory_space<vmem>>)
        %dma_start3A_164 = arith.constant 0 : i32
        %dma_start3A_165 = tpu.memref_slice %arg7[%add3A_157, %dma_start3A_164] : memref<40x128xi32, #tpu.memory_space<vmem>> -> memref<1x128xi32, #tpu.memory_space<vmem>>
        %dma_start3A_166 = tpu.memref_squeeze %dma_start3A_165 : memref<1x128xi32, #tpu.memory_space<vmem>> -> memref<128xi32, #tpu.memory_space<vmem>>
        %dma_start3A_167 = arith.constant 0 : i32
        %dma_start3A_168 = arith.constant 0 : i32
        %dma_start3A_169 = tpu.memref_slice %arg10[%dma_start3A_167, %dma_start3A_168] : memref<10240x128xf32, #tpu.memory_space<vmem_shared>> -> memref<10240x128xf32, #tpu.memory_space<vmem_shared>>
        tpu.enqueue_indirect_dma source(%arg8 : memref<128x128xf32, #tpu.memory_space<vmem>>) target(%dma_start3A_169 : memref<10240x128xf32, #tpu.memory_space<vmem_shared>>) offsets(%dma_start3A_166 : memref<128xi32, #tpu.memory_space<vmem>>) semaphore(%arg13 : memref<!tpu.dma_semaphore, #tpu.memory_space<semaphore_mem>>) {add = true}
        %add3A_170 = arith.constant 1 : i32
        %add3A_171 = arith.addi %add3A_157, %add3A_170 : i32
        %dma_wait3A_172 = arith.constant 0 : i32
        %dma_wait3A_173 = tpu.memref_slice %arg6[%add3A_171, %dma_wait3A_172] : memref<40x128xi32, #tpu.memory_space<vmem>> -> memref<1x128xi32, #tpu.memory_space<vmem>>
        %dma_wait3A_174 = tpu.memref_squeeze %dma_wait3A_173 : memref<1x128xi32, #tpu.memory_space<vmem>> -> memref<128xi32, #tpu.memory_space<vmem>>
        %dma_wait3A_175 = arith.constant 0 : i32
        %dma_wait3A_176 = arith.constant 0 : i32
        %dma_wait3A_177 = tpu.memref_slice %arg2[%dma_wait3A_175, %dma_wait3A_176] : memref<30720x128xf32, #tpu.memory_space<hbm>> -> memref<30720x128xf32, #tpu.memory_space<hbm>>
        tpu.wait_indirect_dma semaphore(%arg12 : memref<!tpu.dma_semaphore, #tpu.memory_space<semaphore_mem>>) src(%dma_wait3A_177 : memref<30720x128xf32, #tpu.memory_space<hbm>>) dst(%arg9 : memref<128x128xf32, #tpu.memory_space<vmem>>)
        %add3A_178 = arith.constant 1 : i32
        %add3A_179 = arith.addi %add3A_157, %add3A_178 : i32
        %dma_start3A_180 = arith.constant 0 : i32
        %dma_start3A_181 = tpu.memref_slice %arg7[%add3A_179, %dma_start3A_180] : memref<40x128xi32, #tpu.memory_space<vmem>> -> memref<1x128xi32, #tpu.memory_space<vmem>>
        %dma_start3A_182 = tpu.memref_squeeze %dma_start3A_181 : memref<1x128xi32, #tpu.memory_space<vmem>> -> memref<128xi32, #tpu.memory_space<vmem>>
        %dma_start3A_183 = arith.constant 0 : i32
        %dma_start3A_184 = arith.constant 0 : i32
        %dma_start3A_185 = tpu.memref_slice %arg10[%dma_start3A_183, %dma_start3A_184] : memref<10240x128xf32, #tpu.memory_space<vmem_shared>> -> memref<10240x128xf32, #tpu.memory_space<vmem_shared>>
        tpu.enqueue_indirect_dma source(%arg9 : memref<128x128xf32, #tpu.memory_space<vmem>>) target(%dma_start3A_185 : memref<10240x128xf32, #tpu.memory_space<vmem_shared>>) offsets(%dma_start3A_182 : memref<128xi32, #tpu.memory_space<vmem>>) semaphore(%arg14 : memref<!tpu.dma_semaphore, #tpu.memory_space<semaphore_mem>>) {add = true}
        %add3A_186 = arith.constant 2 : i32
        %add3A_187 = arith.addi %add3A_157, %add3A_186 : i32
        %lt3A = arith.constant 40 : i32
        %lt3A_188 = arith.cmpi slt, %add3A_187, %lt3A : i32
        %convert_element_type3A = arith.extui %lt3A_188 : i1 to i32
        %cond3A = arith.constant 0 : i32
        %cond3A_189 = arith.cmpi ne, %convert_element_type3A, %cond3A : i32
        scf.if %cond3A_189 {
          %dma_wait3A_197 = arith.constant 0 : i32
          %dma_wait3A_198 = tpu.memref_slice %arg7[%add3A_157, %dma_wait3A_197] : memref<40x128xi32, #tpu.memory_space<vmem>> -> memref<1x128xi32, #tpu.memory_space<vmem>>
          %dma_wait3A_199 = tpu.memref_squeeze %dma_wait3A_198 : memref<1x128xi32, #tpu.memory_space<vmem>> -> memref<128xi32, #tpu.memory_space<vmem>>
          %dma_wait3A_200 = arith.constant 0 : i32
          %dma_wait3A_201 = arith.constant 0 : i32
          %dma_wait3A_202 = tpu.memref_slice %arg10[%dma_wait3A_200, %dma_wait3A_201] : memref<10240x128xf32, #tpu.memory_space<vmem_shared>> -> memref<10240x128xf32, #tpu.memory_space<vmem_shared>>
          tpu.wait_indirect_dma semaphore(%arg13 : memref<!tpu.dma_semaphore, #tpu.memory_space<semaphore_mem>>) src(%arg8 : memref<128x128xf32, #tpu.memory_space<vmem>>) dst(%dma_wait3A_202 : memref<10240x128xf32, #tpu.memory_space<vmem_shared>>)
          %add3A_203 = arith.constant 2 : i32
          %add3A_204 = arith.addi %add3A_157, %add3A_203 : i32
          %dma_start3A_205 = arith.constant 0 : i32
          %dma_start3A_206 = arith.constant 0 : i32
          %dma_start3A_207 = tpu.memref_slice %arg8[%dma_start3A_205, %dma_start3A_206] : memref<128x128xf32, #tpu.memory_space<vmem>> -> memref<64x128xf32, #tpu.memory_space<vmem>>
          %dma_start3A_208 = arith.constant 0 : i32
          %dma_start3A_209 = tpu.memref_slice %arg6[%add3A_204, %dma_start3A_208] : memref<40x128xi32, #tpu.memory_space<vmem>> -> memref<1x64xi32, #tpu.memory_space<vmem>>
          %dma_start3A_210 = tpu.memref_squeeze %dma_start3A_209 : memref<1x64xi32, #tpu.memory_space<vmem>> -> memref<64xi32, #tpu.memory_space<vmem>>
          %dma_start3A_211 = arith.constant 0 : i32
          %dma_start3A_212 = arith.constant 0 : i32
          %dma_start3A_213 = tpu.memref_slice %arg2[%dma_start3A_211, %dma_start3A_212] : memref<30720x128xf32, #tpu.memory_space<hbm>> -> memref<30720x128xf32, #tpu.memory_space<hbm>>
          tpu.enqueue_indirect_dma source(%dma_start3A_213 : memref<30720x128xf32, #tpu.memory_space<hbm>>) target(%dma_start3A_207 : memref<64x128xf32, #tpu.memory_space<vmem>>) offsets(%dma_start3A_210 : memref<64xi32, #tpu.memory_space<vmem>>) semaphore(%arg11 : memref<!tpu.dma_semaphore, #tpu.memory_space<semaphore_mem>>)
          %dma_start3A_214 = arith.constant 64 : i32
          %dma_start3A_215 = arith.constant 0 : i32
          %dma_start3A_216 = tpu.memref_slice %arg8[%dma_start3A_214, %dma_start3A_215] : memref<128x128xf32, #tpu.memory_space<vmem>> -> memref<64x128xf32, #tpu.memory_space<vmem>>
          %dma_start3A_217 = arith.constant 64 : i32
          %dma_start3A_218 = tpu.memref_slice %arg6[%add3A_204, %dma_start3A_217] : memref<40x128xi32, #tpu.memory_space<vmem>> -> memref<1x64xi32, #tpu.memory_space<vmem>>
          %dma_start3A_219 = tpu.memref_squeeze %dma_start3A_218 : memref<1x64xi32, #tpu.memory_space<vmem>> -> memref<64xi32, #tpu.memory_space<vmem>>
          %dma_start3A_220 = arith.constant 0 : i32
          %dma_start3A_221 = arith.constant 0 : i32
          %dma_start3A_222 = tpu.memref_slice %arg2[%dma_start3A_220, %dma_start3A_221] : memref<30720x128xf32, #tpu.memory_space<hbm>> -> memref<30720x128xf32, #tpu.memory_space<hbm>>
          tpu.enqueue_indirect_dma source(%dma_start3A_222 : memref<30720x128xf32, #tpu.memory_space<hbm>>) target(%dma_start3A_216 : memref<64x128xf32, #tpu.memory_space<vmem>>) offsets(%dma_start3A_219 : memref<64xi32, #tpu.memory_space<vmem>>) semaphore(%arg11 : memref<!tpu.dma_semaphore, #tpu.memory_space<semaphore_mem>>)
        } else {
        }
        %add3A_190 = arith.constant 3 : i32
        %add3A_191 = arith.addi %add3A_157, %add3A_190 : i32
        %lt3A_192 = arith.constant 40 : i32
        %lt3A_193 = arith.cmpi slt, %add3A_191, %lt3A_192 : i32
        %convert_element_type3A_194 = arith.extui %lt3A_193 : i1 to i32
        %cond3A_195 = arith.constant 0 : i32
        %cond3A_196 = arith.cmpi ne, %convert_element_type3A_194, %cond3A_195 : i32
        scf.if %cond3A_196 {
          %add3A_197 = arith.constant 1 : i32
          %add3A_198 = arith.addi %add3A_157, %add3A_197 : i32
          %dma_wait3A_199 = arith.constant 0 : i32
          %dma_wait3A_200 = tpu.memref_slice %arg7[%add3A_198, %dma_wait3A_199] : memref<40x128xi32, #tpu.memory_space<vmem>> -> memref<1x128xi32, #tpu.memory_space<vmem>>
          %dma_wait3A_201 = tpu.memref_squeeze %dma_wait3A_200 : memref<1x128xi32, #tpu.memory_space<vmem>> -> memref<128xi32, #tpu.memory_space<vmem>>
          %dma_wait3A_202 = arith.constant 0 : i32
          %dma_wait3A_203 = arith.constant 0 : i32
          %dma_wait3A_204 = tpu.memref_slice %arg10[%dma_wait3A_202, %dma_wait3A_203] : memref<10240x128xf32, #tpu.memory_space<vmem_shared>> -> memref<10240x128xf32, #tpu.memory_space<vmem_shared>>
          tpu.wait_indirect_dma semaphore(%arg14 : memref<!tpu.dma_semaphore, #tpu.memory_space<semaphore_mem>>) src(%arg9 : memref<128x128xf32, #tpu.memory_space<vmem>>) dst(%dma_wait3A_204 : memref<10240x128xf32, #tpu.memory_space<vmem_shared>>)
          %add3A_205 = arith.constant 3 : i32
          %add3A_206 = arith.addi %add3A_157, %add3A_205 : i32
          %dma_start3A_207 = arith.constant 0 : i32
          %dma_start3A_208 = arith.constant 0 : i32
          %dma_start3A_209 = tpu.memref_slice %arg9[%dma_start3A_207, %dma_start3A_208] : memref<128x128xf32, #tpu.memory_space<vmem>> -> memref<64x128xf32, #tpu.memory_space<vmem>>
          %dma_start3A_210 = arith.constant 0 : i32
          %dma_start3A_211 = tpu.memref_slice %arg6[%add3A_206, %dma_start3A_210] : memref<40x128xi32, #tpu.memory_space<vmem>> -> memref<1x64xi32, #tpu.memory_space<vmem>>
          %dma_start3A_212 = tpu.memref_squeeze %dma_start3A_211 : memref<1x64xi32, #tpu.memory_space<vmem>> -> memref<64xi32, #tpu.memory_space<vmem>>
          %dma_start3A_213 = arith.constant 0 : i32
          %dma_start3A_214 = arith.constant 0 : i32
          %dma_start3A_215 = tpu.memref_slice %arg2[%dma_start3A_213, %dma_start3A_214] : memref<30720x128xf32, #tpu.memory_space<hbm>> -> memref<30720x128xf32, #tpu.memory_space<hbm>>
          tpu.enqueue_indirect_dma source(%dma_start3A_215 : memref<30720x128xf32, #tpu.memory_space<hbm>>) target(%dma_start3A_209 : memref<64x128xf32, #tpu.memory_space<vmem>>) offsets(%dma_start3A_212 : memref<64xi32, #tpu.memory_space<vmem>>) semaphore(%arg12 : memref<!tpu.dma_semaphore, #tpu.memory_space<semaphore_mem>>)
          %dma_start3A_216 = arith.constant 64 : i32
          %dma_start3A_217 = arith.constant 0 : i32
          %dma_start3A_218 = tpu.memref_slice %arg9[%dma_start3A_216, %dma_start3A_217] : memref<128x128xf32, #tpu.memory_space<vmem>> -> memref<64x128xf32, #tpu.memory_space<vmem>>
          %dma_start3A_219 = arith.constant 64 : i32
          %dma_start3A_220 = tpu.memref_slice %arg6[%add3A_206, %dma_start3A_219] : memref<40x128xi32, #tpu.memory_space<vmem>> -> memref<1x64xi32, #tpu.memory_space<vmem>>
          %dma_start3A_221 = tpu.memref_squeeze %dma_start3A_220 : memref<1x64xi32, #tpu.memory_space<vmem>> -> memref<64xi32, #tpu.memory_space<vmem>>
          %dma_start3A_222 = arith.constant 0 : i32
          %dma_start3A_223 = arith.constant 0 : i32
          %dma_start3A_224 = tpu.memref_slice %arg2[%dma_start3A_222, %dma_start3A_223] : memref<30720x128xf32, #tpu.memory_space<hbm>> -> memref<30720x128xf32, #tpu.memory_space<hbm>>
          tpu.enqueue_indirect_dma source(%dma_start3A_224 : memref<30720x128xf32, #tpu.memory_space<hbm>>) target(%dma_start3A_218 : memref<64x128xf32, #tpu.memory_space<vmem>>) offsets(%dma_start3A_221 : memref<64xi32, #tpu.memory_space<vmem>>) semaphore(%arg12 : memref<!tpu.dma_semaphore, #tpu.memory_space<semaphore_mem>>)
        } else {
        }
      }
      %scan3A_139 = arith.constant 20 : i32
      %dma_wait3A = arith.constant 38 : i32
      %dma_wait3A_140 = arith.constant 0 : i32
      %dma_wait3A_141 = tpu.memref_slice %arg7[%dma_wait3A, %dma_wait3A_140] : memref<40x128xi32, #tpu.memory_space<vmem>> -> memref<1x128xi32, #tpu.memory_space<vmem>>
      %dma_wait3A_142 = tpu.memref_squeeze %dma_wait3A_141 : memref<1x128xi32, #tpu.memory_space<vmem>> -> memref<128xi32, #tpu.memory_space<vmem>>
      %dma_wait3A_143 = arith.constant 0 : i32
      %dma_wait3A_144 = arith.constant 0 : i32
      %dma_wait3A_145 = tpu.memref_slice %arg10[%dma_wait3A_143, %dma_wait3A_144] : memref<10240x128xf32, #tpu.memory_space<vmem_shared>> -> memref<10240x128xf32, #tpu.memory_space<vmem_shared>>
      tpu.wait_indirect_dma semaphore(%arg13 : memref<!tpu.dma_semaphore, #tpu.memory_space<semaphore_mem>>) src(%arg8 : memref<128x128xf32, #tpu.memory_space<vmem>>) dst(%dma_wait3A_145 : memref<10240x128xf32, #tpu.memory_space<vmem_shared>>)
      %dma_wait3A_146 = arith.constant 39 : i32
      %dma_wait3A_147 = arith.constant 0 : i32
      %dma_wait3A_148 = tpu.memref_slice %arg7[%dma_wait3A_146, %dma_wait3A_147] : memref<40x128xi32, #tpu.memory_space<vmem>> -> memref<1x128xi32, #tpu.memory_space<vmem>>
      %dma_wait3A_149 = tpu.memref_squeeze %dma_wait3A_148 : memref<1x128xi32, #tpu.memory_space<vmem>> -> memref<128xi32, #tpu.memory_space<vmem>>
      %dma_wait3A_150 = arith.constant 0 : i32
      %dma_wait3A_151 = arith.constant 0 : i32
      %dma_wait3A_152 = tpu.memref_slice %arg10[%dma_wait3A_150, %dma_wait3A_151] : memref<10240x128xf32, #tpu.memory_space<vmem_shared>> -> memref<10240x128xf32, #tpu.memory_space<vmem_shared>>
      tpu.wait_indirect_dma semaphore(%arg14 : memref<!tpu.dma_semaphore, #tpu.memory_space<semaphore_mem>>) src(%arg9 : memref<128x128xf32, #tpu.memory_space<vmem>>) dst(%dma_wait3A_152 : memref<10240x128xf32, #tpu.memory_space<vmem_shared>>)
    }
    %scan3A_70 = arith.constant 2 : i32
    %barrier3A_71 = arith.constant 0 : index
    tpu.barrier barrier_id(%barrier3A_71)
    %mul3A_72 = arith.constant 640 : i32
    %mul3A_73 = arith.muli %arg1, %mul3A_72 : i32
    %mul3A_74 = arith.constant 3 : i32
    %mul3A_75 = arith.muli %arg0, %mul3A_74 : i32
    %add3A_76 = arith.constant 2 : i32
    %add3A_77 = arith.addi %mul3A_75, %add3A_76 : i32
    %mul3A_78 = arith.constant 10240 : i32
    %mul3A_79 = arith.muli %add3A_77, %mul3A_78 : i32
    %mul3A_80 = arith.constant 640 : i32
    %mul3A_81 = arith.muli %arg1, %mul3A_80 : i32
    %add3A_82 = arith.addi %mul3A_79, %mul3A_81 : i32
    "tpu.region"() ({
      %run_scoped3A = tpu.sem_alloc : memref<!tpu.dma_semaphore, #tpu.memory_space<semaphore_mem>>
      %dma_start3A = arith.constant 0 : i32
      %dma_start3A_83 = tpu.memref_slice %arg5[%add3A_82, %dma_start3A] : memref<61440x128xf32, #tpu.memory_space<hbm>> -> memref<640x128xf32, #tpu.memory_space<hbm>>
      %dma_start3A_84 = arith.constant 0 : i32
      %dma_start3A_85 = tpu.memref_slice %arg10[%mul3A_73, %dma_start3A_84] : memref<10240x128xf32, #tpu.memory_space<vmem_shared>> -> memref<640x128xf32, #tpu.memory_space<vmem_shared>>
      tpu.enqueue_dma source(%dma_start3A_85 : memref<640x128xf32, #tpu.memory_space<vmem_shared>>) target(%dma_start3A_83 : memref<640x128xf32, #tpu.memory_space<hbm>>) target_semaphore(%run_scoped3A : memref<!tpu.dma_semaphore, #tpu.memory_space<semaphore_mem>>)
      %dma_wait3A = arith.constant 0 : i32
      %dma_wait3A_86 = tpu.memref_slice %arg5[%add3A_82, %dma_wait3A] : memref<61440x128xf32, #tpu.memory_space<hbm>> -> memref<640x128xf32, #tpu.memory_space<hbm>>
      %dma_wait3A_87 = arith.constant 0 : i32
      %dma_wait3A_88 = tpu.memref_slice %arg10[%mul3A_73, %dma_wait3A_87] : memref<10240x128xf32, #tpu.memory_space<vmem_shared>> -> memref<640x128xf32, #tpu.memory_space<vmem_shared>>
      tpu.wait_dma2 semaphore(%run_scoped3A : memref<!tpu.dma_semaphore, #tpu.memory_space<semaphore_mem>>) src(%dma_wait3A_88 : memref<640x128xf32, #tpu.memory_space<vmem_shared>>) dst(%dma_wait3A_86 : memref<640x128xf32, #tpu.memory_space<hbm>>)
      tpu.yield
    }) : () -> ()
    return
  }
}

module attributes {stable_mosaic.version = 14 : i64} {
  func.func @body(%arg0: i32, %arg1: memref<256x128xf32, #tpu.memory_space<vmem>>, %arg2: memref<2x8x256xf32, #tpu.memory_space<vmem>>, %arg3: memref<3x256x128xf32, #tpu.memory_space<vmem>>, %arg4: memref<8x256xf32, #tpu.memory_space<vmem>>) attributes {dimension_semantics = [#tpu.dimension_semantics<arbitrary>], iteration_bounds = array<i64: 40>, scalar_prefetch = 0 : i64, scratch_operands = 0 : i64, tpu.core_type = #tpu.core_type<tc>, window_params = [{transform_indices = @transform_0, window_bounds = array<i64: 256, 128>}, {transform_indices = @transform_1, window_bounds = array<i64: 2, 8, 256>}, {transform_indices = @transform_2, window_bounds = array<i64: 3, 256, 128>}, {transform_indices = @transform_3, window_bounds = array<i64: 8, 256>}]} {
    %get3A = arith.constant 0 : index
    %get3A_0 = arith.constant 0 : index
    %get3A_1 = arith.constant 0 : index
    %get3A_2 = vector.load %arg2[%get3A, %get3A_0, %get3A_1] : memref<2x8x256xf32, #tpu.memory_space<vmem>>, vector<1x8x256xf32>
    %get3A_3 = vector.shape_cast %get3A_2 : vector<1x8x256xf32> to vector<8x256xf32>
    %get3A_4 = arith.constant 1 : index
    %get3A_5 = arith.constant 0 : index
    %get3A_6 = arith.constant 0 : index
    %get3A_7 = vector.load %arg2[%get3A_4, %get3A_5, %get3A_6] : memref<2x8x256xf32, #tpu.memory_space<vmem>>, vector<1x8x256xf32>
    %get3A_8 = vector.shape_cast %get3A_7 : vector<1x8x256xf32> to vector<8x256xf32>
    %add3A = arith.addf %get3A_3, %get3A_8 : vector<8x256xf32>
    %max3A = arith.constant 1.000000e+00 : f32
    %max3A_9 = vector.broadcast %max3A : f32 to vector<8x256xf32>
    %max3A_10 = arith.maximumf %add3A, %max3A_9 : vector<8x256xf32>
    %rsqrt3A = math.rsqrt %max3A_10 : vector<8x256xf32>
    %swap3A = arith.constant 0 : index
    %swap3A_11 = arith.constant 0 : index
    %swap3A_12 = vector.load %arg4[%swap3A, %swap3A_11] : memref<8x256xf32, #tpu.memory_space<vmem>>, vector<8x256xf32>
    tpu.vector_store %arg4[%swap3A, %swap3A_11], %rsqrt3A {strides = array<i32>} : memref<8x256xf32, #tpu.memory_space<vmem>>, vector<8x256xf32>,
    %get3A_13 = arith.constant 0 : index
    %get3A_14 = arith.constant 0 : index
    %get3A_15 = vector.load %arg1[%get3A_13, %get3A_14] : memref<256x128xf32, #tpu.memory_space<vmem>>, vector<256x128xf32>
    %slice3A = vector.extract_strided_slice %rsqrt3A {offsets = [0, 0], sizes = [1, 256], strides = [1, 1]} : vector<8x256xf32> to vector<1x256xf32>
    %squeeze3A = vector.shape_cast %slice3A : vector<1x256xf32> to vector<256xf32>
    %broadcast_in_dim3A = vector.shape_cast %squeeze3A : vector<256xf32> to vector<256x1xf32>
    %mul3A = vector.broadcast %broadcast_in_dim3A : vector<256x1xf32> to vector<256x128xf32>
    %mul3A_16 = arith.mulf %get3A_15, %mul3A : vector<256x128xf32>
    %slice3A_17 = vector.extract_strided_slice %rsqrt3A {offsets = [1, 0], sizes = [1, 256], strides = [1, 1]} : vector<8x256xf32> to vector<1x256xf32>
    %squeeze3A_18 = vector.shape_cast %slice3A_17 : vector<1x256xf32> to vector<256xf32>
    %broadcast_in_dim3A_19 = vector.shape_cast %squeeze3A_18 : vector<256xf32> to vector<256x1xf32>
    %mul3A_20 = vector.broadcast %broadcast_in_dim3A_19 : vector<256x1xf32> to vector<256x128xf32>
    %mul3A_21 = arith.mulf %get3A_15, %mul3A_20 : vector<256x128xf32>
    %slice3A_22 = vector.extract_strided_slice %rsqrt3A {offsets = [2, 0], sizes = [1, 256], strides = [1, 1]} : vector<8x256xf32> to vector<1x256xf32>
    %squeeze3A_23 = vector.shape_cast %slice3A_22 : vector<1x256xf32> to vector<256xf32>
    %broadcast_in_dim3A_24 = vector.shape_cast %squeeze3A_23 : vector<256xf32> to vector<256x1xf32>
    %mul3A_25 = vector.broadcast %broadcast_in_dim3A_24 : vector<256x1xf32> to vector<256x128xf32>
    %mul3A_26 = arith.mulf %get3A_15, %mul3A_25 : vector<256x128xf32>
    %stack3A = vector.shape_cast %mul3A_16 : vector<256x128xf32> to vector<1x256x128xf32>
    %stack3A_27 = vector.shape_cast %mul3A_21 : vector<256x128xf32> to vector<1x256x128xf32>
    %stack3A_28 = vector.shape_cast %mul3A_26 : vector<256x128xf32> to vector<1x256x128xf32>
    %stack3A_29 = tpu.concatenate %stack3A, %stack3A_27, %stack3A_28 in 0 : vector<1x256x128xf32>, vector<1x256x128xf32>, vector<1x256x128xf32> -> vector<3x256x128xf32>
    %swap3A_30 = arith.constant 0 : index
    %swap3A_31 = arith.constant 0 : index
    %swap3A_32 = arith.constant 0 : index
    %swap3A_33 = vector.load %arg3[%swap3A_30, %swap3A_31, %swap3A_32] : memref<3x256x128xf32, #tpu.memory_space<vmem>>, vector<3x256x128xf32>
    tpu.vector_store %arg3[%swap3A_30, %swap3A_31, %swap3A_32], %stack3A_29 {strides = array<i32>} : memref<3x256x128xf32, #tpu.memory_space<vmem>>, vector<3x256x128xf32>,
    return
  }
  func.func @transform_0(%arg0: i32) -> (i32, i32) {
    %c0_i32 = arith.constant 0 : i32
    %c0_i32_0 = arith.constant 0 : i32
    return %arg0, %c0_i32 : i32, i32
  }
  func.func @transform_1(%arg0: i32) -> (i32, i32, i32) {
    %c0_i32 = arith.constant 0 : i32
    %c0_i32_0 = arith.constant 0 : i32
    %c0_i32_1 = arith.constant 0 : i32
    return %c0_i32, %c0_i32_0, %arg0 : i32, i32, i32
  }
  func.func @transform_2(%arg0: i32) -> (i32, i32, i32) {
    %c0_i32 = arith.constant 0 : i32
    %c0_i32_0 = arith.constant 0 : i32
    %c0_i32_1 = arith.constant 0 : i32
    return %c0_i32, %arg0, %c0_i32_0 : i32, i32, i32
  }
  func.func @transform_3(%arg0: i32) -> (i32, i32) {
    %c0_i32 = arith.constant 0 : i32
    %c0_i32_0 = arith.constant 0 : i32
    return %c0_i32, %arg0 : i32, i32
  }
}

module attributes {stable_mosaic.version = 14 : i64} {
  func.func @body(%arg0: i32, %arg1: i32, %arg2: memref<2x3x256x128xf32, #tpu.memory_space<vmem>>, %arg3: memref<8x256xf32, #tpu.memory_space<vmem>>, %arg4: memref<3x128x128xf32, #tpu.memory_space<vmem>>, %arg5: memref<8x128xf32, #tpu.memory_space<vmem>>, %arg6: memref<128x128xf32, #tpu.memory_space<vmem>>, %arg7: memref<3x256x128xf32, #tpu.memory_space<vmem>>, %arg8: memref<10240x128xf32, #tpu.memory_space<vmem>>, %arg9: memref<8x128xf32, #tpu.memory_space<vmem>>) attributes {dimension_semantics = [#tpu.dimension_semantics<arbitrary>, #tpu.dimension_semantics<arbitrary>], iteration_bounds = array<i64: 2, 40>, scalar_prefetch = 0 : i64, scratch_operands = 2 : i64, tpu.core_type = #tpu.core_type<tc>, window_params = [{transform_indices = @transform_0, window_bounds = array<i64: 2, 3, 256, 128>}, {transform_indices = @transform_1, window_bounds = array<i64: 8, 256>}, {pipeline_mode = #tpu.pipeline_mode<synchronous>, transform_indices = @transform_2, window_bounds = array<i64: 3, 128, 128>}, {pipeline_mode = #tpu.pipeline_mode<synchronous>, transform_indices = @transform_3, window_bounds = array<i64: 8, 128>}, {pipeline_mode = #tpu.pipeline_mode<synchronous>, transform_indices = @transform_4, window_bounds = array<i64: 128, 128>}, {transform_indices = @transform_5, window_bounds = array<i64: 3, 256, 128>}]} {
    %mul3A = arith.constant 256 : i32
    %mul3A_0 = arith.muli %arg1, %mul3A : i32
    %iota3A = tpu.iota {dimensions = array<i32: 0>} : vector<256x1xi32>
    %add3A = vector.broadcast %mul3A_0 : i32 to vector<256x1xi32>
    %add3A_1 = arith.addi %add3A, %iota3A : vector<256x1xi32>
    %eq3A = arith.constant 0 : i32
    %eq3A_2 = arith.cmpi eq, %arg0, %eq3A : i32
    %convert_element_type3A = arith.extui %eq3A_2 : i1 to i32
    %cond3A = arith.constant 0 : i32
    %cond3A_3 = arith.cmpi ne, %convert_element_type3A, %cond3A : i32
    scf.if %cond3A_3 {
      %get3A = arith.constant 0 : index
      %get3A_9 = arith.constant 0 : index
      %get3A_10 = arith.constant 0 : index
      %get3A_11 = arith.constant 0 : index
      %get3A_12 = vector.load %arg2[%get3A, %get3A_9, %get3A_10, %get3A_11] : memref<2x3x256x128xf32, #tpu.memory_space<vmem>>, vector<2x3x256x128xf32>
      %get3A_13 = arith.constant 0 : index
      %get3A_14 = arith.constant 0 : index
      %get3A_15 = vector.load %arg3[%get3A_13, %get3A_14] : memref<8x256xf32, #tpu.memory_space<vmem>>, vector<8x256xf32>
      %broadcast_in_dim3A = arith.constant 0.000000e+00 : f32
      %broadcast_in_dim3A_16 = vector.broadcast %broadcast_in_dim3A : f32 to vector<256x128xf32>
      %slice3A = vector.extract_strided_slice %get3A_12 {offsets = [0, 0, 0, 0], sizes = [1, 1, 256, 128], strides = [1, 1, 1, 1]} : vector<2x3x256x128xf32> to vector<1x1x256x128xf32>
      %squeeze3A = vector.shape_cast %slice3A : vector<1x1x256x128xf32> to vector<256x128xf32>
      %slice3A_17 = vector.extract_strided_slice %get3A_12 {offsets = [1, 0, 0, 0], sizes = [1, 1, 256, 128], strides = [1, 1, 1, 1]} : vector<2x3x256x128xf32> to vector<1x1x256x128xf32>
      %squeeze3A_18 = vector.shape_cast %slice3A_17 : vector<1x1x256x128xf32> to vector<256x128xf32>
      %add3A_19 = arith.addf %squeeze3A, %squeeze3A_18 : vector<256x128xf32>
      %slice3A_20 = vector.extract_strided_slice %get3A_15 {offsets = [3, 0], sizes = [1, 256], strides = [1, 1]} : vector<8x256xf32> to vector<1x256xf32>
      %squeeze3A_21 = vector.shape_cast %slice3A_20 : vector<1x256xf32> to vector<256xf32>
      %broadcast_in_dim3A_22 = vector.shape_cast %squeeze3A_21 : vector<256xf32> to vector<256x1xf32>
      %mul3A_23 = vector.broadcast %broadcast_in_dim3A_22 : vector<256x1xf32> to vector<256x128xf32>
      %mul3A_24 = arith.mulf %add3A_19, %mul3A_23 : vector<256x128xf32>
      %get3A_25 = arith.constant 0 : index
      %get3A_26 = arith.constant 0 : index
      %get3A_27 = arith.constant 0 : index
      %get3A_28 = vector.load %arg4[%get3A_25, %get3A_26, %get3A_27] : memref<3x128x128xf32, #tpu.memory_space<vmem>>, vector<1x128x128xf32>
      %get3A_29 = vector.shape_cast %get3A_28 : vector<1x128x128xf32> to vector<128x128xf32>
      %dot_general3A = arith.constant dense<0.000000e+00> : vector<256x128xf32>
      %dot_general3A_30 = tpu.matmul %mul3A_24, %get3A_29, %dot_general3A {dimension_numbers = #tpu.dot_dimension_numbers<[1], [0], [0], [1], [0, 0, 1, 1], [], []>, precision = #tpu.contract_precision<fp32>, transpose_lhs_hint = false} : vector<256x128xf32>, vector<128x128xf32>, vector<256x128xf32> -> vector<256x128xf32>
      %add3A_31 = arith.addf %broadcast_in_dim3A_16, %dot_general3A_30 : vector<256x128xf32>
      %slice3A_32 = vector.extract_strided_slice %get3A_12 {offsets = [0, 1, 0, 0], sizes = [1, 1, 256, 128], strides = [1, 1, 1, 1]} : vector<2x3x256x128xf32> to vector<1x1x256x128xf32>
      %squeeze3A_33 = vector.shape_cast %slice3A_32 : vector<1x1x256x128xf32> to vector<256x128xf32>
      %slice3A_34 = vector.extract_strided_slice %get3A_12 {offsets = [1, 1, 0, 0], sizes = [1, 1, 256, 128], strides = [1, 1, 1, 1]} : vector<2x3x256x128xf32> to vector<1x1x256x128xf32>
      %squeeze3A_35 = vector.shape_cast %slice3A_34 : vector<1x1x256x128xf32> to vector<256x128xf32>
      %add3A_36 = arith.addf %squeeze3A_33, %squeeze3A_35 : vector<256x128xf32>
      %slice3A_37 = vector.extract_strided_slice %get3A_15 {offsets = [4, 0], sizes = [1, 256], strides = [1, 1]} : vector<8x256xf32> to vector<1x256xf32>
      %squeeze3A_38 = vector.shape_cast %slice3A_37 : vector<1x256xf32> to vector<256xf32>
      %broadcast_in_dim3A_39 = vector.shape_cast %squeeze3A_38 : vector<256xf32> to vector<256x1xf32>
      %mul3A_40 = vector.broadcast %broadcast_in_dim3A_39 : vector<256x1xf32> to vector<256x128xf32>
      %mul3A_41 = arith.mulf %add3A_36, %mul3A_40 : vector<256x128xf32>
      %get3A_42 = arith.constant 1 : index
      %get3A_43 = arith.constant 0 : index
      %get3A_44 = arith.constant 0 : index
      %get3A_45 = vector.load %arg4[%get3A_42, %get3A_43, %get3A_44] : memref<3x128x128xf32, #tpu.memory_space<vmem>>, vector<1x128x128xf32>
      %get3A_46 = vector.shape_cast %get3A_45 : vector<1x128x128xf32> to vector<128x128xf32>
      %dot_general3A_47 = arith.constant dense<0.000000e+00> : vector<256x128xf32>
      %dot_general3A_48 = tpu.matmul %mul3A_41, %get3A_46, %dot_general3A_47 {dimension_numbers = #tpu.dot_dimension_numbers<[1], [0], [0], [1], [0, 0, 1, 1], [], []>, precision = #tpu.contract_precision<fp32>, transpose_lhs_hint = false} : vector<256x128xf32>, vector<128x128xf32>, vector<256x128xf32> -> vector<256x128xf32>
      %add3A_49 = arith.addf %add3A_31, %dot_general3A_48 : vector<256x128xf32>
      %slice3A_50 = vector.extract_strided_slice %get3A_12 {offsets = [0, 2, 0, 0], sizes = [1, 1, 256, 128], strides = [1, 1, 1, 1]} : vector<2x3x256x128xf32> to vector<1x1x256x128xf32>
      %squeeze3A_51 = vector.shape_cast %slice3A_50 : vector<1x1x256x128xf32> to vector<256x128xf32>
      %slice3A_52 = vector.extract_strided_slice %get3A_12 {offsets = [1, 2, 0, 0], sizes = [1, 1, 256, 128], strides = [1, 1, 1, 1]} : vector<2x3x256x128xf32> to vector<1x1x256x128xf32>
      %squeeze3A_53 = vector.shape_cast %slice3A_52 : vector<1x1x256x128xf32> to vector<256x128xf32>
      %add3A_54 = arith.addf %squeeze3A_51, %squeeze3A_53 : vector<256x128xf32>
      %slice3A_55 = vector.extract_strided_slice %get3A_15 {offsets = [5, 0], sizes = [1, 256], strides = [1, 1]} : vector<8x256xf32> to vector<1x256xf32>
      %squeeze3A_56 = vector.shape_cast %slice3A_55 : vector<1x256xf32> to vector<256xf32>
      %broadcast_in_dim3A_57 = vector.shape_cast %squeeze3A_56 : vector<256xf32> to vector<256x1xf32>
      %mul3A_58 = vector.broadcast %broadcast_in_dim3A_57 : vector<256x1xf32> to vector<256x128xf32>
      %mul3A_59 = arith.mulf %add3A_54, %mul3A_58 : vector<256x128xf32>
      %get3A_60 = arith.constant 2 : index
      %get3A_61 = arith.constant 0 : index
      %get3A_62 = arith.constant 0 : index
      %get3A_63 = vector.load %arg4[%get3A_60, %get3A_61, %get3A_62] : memref<3x128x128xf32, #tpu.memory_space<vmem>>, vector<1x128x128xf32>
      %get3A_64 = vector.shape_cast %get3A_63 : vector<1x128x128xf32> to vector<128x128xf32>
      %dot_general3A_65 = arith.constant dense<0.000000e+00> : vector<256x128xf32>
      %dot_general3A_66 = tpu.matmul %mul3A_59, %get3A_64, %dot_general3A_65 {dimension_numbers = #tpu.dot_dimension_numbers<[1], [0], [0], [1], [0, 0, 1, 1], [], []>, precision = #tpu.contract_precision<fp32>, transpose_lhs_hint = false} : vector<256x128xf32>, vector<128x128xf32>, vector<256x128xf32> -> vector<256x128xf32>
      %add3A_67 = arith.addf %add3A_49, %dot_general3A_66 : vector<256x128xf32>
      %get3A_68 = arith.constant 0 : index
      %get3A_69 = arith.constant 0 : index
      %get3A_70 = vector.load %arg5[%get3A_68, %get3A_69] : memref<8x128xf32, #tpu.memory_space<vmem>>, vector<1x128xf32>
      %get3A_71 = vector.shape_cast %get3A_70 : vector<1x128xf32> to vector<128xf32>
      %get3A_72 = arith.constant 1 : index
      %get3A_73 = arith.constant 0 : index
      %get3A_74 = vector.load %arg5[%get3A_72, %get3A_73] : memref<8x128xf32, #tpu.memory_space<vmem>>, vector<1x128xf32>
      %get3A_75 = vector.shape_cast %get3A_74 : vector<1x128xf32> to vector<128xf32>
      %add3A_76 = arith.addf %get3A_71, %get3A_75 : vector<128xf32>
      %get3A_77 = arith.constant 2 : index
      %get3A_78 = arith.constant 0 : index
      %get3A_79 = vector.load %arg5[%get3A_77, %get3A_78] : memref<8x128xf32, #tpu.memory_space<vmem>>, vector<1x128xf32>
      %get3A_80 = vector.shape_cast %get3A_79 : vector<1x128xf32> to vector<128xf32>
      %add3A_81 = arith.addf %add3A_76, %get3A_80 : vector<128xf32>
      %broadcast_in_dim3A_82 = vector.shape_cast %add3A_81 : vector<128xf32> to vector<1x128xf32>
      %add3A_83 = vector.broadcast %broadcast_in_dim3A_82 : vector<1x128xf32> to vector<256x128xf32>
      %add3A_84 = arith.addf %add3A_67, %add3A_83 : vector<256x128xf32>
      %get3A_85 = arith.constant 0 : index
      %get3A_86 = arith.constant 0 : index
      %get3A_87 = vector.load %arg6[%get3A_85, %get3A_86] : memref<128x128xf32, #tpu.memory_space<vmem>>, vector<128x128xf32>
      %dot_general3A_88 = arith.constant dense<0.000000e+00> : vector<256x128xf32>
      %dot_general3A_89 = tpu.matmul %add3A_84, %get3A_87, %dot_general3A_88 {dimension_numbers = #tpu.dot_dimension_numbers<[1], [0], [0], [1], [0, 0, 1, 1], [], []>, precision = #tpu.contract_precision<fp32>, transpose_lhs_hint = false} : vector<256x128xf32>, vector<128x128xf32>, vector<256x128xf32> -> vector<256x128xf32>
      %get3A_90 = arith.constant 3 : index
      %get3A_91 = arith.constant 0 : index
      %get3A_92 = vector.load %arg5[%get3A_90, %get3A_91] : memref<8x128xf32, #tpu.memory_space<vmem>>, vector<1x128xf32>
      %get3A_93 = vector.shape_cast %get3A_92 : vector<1x128xf32> to vector<128xf32>
      %broadcast_in_dim3A_94 = vector.shape_cast %get3A_93 : vector<128xf32> to vector<1x128xf32>
      %add3A_95 = vector.broadcast %broadcast_in_dim3A_94 : vector<1x128xf32> to vector<256x128xf32>
      %add3A_96 = arith.addf %dot_general3A_89, %add3A_95 : vector<256x128xf32>
      %max3A = arith.constant 0.000000e+00 : f32
      %max3A_97 = vector.broadcast %max3A : f32 to vector<256x128xf32>
      %max3A_98 = arith.maximumf %add3A_96, %max3A_97 : vector<256x128xf32>
      %lt3A = arith.constant 10000 : i32
      %lt3A_99 = vector.broadcast %lt3A : i32 to vector<256x1xi32>
      %lt3A_100 = arith.cmpi slt, %add3A_1, %lt3A_99 : vector<256x1xi32>
      %jit3A = arith.constant 0.000000e+00 : f32
      %broadcast_in_dim3A_101 = vector.shape_cast %lt3A_100 : vector<256x1xi1> to vector<256x1xi1>
      %broadcast_in_dim3A_102 = vector.broadcast %broadcast_in_dim3A_101 : vector<256x1xi1> to vector<256x128xi1>
      %broadcast_in_dim3A_103 = vector.broadcast %jit3A : f32 to vector<256x128xf32>
      %select_n3A = arith.select %broadcast_in_dim3A_102, %max3A_98, %broadcast_in_dim3A_103 : vector<256x128xi1>, vector<256x128xf32>
      %mul3A_104 = arith.constant 256 : i32
      %mul3A_105 = arith.muli %arg1, %mul3A_104 : i32
      %swap3A = arith.index_cast %mul3A_105 : i32 to index
      %swap3A_106 = arith.constant 0 : index
      %swap3A_107 = vector.load %arg8[%swap3A, %swap3A_106] : memref<10240x128xf32, #tpu.memory_space<vmem>>, vector<256x128xf32>
      tpu.vector_store %arg8[%swap3A, %swap3A_106], %select_n3A {strides = array<i32>} : memref<10240x128xf32, #tpu.memory_space<vmem>>, vector<256x128xf32>,
      %eq3A_108 = arith.constant 0 : i32
      %eq3A_109 = arith.cmpi eq, %arg1, %eq3A_108 : i32
      %convert_element_type3A_110 = arith.extui %eq3A_109 : i1 to i32
      %cond3A_111 = arith.constant 0 : i32
      %cond3A_112 = arith.cmpi ne, %convert_element_type3A_110, %cond3A_111 : i32
      scf.if %cond3A_112 {
        %broadcast_in_dim3A_134 = arith.constant 0.000000e+00 : f32
        %broadcast_in_dim3A_135 = vector.broadcast %broadcast_in_dim3A_134 : f32 to vector<8x128xf32>
        %swap3A_136 = arith.constant 0 : index
        %swap3A_137 = arith.constant 0 : index
        %swap3A_138 = vector.load %arg9[%swap3A_136, %swap3A_137] : memref<8x128xf32, #tpu.memory_space<vmem>>, vector<8x128xf32>
        tpu.vector_store %arg9[%swap3A_136, %swap3A_137], %broadcast_in_dim3A_135 {strides = array<i32>} : memref<8x128xf32, #tpu.memory_space<vmem>>, vector<8x128xf32>,
      } else {
      }
      %get3A_113 = arith.constant 0 : index
      %get3A_114 = arith.constant 0 : index
      %get3A_115 = vector.load %arg9[%get3A_113, %get3A_114] : memref<8x128xf32, #tpu.memory_space<vmem>>, vector<8x128xf32>
      %reduce_sum3A = arith.constant dense<0.000000e+00> : vector<128xf32>
      %reduce_sum3A_116 = vector.multi_reduction <add>, %select_n3A, %reduce_sum3A [0] : vector<256x128xf32> to vector<128xf32>
      %broadcast_in_dim3A_117 = vector.shape_cast %reduce_sum3A_116 : vector<128xf32> to vector<1x128xf32>
      %mul3A_118 = arith.mulf %select_n3A, %select_n3A : vector<256x128xf32>
      %reduce_sum3A_119 = arith.constant dense<0.000000e+00> : vector<128xf32>
      %reduce_sum3A_120 = vector.multi_reduction <add>, %mul3A_118, %reduce_sum3A_119 [0] : vector<256x128xf32> to vector<128xf32>
      %broadcast_in_dim3A_121 = vector.shape_cast %reduce_sum3A_120 : vector<128xf32> to vector<1x128xf32>
      %broadcast_in_dim3A_122 = arith.constant 0.000000e+00 : f32
      %broadcast_in_dim3A_123 = vector.broadcast %broadcast_in_dim3A_122 : f32 to vector<6x128xf32>
      %concatenate3A = tpu.concatenate %broadcast_in_dim3A_117, %broadcast_in_dim3A_121, %broadcast_in_dim3A_123 in 0 : vector<1x128xf32>, vector<1x128xf32>, vector<6x128xf32> -> vector<8x128xf32>
      %add3A_124 = arith.addf %get3A_115, %concatenate3A : vector<8x128xf32>
      %swap3A_125 = arith.constant 0 : index
      %swap3A_126 = arith.constant 0 : index
      %swap3A_127 = vector.load %arg9[%swap3A_125, %swap3A_126] : memref<8x128xf32, #tpu.memory_space<vmem>>, vector<8x128xf32>
      tpu.vector_store %arg9[%swap3A_125, %swap3A_126], %add3A_124 {strides = array<i32>} : memref<8x128xf32, #tpu.memory_space<vmem>>, vector<8x128xf32>,
      %broadcast_in_dim3A_128 = arith.constant 0.000000e+00 : f32
      %broadcast_in_dim3A_129 = vector.broadcast %broadcast_in_dim3A_128 : f32 to vector<3x256x128xf32>
      %swap3A_130 = arith.constant 0 : index
      %swap3A_131 = arith.constant 0 : index
      %swap3A_132 = arith.constant 0 : index
      %swap3A_133 = vector.load %arg7[%swap3A_130, %swap3A_131, %swap3A_132] : memref<3x256x128xf32, #tpu.memory_space<vmem>>, vector<3x256x128xf32>
      tpu.vector_store %arg7[%swap3A_130, %swap3A_131, %swap3A_132], %broadcast_in_dim3A_129 {strides = array<i32>} : memref<3x256x128xf32, #tpu.memory_space<vmem>>, vector<3x256x128xf32>,
    } else {
    }
    %eq3A_4 = arith.constant 1 : i32
    %eq3A_5 = arith.cmpi eq, %arg0, %eq3A_4 : i32
    %convert_element_type3A_6 = arith.extui %eq3A_5 : i1 to i32
    %cond3A_7 = arith.constant 0 : i32
    %cond3A_8 = arith.cmpi ne, %convert_element_type3A_6, %cond3A_7 : i32
    scf.if %cond3A_8 {
      %get3A = arith.constant 0 : index
      %get3A_9 = arith.constant 0 : index
      %get3A_10 = vector.load %arg9[%get3A, %get3A_9] : memref<8x128xf32, #tpu.memory_space<vmem>>, vector<1x128xf32>
      %get3A_11 = vector.shape_cast %get3A_10 : vector<1x128xf32> to vector<128xf32>
      %div3A = arith.constant 1.000000e+04 : f32
      %div3A_12 = vector.broadcast %div3A : f32 to vector<128xf32>
      %div3A_13 = arith.divf %get3A_11, %div3A_12 : vector<128xf32>
      %get3A_14 = arith.constant 1 : index
      %get3A_15 = arith.constant 0 : index
      %get3A_16 = vector.load %arg9[%get3A_14, %get3A_15] : memref<8x128xf32, #tpu.memory_space<vmem>>, vector<1x128xf32>
      %get3A_17 = vector.shape_cast %get3A_16 : vector<1x128xf32> to vector<128xf32>
      %div3A_18 = arith.constant 1.000000e+04 : f32
      %div3A_19 = vector.broadcast %div3A_18 : f32 to vector<128xf32>
      %div3A_20 = arith.divf %get3A_17, %div3A_19 : vector<128xf32>
      %mul3A_21 = arith.mulf %div3A_13, %div3A_13 : vector<128xf32>
      %sub3A = arith.subf %div3A_20, %mul3A_21 : vector<128xf32>
      %add3A_22 = arith.constant 9.99999974E-6 : f32
      %add3A_23 = vector.broadcast %add3A_22 : f32 to vector<128xf32>
      %add3A_24 = arith.addf %sub3A, %add3A_23 : vector<128xf32>
      %rsqrt3A = math.rsqrt %add3A_24 : vector<128xf32>
      %get3A_25 = arith.constant 4 : index
      %get3A_26 = arith.constant 0 : index
      %get3A_27 = vector.load %arg5[%get3A_25, %get3A_26] : memref<8x128xf32, #tpu.memory_space<vmem>>, vector<1x128xf32>
      %get3A_28 = vector.shape_cast %get3A_27 : vector<1x128xf32> to vector<128xf32>
      %mul3A_29 = arith.mulf %rsqrt3A, %get3A_28 : vector<128xf32>
      %mul3A_30 = arith.constant 256 : i32
      %mul3A_31 = arith.muli %arg1, %mul3A_30 : i32
      %get3A_32 = arith.index_cast %mul3A_31 : i32 to index
      %get3A_33 = arith.constant 0 : index
      %get3A_34 = vector.load %arg8[%get3A_32, %get3A_33] : memref<10240x128xf32, #tpu.memory_space<vmem>>, vector<256x128xf32>
      %broadcast_in_dim3A = vector.shape_cast %div3A_13 : vector<128xf32> to vector<1x128xf32>
      %sub3A_35 = vector.broadcast %broadcast_in_dim3A : vector<1x128xf32> to vector<256x128xf32>
      %sub3A_36 = arith.subf %get3A_34, %sub3A_35 : vector<256x128xf32>
      %broadcast_in_dim3A_37 = vector.shape_cast %mul3A_29 : vector<128xf32> to vector<1x128xf32>
      %mul3A_38 = vector.broadcast %broadcast_in_dim3A_37 : vector<1x128xf32> to vector<256x128xf32>
      %mul3A_39 = arith.mulf %sub3A_36, %mul3A_38 : vector<256x128xf32>
      %get3A_40 = arith.constant 5 : index
      %get3A_41 = arith.constant 0 : index
      %get3A_42 = vector.load %arg5[%get3A_40, %get3A_41] : memref<8x128xf32, #tpu.memory_space<vmem>>, vector<1x128xf32>
      %get3A_43 = vector.shape_cast %get3A_42 : vector<1x128xf32> to vector<128xf32>
      %broadcast_in_dim3A_44 = vector.shape_cast %get3A_43 : vector<128xf32> to vector<1x128xf32>
      %add3A_45 = vector.broadcast %broadcast_in_dim3A_44 : vector<1x128xf32> to vector<256x128xf32>
      %add3A_46 = arith.addf %mul3A_39, %add3A_45 : vector<256x128xf32>
      %lt3A = arith.constant 10000 : i32
      %lt3A_47 = vector.broadcast %lt3A : i32 to vector<256x1xi32>
      %lt3A_48 = arith.cmpi slt, %add3A_1, %lt3A_47 : vector<256x1xi32>
      %jit3A = arith.constant 0.000000e+00 : f32
      %broadcast_in_dim3A_49 = vector.shape_cast %lt3A_48 : vector<256x1xi1> to vector<256x1xi1>
      %broadcast_in_dim3A_50 = vector.broadcast %broadcast_in_dim3A_49 : vector<256x1xi1> to vector<256x128xi1>
      %broadcast_in_dim3A_51 = vector.broadcast %jit3A : f32 to vector<256x128xf32>
      %select_n3A = arith.select %broadcast_in_dim3A_50, %add3A_46, %broadcast_in_dim3A_51 : vector<256x128xi1>, vector<256x128xf32>
      %get3A_52 = arith.constant 0 : index
      %get3A_53 = arith.constant 0 : index
      %get3A_54 = vector.load %arg3[%get3A_52, %get3A_53] : memref<8x256xf32, #tpu.memory_space<vmem>>, vector<8x256xf32>
      %slice3A = vector.extract_strided_slice %get3A_54 {offsets = [0, 0], sizes = [1, 256], strides = [1, 1]} : vector<8x256xf32> to vector<1x256xf32>
      %squeeze3A = vector.shape_cast %slice3A : vector<1x256xf32> to vector<256xf32>
      %broadcast_in_dim3A_55 = vector.shape_cast %squeeze3A : vector<256xf32> to vector<256x1xf32>
      %mul3A_56 = vector.broadcast %broadcast_in_dim3A_55 : vector<256x1xf32> to vector<256x128xf32>
      %mul3A_57 = arith.mulf %select_n3A, %mul3A_56 : vector<256x128xf32>
      %slice3A_58 = vector.extract_strided_slice %get3A_54 {offsets = [1, 0], sizes = [1, 256], strides = [1, 1]} : vector<8x256xf32> to vector<1x256xf32>
      %squeeze3A_59 = vector.shape_cast %slice3A_58 : vector<1x256xf32> to vector<256xf32>
      %broadcast_in_dim3A_60 = vector.shape_cast %squeeze3A_59 : vector<256xf32> to vector<256x1xf32>
      %mul3A_61 = vector.broadcast %broadcast_in_dim3A_60 : vector<256x1xf32> to vector<256x128xf32>
      %mul3A_62 = arith.mulf %select_n3A, %mul3A_61 : vector<256x128xf32>
      %slice3A_63 = vector.extract_strided_slice %get3A_54 {offsets = [2, 0], sizes = [1, 256], strides = [1, 1]} : vector<8x256xf32> to vector<1x256xf32>
      %squeeze3A_64 = vector.shape_cast %slice3A_63 : vector<1x256xf32> to vector<256xf32>
      %broadcast_in_dim3A_65 = vector.shape_cast %squeeze3A_64 : vector<256xf32> to vector<256x1xf32>
      %mul3A_66 = vector.broadcast %broadcast_in_dim3A_65 : vector<256x1xf32> to vector<256x128xf32>
      %mul3A_67 = arith.mulf %select_n3A, %mul3A_66 : vector<256x128xf32>
      %stack3A = vector.shape_cast %mul3A_57 : vector<256x128xf32> to vector<1x256x128xf32>
      %stack3A_68 = vector.shape_cast %mul3A_62 : vector<256x128xf32> to vector<1x256x128xf32>
      %stack3A_69 = vector.shape_cast %mul3A_67 : vector<256x128xf32> to vector<1x256x128xf32>
      %stack3A_70 = tpu.concatenate %stack3A, %stack3A_68, %stack3A_69 in 0 : vector<1x256x128xf32>, vector<1x256x128xf32>, vector<1x256x128xf32> -> vector<3x256x128xf32>
      %swap3A = arith.constant 0 : index
      %swap3A_71 = arith.constant 0 : index
      %swap3A_72 = arith.constant 0 : index
      %swap3A_73 = vector.load %arg7[%swap3A, %swap3A_71, %swap3A_72] : memref<3x256x128xf32, #tpu.memory_space<vmem>>, vector<3x256x128xf32>
      tpu.vector_store %arg7[%swap3A, %swap3A_71, %swap3A_72], %stack3A_70 {strides = array<i32>} : memref<3x256x128xf32, #tpu.memory_space<vmem>>, vector<3x256x128xf32>,
    } else {
    }
    return
  }
  func.func @transform_0(%arg0: i32, %arg1: i32) -> (i32, i32, i32, i32) {
    %sub3A = arith.constant 1 : i32
    %sub3A_0 = arith.subi %sub3A, %arg0 : i32
    %mul3A = arith.muli %arg1, %sub3A_0 : i32
    %c0_i32 = arith.constant 0 : i32
    %c0_i32_1 = arith.constant 0 : i32
    %c0_i32_2 = arith.constant 0 : i32
    %c0_i32_3 = arith.constant 0 : i32
    return %c0_i32, %c0_i32_1, %mul3A, %c0_i32_2 : i32, i32, i32, i32
  }
  func.func @transform_1(%arg0: i32, %arg1: i32) -> (i32, i32) {
    %c0_i32 = arith.constant 0 : i32
    %c0_i32_0 = arith.constant 0 : i32
    return %c0_i32, %arg1 : i32, i32
  }
  func.func @transform_2(%arg0: i32, %arg1: i32) -> (i32, i32, i32) {
    %c0_i32 = arith.constant 0 : i32
    %c0_i32_0 = arith.constant 0 : i32
    %c0_i32_1 = arith.constant 0 : i32
    %c0_i32_2 = arith.constant 0 : i32
    return %c0_i32, %c0_i32_0, %c0_i32_1 : i32, i32, i32
  }
  func.func @transform_3(%arg0: i32, %arg1: i32) -> (i32, i32) {
    %c0_i32 = arith.constant 0 : i32
    %c0_i32_0 = arith.constant 0 : i32
    %c0_i32_1 = arith.constant 0 : i32
    return %c0_i32, %c0_i32_0 : i32, i32
  }
  func.func @transform_4(%arg0: i32, %arg1: i32) -> (i32, i32) {
    %c0_i32 = arith.constant 0 : i32
    %c0_i32_0 = arith.constant 0 : i32
    %c0_i32_1 = arith.constant 0 : i32
    return %c0_i32, %c0_i32_0 : i32, i32
  }
  func.func @transform_5(%arg0: i32, %arg1: i32) -> (i32, i32, i32) {
    %c0_i32 = arith.constant 0 : i32
    %c0_i32_0 = arith.constant 0 : i32
    %c0_i32_1 = arith.constant 0 : i32
    return %c0_i32, %arg1, %c0_i32_0 : i32, i32, i32
  }
}

module attributes {stable_mosaic.version = 14 : i64} {
  func.func @body(%arg0: i32, %arg1: memref<2x3x256x128xf32, #tpu.memory_space<vmem>>, %arg2: memref<8x256xf32, #tpu.memory_space<vmem>>, %arg3: memref<3x128x128xf32, #tpu.memory_space<vmem>>, %arg4: memref<8x128xf32, #tpu.memory_space<vmem>>, %arg5: memref<128x128xf32, #tpu.memory_space<vmem>>, %arg6: memref<256x128xf32, #tpu.memory_space<vmem>>) attributes {dimension_semantics = [#tpu.dimension_semantics<arbitrary>], iteration_bounds = array<i64: 40>, scalar_prefetch = 0 : i64, scratch_operands = 0 : i64, tpu.core_type = #tpu.core_type<tc>, window_params = [{transform_indices = @transform_0, window_bounds = array<i64: 2, 3, 256, 128>}, {transform_indices = @transform_1, window_bounds = array<i64: 8, 256>}, {pipeline_mode = #tpu.pipeline_mode<synchronous>, transform_indices = @transform_2, window_bounds = array<i64: 3, 128, 128>}, {pipeline_mode = #tpu.pipeline_mode<synchronous>, transform_indices = @transform_3, window_bounds = array<i64: 8, 128>}, {pipeline_mode = #tpu.pipeline_mode<synchronous>, transform_indices = @transform_4, window_bounds = array<i64: 128, 128>}, {transform_indices = @transform_5, window_bounds = array<i64: 256, 128>}]} {
    %get3A = arith.constant 0 : index
    %get3A_0 = arith.constant 0 : index
    %get3A_1 = arith.constant 0 : index
    %get3A_2 = arith.constant 0 : index
    %get3A_3 = vector.load %arg1[%get3A, %get3A_0, %get3A_1, %get3A_2] : memref<2x3x256x128xf32, #tpu.memory_space<vmem>>, vector<2x3x256x128xf32>
    %get3A_4 = arith.constant 0 : index
    %get3A_5 = arith.constant 0 : index
    %get3A_6 = vector.load %arg2[%get3A_4, %get3A_5] : memref<8x256xf32, #tpu.memory_space<vmem>>, vector<8x256xf32>
    %broadcast_in_dim3A = arith.constant 0.000000e+00 : f32
    %broadcast_in_dim3A_7 = vector.broadcast %broadcast_in_dim3A : f32 to vector<256x128xf32>
    %slice3A = vector.extract_strided_slice %get3A_3 {offsets = [0, 0, 0, 0], sizes = [1, 1, 256, 128], strides = [1, 1, 1, 1]} : vector<2x3x256x128xf32> to vector<1x1x256x128xf32>
    %squeeze3A = vector.shape_cast %slice3A : vector<1x1x256x128xf32> to vector<256x128xf32>
    %slice3A_8 = vector.extract_strided_slice %get3A_3 {offsets = [1, 0, 0, 0], sizes = [1, 1, 256, 128], strides = [1, 1, 1, 1]} : vector<2x3x256x128xf32> to vector<1x1x256x128xf32>
    %squeeze3A_9 = vector.shape_cast %slice3A_8 : vector<1x1x256x128xf32> to vector<256x128xf32>
    %add3A = arith.addf %squeeze3A, %squeeze3A_9 : vector<256x128xf32>
    %slice3A_10 = vector.extract_strided_slice %get3A_6 {offsets = [3, 0], sizes = [1, 256], strides = [1, 1]} : vector<8x256xf32> to vector<1x256xf32>
    %squeeze3A_11 = vector.shape_cast %slice3A_10 : vector<1x256xf32> to vector<256xf32>
    %broadcast_in_dim3A_12 = vector.shape_cast %squeeze3A_11 : vector<256xf32> to vector<256x1xf32>
    %mul3A = vector.broadcast %broadcast_in_dim3A_12 : vector<256x1xf32> to vector<256x128xf32>
    %mul3A_13 = arith.mulf %add3A, %mul3A : vector<256x128xf32>
    %get3A_14 = arith.constant 0 : index
    %get3A_15 = arith.constant 0 : index
    %get3A_16 = arith.constant 0 : index
    %get3A_17 = vector.load %arg3[%get3A_14, %get3A_15, %get3A_16] : memref<3x128x128xf32, #tpu.memory_space<vmem>>, vector<1x128x128xf32>
    %get3A_18 = vector.shape_cast %get3A_17 : vector<1x128x128xf32> to vector<128x128xf32>
    %dot_general3A = arith.constant dense<0.000000e+00> : vector<256x128xf32>
    %dot_general3A_19 = tpu.matmul %mul3A_13, %get3A_18, %dot_general3A {dimension_numbers = #tpu.dot_dimension_numbers<[1], [0], [0], [1], [0, 0, 1, 1], [], []>, precision = #tpu.contract_precision<fp32>, transpose_lhs_hint = false} : vector<256x128xf32>, vector<128x128xf32>, vector<256x128xf32> -> vector<256x128xf32>
    %add3A_20 = arith.addf %broadcast_in_dim3A_7, %dot_general3A_19 : vector<256x128xf32>
    %slice3A_21 = vector.extract_strided_slice %get3A_3 {offsets = [0, 1, 0, 0], sizes = [1, 1, 256, 128], strides = [1, 1, 1, 1]} : vector<2x3x256x128xf32> to vector<1x1x256x128xf32>
    %squeeze3A_22 = vector.shape_cast %slice3A_21 : vector<1x1x256x128xf32> to vector<256x128xf32>
    %slice3A_23 = vector.extract_strided_slice %get3A_3 {offsets = [1, 1, 0, 0], sizes = [1, 1, 256, 128], strides = [1, 1, 1, 1]} : vector<2x3x256x128xf32> to vector<1x1x256x128xf32>
    %squeeze3A_24 = vector.shape_cast %slice3A_23 : vector<1x1x256x128xf32> to vector<256x128xf32>
    %add3A_25 = arith.addf %squeeze3A_22, %squeeze3A_24 : vector<256x128xf32>
    %slice3A_26 = vector.extract_strided_slice %get3A_6 {offsets = [4, 0], sizes = [1, 256], strides = [1, 1]} : vector<8x256xf32> to vector<1x256xf32>
    %squeeze3A_27 = vector.shape_cast %slice3A_26 : vector<1x256xf32> to vector<256xf32>
    %broadcast_in_dim3A_28 = vector.shape_cast %squeeze3A_27 : vector<256xf32> to vector<256x1xf32>
    %mul3A_29 = vector.broadcast %broadcast_in_dim3A_28 : vector<256x1xf32> to vector<256x128xf32>
    %mul3A_30 = arith.mulf %add3A_25, %mul3A_29 : vector<256x128xf32>
    %get3A_31 = arith.constant 1 : index
    %get3A_32 = arith.constant 0 : index
    %get3A_33 = arith.constant 0 : index
    %get3A_34 = vector.load %arg3[%get3A_31, %get3A_32, %get3A_33] : memref<3x128x128xf32, #tpu.memory_space<vmem>>, vector<1x128x128xf32>
    %get3A_35 = vector.shape_cast %get3A_34 : vector<1x128x128xf32> to vector<128x128xf32>
    %dot_general3A_36 = arith.constant dense<0.000000e+00> : vector<256x128xf32>
    %dot_general3A_37 = tpu.matmul %mul3A_30, %get3A_35, %dot_general3A_36 {dimension_numbers = #tpu.dot_dimension_numbers<[1], [0], [0], [1], [0, 0, 1, 1], [], []>, precision = #tpu.contract_precision<fp32>, transpose_lhs_hint = false} : vector<256x128xf32>, vector<128x128xf32>, vector<256x128xf32> -> vector<256x128xf32>
    %add3A_38 = arith.addf %add3A_20, %dot_general3A_37 : vector<256x128xf32>
    %slice3A_39 = vector.extract_strided_slice %get3A_3 {offsets = [0, 2, 0, 0], sizes = [1, 1, 256, 128], strides = [1, 1, 1, 1]} : vector<2x3x256x128xf32> to vector<1x1x256x128xf32>
    %squeeze3A_40 = vector.shape_cast %slice3A_39 : vector<1x1x256x128xf32> to vector<256x128xf32>
    %slice3A_41 = vector.extract_strided_slice %get3A_3 {offsets = [1, 2, 0, 0], sizes = [1, 1, 256, 128], strides = [1, 1, 1, 1]} : vector<2x3x256x128xf32> to vector<1x1x256x128xf32>
    %squeeze3A_42 = vector.shape_cast %slice3A_41 : vector<1x1x256x128xf32> to vector<256x128xf32>
    %add3A_43 = arith.addf %squeeze3A_40, %squeeze3A_42 : vector<256x128xf32>
    %slice3A_44 = vector.extract_strided_slice %get3A_6 {offsets = [5, 0], sizes = [1, 256], strides = [1, 1]} : vector<8x256xf32> to vector<1x256xf32>
    %squeeze3A_45 = vector.shape_cast %slice3A_44 : vector<1x256xf32> to vector<256xf32>
    %broadcast_in_dim3A_46 = vector.shape_cast %squeeze3A_45 : vector<256xf32> to vector<256x1xf32>
    %mul3A_47 = vector.broadcast %broadcast_in_dim3A_46 : vector<256x1xf32> to vector<256x128xf32>
    %mul3A_48 = arith.mulf %add3A_43, %mul3A_47 : vector<256x128xf32>
    %get3A_49 = arith.constant 2 : index
    %get3A_50 = arith.constant 0 : index
    %get3A_51 = arith.constant 0 : index
    %get3A_52 = vector.load %arg3[%get3A_49, %get3A_50, %get3A_51] : memref<3x128x128xf32, #tpu.memory_space<vmem>>, vector<1x128x128xf32>
    %get3A_53 = vector.shape_cast %get3A_52 : vector<1x128x128xf32> to vector<128x128xf32>
    %dot_general3A_54 = arith.constant dense<0.000000e+00> : vector<256x128xf32>
    %dot_general3A_55 = tpu.matmul %mul3A_48, %get3A_53, %dot_general3A_54 {dimension_numbers = #tpu.dot_dimension_numbers<[1], [0], [0], [1], [0, 0, 1, 1], [], []>, precision = #tpu.contract_precision<fp32>, transpose_lhs_hint = false} : vector<256x128xf32>, vector<128x128xf32>, vector<256x128xf32> -> vector<256x128xf32>
    %add3A_56 = arith.addf %add3A_38, %dot_general3A_55 : vector<256x128xf32>
    %get3A_57 = arith.constant 0 : index
    %get3A_58 = arith.constant 0 : index
    %get3A_59 = vector.load %arg4[%get3A_57, %get3A_58] : memref<8x128xf32, #tpu.memory_space<vmem>>, vector<1x128xf32>
    %get3A_60 = vector.shape_cast %get3A_59 : vector<1x128xf32> to vector<128xf32>
    %get3A_61 = arith.constant 1 : index
    %get3A_62 = arith.constant 0 : index
    %get3A_63 = vector.load %arg4[%get3A_61, %get3A_62] : memref<8x128xf32, #tpu.memory_space<vmem>>, vector<1x128xf32>
    %get3A_64 = vector.shape_cast %get3A_63 : vector<1x128xf32> to vector<128xf32>
    %add3A_65 = arith.addf %get3A_60, %get3A_64 : vector<128xf32>
    %get3A_66 = arith.constant 2 : index
    %get3A_67 = arith.constant 0 : index
    %get3A_68 = vector.load %arg4[%get3A_66, %get3A_67] : memref<8x128xf32, #tpu.memory_space<vmem>>, vector<1x128xf32>
    %get3A_69 = vector.shape_cast %get3A_68 : vector<1x128xf32> to vector<128xf32>
    %add3A_70 = arith.addf %add3A_65, %get3A_69 : vector<128xf32>
    %broadcast_in_dim3A_71 = vector.shape_cast %add3A_70 : vector<128xf32> to vector<1x128xf32>
    %add3A_72 = vector.broadcast %broadcast_in_dim3A_71 : vector<1x128xf32> to vector<256x128xf32>
    %add3A_73 = arith.addf %add3A_56, %add3A_72 : vector<256x128xf32>
    %get3A_74 = arith.constant 0 : index
    %get3A_75 = arith.constant 0 : index
    %get3A_76 = vector.load %arg5[%get3A_74, %get3A_75] : memref<128x128xf32, #tpu.memory_space<vmem>>, vector<128x128xf32>
    %dot_general3A_77 = arith.constant dense<0.000000e+00> : vector<256x128xf32>
    %dot_general3A_78 = tpu.matmul %add3A_73, %get3A_76, %dot_general3A_77 {dimension_numbers = #tpu.dot_dimension_numbers<[1], [0], [0], [1], [0, 0, 1, 1], [], []>, precision = #tpu.contract_precision<fp32>, transpose_lhs_hint = false} : vector<256x128xf32>, vector<128x128xf32>, vector<256x128xf32> -> vector<256x128xf32>
    %get3A_79 = arith.constant 3 : index
    %get3A_80 = arith.constant 0 : index
    %get3A_81 = vector.load %arg4[%get3A_79, %get3A_80] : memref<8x128xf32, #tpu.memory_space<vmem>>, vector<1x128xf32>
    %get3A_82 = vector.shape_cast %get3A_81 : vector<1x128xf32> to vector<128xf32>
    %broadcast_in_dim3A_83 = vector.shape_cast %get3A_82 : vector<128xf32> to vector<1x128xf32>
    %add3A_84 = vector.broadcast %broadcast_in_dim3A_83 : vector<1x128xf32> to vector<256x128xf32>
    %add3A_85 = arith.addf %dot_general3A_78, %add3A_84 : vector<256x128xf32>
    %swap3A = arith.constant 0 : index
    %swap3A_86 = arith.constant 0 : index
    %swap3A_87 = vector.load %arg6[%swap3A, %swap3A_86] : memref<256x128xf32, #tpu.memory_space<vmem>>, vector<256x128xf32>
    tpu.vector_store %arg6[%swap3A, %swap3A_86], %add3A_85 {strides = array<i32>} : memref<256x128xf32, #tpu.memory_space<vmem>>, vector<256x128xf32>,
    return
  }
  func.func @transform_0(%arg0: i32) -> (i32, i32, i32, i32) {
    %c0_i32 = arith.constant 0 : i32
    %c0_i32_0 = arith.constant 0 : i32
    %c0_i32_1 = arith.constant 0 : i32
    %c0_i32_2 = arith.constant 0 : i32
    return %c0_i32, %c0_i32_0, %arg0, %c0_i32_1 : i32, i32, i32, i32
  }
  func.func @transform_1(%arg0: i32) -> (i32, i32) {
    %c0_i32 = arith.constant 0 : i32
    %c0_i32_0 = arith.constant 0 : i32
    return %c0_i32, %arg0 : i32, i32
  }
  func.func @transform_2(%arg0: i32) -> (i32, i32, i32) {
    %c0_i32 = arith.constant 0 : i32
    %c0_i32_0 = arith.constant 0 : i32
    %c0_i32_1 = arith.constant 0 : i32
    %c0_i32_2 = arith.constant 0 : i32
    return %c0_i32, %c0_i32_0, %c0_i32_1 : i32, i32, i32
  }
  func.func @transform_3(%arg0: i32) -> (i32, i32) {
    %c0_i32 = arith.constant 0 : i32
    %c0_i32_0 = arith.constant 0 : i32
    %c0_i32_1 = arith.constant 0 : i32
    return %c0_i32, %c0_i32_0 : i32, i32
  }
  func.func @transform_4(%arg0: i32) -> (i32, i32) {
    %c0_i32 = arith.constant 0 : i32
    %c0_i32_0 = arith.constant 0 : i32
    %c0_i32_1 = arith.constant 0 : i32
    return %c0_i32, %c0_i32_0 : i32, i32
  }
  func.func @transform_5(%arg0: i32) -> (i32, i32) {
    %c0_i32 = arith.constant 0 : i32
    %c0_i32_0 = arith.constant 0 : i32
    return %arg0, %c0_i32 : i32, i32
  }
}

</mosaic_0001>

<sc_bundles>
// kernel: kernel.11.cloned.1.call-start
scs
__scs_entry_jumppad:
0x0: {  	(pc) =	sbr.rel $0x88, $3  }
0x1: {  	(tag) =	ssettag $0x0;
	lr =	simm.s32 $0x1  }
0x2: {  	[smem:$0x3F8B] =	sst lr;
	_ =	strace $0xD0000000  }
0x3: {  	_ = 	snop  }
0x4: {  	_ = 	snop  }
0x5: {  	_ = 	snop  }
0x6: {  	_ = 	snop  }
0x7: {  	_ = 	snop  }
__scs_overlays_trampoline_lowered:
0x8: {  	[smem:$0x3F9A] =	sst s0  }
0x9: {  	[smem:$0x3F9B] =	sst s1  }
0xa: {  	[smem:$0x3F9C] =	sst s2  }
0xb: {  	[smem:$0x3F9D] =	sst s3  }
0xc: {  	[smem:$0x3F9E] =	sst s4  }
0xd: {  	[smem:$0x3F9F] =	sst s5  }
0xe: {  	[smem:$0x3FA0] =	sst s6  }
0xf: {  	[smem:$0x3FA1] =	sst s7  }
0x10: {  	[smem:$0x3FA2] =	sst s8  }
0x11: {  	[smem:$0x3FA3] =	sst s9;
	s0 =	simm.s32 @!p0 $0x0  }
0x12: {  	s1 =	sld [smem:$0x3F89];
	s0 =	simm.s32 @p0 $0x1  }
0x13: {  	[smem:$0x3FA4] =	sst s0;
	s0 =	simm.s32 @!p1 $0x0  }
0x14: {  	s2 =	sld [smem:$0x3F88];
	s0 =	simm.s32 @p1 $0x1  }
0x15: {  	[smem:$0x3FA5] =	sst s0;
	s0 =	simm.s32 @!p2 $0x0  }
0x16: {  	s3 =	sld [smem:$0x3FDB];
	s0 =	simm.s32 @p2 $0x1  }
0x17: {  	s4 =	simm.s32 $0x1BF5;
	[smem:$0x3FA7] =	sst s0  }
0x18: {  	s0 =	sld [smem:$0x3F8A];
	_ =	swait.ge [sflag:s4], $0x0  }
0x19: {  	s7 =	sld [smem:$0x3F8B]  }
0x1a: {  	s8 =	sadd.s32 $0xFFFFE003, lr  }
0x1b: {  	s9 =	sadd.s32 $0xFFFFFEF7, lr;
	s5 =	simm.s32 $0xFFFFFFFF;
	p2 =	slt.u32 s8, $0xFFFFF086  }
0x1c: {  	p1 =	slt.u32 s9, $0xF7A;
	s5 =	simm.s32 @!p2 $0x0  }
0x1d: {  	s5 =	simm.s32 @p1 $0x1;
	p0 =	seq.s32 s7, s2  }
0x1e: {  	s7 =	smul.u32 @!p0 $0xF7A, s2;
	p2 =	seq.s32 @!p0 s5, $0x0  }
0x1f: {  	s9 =	smul.u32 $0xF7A, s1;
	s8 =	simm.s32 @!p0 $0x1BF5;
	p2 =	por !p2, p0  }
0x20: {  	[sflag:s8] =	ssyncset.s32 @!p0 $0xFFFFF086;
	s6 =	sadd.s32 @!p0 s3, s7;
	s7 =	simm.s32 @!p0 $0x108  }
0x21: {  	s3 =	sadd.s32 s3, s9;
	s6 =	sadd.s32 @!p0 $0x88, s6;
	s7 =	simm.s32 @p2 $0x1082  }
0x22: {  	[simem:s7], [sflag:s8] =	dma.local @!p0 [hbm:s6], $0xF7A  }
0x23: {  	s9 =	sor.u32 $0xD0000000, s2;
	s6 =	simm.s32 $0x108;
	_ =	swait.ge @!p0 [sflag:s8], $0x0  }
0x24: {  	s3 =	sadd.s32 $0x88, s3;
	s6 =	simm.s32 @!p1 $0x1082;
	[sflag:s4] =	ssyncset.s32 $0xFFFFF086  }
0x25: {  	[simem:s6], [sflag:s4] =	dma.local [hbm:s3], $0xF7A  }
0x26: {  	[smem:$0x3F8B] =	sst s1;
	(tag) =	ssettag s2;
	_ =	strace s9  }
0x27: {  	s1 =	sld [smem:$0x3F9B]  }
0x28: {  	s2 =	sld [smem:$0x3F9C]  }
0x29: {  	s4 =	sld [smem:$0x3F9E]  }
0x2a: {  	p0 =	seq.s32 s5, $0x0;
	s5 =	sld [smem:$0x3F9F]  }
0x2b: {  	s6 =	sld [smem:$0x3FA0]  }
0x2c: {  	s7 =	sld [smem:$0x3FA1]  }
0x2d: {  	s3 =	simm.s32 $0x108;
	s8 =	sld [smem:$0x3FA2]  }
0x2e: {  	s3 =	simm.s32 @!p0 $0x1082;
	s9 =	sld [smem:$0x3FA3]  }
0x2f: {  	lr =	sadd.s32 s0, s3;
	s0 =	sld [smem:$0x3F9A]  }
0x30: {  	s3 =	sld [smem:$0x3F9D]  }
0x31: {  	[smem:$0x3FA6] =	sst s10  }
0x32: {  	s10 =	sld [smem:$0x3FA4];
	_ =	sdelay $0x3  }
0x33: {  	p0 =	seq.s32 s10, $0x1;
	s10 =	sld [smem:$0x3FA6];
	_ =	sdelay $0x3  }
0x34: {  	[smem:$0x3FA6] =	sst s10  }
0x35: {  	s10 =	sld [smem:$0x3FA5];
	_ =	sdelay $0x3  }
0x36: {  	p1 =	seq.s32 s10, $0x1;
	s10 =	sld [smem:$0x3FA6];
	_ =	sdelay $0x3  }
0x37: {  	[smem:$0x3FA6] =	sst s10  }
0x38: {  	s10 =	sld [smem:$0x3FA7]  }
0x39: {  	_ = 	snop;
	(pc) =	sbr.ind lr, $3  }
0x3a: {  	_ = 	snop  }
0x3b: {  	_ = 	snop  }
0x3c: {  	p2 =	seq.s32 s10, $0x1;
	s10 =	sld [smem:$0x3FA6]  }
0x3d: {  	_ =	shalt  }
0x3e: {  	_ =	shalt  }
0x3f: {  	_ =	shalt  }
0x40: {  	_ =	shalt  }
0x41: {  	_ =	shalt  }
0x42: {  	_ =	shalt  }
0x43: {  	_ =	shalt  }
0x44: {  	_ =	shalt  }
0x45: {  	_ =	shalt  }
0x46: {  	_ =	shalt  }
0x47: {  	_ =	shalt  }
0x48: {  	_ =	shalt  }
0x49: {  	_ =	shalt  }
0x4a: {  	_ =	shalt  }
0x4b: {  	_ =	shalt  }
0x4c: {  	_ =	shalt  }
0x4d: {  	_ =	shalt  }
0x4e: {  	_ =	shalt  }
0x4f: {  	_ =	shalt  }
0x50: {  	_ =	shalt  }
0x51: {  	_ =	shalt  }
0x52: {  	_ =	shalt  }
0x53: {  	_ =	shalt  }
0x54: {  	_ =	shalt  }
0x55: {  	_ =	shalt  }
0x56: {  	_ =	shalt  }
0x57: {  	_ =	shalt  }
0x58: {  	_ =	shalt  }
0x59: {  	_ =	shalt  }
0x5a: {  	_ =	shalt  }
0x5b: {  	_ =	shalt  }
0x5c: {  	_ =	shalt  }
0x5d: {  	_ =	shalt  }
0x5e: {  	_ =	shalt  }
0x5f: {  	_ =	shalt  }
0x60: {  	_ =	shalt  }
0x61: {  	_ =	shalt  }
0x62: {  	_ =	shalt  }
0x63: {  	_ =	shalt  }
0x64: {  	_ =	shalt  }
0x65: {  	_ =	shalt  }
0x66: {  	_ =	shalt  }
0x67: {  	_ =	shalt  }
0x68: {  	_ =	shalt  }
0x69: {  	_ =	shalt  }
0x6a: {  	_ =	shalt  }
0x6b: {  	_ =	shalt  }
0x6c: {  	_ =	shalt  }
0x6d: {  	_ =	shalt  }
0x6e: {  	_ =	shalt  }
0x6f: {  	_ =	shalt  }
0x70: {  	_ =	shalt  }
0x71: {  	_ =	shalt  }
0x72: {  	_ =	shalt  }
0x73: {  	_ =	shalt  }
0x74: {  	_ =	shalt  }
0x75: {  	_ =	shalt  }
0x76: {  	_ =	shalt  }
0x77: {  	_ =	shalt  }
0x78: {  	_ =	shalt  }
0x79: {  	_ =	shalt  }
0x7a: {  	_ =	shalt  }
0x7b: {  	_ =	shalt  }
0x7c: {  	_ =	shalt  }
0x7d: {  	_ =	shalt  }
0x7e: {  	_ =	shalt  }
0x7f: {  	_ =	shalt  }
0x80: {  	_ =	shalt  }
0x81: {  	_ =	shalt  }
0x82: {  	_ =	shalt  }
0x83: {  	_ =	shalt  }
0x84: {  	_ =	shalt  }
0x85: {  	_ =	shalt  }
0x86: {  	_ =	shalt  }
0x87: {  	_ =	shalt  }
.Lfunc_end0:
.L_simem_size_0:
called_computation.1_lowered:
.L_overlay_start_0:
0x88: {  	s2 =	sld [smem:$0x3FD9]  }
0x89: {  	s3 =	sld [smem:$0x3FFE];
	_ =	sdelay $0x1  }
0x8a: {  	s1 =	srdreg.scid  }
0x8b: {  	s0 =	sand.u32 $0x1, s1  }
0x8c: {  	s17 =	sshll.u32 s0, $0xA;
	s2 =	sadd.s32 s3, s2  }
0x8d: {  	s2 =	sadd.s32 s2, s17  }
0x8e: {  	[smem:$0x3FB2] =	sst s2  }
0x8f: {  	_ = 	snop  }
0x90: {  	s2 =	sld [smem:$0x3FD0];
	(tm) =	ssettm $0x1  }
0x91: {  	s18 =	sld [smem:$0x3FFB];
	_ =	sdelay $0x3  }
0x92: {  	_ =	strace s18  }
0x93: {  	s3 =	sld [smem:$0x3FFC];
	_ =	sdelay $0x3  }
0x94: {  	_ =	strace s3  }
0x95: {  	s3 =	sld [smem:$0x3FFD];
	_ =	sdelay $0x3  }
0x96: {  	_ =	strace s3  }
0x97: {  	_ =	strace $0x8FFFFFFF  }
0x98: {  	s19 =	sld [smem:$0x3FDB];
	_ =	sdelay $0x1  }
0x99: {  	s4 =	simm.s32 $_scs_section_size  }
0x9a: {  	s5 =	simm.s32 $_size__tile_overlayer_lowered;
	s6 =	simm.s32 $_tile_overlayer_lowered  }
0x9b: {  	s22 =	simm.s32 $0x1BFF;
	s21 =	sshll.u32 s6, $0x1;
	s3 =	sadd.s32 s4, s19  }
0x9c: {  	s7 =	simm.s32 $0x0;
	s20 =	sshll.u32 s5, $0x1;
	s5 =	sadd.s32 s21, s3  }
0x9d: {  	[timem:s7], [sflag:s22] =	dma.local [hbm:s5], s20  }
0x9e: {  	_ =	swait.ge [sflag:s22], s20  }
0x9f: {  	s4 =	ssub.s32 $0x0, s20;
	[sflag:s22] =	ssyncset.done $0x0  }
0xa0: {  	[sflag:s22] =	ssyncadd.s32 s4;
	_ =	sdelay $0x1  }
0xa1: {  	s23 =	simm.s32 $0x1B8B  }
0xa2: {  	_ =	swait.ge [sflag:s23], $0x1  }
0xa3: {  	[sflag:s23] =	ssyncset.done $0x0  }
0xa4: {  	s25 =	simm.s32 $0x1B8E;
	s24 =	sld [smem:$0x3FFE];
	[sflag:s23] =	ssyncadd.s32 $0xFFFFFFFF  }
0xa5: {  	s26 =	simm.s32 $execute0_lowered;
	[smem:$0x3FD2] =	sst s25  }
0xa6: {  	s5 =	sshll.u32 s26, $0x1;
	_ =	strace $0x80000049;
	[dreg:$0x1] =	wrdreg $0xFFFFFFFF  }
0xa7: {  	s28 =	simm.s32 $_size_execute0_lowered;
	s3 =	sadd.s32 s3, s5;
	[dreg:$0x0] =	wrdreg $0x0  }
0xa8: {  	s5 =	sshll.u32 s28, $0x1;
	[dreg:$0x2] =	wrdreg s3  }
0xa9: {  	[dreg:$0x3] =	wrdreg s5  }
0xaa: {  	[dreg:$0x4] =	wrdreg $0xC0  }
0xab: {  	_ =	task [dreg:s7], $0x5FFFF  }
0xac: {  	[dreg:$0x1] =	wrdreg $0xFFFFFFFF  }
0xad: {  	[dreg:$0x0] =	wrdreg $0x60  }
0xae: {  	[dreg:$0x2] =	wrdreg s24  }
0xaf: {  	[dreg:$0x3] =	wrdreg s2  }
0xb0: {  	[dreg:$0x4] =	wrdreg $0xA8000  }
0xb1: {  	[dreg:$0x5] =	wrdreg $0x9  }
0xb2: {  	_ =	task.clear_ibuf [dreg:s7], $0x6FFFF;
	_ =	strace $0x90000049  }
0xb3: {  	s29 =	simm.s32 $0x9;
	_ =	strace $0x8000004B  }
0xb4: {  	_ =	swait.ge [sflag:s29], $0x1  }
0xb5: {  	[sflag:s29] =	ssyncadd.s32 $0xFFFFFFFF  }
0xb6: {  	_ =	strace $0x9000004B  }
0xb7: {  	_ =	sfence  }
0xb8: {  	s30 =	sld [smem:$0x0];
	_ =	sdelay $0x2  }
0xb9: {  	s31 =	sshll.u32 s1, $0xD;
	s1 =	sshrl.u32 s1, $0x2  }
0xba: {  	s3 =	sand.u32 $0x4000, s31;
	s1 =	sadd.s32 s1, s30  }
0xbb: {  	s0 =	sor.u32 s3, s0;
	s1 =	sshll.u32 s1, $0x11  }
0xbc: {  	s0 =	sor.u32 s1, s0  }
0xbd: {  	s0 =	sadd.s32 $0x8F2B, s0  }
0xbe: {  	[sflag:s0] =	ssyncadd.remote.s32 $0x1  }
0xbf: {  	_ =	sfence.sel $0xFFFF  }
0xc0: {  	[dreg:$0x0] =	wrdreg $0xFFFFFFFF;
	(pc) =	sbr.abs _section_cstart, $3  }
0xc1: {  	[dreg:$0x1] =	wrdreg $0xFFFFFFFF  }
0xc2: {  	_ =	task.clear_ibuf [dreg:s7], $0x2FFFF;
	_ =	strace $0x9FFFFFFF  }
0xc3: {  	(tm) =	ssettm $0x7FFFFFFF  }
tec
execute0_lowered:
.L_overlay_start_1:
0x0: {  	(tag) =	ssettag $0x1  }
0x1: {  	s0 =	rddreg [dreg:$0x0]  }
0x2: {  	s1 =	rddreg [dreg:$0x1]  }
0x3: {  	s3 =	srdreg.scid;
	s10 =	stileid.u32  }
0x4: {  	s2 =	rddreg [dreg:$0x2];
	s28 =	simm.s32 $0x5;
	s29 =	simm.s32 $0x1400  }
0x5: {  	s30 =	simm.s32 $0x40;
	s31 =	simm.s32 $0x4800;
	s4 =	smul.u32 $0x280, s10  }
0x6: {  	s5 =	sand.u32 $0x1, s3;
	s3 =	simm.s32 $0x0;
	s7 =	smul.u32 $0x50000, s10  }
0x7: {  	s8 =	sadd.s32 $0x43800, s0;
	s10 =	sshll.u32 s10, $0x1;
	s6 =	smul.u32 $0x7800, s5  }
0x8: {  	[smem:$0x7FF] =	sst s3;
	s24 =	ssub.s32 $0x2, s5;
	s25 =	sor.u32 s5, s10  }
0x9: {  	_ =	strace $0x8000004A;
	s9 =	sshrl.u32 s24, $0x1;
	s26 =	smul.u32 $0x2800, s25  }
0xa: {  	s7 =	sshrl.u32 s7, $0x2;
	s6 =	sadd.s32 s4, s6;
	s4 =	sadd.s32 $0x61800, s0  }
0xb: {  	s5 =	sadd.s32 s7, s2;
	s7 =	simm.s32 $0x8800;
	s16 =	sshrl.u32 s26, $0x3  }
0xc: {  	s6 =	sshll.u32 s6, $0x4;
	s10 =	sadd.s32 $0x4000, s5;
	s17 =	sadd.s32 s1, s16  }
0xd: {  	s0 =	sadd.s32 s6, s0;
	s18 =	sadd.s32 s8, s16;
	[dreg:$0x8] =	wrdreg s17  }
0xe: {  	s11 =	sadd.s32 $0x8000, s5;
	s13 =	sadd.s32 $0xD9800, s0;
	[dreg:$0x9] =	wrdreg s18  }
0xf: {  	s12 =	sadd.s32 $0xC000, s5;
	s14 =	sadd.s32 $0x101800, s0;
	[dreg:$0x4] =	wrdreg s13  }
0x10: {  	s6 =	ssub.s32 s24, s9;
	s0 =	sadd.s32 $0x129800, s0;
	[dreg:$0x5] =	wrdreg s14  }
0x11: {  	s19 =	sadd.s32 $0x280, s16;
	s15 =	smax.u32 s6, $0x1;
	[dreg:$0x6] =	wrdreg s0  }
0x12: {  	s21 =	sadd.s32 $0xA000, s16;
	s20 =	sadd.s32 s1, s19;
	[dreg:$0x7] =	wrdreg s15  }
0x13: {  	s23 =	sadd.s32 $0xA280, s16;
	s6 =	sadd.s32 s8, s19;
	[dreg:$0xa] =	wrdreg s20  }
0x14: {  	s25 =	sadd.s32 $0x14000, s16;
	s22 =	sadd.s32 s1, s21;
	[dreg:$0xb] =	wrdreg s6  }
0x15: {  	s9 =	simm.s32 $0x2;
	s24 =	sadd.s32 s1, s23;
	[dreg:$0xc] =	wrdreg s22  }
0x16: {  	s26 =	sadd.s32 s1, s25;
	s6 =	sadd.s32 s8, s21;
	[dreg:$0xe] =	wrdreg s24  }
0x17: {  	[dreg:$0x10] =	wrdreg s26;
	s22 =	sadd.s32 s8, s25;
	s0 =	sadd.s32 $0x14280, s16  }
0x18: {  	s25 =	sadd.s32 $0x10000, s5;
	s26 =	simm.s32 $0x2800;
	s13 =	simm.s32 $0x3  }
0x19: {  	s14 =	simm.s32 $0x4;
	s15 =	simm.s32 $0x2700;
	s16 =	simm.s32 $0x2780  }
0x1a: {  	[dreg:$0xd] =	wrdreg s6;
	s6 =	sadd.s32 s8, s23;
	s23 =	sadd.s32 s1, s0  }
0x1b: {  	s24 =	sadd.s32 s8, s0;
	s1 =	simm.s32 $0x80;
	s0 =	simm.s32 $0x6800  }
0x1c: {  	v0 =	vimm.f32 $0.0e+00;
	s8 =	simm.s32 $0x1;
	[dreg:$0xf] =	wrdreg s6;
	s6 =	simm.s32 $0xC0  }
.LBB2_1:
0x1d: {  	s17 =	simm.s32 $0x0;
	s18 =	simm.s32 $0x200  }
.LBB2_2:
0x1e: {  	p0 =	sne.s32 s18, $0xFE00;
	[tilespmem:s17+$0x2870] =	vst v0  }
0x1f: {  	[tilespmem:s17+$0x2800] =	vst v0  }
0x20: {  	[tilespmem:s17+$0x2810] =	vst v0  }
.Ltmp0:
0x21: {  	[tilespmem:s17+$0x2820] =	vst v0;
	(pc) =	sbr.rel @p0 .LBB2_2-.Ltmp0, $4  }
0x22: {  	[tilespmem:s17+$0x2830] =	vst v0  }
0x23: {  	[tilespmem:s17+$0x2840] =	vst v0  }
0x24: {  	[tilespmem:s17+$0x2850] =	vst v0  }
0x25: {  	[tilespmem:s17+$0x2860] =	vst v0;
	s17 =	sshra.s32 s18, $0x2;
	s18 =	sadd.s32 $0x200, s18  }
0x26: {  	[tilespmem:s17+$0x2870] =	vst v0  }
0x27: {  	[tilespmem:s17+$0x2800] =	vst v0  }
0x28: {  	[tilespmem:s17+$0x2810] =	vst v0  }
0x29: {  	[tilespmem:s17+$0x2820] =	vst v0  }
0x2a: {  	[tilespmem:s17+$0x2830] =	vst v0  }
0x2b: {  	[tilespmem:s17+$0x2840] =	vst v0  }
0x2c: {  	[tilespmem:s17+$0x2850] =	vst v0  }
0x2d: {  	[tilespmem:s17+$0x2860] =	vst v0  }
0x2e: {  	[spmem:s5] =	stream.linear.scatter [tilespmem:s26], [sflag:$0x5], $0x4000, $0x38;
	[tilespmem:$0x1E800] =	vst v63  }
0x2f: {  	_ =	swait.ge [sflag:s28], $0x4000  }
0x30: {  	[sflag:s28] =	ssyncset.done $0x0  }
0x31: {  	[sflag:s28] =	ssyncadd.s32 $0xFFFFC000  }
0x32: {  	[spmem:s10] =	stream.linear.scatter [tilespmem:s26], [sflag:$0x5], $0x4000, $0x38;
	[tilespmem:$0x1E800] =	vst v63  }
0x33: {  	_ =	swait.ge [sflag:s28], $0x4000  }
0x34: {  	[sflag:s28] =	ssyncset.done $0x0  }
0x35: {  	[sflag:s28] =	ssyncadd.s32 $0xFFFFC000  }
0x36: {  	[spmem:s11] =	stream.linear.scatter [tilespmem:s26], [sflag:$0x5], $0x4000, $0x38;
	[tilespmem:$0x1E800] =	vst v63  }
0x37: {  	_ =	swait.ge [sflag:s28], $0x4000  }
0x38: {  	[sflag:s28] =	ssyncset.done $0x0  }
0x39: {  	[sflag:s28] =	ssyncadd.s32 $0xFFFFC000  }
0x3a: {  	[spmem:s12] =	stream.linear.scatter [tilespmem:s26], [sflag:$0x5], $0x4000, $0x38;
	[tilespmem:$0x1E800] =	vst v63  }
0x3b: {  	_ =	swait.ge [sflag:s28], $0x4000  }
0x3c: {  	[sflag:s28] =	ssyncset.done $0x0  }
0x3d: {  	[sflag:s28] =	ssyncadd.s32 $0xFFFFC000  }
0x3e: {  	[spmem:s25] =	stream.linear.scatter [tilespmem:s26], [sflag:$0x5], $0x4000, $0x38;
	[tilespmem:$0x1E800] =	vst v63  }
0x3f: {  	_ =	swait.ge [sflag:s28], $0x4000  }
0x40: {  	[sflag:s28] =	ssyncset.done $0x0  }
0x41: {  	[sflag:s28] =	ssyncadd.s32 $0xFFFFC000  }
0x42: {  	[bflag:$0x0] =	sbarrier.arrive $0xFFFF  }
0x43: {  	s19 =	simm.s32 $0x0;
	s18 =	rddreg [dreg:$0x8]  }
0x44: {  	[tilespmem:s19], [sflag:$0x5] =	stream.linear.gather [hbm4b:s18+s19], $0x1400, $0x38;
	[tilespmem:$0x1E800] =	vst v63  }
0x45: {  	_ =	swait.ge [sflag:s28], $0x1400  }
0x46: {  	[sflag:s28] =	ssyncset.done $0x0  }
0x47: {  	s20 =	rddreg [dreg:$0x9];
	[sflag:s28] =	ssyncadd.s32 $0xFFFFEC00  }
0x48: {  	[tilespmem:s29], [sflag:$0x5] =	stream.linear.gather [hbm4b:s20+s19], $0x1400, $0x38;
	[tilespmem:$0x1E800] =	vst v63  }
0x49: {  	_ =	swait.ge [sflag:s28], $0x1400  }
0x4a: {  	[sflag:s28] =	ssyncset.done $0x0  }
0x4b: {  	[sflag:s28] =	ssyncadd.s32 $0xFFFFEC00  }
0x4c: {  	[tilespmem:s26], [sflag:$0x1] =	stream.indirect.gather [hbm4b:s4+s30], $0x80, s19, s30, $0xb8;
	[tilespmem:$0x1E800] =	vst v63  }
0x4d: {  	_ = 	snop  }
0x4e: {  	[tilespmem:s31], [sflag:$0x1] =	stream.indirect.gather [hbm4b:s4+s30], $0x80, s30, s30, $0xb8;
	[tilespmem:$0x1E800] =	vst v63  }
0x4f: {  	_ = 	snop  }
0x50: {  	[tilespmem:s0], [sflag:$0x2] =	stream.indirect.gather [hbm4b:s4+s30], $0x80, s1, s30, $0xb8;
	[tilespmem:$0x1E800] =	vst v63  }
0x51: {  	_ = 	snop  }
0x52: {  	[tilespmem:s7], [sflag:$0x2] =	stream.indirect.gather [hbm4b:s4+s30], $0x80, s6, s30, $0xb8;
	[tilespmem:$0x1E800] =	vst v63  }
0x53: {  	_ =	swait.ge [sflag:s8], $0x4000  }
0x54: {  	[sflag:s8] =	ssyncset.done $0x0  }
0x55: {  	s21 =	simm.s32 $0x1400;
	[sflag:s8] =	ssyncadd.s32 $0xFFFFC000  }
0x56: {  	[spmem:s2] =	stream.indirect.scatter.add.f32 [tilespmem:s26], [sflag:$0x3], $0x80, s21, s1, $0xb8;
	[tilespmem:$0x1E800] =	vst v63  }
0x57: {  	_ =	swait.ge [sflag:s9], $0x4000  }
0x58: {  	[sflag:s9] =	ssyncset.done $0x0  }
0x59: {  	s18 =	simm.s32 $0x1480;
	[sflag:s9] =	ssyncadd.s32 $0xFFFFC000  }
0x5a: {  	[spmem:s2] =	stream.indirect.scatter.add.f32 [tilespmem:s0], [sflag:$0x4], $0x80, s18, s1, $0xb8;
	[tilespmem:$0x1E800] =	vst v63  }
0x5b: {  	_ =	swait.ge [sflag:s13], $0x4000  }
0x5c: {  	[sflag:s13] =	ssyncset.done $0x0  }
0x5d: {  	s19 =	simm.s32 $0x100;
	[sflag:s13] =	ssyncadd.s32 $0xFFFFC000  }
0x5e: {  	[tilespmem:s26], [sflag:$0x1] =	stream.indirect.gather [hbm4b:s4+s30], $0x80, s19, s30, $0xb8;
	[tilespmem:$0x1E800] =	vst v63  }
0x5f: {  	s20 =	simm.s32 $0x140  }
0x60: {  	[tilespmem:s31], [sflag:$0x1] =	stream.indirect.gather [hbm4b:s4+s30], $0x80, s20, s30, $0xb8;
	[tilespmem:$0x1E800] =	vst v63  }
0x61: {  	_ =	swait.ge [sflag:s14], $0x4000  }
0x62: {  	s17 =	simm.s32 $0x400;
	[sflag:s14] =	ssyncset.done $0x0  }
0x63: {  	s21 =	simm.s32 $0x180;
	s18 =	simm.s32 $0x1C0;
	[sflag:s14] =	ssyncadd.s32 $0xFFFFC000  }
0x64: {  	[tilespmem:s0], [sflag:$0x2] =	stream.indirect.gather [hbm4b:s4+s30], $0x80, s21, s30, $0xb8;
	[tilespmem:$0x1E800] =	vst v63  }
.LBB2_4:
0x65: {  	[tilespmem:s7], [sflag:$0x2] =	stream.indirect.gather [hbm4b:s4+s30], $0x80, s18, s30, $0xb8;
	[tilespmem:$0x1E800] =	vst v63  }
0x66: {  	s18 =	smov.u32 s17  }
0x67: {  	p0 =	sne.s32 s17, $0x4800;
	s17 =	sadd.s32 $0x400, s17;
	_ =	swait.ge [sflag:s8], $0x4000  }
0x68: {  	s18 =	sshra.s32 s18, $0x2;
	[sflag:s8] =	ssyncset.done $0x0  }
0x69: {  	s19 =	sadd.s32 $0x1400, s18;
	[sflag:s8] =	ssyncadd.s32 $0xFFFFC000  }
0x6a: {  	[spmem:s2] =	stream.indirect.scatter.add.f32 [tilespmem:s26], [sflag:$0x3], $0x80, s19, s1, $0xb8;
	[tilespmem:$0x1E800] =	vst v63  }
0x6b: {  	_ =	swait.ge [sflag:s9], $0x4000  }
0x6c: {  	[sflag:s9] =	ssyncset.done $0x0  }
0x6d: {  	s19 =	sadd.s32 $0x1480, s18;
	[sflag:s9] =	ssyncadd.s32 $0xFFFFC000  }
0x6e: {  	[spmem:s2] =	stream.indirect.scatter.add.f32 [tilespmem:s0], [sflag:$0x4], $0x80, s19, s1, $0xb8;
	[tilespmem:$0x1E800] =	vst v63  }
0x6f: {  	_ =	swait.ge [sflag:s13], $0x4000  }
0x70: {  	[sflag:s13] =	ssyncset.done $0x0  }
0x71: {  	s19 =	sadd.s32 $0x100, s18;
	[sflag:s13] =	ssyncadd.s32 $0xFFFFC000  }
0x72: {  	[tilespmem:s26], [sflag:$0x1] =	stream.indirect.gather [hbm4b:s4+s30], $0x80, s19, s30, $0xb8;
	[tilespmem:$0x1E800] =	vst v63  }
0x73: {  	s19 =	sadd.s32 $0x140, s18  }
0x74: {  	[tilespmem:s31], [sflag:$0x1] =	stream.indirect.gather [hbm4b:s4+s30], $0x80, s19, s30, $0xb8;
	[tilespmem:$0x1E800] =	vst v63  }
.Ltmp1:
0x75: {  	_ =	swait.ge [sflag:s14], $0x4000;
	(pc) =	sbr.rel @p0 .LBB2_4-.Ltmp1, $4  }
0x76: {  	[sflag:s14] =	ssyncset.done $0x0  }
0x77: {  	s19 =	sadd.s32 $0x180, s18;
	[sflag:s14] =	ssyncadd.s32 $0xFFFFC000  }
0x78: {  	[tilespmem:s0], [sflag:$0x2] =	stream.indirect.gather [hbm4b:s4+s30], $0x80, s19, s30, $0xb8;
	[tilespmem:$0x1E800] =	vst v63  }
0x79: {  	s18 =	sadd.s32 $0x1C0, s18  }
0x7a: {  	[tilespmem:s7], [sflag:$0x2] =	stream.indirect.gather [hbm4b:s4+s30], $0x80, s18, s30, $0xb8;
	[tilespmem:$0x1E800] =	vst v63  }
0x7b: {  	_ =	swait.ge [sflag:s8], $0x4000  }
0x7c: {  	[sflag:s8] =	ssyncset.done $0x0  }
0x7d: {  	[sflag:s8] =	ssyncadd.s32 $0xFFFFC000  }
0x7e: {  	[spmem:s2] =	stream.indirect.scatter.add.f32 [tilespmem:s26], [sflag:$0x3], $0x80, s15, s1, $0xb8;
	[tilespmem:$0x1E800] =	vst v63  }
0x7f: {  	_ =	swait.ge [sflag:s9], $0x4000  }
0x80: {  	[sflag:s9] =	ssyncset.done $0x0  }
0x81: {  	[sflag:s9] =	ssyncadd.s32 $0xFFFFC000  }
0x82: {  	[spmem:s2] =	stream.indirect.scatter.add.f32 [tilespmem:s0], [sflag:$0x4], $0x80, s16, s1, $0xb8;
	[tilespmem:$0x1E800] =	vst v63  }
0x83: {  	_ =	swait.ge [sflag:s13], $0x4000  }
0x84: {  	[sflag:s13] =	ssyncset.done $0x0  }
0x85: {  	[sflag:s13] =	ssyncadd.s32 $0xFFFFC000  }
0x86: {  	_ =	swait.ge [sflag:s14], $0x4000  }
0x87: {  	[sflag:s14] =	ssyncset.done $0x0  }
0x88: {  	s17 =	simm.s32 $0x0;
	s19 =	rddreg [dreg:$0xa];
	[sflag:s14] =	ssyncadd.s32 $0xFFFFC000  }
0x89: {  	[tilespmem:s17], [sflag:$0x5] =	stream.linear.gather [hbm4b:s19+s17], $0x1400, $0x38;
	[tilespmem:$0x1E800] =	vst v63  }
0x8a: {  	_ =	swait.ge [sflag:s28], $0x1400  }
0x8b: {  	[sflag:s28] =	ssyncset.done $0x0  }
0x8c: {  	s20 =	rddreg [dreg:$0xb];
	[sflag:s28] =	ssyncadd.s32 $0xFFFFEC00  }
0x8d: {  	[tilespmem:s29], [sflag:$0x5] =	stream.linear.gather [hbm4b:s20+s17], $0x1400, $0x38;
	[tilespmem:$0x1E800] =	vst v63  }
0x8e: {  	_ =	swait.ge [sflag:s28], $0x1400  }
0x8f: {  	[sflag:s28] =	ssyncset.done $0x0  }
0x90: {  	[sflag:s28] =	ssyncadd.s32 $0xFFFFEC00  }
0x91: {  	[tilespmem:s26], [sflag:$0x1] =	stream.indirect.gather [hbm4b:s4+s30], $0x80, s17, s30, $0xb8;
	[tilespmem:$0x1E800] =	vst v63  }
0x92: {  	_ = 	snop  }
0x93: {  	[tilespmem:s31], [sflag:$0x1] =	stream.indirect.gather [hbm4b:s4+s30], $0x80, s30, s30, $0xb8;
	[tilespmem:$0x1E800] =	vst v63  }
0x94: {  	_ = 	snop  }
0x95: {  	[tilespmem:s0], [sflag:$0x2] =	stream.indirect.gather [hbm4b:s4+s30], $0x80, s1, s30, $0xb8;
	[tilespmem:$0x1E800] =	vst v63  }
0x96: {  	_ = 	snop  }
0x97: {  	[tilespmem:s7], [sflag:$0x2] =	stream.indirect.gather [hbm4b:s4+s30], $0x80, s6, s30, $0xb8;
	[tilespmem:$0x1E800] =	vst v63  }
0x98: {  	_ =	swait.ge [sflag:s8], $0x4000  }
0x99: {  	[sflag:s8] =	ssyncset.done $0x0  }
0x9a: {  	s21 =	simm.s32 $0x1400;
	[sflag:s8] =	ssyncadd.s32 $0xFFFFC000  }
0x9b: {  	[spmem:s2] =	stream.indirect.scatter.add.f32 [tilespmem:s26], [sflag:$0x3], $0x80, s21, s1, $0xb8;
	[tilespmem:$0x1E800] =	vst v63  }
0x9c: {  	_ =	swait.ge [sflag:s9], $0x4000  }
0x9d: {  	[sflag:s9] =	ssyncset.done $0x0  }
0x9e: {  	s18 =	simm.s32 $0x1480;
	[sflag:s9] =	ssyncadd.s32 $0xFFFFC000  }
0x9f: {  	[spmem:s2] =	stream.indirect.scatter.add.f32 [tilespmem:s0], [sflag:$0x4], $0x80, s18, s1, $0xb8;
	[tilespmem:$0x1E800] =	vst v63  }
0xa0: {  	_ =	swait.ge [sflag:s13], $0x4000  }
0xa1: {  	[sflag:s13] =	ssyncset.done $0x0  }
0xa2: {  	s19 =	simm.s32 $0x100;
	[sflag:s13] =	ssyncadd.s32 $0xFFFFC000  }
0xa3: {  	[tilespmem:s26], [sflag:$0x1] =	stream.indirect.gather [hbm4b:s4+s30], $0x80, s19, s30, $0xb8;
	[tilespmem:$0x1E800] =	vst v63  }
0xa4: {  	s20 =	simm.s32 $0x140  }
0xa5: {  	[tilespmem:s31], [sflag:$0x1] =	stream.indirect.gather [hbm4b:s4+s30], $0x80, s20, s30, $0xb8;
	[tilespmem:$0x1E800] =	vst v63  }
0xa6: {  	_ =	swait.ge [sflag:s14], $0x4000  }
0xa7: {  	s17 =	simm.s32 $0x400;
	[sflag:s14] =	ssyncset.done $0x0  }
0xa8: {  	s21 =	simm.s32 $0x180;
	s18 =	simm.s32 $0x1C0;
	[sflag:s14] =	ssyncadd.s32 $0xFFFFC000  }
0xa9: {  	[tilespmem:s0], [sflag:$0x2] =	stream.indirect.gather [hbm4b:s4+s30], $0x80, s21, s30, $0xb8;
	[tilespmem:$0x1E800] =	vst v63  }
.LBB2_6:
0xaa: {  	[tilespmem:s7], [sflag:$0x2] =	stream.indirect.gather [hbm4b:s4+s30], $0x80, s18, s30, $0xb8;
	[tilespmem:$0x1E800] =	vst v63  }
0xab: {  	s18 =	smov.u32 s17  }
0xac: {  	p0 =	sne.s32 s17, $0x4800;
	s17 =	sadd.s32 $0x400, s17;
	_ =	swait.ge [sflag:s8], $0x4000  }
0xad: {  	s18 =	sshra.s32 s18, $0x2;
	[sflag:s8] =	ssyncset.done $0x0  }
0xae: {  	s19 =	sadd.s32 $0x1400, s18;
	[sflag:s8] =	ssyncadd.s32 $0xFFFFC000  }
0xaf: {  	[spmem:s2] =	stream.indirect.scatter.add.f32 [tilespmem:s26], [sflag:$0x3], $0x80, s19, s1, $0xb8;
	[tilespmem:$0x1E800] =	vst v63  }
0xb0: {  	_ =	swait.ge [sflag:s9], $0x4000  }
0xb1: {  	[sflag:s9] =	ssyncset.done $0x0  }
0xb2: {  	s19 =	sadd.s32 $0x1480, s18;
	[sflag:s9] =	ssyncadd.s32 $0xFFFFC000  }
0xb3: {  	[spmem:s2] =	stream.indirect.scatter.add.f32 [tilespmem:s0], [sflag:$0x4], $0x80, s19, s1, $0xb8;
	[tilespmem:$0x1E800] =	vst v63  }
0xb4: {  	_ =	swait.ge [sflag:s13], $0x4000  }
0xb5: {  	[sflag:s13] =	ssyncset.done $0x0  }
0xb6: {  	s19 =	sadd.s32 $0x100, s18;
	[sflag:s13] =	ssyncadd.s32 $0xFFFFC000  }
0xb7: {  	[tilespmem:s26], [sflag:$0x1] =	stream.indirect.gather [hbm4b:s4+s30], $0x80, s19, s30, $0xb8;
	[tilespmem:$0x1E800] =	vst v63  }
0xb8: {  	s19 =	sadd.s32 $0x140, s18  }
0xb9: {  	[tilespmem:s31], [sflag:$0x1] =	stream.indirect.gather [hbm4b:s4+s30], $0x80, s19, s30, $0xb8;
	[tilespmem:$0x1E800] =	vst v63  }
.Ltmp2:
0xba: {  	_ =	swait.ge [sflag:s14], $0x4000;
	(pc) =	sbr.rel @p0 .LBB2_6-.Ltmp2, $4  }
0xbb: {  	[sflag:s14] =	ssyncset.done $0x0  }
0xbc: {  	s19 =	sadd.s32 $0x180, s18;
	[sflag:s14] =	ssyncadd.s32 $0xFFFFC000  }
0xbd: {  	[tilespmem:s0], [sflag:$0x2] =	stream.indirect.gather [hbm4b:s4+s30], $0x80, s19, s30, $0xb8;
	[tilespmem:$0x1E800] =	vst v63  }
0xbe: {  	s18 =	sadd.s32 $0x1C0, s18  }
0xbf: {  	[tilespmem:s7], [sflag:$0x2] =	stream.indirect.gather [hbm4b:s4+s30], $0x80, s18, s30, $0xb8;
	[tilespmem:$0x1E800] =	vst v63  }
0xc0: {  	_ =	swait.ge [sflag:s8], $0x4000  }
0xc1: {  	[sflag:s8] =	ssyncset.done $0x0  }
0xc2: {  	[sflag:s8] =	ssyncadd.s32 $0xFFFFC000  }
0xc3: {  	[spmem:s2] =	stream.indirect.scatter.add.f32 [tilespmem:s26], [sflag:$0x3], $0x80, s15, s1, $0xb8;
	[tilespmem:$0x1E800] =	vst v63  }
0xc4: {  	_ =	swait.ge [sflag:s9], $0x4000  }
0xc5: {  	[sflag:s9] =	ssyncset.done $0x0  }
0xc6: {  	[sflag:s9] =	ssyncadd.s32 $0xFFFFC000  }
0xc7: {  	[spmem:s2] =	stream.indirect.scatter.add.f32 [tilespmem:s0], [sflag:$0x4], $0x80, s16, s1, $0xb8;
	[tilespmem:$0x1E800] =	vst v63  }
0xc8: {  	_ =	swait.ge [sflag:s13], $0x4000  }
0xc9: {  	[sflag:s13] =	ssyncset.done $0x0  }
0xca: {  	[sflag:s13] =	ssyncadd.s32 $0xFFFFC000  }
0xcb: {  	_ =	swait.ge [sflag:s14], $0x4000  }
0xcc: {  	[sflag:s14] =	ssyncset.done $0x0  }
0xcd: {  	s17 =	stileid.u32;
	[sflag:s14] =	ssyncadd.s32 $0xFFFFC000  }
0xce: {  	s17 =	sshll.u32 s17, $0x6;
	[bflag:$0x0] =	sbarrier.arrive $0xFFFF  }
0xcf: {  	s18 =	sshrl.u32 s5, $0x3;
	s17 =	sor.u32 $0x1C05, s17;
	s19 =	rddreg [dreg:$0x4]  }
0xd0: {  	[hbm:s19], [sflag:s17] =	dma.local [spmem:s18], $0x2800  }
0xd1: {  	_ =	swait.ge [sflag:s28], $0x2800  }
0xd2: {  	[sflag:s28] =	ssyncset.done $0x0  }
0xd3: {  	s20 =	simm.s32 $0x200;
	s19 =	simm.s32 $0x0;
	[sflag:s28] =	ssyncadd.s32 $0xFFFFD800  }
.LBB2_8:
0xd4: {  	p0 =	sne.s32 s20, $0xFE00;
	[tilespmem:s19+$0x2870] =	vst v0  }
0xd5: {  	[tilespmem:s19+$0x2800] =	vst v0  }
0xd6: {  	[tilespmem:s19+$0x2810] =	vst v0  }
.Ltmp3:
0xd7: {  	[tilespmem:s19+$0x2820] =	vst v0;
	(pc) =	sbr.rel @p0 .LBB2_8-.Ltmp3, $4  }
0xd8: {  	[tilespmem:s19+$0x2830] =	vst v0  }
0xd9: {  	[tilespmem:s19+$0x2840] =	vst v0  }
0xda: {  	[tilespmem:s19+$0x2850] =	vst v0  }
0xdb: {  	[tilespmem:s19+$0x2860] =	vst v0;
	s19 =	sshra.s32 s20, $0x2;
	s20 =	sadd.s32 $0x200, s20  }
0xdc: {  	[tilespmem:s19+$0x2870] =	vst v0  }
0xdd: {  	[tilespmem:s19+$0x2800] =	vst v0  }
0xde: {  	[tilespmem:s19+$0x2810] =	vst v0  }
0xdf: {  	[tilespmem:s19+$0x2820] =	vst v0  }
0xe0: {  	[tilespmem:s19+$0x2830] =	vst v0  }
0xe1: {  	[tilespmem:s19+$0x2840] =	vst v0  }
0xe2: {  	[tilespmem:s19+$0x2850] =	vst v0  }
0xe3: {  	[tilespmem:s19+$0x2860] =	vst v0  }
0xe4: {  	[spmem:s5] =	stream.linear.scatter [tilespmem:s26], [sflag:$0x5], $0x4000, $0x38;
	[tilespmem:$0x1E800] =	vst v63  }
0xe5: {  	_ =	swait.ge [sflag:s28], $0x4000  }
0xe6: {  	[sflag:s28] =	ssyncset.done $0x0  }
0xe7: {  	[sflag:s28] =	ssyncadd.s32 $0xFFFFC000  }
0xe8: {  	[spmem:s10] =	stream.linear.scatter [tilespmem:s26], [sflag:$0x5], $0x4000, $0x38;
	[tilespmem:$0x1E800] =	vst v63  }
0xe9: {  	_ =	swait.ge [sflag:s28], $0x4000  }
0xea: {  	[sflag:s28] =	ssyncset.done $0x0  }
0xeb: {  	[sflag:s28] =	ssyncadd.s32 $0xFFFFC000  }
0xec: {  	[spmem:s11] =	stream.linear.scatter [tilespmem:s26], [sflag:$0x5], $0x4000, $0x38;
	[tilespmem:$0x1E800] =	vst v63  }
0xed: {  	_ =	swait.ge [sflag:s28], $0x4000  }
0xee: {  	[sflag:s28] =	ssyncset.done $0x0  }
0xef: {  	[sflag:s28] =	ssyncadd.s32 $0xFFFFC000  }
0xf0: {  	[spmem:s12] =	stream.linear.scatter [tilespmem:s26], [sflag:$0x5], $0x4000, $0x38;
	[tilespmem:$0x1E800] =	vst v63  }
0xf1: {  	_ =	swait.ge [sflag:s28], $0x4000  }
0xf2: {  	[sflag:s28] =	ssyncset.done $0x0  }
0xf3: {  	[sflag:s28] =	ssyncadd.s32 $0xFFFFC000  }
0xf4: {  	[spmem:s25] =	stream.linear.scatter [tilespmem:s26], [sflag:$0x5], $0x4000, $0x38;
	[tilespmem:$0x1E800] =	vst v63  }
0xf5: {  	_ =	swait.ge [sflag:s28], $0x4000  }
0xf6: {  	[sflag:s28] =	ssyncset.done $0x0  }
0xf7: {  	[sflag:s28] =	ssyncadd.s32 $0xFFFFC000  }
0xf8: {  	[bflag:$0x0] =	sbarrier.arrive $0xFFFF  }
0xf9: {  	s19 =	simm.s32 $0x0;
	s20 =	rddreg [dreg:$0xc]  }
0xfa: {  	[tilespmem:s19], [sflag:$0x5] =	stream.linear.gather [hbm4b:s20+s19], $0x1400, $0x38;
	[tilespmem:$0x1E800] =	vst v63  }
0xfb: {  	_ =	swait.ge [sflag:s28], $0x1400  }
0xfc: {  	[sflag:s28] =	ssyncset.done $0x0  }
0xfd: {  	s21 =	rddreg [dreg:$0xd];
	[sflag:s28] =	ssyncadd.s32 $0xFFFFEC00  }
0xfe: {  	[tilespmem:s29], [sflag:$0x5] =	stream.linear.gather [hbm4b:s21+s19], $0x1400, $0x38;
	[tilespmem:$0x1E800] =	vst v63  }
0xff: {  	_ =	swait.ge [sflag:s28], $0x1400  }
0x100: {  	[sflag:s28] =	ssyncset.done $0x0  }
0x101: {  	[sflag:s28] =	ssyncadd.s32 $0xFFFFEC00  }
0x102: {  	[tilespmem:s26], [sflag:$0x1] =	stream.indirect.gather [hbm4b:s4+s30], $0x80, s19, s30, $0xb8;
	[tilespmem:$0x1E800] =	vst v63  }
0x103: {  	_ = 	snop  }
0x104: {  	[tilespmem:s31], [sflag:$0x1] =	stream.indirect.gather [hbm4b:s4+s30], $0x80, s30, s30, $0xb8;
	[tilespmem:$0x1E800] =	vst v63  }
0x105: {  	_ = 	snop  }
0x106: {  	[tilespmem:s0], [sflag:$0x2] =	stream.indirect.gather [hbm4b:s4+s30], $0x80, s1, s30, $0xb8;
	[tilespmem:$0x1E800] =	vst v63  }
0x107: {  	_ = 	snop  }
0x108: {  	[tilespmem:s7], [sflag:$0x2] =	stream.indirect.gather [hbm4b:s4+s30], $0x80, s6, s30, $0xb8;
	[tilespmem:$0x1E800] =	vst v63  }
0x109: {  	_ =	swait.ge [sflag:s8], $0x4000  }
0x10a: {  	[sflag:s8] =	ssyncset.done $0x0  }
0x10b: {  	s21 =	simm.s32 $0x1400;
	[sflag:s8] =	ssyncadd.s32 $0xFFFFC000  }
0x10c: {  	[spmem:s2] =	stream.indirect.scatter.add.f32 [tilespmem:s26], [sflag:$0x3], $0x80, s21, s1, $0xb8;
	[tilespmem:$0x1E800] =	vst v63  }
0x10d: {  	_ =	swait.ge [sflag:s9], $0x4000  }
0x10e: {  	[sflag:s9] =	ssyncset.done $0x0  }
0x10f: {  	s20 =	simm.s32 $0x1480;
	[sflag:s9] =	ssyncadd.s32 $0xFFFFC000  }
0x110: {  	[spmem:s2] =	stream.indirect.scatter.add.f32 [tilespmem:s0], [sflag:$0x4], $0x80, s20, s1, $0xb8;
	[tilespmem:$0x1E800] =	vst v63  }
0x111: {  	_ =	swait.ge [sflag:s13], $0x4000  }
0x112: {  	[sflag:s13] =	ssyncset.done $0x0  }
0x113: {  	s21 =	simm.s32 $0x100;
	[sflag:s13] =	ssyncadd.s32 $0xFFFFC000  }
0x114: {  	[tilespmem:s26], [sflag:$0x1] =	stream.indirect.gather [hbm4b:s4+s30], $0x80, s21, s30, $0xb8;
	[tilespmem:$0x1E800] =	vst v63  }
0x115: {  	s20 =	simm.s32 $0x140  }
0x116: {  	[tilespmem:s31], [sflag:$0x1] =	stream.indirect.gather [hbm4b:s4+s30], $0x80, s20, s30, $0xb8;
	[tilespmem:$0x1E800] =	vst v63  }
0x117: {  	_ =	swait.ge [sflag:s14], $0x4000  }
0x118: {  	s19 =	simm.s32 $0x400;
	[sflag:s14] =	ssyncset.done $0x0  }
0x119: {  	s21 =	simm.s32 $0x180;
	s20 =	simm.s32 $0x1C0;
	[sflag:s14] =	ssyncadd.s32 $0xFFFFC000  }
0x11a: {  	[tilespmem:s0], [sflag:$0x2] =	stream.indirect.gather [hbm4b:s4+s30], $0x80, s21, s30, $0xb8;
	[tilespmem:$0x1E800] =	vst v63  }
.LBB2_10:
0x11b: {  	[tilespmem:s7], [sflag:$0x2] =	stream.indirect.gather [hbm4b:s4+s30], $0x80, s20, s30, $0xb8;
	[tilespmem:$0x1E800] =	vst v63  }
0x11c: {  	s20 =	smov.u32 s19  }
0x11d: {  	p0 =	sne.s32 s19, $0x4800;
	s19 =	sadd.s32 $0x400, s19;
	_ =	swait.ge [sflag:s8], $0x4000  }
0x11e: {  	s20 =	sshra.s32 s20, $0x2;
	[sflag:s8] =	ssyncset.done $0x0  }
0x11f: {  	s21 =	sadd.s32 $0x1400, s20;
	[sflag:s8] =	ssyncadd.s32 $0xFFFFC000  }
0x120: {  	[spmem:s2] =	stream.indirect.scatter.add.f32 [tilespmem:s26], [sflag:$0x3], $0x80, s21, s1, $0xb8;
	[tilespmem:$0x1E800] =	vst v63  }
0x121: {  	_ =	swait.ge [sflag:s9], $0x4000  }
0x122: {  	[sflag:s9] =	ssyncset.done $0x0  }
0x123: {  	s21 =	sadd.s32 $0x1480, s20;
	[sflag:s9] =	ssyncadd.s32 $0xFFFFC000  }
0x124: {  	[spmem:s2] =	stream.indirect.scatter.add.f32 [tilespmem:s0], [sflag:$0x4], $0x80, s21, s1, $0xb8;
	[tilespmem:$0x1E800] =	vst v63  }
0x125: {  	_ =	swait.ge [sflag:s13], $0x4000  }
0x126: {  	[sflag:s13] =	ssyncset.done $0x0  }
0x127: {  	s21 =	sadd.s32 $0x100, s20;
	[sflag:s13] =	ssyncadd.s32 $0xFFFFC000  }
0x128: {  	[tilespmem:s26], [sflag:$0x1] =	stream.indirect.gather [hbm4b:s4+s30], $0x80, s21, s30, $0xb8;
	[tilespmem:$0x1E800] =	vst v63  }
0x129: {  	s21 =	sadd.s32 $0x140, s20  }
0x12a: {  	[tilespmem:s31], [sflag:$0x1] =	stream.indirect.gather [hbm4b:s4+s30], $0x80, s21, s30, $0xb8;
	[tilespmem:$0x1E800] =	vst v63  }
.Ltmp4:
0x12b: {  	_ =	swait.ge [sflag:s14], $0x4000;
	(pc) =	sbr.rel @p0 .LBB2_10-.Ltmp4, $4  }
0x12c: {  	[sflag:s14] =	ssyncset.done $0x0  }
0x12d: {  	s21 =	sadd.s32 $0x180, s20;
	[sflag:s14] =	ssyncadd.s32 $0xFFFFC000  }
0x12e: {  	[tilespmem:s0], [sflag:$0x2] =	stream.indirect.gather [hbm4b:s4+s30], $0x80, s21, s30, $0xb8;
	[tilespmem:$0x1E800] =	vst v63  }
0x12f: {  	s20 =	sadd.s32 $0x1C0, s20  }
0x130: {  	[tilespmem:s7], [sflag:$0x2] =	stream.indirect.gather [hbm4b:s4+s30], $0x80, s20, s30, $0xb8;
	[tilespmem:$0x1E800] =	vst v63  }
0x131: {  	_ =	swait.ge [sflag:s8], $0x4000  }
0x132: {  	[sflag:s8] =	ssyncset.done $0x0  }
0x133: {  	[sflag:s8] =	ssyncadd.s32 $0xFFFFC000  }
0x134: {  	[spmem:s2] =	stream.indirect.scatter.add.f32 [tilespmem:s26], [sflag:$0x3], $0x80, s15, s1, $0xb8;
	[tilespmem:$0x1E800] =	vst v63  }
0x135: {  	_ =	swait.ge [sflag:s9], $0x4000  }
0x136: {  	[sflag:s9] =	ssyncset.done $0x0  }
0x137: {  	[sflag:s9] =	ssyncadd.s32 $0xFFFFC000  }
0x138: {  	[spmem:s2] =	stream.indirect.scatter.add.f32 [tilespmem:s0], [sflag:$0x4], $0x80, s16, s1, $0xb8;
	[tilespmem:$0x1E800] =	vst v63  }
0x139: {  	_ =	swait.ge [sflag:s13], $0x4000  }
0x13a: {  	[sflag:s13] =	ssyncset.done $0x0  }
0x13b: {  	[sflag:s13] =	ssyncadd.s32 $0xFFFFC000  }
0x13c: {  	_ =	swait.ge [sflag:s14], $0x4000  }
0x13d: {  	[sflag:s14] =	ssyncset.done $0x0  }
0x13e: {  	s19 =	simm.s32 $0x0;
	s21 =	rddreg [dreg:$0xe];
	[sflag:s14] =	ssyncadd.s32 $0xFFFFC000  }
0x13f: {  	[tilespmem:s19], [sflag:$0x5] =	stream.linear.gather [hbm4b:s21+s19], $0x1400, $0x38;
	[tilespmem:$0x1E800] =	vst v63  }
0x140: {  	_ =	swait.ge [sflag:s28], $0x1400  }
0x141: {  	[sflag:s28] =	ssyncset.done $0x0  }
0x142: {  	s21 =	rddreg [dreg:$0xf];
	[sflag:s28] =	ssyncadd.s32 $0xFFFFEC00  }
0x143: {  	[tilespmem:s29], [sflag:$0x5] =	stream.linear.gather [hbm4b:s21+s19], $0x1400, $0x38;
	[tilespmem:$0x1E800] =	vst v63  }
0x144: {  	_ =	swait.ge [sflag:s28], $0x1400  }
0x145: {  	[sflag:s28] =	ssyncset.done $0x0  }
0x146: {  	[sflag:s28] =	ssyncadd.s32 $0xFFFFEC00  }
0x147: {  	[tilespmem:s26], [sflag:$0x1] =	stream.indirect.gather [hbm4b:s4+s30], $0x80, s19, s30, $0xb8;
	[tilespmem:$0x1E800] =	vst v63  }
0x148: {  	_ = 	snop  }
0x149: {  	[tilespmem:s31], [sflag:$0x1] =	stream.indirect.gather [hbm4b:s4+s30], $0x80, s30, s30, $0xb8;
	[tilespmem:$0x1E800] =	vst v63  }
0x14a: {  	_ = 	snop  }
0x14b: {  	[tilespmem:s0], [sflag:$0x2] =	stream.indirect.gather [hbm4b:s4+s30], $0x80, s1, s30, $0xb8;
	[tilespmem:$0x1E800] =	vst v63  }
0x14c: {  	_ = 	snop  }
0x14d: {  	[tilespmem:s7], [sflag:$0x2] =	stream.indirect.gather [hbm4b:s4+s30], $0x80, s6, s30, $0xb8;
	[tilespmem:$0x1E800] =	vst v63  }
0x14e: {  	_ =	swait.ge [sflag:s8], $0x4000  }
0x14f: {  	[sflag:s8] =	ssyncset.done $0x0  }
0x150: {  	s21 =	simm.s32 $0x1400;
	[sflag:s8] =	ssyncadd.s32 $0xFFFFC000  }
0x151: {  	[spmem:s2] =	stream.indirect.scatter.add.f32 [tilespmem:s26], [sflag:$0x3], $0x80, s21, s1, $0xb8;
	[tilespmem:$0x1E800] =	vst v63  }
0x152: {  	_ =	swait.ge [sflag:s9], $0x4000  }
0x153: {  	[sflag:s9] =	ssyncset.done $0x0  }
0x154: {  	s20 =	simm.s32 $0x1480;
	[sflag:s9] =	ssyncadd.s32 $0xFFFFC000  }
0x155: {  	[spmem:s2] =	stream.indirect.scatter.add.f32 [tilespmem:s0], [sflag:$0x4], $0x80, s20, s1, $0xb8;
	[tilespmem:$0x1E800] =	vst v63  }
0x156: {  	_ =	swait.ge [sflag:s13], $0x4000  }
0x157: {  	[sflag:s13] =	ssyncset.done $0x0  }
0x158: {  	s21 =	simm.s32 $0x100;
	[sflag:s13] =	ssyncadd.s32 $0xFFFFC000  }
0x159: {  	[tilespmem:s26], [sflag:$0x1] =	stream.indirect.gather [hbm4b:s4+s30], $0x80, s21, s30, $0xb8;
	[tilespmem:$0x1E800] =	vst v63  }
0x15a: {  	s20 =	simm.s32 $0x140  }
0x15b: {  	[tilespmem:s31], [sflag:$0x1] =	stream.indirect.gather [hbm4b:s4+s30], $0x80, s20, s30, $0xb8;
	[tilespmem:$0x1E800] =	vst v63  }
0x15c: {  	_ =	swait.ge [sflag:s14], $0x4000  }
0x15d: {  	s19 =	simm.s32 $0x400;
	[sflag:s14] =	ssyncset.done $0x0  }
0x15e: {  	s21 =	simm.s32 $0x180;
	s20 =	simm.s32 $0x1C0;
	[sflag:s14] =	ssyncadd.s32 $0xFFFFC000  }
0x15f: {  	[tilespmem:s0], [sflag:$0x2] =	stream.indirect.gather [hbm4b:s4+s30], $0x80, s21, s30, $0xb8;
	[tilespmem:$0x1E800] =	vst v63  }
.LBB2_12:
0x160: {  	[tilespmem:s7], [sflag:$0x2] =	stream.indirect.gather [hbm4b:s4+s30], $0x80, s20, s30, $0xb8;
	[tilespmem:$0x1E800] =	vst v63  }
0x161: {  	s20 =	smov.u32 s19  }
0x162: {  	p0 =	sne.s32 s19, $0x4800;
	s19 =	sadd.s32 $0x400, s19;
	_ =	swait.ge [sflag:s8], $0x4000  }
0x163: {  	s20 =	sshra.s32 s20, $0x2;
	[sflag:s8] =	ssyncset.done $0x0  }
0x164: {  	s21 =	sadd.s32 $0x1400, s20;
	[sflag:s8] =	ssyncadd.s32 $0xFFFFC000  }
0x165: {  	[spmem:s2] =	stream.indirect.scatter.add.f32 [tilespmem:s26], [sflag:$0x3], $0x80, s21, s1, $0xb8;
	[tilespmem:$0x1E800] =	vst v63  }
0x166: {  	_ =	swait.ge [sflag:s9], $0x4000  }
0x167: {  	[sflag:s9] =	ssyncset.done $0x0  }
0x168: {  	s21 =	sadd.s32 $0x1480, s20;
	[sflag:s9] =	ssyncadd.s32 $0xFFFFC000  }
0x169: {  	[spmem:s2] =	stream.indirect.scatter.add.f32 [tilespmem:s0], [sflag:$0x4], $0x80, s21, s1, $0xb8;
	[tilespmem:$0x1E800] =	vst v63  }
0x16a: {  	_ =	swait.ge [sflag:s13], $0x4000  }
0x16b: {  	[sflag:s13] =	ssyncset.done $0x0  }
0x16c: {  	s21 =	sadd.s32 $0x100, s20;
	[sflag:s13] =	ssyncadd.s32 $0xFFFFC000  }
0x16d: {  	[tilespmem:s26], [sflag:$0x1] =	stream.indirect.gather [hbm4b:s4+s30], $0x80, s21, s30, $0xb8;
	[tilespmem:$0x1E800] =	vst v63  }
0x16e: {  	s21 =	sadd.s32 $0x140, s20  }
0x16f: {  	[tilespmem:s31], [sflag:$0x1] =	stream.indirect.gather [hbm4b:s4+s30], $0x80, s21, s30, $0xb8;
	[tilespmem:$0x1E800] =	vst v63  }
.Ltmp5:
0x170: {  	_ =	swait.ge [sflag:s14], $0x4000;
	(pc) =	sbr.rel @p0 .LBB2_12-.Ltmp5, $4  }
0x171: {  	[sflag:s14] =	ssyncset.done $0x0  }
0x172: {  	s21 =	sadd.s32 $0x180, s20;
	[sflag:s14] =	ssyncadd.s32 $0xFFFFC000  }
0x173: {  	[tilespmem:s0], [sflag:$0x2] =	stream.indirect.gather [hbm4b:s4+s30], $0x80, s21, s30, $0xb8;
	[tilespmem:$0x1E800] =	vst v63  }
0x174: {  	s20 =	sadd.s32 $0x1C0, s20  }
0x175: {  	[tilespmem:s7], [sflag:$0x2] =	stream.indirect.gather [hbm4b:s4+s30], $0x80, s20, s30, $0xb8;
	[tilespmem:$0x1E800] =	vst v63  }
0x176: {  	_ =	swait.ge [sflag:s8], $0x4000  }
0x177: {  	[sflag:s8] =	ssyncset.done $0x0  }
0x178: {  	[sflag:s8] =	ssyncadd.s32 $0xFFFFC000  }
0x179: {  	[spmem:s2] =	stream.indirect.scatter.add.f32 [tilespmem:s26], [sflag:$0x3], $0x80, s15, s1, $0xb8;
	[tilespmem:$0x1E800] =	vst v63  }
0x17a: {  	_ =	swait.ge [sflag:s9], $0x4000  }
0x17b: {  	[sflag:s9] =	ssyncset.done $0x0  }
0x17c: {  	[sflag:s9] =	ssyncadd.s32 $0xFFFFC000  }
0x17d: {  	[spmem:s2] =	stream.indirect.scatter.add.f32 [tilespmem:s0], [sflag:$0x4], $0x80, s16, s1, $0xb8;
	[tilespmem:$0x1E800] =	vst v63  }
0x17e: {  	_ =	swait.ge [sflag:s13], $0x4000  }
0x17f: {  	[sflag:s13] =	ssyncset.done $0x0  }
0x180: {  	[sflag:s13] =	ssyncadd.s32 $0xFFFFC000  }
0x181: {  	_ =	swait.ge [sflag:s14], $0x4000  }
0x182: {  	[sflag:s14] =	ssyncset.done $0x0  }
0x183: {  	[sflag:s14] =	ssyncadd.s32 $0xFFFFC000  }
0x184: {  	[bflag:$0x0] =	sbarrier.arrive $0xFFFF  }
0x185: {  	s19 =	rddreg [dreg:$0x5]  }
0x186: {  	[hbm:s19], [sflag:s17] =	dma.local [spmem:s18], $0x2800  }
0x187: {  	_ =	swait.ge [sflag:s28], $0x2800  }
0x188: {  	[sflag:s28] =	ssyncset.done $0x0  }
0x189: {  	s20 =	simm.s32 $0x200;
	s19 =	simm.s32 $0x0;
	[sflag:s28] =	ssyncadd.s32 $0xFFFFD800  }
.LBB2_14:
0x18a: {  	p0 =	sne.s32 s20, $0xFE00;
	[tilespmem:s19+$0x2870] =	vst v0  }
0x18b: {  	[tilespmem:s19+$0x2800] =	vst v0  }
0x18c: {  	[tilespmem:s19+$0x2810] =	vst v0  }
.Ltmp6:
0x18d: {  	[tilespmem:s19+$0x2820] =	vst v0;
	(pc) =	sbr.rel @p0 .LBB2_14-.Ltmp6, $4  }
0x18e: {  	[tilespmem:s19+$0x2830] =	vst v0  }
0x18f: {  	[tilespmem:s19+$0x2840] =	vst v0  }
0x190: {  	[tilespmem:s19+$0x2850] =	vst v0  }
0x191: {  	[tilespmem:s19+$0x2860] =	vst v0;
	s19 =	sshra.s32 s20, $0x2;
	s20 =	sadd.s32 $0x200, s20  }
0x192: {  	[tilespmem:s19+$0x2870] =	vst v0  }
0x193: {  	[tilespmem:s19+$0x2800] =	vst v0  }
0x194: {  	[tilespmem:s19+$0x2810] =	vst v0  }
0x195: {  	[tilespmem:s19+$0x2820] =	vst v0  }
0x196: {  	[tilespmem:s19+$0x2830] =	vst v0  }
0x197: {  	[tilespmem:s19+$0x2840] =	vst v0  }
0x198: {  	[tilespmem:s19+$0x2850] =	vst v0  }
0x199: {  	[tilespmem:s19+$0x2860] =	vst v0  }
0x19a: {  	[spmem:s5] =	stream.linear.scatter [tilespmem:s26], [sflag:$0x5], $0x4000, $0x38;
	[tilespmem:$0x1E800] =	vst v63  }
0x19b: {  	_ =	swait.ge [sflag:s28], $0x4000  }
0x19c: {  	[sflag:s28] =	ssyncset.done $0x0  }
0x19d: {  	[sflag:s28] =	ssyncadd.s32 $0xFFFFC000  }
0x19e: {  	[spmem:s10] =	stream.linear.scatter [tilespmem:s26], [sflag:$0x5], $0x4000, $0x38;
	[tilespmem:$0x1E800] =	vst v63  }
0x19f: {  	_ =	swait.ge [sflag:s28], $0x4000  }
0x1a0: {  	[sflag:s28] =	ssyncset.done $0x0  }
0x1a1: {  	[sflag:s28] =	ssyncadd.s32 $0xFFFFC000  }
0x1a2: {  	[spmem:s11] =	stream.linear.scatter [tilespmem:s26], [sflag:$0x5], $0x4000, $0x38;
	[tilespmem:$0x1E800] =	vst v63  }
0x1a3: {  	_ =	swait.ge [sflag:s28], $0x4000  }
0x1a4: {  	[sflag:s28] =	ssyncset.done $0x0  }
0x1a5: {  	[sflag:s28] =	ssyncadd.s32 $0xFFFFC000  }
0x1a6: {  	[spmem:s12] =	stream.linear.scatter [tilespmem:s26], [sflag:$0x5], $0x4000, $0x38;
	[tilespmem:$0x1E800] =	vst v63  }
0x1a7: {  	_ =	swait.ge [sflag:s28], $0x4000  }
0x1a8: {  	[sflag:s28] =	ssyncset.done $0x0  }
0x1a9: {  	[sflag:s28] =	ssyncadd.s32 $0xFFFFC000  }
0x1aa: {  	[spmem:s25] =	stream.linear.scatter [tilespmem:s26], [sflag:$0x5], $0x4000, $0x38;
	[tilespmem:$0x1E800] =	vst v63  }
0x1ab: {  	_ =	swait.ge [sflag:s28], $0x4000  }
0x1ac: {  	[sflag:s28] =	ssyncset.done $0x0  }
0x1ad: {  	[sflag:s28] =	ssyncadd.s32 $0xFFFFC000  }
0x1ae: {  	[bflag:$0x0] =	sbarrier.arrive $0xFFFF  }
0x1af: {  	s21 =	simm.s32 $0x0;
	s20 =	rddreg [dreg:$0x10]  }
0x1b0: {  	[tilespmem:s21], [sflag:$0x5] =	stream.linear.gather [hbm4b:s20+s21], $0x1400, $0x38;
	[tilespmem:$0x1E800] =	vst v63  }
0x1b1: {  	_ =	swait.ge [sflag:s28], $0x1400  }
0x1b2: {  	[sflag:s28] =	ssyncset.done $0x0  }
0x1b3: {  	[sflag:s28] =	ssyncadd.s32 $0xFFFFEC00  }
0x1b4: {  	[tilespmem:s29], [sflag:$0x5] =	stream.linear.gather [hbm4b:s22+s21], $0x1400, $0x38;
	[tilespmem:$0x1E800] =	vst v63  }
0x1b5: {  	_ =	swait.ge [sflag:s28], $0x1400  }
0x1b6: {  	[sflag:s28] =	ssyncset.done $0x0  }
0x1b7: {  	[sflag:s28] =	ssyncadd.s32 $0xFFFFEC00  }
0x1b8: {  	[tilespmem:s26], [sflag:$0x1] =	stream.indirect.gather [hbm4b:s4+s30], $0x80, s21, s30, $0xb8;
	[tilespmem:$0x1E800] =	vst v63  }
0x1b9: {  	_ = 	snop  }
0x1ba: {  	[tilespmem:s31], [sflag:$0x1] =	stream.indirect.gather [hbm4b:s4+s30], $0x80, s30, s30, $0xb8;
	[tilespmem:$0x1E800] =	vst v63  }
0x1bb: {  	_ = 	snop  }
0x1bc: {  	[tilespmem:s0], [sflag:$0x2] =	stream.indirect.gather [hbm4b:s4+s30], $0x80, s1, s30, $0xb8;
	[tilespmem:$0x1E800] =	vst v63  }
0x1bd: {  	_ = 	snop  }
0x1be: {  	[tilespmem:s7], [sflag:$0x2] =	stream.indirect.gather [hbm4b:s4+s30], $0x80, s6, s30, $0xb8;
	[tilespmem:$0x1E800] =	vst v63  }
0x1bf: {  	_ =	swait.ge [sflag:s8], $0x4000  }
0x1c0: {  	[sflag:s8] =	ssyncset.done $0x0  }
0x1c1: {  	s21 =	simm.s32 $0x1400;
	[sflag:s8] =	ssyncadd.s32 $0xFFFFC000  }
0x1c2: {  	[spmem:s2] =	stream.indirect.scatter.add.f32 [tilespmem:s26], [sflag:$0x3], $0x80, s21, s1, $0xb8;
	[tilespmem:$0x1E800] =	vst v63  }
0x1c3: {  	_ =	swait.ge [sflag:s9], $0x4000  }
0x1c4: {  	[sflag:s9] =	ssyncset.done $0x0  }
0x1c5: {  	s20 =	simm.s32 $0x1480;
	[sflag:s9] =	ssyncadd.s32 $0xFFFFC000  }
0x1c6: {  	[spmem:s2] =	stream.indirect.scatter.add.f32 [tilespmem:s0], [sflag:$0x4], $0x80, s20, s1, $0xb8;
	[tilespmem:$0x1E800] =	vst v63  }
0x1c7: {  	_ =	swait.ge [sflag:s13], $0x4000  }
0x1c8: {  	[sflag:s13] =	ssyncset.done $0x0  }
0x1c9: {  	s21 =	simm.s32 $0x100;
	[sflag:s13] =	ssyncadd.s32 $0xFFFFC000  }
0x1ca: {  	[tilespmem:s26], [sflag:$0x1] =	stream.indirect.gather [hbm4b:s4+s30], $0x80, s21, s30, $0xb8;
	[tilespmem:$0x1E800] =	vst v63  }
0x1cb: {  	s20 =	simm.s32 $0x140  }
0x1cc: {  	[tilespmem:s31], [sflag:$0x1] =	stream.indirect.gather [hbm4b:s4+s30], $0x80, s20, s30, $0xb8;
	[tilespmem:$0x1E800] =	vst v63  }
0x1cd: {  	_ =	swait.ge [sflag:s14], $0x4000  }
0x1ce: {  	s19 =	simm.s32 $0x400;
	[sflag:s14] =	ssyncset.done $0x0  }
0x1cf: {  	s21 =	simm.s32 $0x180;
	s20 =	simm.s32 $0x1C0;
	[sflag:s14] =	ssyncadd.s32 $0xFFFFC000  }
0x1d0: {  	[tilespmem:s0], [sflag:$0x2] =	stream.indirect.gather [hbm4b:s4+s30], $0x80, s21, s30, $0xb8;
	[tilespmem:$0x1E800] =	vst v63  }
.LBB2_16:
0x1d1: {  	[tilespmem:s7], [sflag:$0x2] =	stream.indirect.gather [hbm4b:s4+s30], $0x80, s20, s30, $0xb8;
	[tilespmem:$0x1E800] =	vst v63  }
0x1d2: {  	s20 =	smov.u32 s19  }
0x1d3: {  	p0 =	sne.s32 s19, $0x4800;
	s19 =	sadd.s32 $0x400, s19;
	_ =	swait.ge [sflag:s8], $0x4000  }
0x1d4: {  	s20 =	sshra.s32 s20, $0x2;
	[sflag:s8] =	ssyncset.done $0x0  }
0x1d5: {  	s21 =	sadd.s32 $0x1400, s20;
	[sflag:s8] =	ssyncadd.s32 $0xFFFFC000  }
0x1d6: {  	[spmem:s2] =	stream.indirect.scatter.add.f32 [tilespmem:s26], [sflag:$0x3], $0x80, s21, s1, $0xb8;
	[tilespmem:$0x1E800] =	vst v63  }
0x1d7: {  	_ =	swait.ge [sflag:s9], $0x4000  }
0x1d8: {  	[sflag:s9] =	ssyncset.done $0x0  }
0x1d9: {  	s21 =	sadd.s32 $0x1480, s20;
	[sflag:s9] =	ssyncadd.s32 $0xFFFFC000  }
0x1da: {  	[spmem:s2] =	stream.indirect.scatter.add.f32 [tilespmem:s0], [sflag:$0x4], $0x80, s21, s1, $0xb8;
	[tilespmem:$0x1E800] =	vst v63  }
0x1db: {  	_ =	swait.ge [sflag:s13], $0x4000  }
0x1dc: {  	[sflag:s13] =	ssyncset.done $0x0  }
0x1dd: {  	s21 =	sadd.s32 $0x100, s20;
	[sflag:s13] =	ssyncadd.s32 $0xFFFFC000  }
0x1de: {  	[tilespmem:s26], [sflag:$0x1] =	stream.indirect.gather [hbm4b:s4+s30], $0x80, s21, s30, $0xb8;
	[tilespmem:$0x1E800] =	vst v63  }
0x1df: {  	s21 =	sadd.s32 $0x140, s20  }
0x1e0: {  	[tilespmem:s31], [sflag:$0x1] =	stream.indirect.gather [hbm4b:s4+s30], $0x80, s21, s30, $0xb8;
	[tilespmem:$0x1E800] =	vst v63  }
.Ltmp7:
0x1e1: {  	_ =	swait.ge [sflag:s14], $0x4000;
	(pc) =	sbr.rel @p0 .LBB2_16-.Ltmp7, $4  }
0x1e2: {  	[sflag:s14] =	ssyncset.done $0x0  }
0x1e3: {  	s21 =	sadd.s32 $0x180, s20;
	[sflag:s14] =	ssyncadd.s32 $0xFFFFC000  }
0x1e4: {  	[tilespmem:s0], [sflag:$0x2] =	stream.indirect.gather [hbm4b:s4+s30], $0x80, s21, s30, $0xb8;
	[tilespmem:$0x1E800] =	vst v63  }
0x1e5: {  	s20 =	sadd.s32 $0x1C0, s20  }
0x1e6: {  	[tilespmem:s7], [sflag:$0x2] =	stream.indirect.gather [hbm4b:s4+s30], $0x80, s20, s30, $0xb8;
	[tilespmem:$0x1E800] =	vst v63  }
0x1e7: {  	_ =	swait.ge [sflag:s8], $0x4000  }
0x1e8: {  	[sflag:s8] =	ssyncset.done $0x0  }
0x1e9: {  	[sflag:s8] =	ssyncadd.s32 $0xFFFFC000  }
0x1ea: {  	[spmem:s2] =	stream.indirect.scatter.add.f32 [tilespmem:s26], [sflag:$0x3], $0x80, s15, s1, $0xb8;
	[tilespmem:$0x1E800] =	vst v63  }
0x1eb: {  	_ =	swait.ge [sflag:s9], $0x4000  }
0x1ec: {  	[sflag:s9] =	ssyncset.done $0x0  }
0x1ed: {  	[sflag:s9] =	ssyncadd.s32 $0xFFFFC000  }
0x1ee: {  	[spmem:s2] =	stream.indirect.scatter.add.f32 [tilespmem:s0], [sflag:$0x4], $0x80, s16, s1, $0xb8;
	[tilespmem:$0x1E800] =	vst v63  }
0x1ef: {  	_ =	swait.ge [sflag:s13], $0x4000  }
0x1f0: {  	[sflag:s13] =	ssyncset.done $0x0  }
0x1f1: {  	[sflag:s13] =	ssyncadd.s32 $0xFFFFC000  }
0x1f2: {  	_ =	swait.ge [sflag:s14], $0x4000  }
0x1f3: {  	[sflag:s14] =	ssyncset.done $0x0  }
0x1f4: {  	s19 =	simm.s32 $0x0;
	[sflag:s14] =	ssyncadd.s32 $0xFFFFC000  }
0x1f5: {  	[tilespmem:s19], [sflag:$0x5] =	stream.linear.gather [hbm4b:s23+s19], $0x1400, $0x38;
	[tilespmem:$0x1E800] =	vst v63  }
0x1f6: {  	_ =	swait.ge [sflag:s28], $0x1400  }
0x1f7: {  	[sflag:s28] =	ssyncset.done $0x0  }
0x1f8: {  	[sflag:s28] =	ssyncadd.s32 $0xFFFFEC00  }
0x1f9: {  	[tilespmem:s29], [sflag:$0x5] =	stream.linear.gather [hbm4b:s24+s19], $0x1400, $0x38;
	[tilespmem:$0x1E800] =	vst v63  }
0x1fa: {  	_ =	swait.ge [sflag:s28], $0x1400  }
0x1fb: {  	[sflag:s28] =	ssyncset.done $0x0  }
0x1fc: {  	[sflag:s28] =	ssyncadd.s32 $0xFFFFEC00  }
0x1fd: {  	[tilespmem:s26], [sflag:$0x1] =	stream.indirect.gather [hbm4b:s4+s30], $0x80, s19, s30, $0xb8;
	[tilespmem:$0x1E800] =	vst v63  }
0x1fe: {  	_ = 	snop  }
0x1ff: {  	[tilespmem:s31], [sflag:$0x1] =	stream.indirect.gather [hbm4b:s4+s30], $0x80, s30, s30, $0xb8;
	[tilespmem:$0x1E800] =	vst v63  }
0x200: {  	_ = 	snop  }
0x201: {  	[tilespmem:s0], [sflag:$0x2] =	stream.indirect.gather [hbm4b:s4+s30], $0x80, s1, s30, $0xb8;
	[tilespmem:$0x1E800] =	vst v63  }
0x202: {  	_ = 	snop  }
0x203: {  	[tilespmem:s7], [sflag:$0x2] =	stream.indirect.gather [hbm4b:s4+s30], $0x80, s6, s30, $0xb8;
	[tilespmem:$0x1E800] =	vst v63  }
0x204: {  	_ =	swait.ge [sflag:s8], $0x4000  }
0x205: {  	[sflag:s8] =	ssyncset.done $0x0  }
0x206: {  	s21 =	simm.s32 $0x1400;
	[sflag:s8] =	ssyncadd.s32 $0xFFFFC000  }
0x207: {  	[spmem:s2] =	stream.indirect.scatter.add.f32 [tilespmem:s26], [sflag:$0x3], $0x80, s21, s1, $0xb8;
	[tilespmem:$0x1E800] =	vst v63  }
0x208: {  	_ =	swait.ge [sflag:s9], $0x4000  }
0x209: {  	[sflag:s9] =	ssyncset.done $0x0  }
0x20a: {  	s20 =	simm.s32 $0x1480;
	[sflag:s9] =	ssyncadd.s32 $0xFFFFC000  }
0x20b: {  	[spmem:s2] =	stream.indirect.scatter.add.f32 [tilespmem:s0], [sflag:$0x4], $0x80, s20, s1, $0xb8;
	[tilespmem:$0x1E800] =	vst v63  }
0x20c: {  	_ =	swait.ge [sflag:s13], $0x4000  }
0x20d: {  	[sflag:s13] =	ssyncset.done $0x0  }
0x20e: {  	s21 =	simm.s32 $0x100;
	[sflag:s13] =	ssyncadd.s32 $0xFFFFC000  }
0x20f: {  	[tilespmem:s26], [sflag:$0x1] =	stream.indirect.gather [hbm4b:s4+s30], $0x80, s21, s30, $0xb8;
	[tilespmem:$0x1E800] =	vst v63  }
0x210: {  	s20 =	simm.s32 $0x140  }
0x211: {  	[tilespmem:s31], [sflag:$0x1] =	stream.indirect.gather [hbm4b:s4+s30], $0x80, s20, s30, $0xb8;
	[tilespmem:$0x1E800] =	vst v63  }
0x212: {  	_ =	swait.ge [sflag:s14], $0x4000  }
0x213: {  	s19 =	simm.s32 $0x400;
	[sflag:s14] =	ssyncset.done $0x0  }
0x214: {  	s21 =	simm.s32 $0x180;
	s20 =	simm.s32 $0x1C0;
	[sflag:s14] =	ssyncadd.s32 $0xFFFFC000  }
0x215: {  	[tilespmem:s0], [sflag:$0x2] =	stream.indirect.gather [hbm4b:s4+s30], $0x80, s21, s30, $0xb8;
	[tilespmem:$0x1E800] =	vst v63  }
.LBB2_18:
0x216: {  	[tilespmem:s7], [sflag:$0x2] =	stream.indirect.gather [hbm4b:s4+s30], $0x80, s20, s30, $0xb8;
	[tilespmem:$0x1E800] =	vst v63  }
0x217: {  	s20 =	smov.u32 s19  }
0x218: {  	p0 =	sne.s32 s19, $0x4800;
	s19 =	sadd.s32 $0x400, s19;
	_ =	swait.ge [sflag:s8], $0x4000  }
0x219: {  	s20 =	sshra.s32 s20, $0x2;
	[sflag:s8] =	ssyncset.done $0x0  }
0x21a: {  	s21 =	sadd.s32 $0x1400, s20;
	[sflag:s8] =	ssyncadd.s32 $0xFFFFC000  }
0x21b: {  	[spmem:s2] =	stream.indirect.scatter.add.f32 [tilespmem:s26], [sflag:$0x3], $0x80, s21, s1, $0xb8;
	[tilespmem:$0x1E800] =	vst v63  }
0x21c: {  	_ =	swait.ge [sflag:s9], $0x4000  }
0x21d: {  	[sflag:s9] =	ssyncset.done $0x0  }
0x21e: {  	s21 =	sadd.s32 $0x1480, s20;
	[sflag:s9] =	ssyncadd.s32 $0xFFFFC000  }
0x21f: {  	[spmem:s2] =	stream.indirect.scatter.add.f32 [tilespmem:s0], [sflag:$0x4], $0x80, s21, s1, $0xb8;
	[tilespmem:$0x1E800] =	vst v63  }
0x220: {  	_ =	swait.ge [sflag:s13], $0x4000  }
0x221: {  	[sflag:s13] =	ssyncset.done $0x0  }
0x222: {  	s21 =	sadd.s32 $0x100, s20;
	[sflag:s13] =	ssyncadd.s32 $0xFFFFC000  }
0x223: {  	[tilespmem:s26], [sflag:$0x1] =	stream.indirect.gather [hbm4b:s4+s30], $0x80, s21, s30, $0xb8;
	[tilespmem:$0x1E800] =	vst v63  }
0x224: {  	s21 =	sadd.s32 $0x140, s20  }
0x225: {  	[tilespmem:s31], [sflag:$0x1] =	stream.indirect.gather [hbm4b:s4+s30], $0x80, s21, s30, $0xb8;
	[tilespmem:$0x1E800] =	vst v63  }
.Ltmp8:
0x226: {  	_ =	swait.ge [sflag:s14], $0x4000;
	(pc) =	sbr.rel @p0 .LBB2_18-.Ltmp8, $4  }
0x227: {  	[sflag:s14] =	ssyncset.done $0x0  }
0x228: {  	s21 =	sadd.s32 $0x180, s20;
	[sflag:s14] =	ssyncadd.s32 $0xFFFFC000  }
0x229: {  	[tilespmem:s0], [sflag:$0x2] =	stream.indirect.gather [hbm4b:s4+s30], $0x80, s21, s30, $0xb8;
	[tilespmem:$0x1E800] =	vst v63  }
0x22a: {  	s20 =	sadd.s32 $0x1C0, s20  }
0x22b: {  	[tilespmem:s7], [sflag:$0x2] =	stream.indirect.gather [hbm4b:s4+s30], $0x80, s20, s30, $0xb8;
	[tilespmem:$0x1E800] =	vst v63  }
0x22c: {  	_ =	swait.ge [sflag:s8], $0x4000  }
0x22d: {  	[sflag:s8] =	ssyncset.done $0x0  }
0x22e: {  	[sflag:s8] =	ssyncadd.s32 $0xFFFFC000  }
0x22f: {  	[spmem:s2] =	stream.indirect.scatter.add.f32 [tilespmem:s26], [sflag:$0x3], $0x80, s15, s1, $0xb8;
	[tilespmem:$0x1E800] =	vst v63  }
0x230: {  	_ =	swait.ge [sflag:s9], $0x4000  }
0x231: {  	[sflag:s9] =	ssyncset.done $0x0  }
0x232: {  	[sflag:s9] =	ssyncadd.s32 $0xFFFFC000  }
0x233: {  	[spmem:s2] =	stream.indirect.scatter.add.f32 [tilespmem:s0], [sflag:$0x4], $0x80, s16, s1, $0xb8;
	[tilespmem:$0x1E800] =	vst v63  }
0x234: {  	_ =	swait.ge [sflag:s13], $0x4000  }
0x235: {  	[sflag:s13] =	ssyncset.done $0x0  }
0x236: {  	[sflag:s13] =	ssyncadd.s32 $0xFFFFC000  }
0x237: {  	_ =	swait.ge [sflag:s14], $0x4000  }
0x238: {  	[sflag:s14] =	ssyncset.done $0x0  }
0x239: {  	[sflag:s14] =	ssyncadd.s32 $0xFFFFC000  }
0x23a: {  	[bflag:$0x0] =	sbarrier.arrive $0xFFFF  }
0x23b: {  	s19 =	rddreg [dreg:$0x6]  }
0x23c: {  	[hbm:s19], [sflag:s17] =	dma.local [spmem:s18], $0x2800  }
0x23d: {  	_ =	swait.ge [sflag:s28], $0x2800  }
0x23e: {  	s3 =	sadd.s32 $0x1, s3;
	s21 =	rddreg [dreg:$0x7]  }
0x23f: {  	p0 =	sne.s32 s3, s21  }
.Ltmp9:
0x240: {  	_ = 	snop;
	(pc) =	sbr.rel @p0 .LBB2_1-.Ltmp9, $3  }
0x241: {  	_ =	sdelay $0x1  }
0x242: {  	[sflag:s28] =	ssyncset.done $0x0  }
0x243: {  	[sflag:s28] =	ssyncadd.s32 $0xFFFFD800  }
0x244: {  	_ =	sfence.sel $0x180000  }
0x245: {  	[bflag:$0x0] =	sbarrier.arrive $0xFFFF  }
0x246: {  	_ =	strace $0x9000004A  }
0x247: {  	s0 =	stileid.u32;
	[bflag:$0x2] =	sbarrier.arrive $0xFFFF  }
0x248: {  	p0 =	sne.s32 s0, $0x0;
	s0 =	rddreg [dreg:$0x3]  }
0x249: {  	s0 =	sadd.s32 @!p0 $0x100000, s0  }
0x24a: {  	[sflag:s0] =	ssyncadd.tile.s32 @!p0 $0x1;
	_ =	shalt  }
.Lfunc_end2:
_tile_overlayer_lowered:
.L_overlay_start_2:
0x24b: {  	(tag) =	ssettag $0x2  }
0x24c: {  	s0 =	rddreg [dreg:$0x0];
	s2 =	stileid.u32  }
0x24d: {  	s1 =	rddreg [dreg:$0x1];
	p0 =	sne.s32 s2, $0x0  }
0x24e: {  	s3 =	rddreg [dreg:$0x2];
	[bflag:$0x3] =	sbarrier.arrive $0xFFFF;
	s2 =	simm.s32 @!p0 $0x1C05  }
0x24f: {  	[timem:s3], [sflag:s2] =	dma.local @!p0 [hbm:s0], s1  }
0x250: {  	s0 =	simm.s32 @!p0 $0x5  }
0x251: {  	_ =	swait.ge @!p0 [sflag:s0], s1  }
0x252: {  	s1 =	ssub.s32 @!p0 $0x0, s1;
	[sflag:s0] =	ssyncset.done @!p0 $0x0  }
0x253: {  	[sflag:s0] =	ssyncadd.s32 @!p0 s1  }
0x254: {  	[bflag:$0x3] =	sbarrier.arrive $0xFFFF  }
0x255: {  	_ =	shalt  }

// kernel: kernel.14.cloned.1.call-start
scs
__scs_entry_jumppad:
0x0: {  	(pc) =	sbr.rel $0x88, $3  }
0x1: {  	(tag) =	ssettag $0x0;
	lr =	simm.s32 $0x1  }
0x2: {  	[smem:$0x3F8B] =	sst lr;
	_ =	strace $0xD0000000  }
0x3: {  	_ = 	snop  }
0x4: {  	_ = 	snop  }
0x5: {  	_ = 	snop  }
0x6: {  	_ = 	snop  }
0x7: {  	_ = 	snop  }
__scs_overlays_trampoline_lowered:
0x8: {  	[smem:$0x3F9A] =	sst s0  }
0x9: {  	[smem:$0x3F9B] =	sst s1  }
0xa: {  	[smem:$0x3F9C] =	sst s2  }
0xb: {  	[smem:$0x3F9D] =	sst s3  }
0xc: {  	[smem:$0x3F9E] =	sst s4  }
0xd: {  	[smem:$0x3F9F] =	sst s5  }
0xe: {  	[smem:$0x3FA0] =	sst s6  }
0xf: {  	[smem:$0x3FA1] =	sst s7  }
0x10: {  	[smem:$0x3FA2] =	sst s8  }
0x11: {  	[smem:$0x3FA3] =	sst s9;
	s0 =	simm.s32 @!p0 $0x0  }
0x12: {  	s1 =	sld [smem:$0x3F89];
	s0 =	simm.s32 @p0 $0x1  }
0x13: {  	[smem:$0x3FA4] =	sst s0;
	s0 =	simm.s32 @!p1 $0x0  }
0x14: {  	s2 =	sld [smem:$0x3F88];
	s0 =	simm.s32 @p1 $0x1  }
0x15: {  	[smem:$0x3FA5] =	sst s0;
	s0 =	simm.s32 @!p2 $0x0  }
0x16: {  	s3 =	sld [smem:$0x3FDB];
	s0 =	simm.s32 @p2 $0x1  }
0x17: {  	s4 =	simm.s32 $0x1BF5;
	[smem:$0x3FA7] =	sst s0  }
0x18: {  	s0 =	sld [smem:$0x3F8A];
	_ =	swait.ge [sflag:s4], $0x0  }
0x19: {  	s7 =	sld [smem:$0x3F8B]  }
0x1a: {  	s8 =	sadd.s32 $0xFFFFE003, lr  }
0x1b: {  	s9 =	sadd.s32 $0xFFFFFEF7, lr;
	s5 =	simm.s32 $0xFFFFFFFF;
	p2 =	slt.u32 s8, $0xFFFFF086  }
0x1c: {  	p1 =	slt.u32 s9, $0xF7A;
	s5 =	simm.s32 @!p2 $0x0  }
0x1d: {  	s5 =	simm.s32 @p1 $0x1;
	p0 =	seq.s32 s7, s2  }
0x1e: {  	s7 =	smul.u32 @!p0 $0xF7A, s2;
	p2 =	seq.s32 @!p0 s5, $0x0  }
0x1f: {  	s9 =	smul.u32 $0xF7A, s1;
	s8 =	simm.s32 @!p0 $0x1BF5;
	p2 =	por !p2, p0  }
0x20: {  	[sflag:s8] =	ssyncset.s32 @!p0 $0xFFFFF086;
	s6 =	sadd.s32 @!p0 s3, s7;
	s7 =	simm.s32 @!p0 $0x108  }
0x21: {  	s3 =	sadd.s32 s3, s9;
	s6 =	sadd.s32 @!p0 $0x88, s6;
	s7 =	simm.s32 @p2 $0x1082  }
0x22: {  	[simem:s7], [sflag:s8] =	dma.local @!p0 [hbm:s6], $0xF7A  }
0x23: {  	s9 =	sor.u32 $0xD0000000, s2;
	s6 =	simm.s32 $0x108;
	_ =	swait.ge @!p0 [sflag:s8], $0x0  }
0x24: {  	s3 =	sadd.s32 $0x88, s3;
	s6 =	simm.s32 @!p1 $0x1082;
	[sflag:s4] =	ssyncset.s32 $0xFFFFF086  }
0x25: {  	[simem:s6], [sflag:s4] =	dma.local [hbm:s3], $0xF7A  }
0x26: {  	[smem:$0x3F8B] =	sst s1;
	(tag) =	ssettag s2;
	_ =	strace s9  }
0x27: {  	s1 =	sld [smem:$0x3F9B]  }
0x28: {  	s2 =	sld [smem:$0x3F9C]  }
0x29: {  	s4 =	sld [smem:$0x3F9E]  }
0x2a: {  	p0 =	seq.s32 s5, $0x0;
	s5 =	sld [smem:$0x3F9F]  }
0x2b: {  	s6 =	sld [smem:$0x3FA0]  }
0x2c: {  	s7 =	sld [smem:$0x3FA1]  }
0x2d: {  	s3 =	simm.s32 $0x108;
	s8 =	sld [smem:$0x3FA2]  }
0x2e: {  	s3 =	simm.s32 @!p0 $0x1082;
	s9 =	sld [smem:$0x3FA3]  }
0x2f: {  	lr =	sadd.s32 s0, s3;
	s0 =	sld [smem:$0x3F9A]  }
0x30: {  	s3 =	sld [smem:$0x3F9D]  }
0x31: {  	[smem:$0x3FA6] =	sst s10  }
0x32: {  	s10 =	sld [smem:$0x3FA4];
	_ =	sdelay $0x3  }
0x33: {  	p0 =	seq.s32 s10, $0x1;
	s10 =	sld [smem:$0x3FA6];
	_ =	sdelay $0x3  }
0x34: {  	[smem:$0x3FA6] =	sst s10  }
0x35: {  	s10 =	sld [smem:$0x3FA5];
	_ =	sdelay $0x3  }
0x36: {  	p1 =	seq.s32 s10, $0x1;
	s10 =	sld [smem:$0x3FA6];
	_ =	sdelay $0x3  }
0x37: {  	[smem:$0x3FA6] =	sst s10  }
0x38: {  	s10 =	sld [smem:$0x3FA7]  }
0x39: {  	_ = 	snop;
	(pc) =	sbr.ind lr, $3  }
0x3a: {  	_ = 	snop  }
0x3b: {  	_ = 	snop  }
0x3c: {  	p2 =	seq.s32 s10, $0x1;
	s10 =	sld [smem:$0x3FA6]  }
0x3d: {  	_ =	shalt  }
0x3e: {  	_ =	shalt  }
0x3f: {  	_ =	shalt  }
0x40: {  	_ =	shalt  }
0x41: {  	_ =	shalt  }
0x42: {  	_ =	shalt  }
0x43: {  	_ =	shalt  }
0x44: {  	_ =	shalt  }
0x45: {  	_ =	shalt  }
0x46: {  	_ =	shalt  }
0x47: {  	_ =	shalt  }
0x48: {  	_ =	shalt  }
0x49: {  	_ =	shalt  }
0x4a: {  	_ =	shalt  }
0x4b: {  	_ =	shalt  }
0x4c: {  	_ =	shalt  }
0x4d: {  	_ =	shalt  }
0x4e: {  	_ =	shalt  }
0x4f: {  	_ =	shalt  }
0x50: {  	_ =	shalt  }
0x51: {  	_ =	shalt  }
0x52: {  	_ =	shalt  }
0x53: {  	_ =	shalt  }
0x54: {  	_ =	shalt  }
0x55: {  	_ =	shalt  }
0x56: {  	_ =	shalt  }
0x57: {  	_ =	shalt  }
0x58: {  	_ =	shalt  }
0x59: {  	_ =	shalt  }
0x5a: {  	_ =	shalt  }
0x5b: {  	_ =	shalt  }
0x5c: {  	_ =	shalt  }
0x5d: {  	_ =	shalt  }
0x5e: {  	_ =	shalt  }
0x5f: {  	_ =	shalt  }
0x60: {  	_ =	shalt  }
0x61: {  	_ =	shalt  }
0x62: {  	_ =	shalt  }
0x63: {  	_ =	shalt  }
0x64: {  	_ =	shalt  }
0x65: {  	_ =	shalt  }
0x66: {  	_ =	shalt  }
0x67: {  	_ =	shalt  }
0x68: {  	_ =	shalt  }
0x69: {  	_ =	shalt  }
0x6a: {  	_ =	shalt  }
0x6b: {  	_ =	shalt  }
0x6c: {  	_ =	shalt  }
0x6d: {  	_ =	shalt  }
0x6e: {  	_ =	shalt  }
0x6f: {  	_ =	shalt  }
0x70: {  	_ =	shalt  }
0x71: {  	_ =	shalt  }
0x72: {  	_ =	shalt  }
0x73: {  	_ =	shalt  }
0x74: {  	_ =	shalt  }
0x75: {  	_ =	shalt  }
0x76: {  	_ =	shalt  }
0x77: {  	_ =	shalt  }
0x78: {  	_ =	shalt  }
0x79: {  	_ =	shalt  }
0x7a: {  	_ =	shalt  }
0x7b: {  	_ =	shalt  }
0x7c: {  	_ =	shalt  }
0x7d: {  	_ =	shalt  }
0x7e: {  	_ =	shalt  }
0x7f: {  	_ =	shalt  }
0x80: {  	_ =	shalt  }
0x81: {  	_ =	shalt  }
0x82: {  	_ =	shalt  }
0x83: {  	_ =	shalt  }
0x84: {  	_ =	shalt  }
0x85: {  	_ =	shalt  }
0x86: {  	_ =	shalt  }
0x87: {  	_ =	shalt  }
.Lfunc_end0:
.L_simem_size_0:
called_computation.2_lowered:
.L_overlay_start_0:
0x88: {  	s2 =	sld [smem:$0x3FD9]  }
0x89: {  	s3 =	sld [smem:$0x3FFE];
	_ =	sdelay $0x1  }
0x8a: {  	s1 =	srdreg.scid  }
0x8b: {  	s0 =	sand.u32 $0x1, s1  }
0x8c: {  	s17 =	sshll.u32 s0, $0xA;
	s2 =	sadd.s32 s3, s2  }
0x8d: {  	s2 =	sadd.s32 s2, s17  }
0x8e: {  	[smem:$0x3FB2] =	sst s2  }
0x8f: {  	_ = 	snop  }
0x90: {  	s2 =	sld [smem:$0x3FD0];
	(tm) =	ssettm $0x1  }
0x91: {  	s18 =	sld [smem:$0x3FFB];
	_ =	sdelay $0x3  }
0x92: {  	_ =	strace s18  }
0x93: {  	s3 =	sld [smem:$0x3FFC];
	_ =	sdelay $0x3  }
0x94: {  	_ =	strace s3  }
0x95: {  	s3 =	sld [smem:$0x3FFD];
	_ =	sdelay $0x3  }
0x96: {  	_ =	strace s3  }
0x97: {  	_ =	strace $0x8FFFFFFF  }
0x98: {  	s19 =	sld [smem:$0x3FDB];
	_ =	sdelay $0x1  }
0x99: {  	s4 =	simm.s32 $_scs_section_size  }
0x9a: {  	s5 =	simm.s32 $_size__tile_overlayer_lowered;
	s6 =	simm.s32 $_tile_overlayer_lowered  }
0x9b: {  	s22 =	simm.s32 $0x1BFF;
	s21 =	sshll.u32 s6, $0x1;
	s3 =	sadd.s32 s4, s19  }
0x9c: {  	s7 =	simm.s32 $0x0;
	s20 =	sshll.u32 s5, $0x1;
	s5 =	sadd.s32 s21, s3  }
0x9d: {  	[timem:s7], [sflag:s22] =	dma.local [hbm:s5], s20  }
0x9e: {  	_ =	swait.ge [sflag:s22], s20  }
0x9f: {  	s4 =	ssub.s32 $0x0, s20;
	[sflag:s22] =	ssyncset.done $0x0  }
0xa0: {  	[sflag:s22] =	ssyncadd.s32 s4;
	_ =	sdelay $0x1  }
0xa1: {  	s23 =	simm.s32 $0x1B8B  }
0xa2: {  	_ =	swait.ge [sflag:s23], $0x1  }
0xa3: {  	[sflag:s23] =	ssyncset.done $0x0  }
0xa4: {  	s25 =	simm.s32 $0x1B8E;
	s24 =	sld [smem:$0x3FFE];
	[sflag:s23] =	ssyncadd.s32 $0xFFFFFFFF  }
0xa5: {  	s26 =	simm.s32 $execute0_lowered;
	[smem:$0x3FD2] =	sst s25  }
0xa6: {  	s5 =	sshll.u32 s26, $0x1;
	_ =	strace $0x8000004C;
	[dreg:$0x1] =	wrdreg $0xFFFFFFFF  }
0xa7: {  	s28 =	simm.s32 $_size_execute0_lowered;
	s3 =	sadd.s32 s3, s5;
	[dreg:$0x0] =	wrdreg $0x0  }
0xa8: {  	s5 =	sshll.u32 s28, $0x1;
	[dreg:$0x2] =	wrdreg s3  }
0xa9: {  	[dreg:$0x3] =	wrdreg s5  }
0xaa: {  	[dreg:$0x4] =	wrdreg $0xC0  }
0xab: {  	_ =	task [dreg:s7], $0x5FFFF  }
0xac: {  	[dreg:$0x1] =	wrdreg $0xFFFFFFFF  }
0xad: {  	[dreg:$0x0] =	wrdreg $0x60  }
0xae: {  	[dreg:$0x2] =	wrdreg s24  }
0xaf: {  	[dreg:$0x3] =	wrdreg s2  }
0xb0: {  	[dreg:$0x4] =	wrdreg $0xA8000  }
0xb1: {  	[dreg:$0x5] =	wrdreg $0x9  }
0xb2: {  	_ =	task.clear_ibuf [dreg:s7], $0x6FFFF;
	_ =	strace $0x9000004C  }
0xb3: {  	s29 =	simm.s32 $0x9;
	_ =	strace $0x8000004E  }
0xb4: {  	_ =	swait.ge [sflag:s29], $0x1  }
0xb5: {  	[sflag:s29] =	ssyncadd.s32 $0xFFFFFFFF  }
0xb6: {  	_ =	strace $0x9000004E  }
0xb7: {  	_ =	sfence  }
0xb8: {  	s30 =	sld [smem:$0x0];
	_ =	sdelay $0x2  }
0xb9: {  	s31 =	sshll.u32 s1, $0xD;
	s1 =	sshrl.u32 s1, $0x2  }
0xba: {  	s3 =	sand.u32 $0x4000, s31;
	s1 =	sadd.s32 s1, s30  }
0xbb: {  	s0 =	sor.u32 s3, s0;
	s1 =	sshll.u32 s1, $0x11  }
0xbc: {  	s0 =	sor.u32 s1, s0  }
0xbd: {  	s0 =	sadd.s32 $0x8F2B, s0  }
0xbe: {  	[sflag:s0] =	ssyncadd.remote.s32 $0x1  }
0xbf: {  	_ =	sfence.sel $0xFFFF  }
0xc0: {  	[dreg:$0x0] =	wrdreg $0xFFFFFFFF;
	(pc) =	sbr.abs _section_cstart, $3  }
0xc1: {  	[dreg:$0x1] =	wrdreg $0xFFFFFFFF  }
0xc2: {  	_ =	task.clear_ibuf [dreg:s7], $0x2FFFF;
	_ =	strace $0x9FFFFFFF  }
0xc3: {  	(tm) =	ssettm $0x7FFFFFFF  }
tec
execute0_lowered:
.L_overlay_start_1:
0x0: {  	(tag) =	ssettag $0x1  }
0x1: {  	s0 =	rddreg [dreg:$0x0]  }
0x2: {  	s1 =	rddreg [dreg:$0x1]  }
0x3: {  	s3 =	srdreg.scid;
	s10 =	stileid.u32  }
0x4: {  	s2 =	rddreg [dreg:$0x2];
	s28 =	simm.s32 $0x5;
	s29 =	simm.s32 $0x1400  }
0x5: {  	s30 =	simm.s32 $0x40;
	s31 =	simm.s32 $0x4800;
	s4 =	smul.u32 $0x280, s10  }
0x6: {  	s5 =	sand.u32 $0x1, s3;
	s3 =	simm.s32 $0x0;
	s7 =	smul.u32 $0x50000, s10  }
0x7: {  	s8 =	sadd.s32 $0x43800, s0;
	s10 =	sshll.u32 s10, $0x1;
	s6 =	smul.u32 $0x7800, s5  }
0x8: {  	[smem:$0x7FF] =	sst s3;
	s24 =	ssub.s32 $0x2, s5;
	s25 =	sor.u32 s5, s10  }
0x9: {  	_ =	strace $0x8000004D;
	s9 =	sshrl.u32 s24, $0x1;
	s26 =	smul.u32 $0x2800, s25  }
0xa: {  	s7 =	sshrl.u32 s7, $0x2;
	s6 =	sadd.s32 s4, s6;
	s4 =	sadd.s32 $0x61800, s0  }
0xb: {  	s5 =	sadd.s32 s7, s2;
	s7 =	simm.s32 $0x8800;
	s16 =	sshrl.u32 s26, $0x3  }
0xc: {  	s6 =	sshll.u32 s6, $0x4;
	s10 =	sadd.s32 $0x4000, s5;
	s17 =	sadd.s32 s1, s16  }
0xd: {  	s0 =	sadd.s32 s6, s0;
	s18 =	sadd.s32 s8, s16;
	[dreg:$0x8] =	wrdreg s17  }
0xe: {  	s11 =	sadd.s32 $0x8000, s5;
	s13 =	sadd.s32 $0xD9800, s0;
	[dreg:$0x9] =	wrdreg s18  }
0xf: {  	s12 =	sadd.s32 $0xC000, s5;
	s14 =	sadd.s32 $0x101800, s0;
	[dreg:$0x4] =	wrdreg s13  }
0x10: {  	s6 =	ssub.s32 s24, s9;
	s0 =	sadd.s32 $0x129800, s0;
	[dreg:$0x5] =	wrdreg s14  }
0x11: {  	s19 =	sadd.s32 $0x280, s16;
	s15 =	smax.u32 s6, $0x1;
	[dreg:$0x6] =	wrdreg s0  }
0x12: {  	s21 =	sadd.s32 $0xA000, s16;
	s20 =	sadd.s32 s1, s19;
	[dreg:$0x7] =	wrdreg s15  }
0x13: {  	s23 =	sadd.s32 $0xA280, s16;
	s6 =	sadd.s32 s8, s19;
	[dreg:$0xa] =	wrdreg s20  }
0x14: {  	s25 =	sadd.s32 $0x14000, s16;
	s22 =	sadd.s32 s1, s21;
	[dreg:$0xb] =	wrdreg s6  }
0x15: {  	s9 =	simm.s32 $0x2;
	s24 =	sadd.s32 s1, s23;
	[dreg:$0xc] =	wrdreg s22  }
0x16: {  	s26 =	sadd.s32 s1, s25;
	s6 =	sadd.s32 s8, s21;
	[dreg:$0xe] =	wrdreg s24  }
0x17: {  	[dreg:$0x10] =	wrdreg s26;
	s22 =	sadd.s32 s8, s25;
	s0 =	sadd.s32 $0x14280, s16  }
0x18: {  	s25 =	sadd.s32 $0x10000, s5;
	s26 =	simm.s32 $0x2800;
	s13 =	simm.s32 $0x3  }
0x19: {  	s14 =	simm.s32 $0x4;
	s15 =	simm.s32 $0x2700;
	s16 =	simm.s32 $0x2780  }
0x1a: {  	[dreg:$0xd] =	wrdreg s6;
	s6 =	sadd.s32 s8, s23;
	s23 =	sadd.s32 s1, s0  }
0x1b: {  	s24 =	sadd.s32 s8, s0;
	s1 =	simm.s32 $0x80;
	s0 =	simm.s32 $0x6800  }
0x1c: {  	v0 =	vimm.f32 $0.0e+00;
	s8 =	simm.s32 $0x1;
	[dreg:$0xf] =	wrdreg s6;
	s6 =	simm.s32 $0xC0  }
.LBB2_1:
0x1d: {  	s17 =	simm.s32 $0x0;
	s18 =	simm.s32 $0x200  }
.LBB2_2:
0x1e: {  	p0 =	sne.s32 s18, $0xFE00;
	[tilespmem:s17+$0x2870] =	vst v0  }
0x1f: {  	[tilespmem:s17+$0x2800] =	vst v0  }
0x20: {  	[tilespmem:s17+$0x2810] =	vst v0  }
.Ltmp0:
0x21: {  	[tilespmem:s17+$0x2820] =	vst v0;
	(pc) =	sbr.rel @p0 .LBB2_2-.Ltmp0, $4  }
0x22: {  	[tilespmem:s17+$0x2830] =	vst v0  }
0x23: {  	[tilespmem:s17+$0x2840] =	vst v0  }
0x24: {  	[tilespmem:s17+$0x2850] =	vst v0  }
0x25: {  	[tilespmem:s17+$0x2860] =	vst v0;
	s17 =	sshra.s32 s18, $0x2;
	s18 =	sadd.s32 $0x200, s18  }
0x26: {  	[tilespmem:s17+$0x2870] =	vst v0  }
0x27: {  	[tilespmem:s17+$0x2800] =	vst v0  }
0x28: {  	[tilespmem:s17+$0x2810] =	vst v0  }
0x29: {  	[tilespmem:s17+$0x2820] =	vst v0  }
0x2a: {  	[tilespmem:s17+$0x2830] =	vst v0  }
0x2b: {  	[tilespmem:s17+$0x2840] =	vst v0  }
0x2c: {  	[tilespmem:s17+$0x2850] =	vst v0  }
0x2d: {  	[tilespmem:s17+$0x2860] =	vst v0  }
0x2e: {  	[spmem:s5] =	stream.linear.scatter [tilespmem:s26], [sflag:$0x5], $0x4000, $0x38;
	[tilespmem:$0x1E800] =	vst v63  }
0x2f: {  	_ =	swait.ge [sflag:s28], $0x4000  }
0x30: {  	[sflag:s28] =	ssyncset.done $0x0  }
0x31: {  	[sflag:s28] =	ssyncadd.s32 $0xFFFFC000  }
0x32: {  	[spmem:s10] =	stream.linear.scatter [tilespmem:s26], [sflag:$0x5], $0x4000, $0x38;
	[tilespmem:$0x1E800] =	vst v63  }
0x33: {  	_ =	swait.ge [sflag:s28], $0x4000  }
0x34: {  	[sflag:s28] =	ssyncset.done $0x0  }
0x35: {  	[sflag:s28] =	ssyncadd.s32 $0xFFFFC000  }
0x36: {  	[spmem:s11] =	stream.linear.scatter [tilespmem:s26], [sflag:$0x5], $0x4000, $0x38;
	[tilespmem:$0x1E800] =	vst v63  }
0x37: {  	_ =	swait.ge [sflag:s28], $0x4000  }
0x38: {  	[sflag:s28] =	ssyncset.done $0x0  }
0x39: {  	[sflag:s28] =	ssyncadd.s32 $0xFFFFC000  }
0x3a: {  	[spmem:s12] =	stream.linear.scatter [tilespmem:s26], [sflag:$0x5], $0x4000, $0x38;
	[tilespmem:$0x1E800] =	vst v63  }
0x3b: {  	_ =	swait.ge [sflag:s28], $0x4000  }
0x3c: {  	[sflag:s28] =	ssyncset.done $0x0  }
0x3d: {  	[sflag:s28] =	ssyncadd.s32 $0xFFFFC000  }
0x3e: {  	[spmem:s25] =	stream.linear.scatter [tilespmem:s26], [sflag:$0x5], $0x4000, $0x38;
	[tilespmem:$0x1E800] =	vst v63  }
0x3f: {  	_ =	swait.ge [sflag:s28], $0x4000  }
0x40: {  	[sflag:s28] =	ssyncset.done $0x0  }
0x41: {  	[sflag:s28] =	ssyncadd.s32 $0xFFFFC000  }
0x42: {  	[bflag:$0x0] =	sbarrier.arrive $0xFFFF  }
0x43: {  	s19 =	simm.s32 $0x0;
	s18 =	rddreg [dreg:$0x8]  }
0x44: {  	[tilespmem:s19], [sflag:$0x5] =	stream.linear.gather [hbm4b:s18+s19], $0x1400, $0x38;
	[tilespmem:$0x1E800] =	vst v63  }
0x45: {  	_ =	swait.ge [sflag:s28], $0x1400  }
0x46: {  	[sflag:s28] =	ssyncset.done $0x0  }
0x47: {  	s20 =	rddreg [dreg:$0x9];
	[sflag:s28] =	ssyncadd.s32 $0xFFFFEC00  }
0x48: {  	[tilespmem:s29], [sflag:$0x5] =	stream.linear.gather [hbm4b:s20+s19], $0x1400, $0x38;
	[tilespmem:$0x1E800] =	vst v63  }
0x49: {  	_ =	swait.ge [sflag:s28], $0x1400  }
0x4a: {  	[sflag:s28] =	ssyncset.done $0x0  }
0x4b: {  	[sflag:s28] =	ssyncadd.s32 $0xFFFFEC00  }
0x4c: {  	[tilespmem:s26], [sflag:$0x1] =	stream.indirect.gather [hbm4b:s4+s30], $0x80, s19, s30, $0xb8;
	[tilespmem:$0x1E800] =	vst v63  }
0x4d: {  	_ = 	snop  }
0x4e: {  	[tilespmem:s31], [sflag:$0x1] =	stream.indirect.gather [hbm4b:s4+s30], $0x80, s30, s30, $0xb8;
	[tilespmem:$0x1E800] =	vst v63  }
0x4f: {  	_ = 	snop  }
0x50: {  	[tilespmem:s0], [sflag:$0x2] =	stream.indirect.gather [hbm4b:s4+s30], $0x80, s1, s30, $0xb8;
	[tilespmem:$0x1E800] =	vst v63  }
0x51: {  	_ = 	snop  }
0x52: {  	[tilespmem:s7], [sflag:$0x2] =	stream.indirect.gather [hbm4b:s4+s30], $0x80, s6, s30, $0xb8;
	[tilespmem:$0x1E800] =	vst v63  }
0x53: {  	_ =	swait.ge [sflag:s8], $0x4000  }
0x54: {  	[sflag:s8] =	ssyncset.done $0x0  }
0x55: {  	s21 =	simm.s32 $0x1400;
	[sflag:s8] =	ssyncadd.s32 $0xFFFFC000  }
0x56: {  	[spmem:s2] =	stream.indirect.scatter.add.f32 [tilespmem:s26], [sflag:$0x3], $0x80, s21, s1, $0xb8;
	[tilespmem:$0x1E800] =	vst v63  }
0x57: {  	_ =	swait.ge [sflag:s9], $0x4000  }
0x58: {  	[sflag:s9] =	ssyncset.done $0x0  }
0x59: {  	s18 =	simm.s32 $0x1480;
	[sflag:s9] =	ssyncadd.s32 $0xFFFFC000  }
0x5a: {  	[spmem:s2] =	stream.indirect.scatter.add.f32 [tilespmem:s0], [sflag:$0x4], $0x80, s18, s1, $0xb8;
	[tilespmem:$0x1E800] =	vst v63  }
0x5b: {  	_ =	swait.ge [sflag:s13], $0x4000  }
0x5c: {  	[sflag:s13] =	ssyncset.done $0x0  }
0x5d: {  	s19 =	simm.s32 $0x100;
	[sflag:s13] =	ssyncadd.s32 $0xFFFFC000  }
0x5e: {  	[tilespmem:s26], [sflag:$0x1] =	stream.indirect.gather [hbm4b:s4+s30], $0x80, s19, s30, $0xb8;
	[tilespmem:$0x1E800] =	vst v63  }
0x5f: {  	s20 =	simm.s32 $0x140  }
0x60: {  	[tilespmem:s31], [sflag:$0x1] =	stream.indirect.gather [hbm4b:s4+s30], $0x80, s20, s30, $0xb8;
	[tilespmem:$0x1E800] =	vst v63  }
0x61: {  	_ =	swait.ge [sflag:s14], $0x4000  }
0x62: {  	s17 =	simm.s32 $0x400;
	[sflag:s14] =	ssyncset.done $0x0  }
0x63: {  	s21 =	simm.s32 $0x180;
	s18 =	simm.s32 $0x1C0;
	[sflag:s14] =	ssyncadd.s32 $0xFFFFC000  }
0x64: {  	[tilespmem:s0], [sflag:$0x2] =	stream.indirect.gather [hbm4b:s4+s30], $0x80, s21, s30, $0xb8;
	[tilespmem:$0x1E800] =	vst v63  }
.LBB2_4:
0x65: {  	[tilespmem:s7], [sflag:$0x2] =	stream.indirect.gather [hbm4b:s4+s30], $0x80, s18, s30, $0xb8;
	[tilespmem:$0x1E800] =	vst v63  }
0x66: {  	s18 =	smov.u32 s17  }
0x67: {  	p0 =	sne.s32 s17, $0x4800;
	s17 =	sadd.s32 $0x400, s17;
	_ =	swait.ge [sflag:s8], $0x4000  }
0x68: {  	s18 =	sshra.s32 s18, $0x2;
	[sflag:s8] =	ssyncset.done $0x0  }
0x69: {  	s19 =	sadd.s32 $0x1400, s18;
	[sflag:s8] =	ssyncadd.s32 $0xFFFFC000  }
0x6a: {  	[spmem:s2] =	stream.indirect.scatter.add.f32 [tilespmem:s26], [sflag:$0x3], $0x80, s19, s1, $0xb8;
	[tilespmem:$0x1E800] =	vst v63  }
0x6b: {  	_ =	swait.ge [sflag:s9], $0x4000  }
0x6c: {  	[sflag:s9] =	ssyncset.done $0x0  }
0x6d: {  	s19 =	sadd.s32 $0x1480, s18;
	[sflag:s9] =	ssyncadd.s32 $0xFFFFC000  }
0x6e: {  	[spmem:s2] =	stream.indirect.scatter.add.f32 [tilespmem:s0], [sflag:$0x4], $0x80, s19, s1, $0xb8;
	[tilespmem:$0x1E800] =	vst v63  }
0x6f: {  	_ =	swait.ge [sflag:s13], $0x4000  }
0x70: {  	[sflag:s13] =	ssyncset.done $0x0  }
0x71: {  	s19 =	sadd.s32 $0x100, s18;
	[sflag:s13] =	ssyncadd.s32 $0xFFFFC000  }
0x72: {  	[tilespmem:s26], [sflag:$0x1] =	stream.indirect.gather [hbm4b:s4+s30], $0x80, s19, s30, $0xb8;
	[tilespmem:$0x1E800] =	vst v63  }
0x73: {  	s19 =	sadd.s32 $0x140, s18  }
0x74: {  	[tilespmem:s31], [sflag:$0x1] =	stream.indirect.gather [hbm4b:s4+s30], $0x80, s19, s30, $0xb8;
	[tilespmem:$0x1E800] =	vst v63  }
.Ltmp1:
0x75: {  	_ =	swait.ge [sflag:s14], $0x4000;
	(pc) =	sbr.rel @p0 .LBB2_4-.Ltmp1, $4  }
0x76: {  	[sflag:s14] =	ssyncset.done $0x0  }
0x77: {  	s19 =	sadd.s32 $0x180, s18;
	[sflag:s14] =	ssyncadd.s32 $0xFFFFC000  }
0x78: {  	[tilespmem:s0], [sflag:$0x2] =	stream.indirect.gather [hbm4b:s4+s30], $0x80, s19, s30, $0xb8;
	[tilespmem:$0x1E800] =	vst v63  }
0x79: {  	s18 =	sadd.s32 $0x1C0, s18  }
0x7a: {  	[tilespmem:s7], [sflag:$0x2] =	stream.indirect.gather [hbm4b:s4+s30], $0x80, s18, s30, $0xb8;
	[tilespmem:$0x1E800] =	vst v63  }
0x7b: {  	_ =	swait.ge [sflag:s8], $0x4000  }
0x7c: {  	[sflag:s8] =	ssyncset.done $0x0  }
0x7d: {  	[sflag:s8] =	ssyncadd.s32 $0xFFFFC000  }
0x7e: {  	[spmem:s2] =	stream.indirect.scatter.add.f32 [tilespmem:s26], [sflag:$0x3], $0x80, s15, s1, $0xb8;
	[tilespmem:$0x1E800] =	vst v63  }
0x7f: {  	_ =	swait.ge [sflag:s9], $0x4000  }
0x80: {  	[sflag:s9] =	ssyncset.done $0x0  }
0x81: {  	[sflag:s9] =	ssyncadd.s32 $0xFFFFC000  }
0x82: {  	[spmem:s2] =	stream.indirect.scatter.add.f32 [tilespmem:s0], [sflag:$0x4], $0x80, s16, s1, $0xb8;
	[tilespmem:$0x1E800] =	vst v63  }
0x83: {  	_ =	swait.ge [sflag:s13], $0x4000  }
0x84: {  	[sflag:s13] =	ssyncset.done $0x0  }
0x85: {  	[sflag:s13] =	ssyncadd.s32 $0xFFFFC000  }
0x86: {  	_ =	swait.ge [sflag:s14], $0x4000  }
0x87: {  	[sflag:s14] =	ssyncset.done $0x0  }
0x88: {  	s17 =	simm.s32 $0x0;
	s19 =	rddreg [dreg:$0xa];
	[sflag:s14] =	ssyncadd.s32 $0xFFFFC000  }
0x89: {  	[tilespmem:s17], [sflag:$0x5] =	stream.linear.gather [hbm4b:s19+s17], $0x1400, $0x38;
	[tilespmem:$0x1E800] =	vst v63  }
0x8a: {  	_ =	swait.ge [sflag:s28], $0x1400  }
0x8b: {  	[sflag:s28] =	ssyncset.done $0x0  }
0x8c: {  	s20 =	rddreg [dreg:$0xb];
	[sflag:s28] =	ssyncadd.s32 $0xFFFFEC00  }
0x8d: {  	[tilespmem:s29], [sflag:$0x5] =	stream.linear.gather [hbm4b:s20+s17], $0x1400, $0x38;
	[tilespmem:$0x1E800] =	vst v63  }
0x8e: {  	_ =	swait.ge [sflag:s28], $0x1400  }
0x8f: {  	[sflag:s28] =	ssyncset.done $0x0  }
0x90: {  	[sflag:s28] =	ssyncadd.s32 $0xFFFFEC00  }
0x91: {  	[tilespmem:s26], [sflag:$0x1] =	stream.indirect.gather [hbm4b:s4+s30], $0x80, s17, s30, $0xb8;
	[tilespmem:$0x1E800] =	vst v63  }
0x92: {  	_ = 	snop  }
0x93: {  	[tilespmem:s31], [sflag:$0x1] =	stream.indirect.gather [hbm4b:s4+s30], $0x80, s30, s30, $0xb8;
	[tilespmem:$0x1E800] =	vst v63  }
0x94: {  	_ = 	snop  }
0x95: {  	[tilespmem:s0], [sflag:$0x2] =	stream.indirect.gather [hbm4b:s4+s30], $0x80, s1, s30, $0xb8;
	[tilespmem:$0x1E800] =	vst v63  }
0x96: {  	_ = 	snop  }
0x97: {  	[tilespmem:s7], [sflag:$0x2] =	stream.indirect.gather [hbm4b:s4+s30], $0x80, s6, s30, $0xb8;
	[tilespmem:$0x1E800] =	vst v63  }
0x98: {  	_ =	swait.ge [sflag:s8], $0x4000  }
0x99: {  	[sflag:s8] =	ssyncset.done $0x0  }
0x9a: {  	s21 =	simm.s32 $0x1400;
	[sflag:s8] =	ssyncadd.s32 $0xFFFFC000  }
0x9b: {  	[spmem:s2] =	stream.indirect.scatter.add.f32 [tilespmem:s26], [sflag:$0x3], $0x80, s21, s1, $0xb8;
	[tilespmem:$0x1E800] =	vst v63  }
0x9c: {  	_ =	swait.ge [sflag:s9], $0x4000  }
0x9d: {  	[sflag:s9] =	ssyncset.done $0x0  }
0x9e: {  	s18 =	simm.s32 $0x1480;
	[sflag:s9] =	ssyncadd.s32 $0xFFFFC000  }
0x9f: {  	[spmem:s2] =	stream.indirect.scatter.add.f32 [tilespmem:s0], [sflag:$0x4], $0x80, s18, s1, $0xb8;
	[tilespmem:$0x1E800] =	vst v63  }
0xa0: {  	_ =	swait.ge [sflag:s13], $0x4000  }
0xa1: {  	[sflag:s13] =	ssyncset.done $0x0  }
0xa2: {  	s19 =	simm.s32 $0x100;
	[sflag:s13] =	ssyncadd.s32 $0xFFFFC000  }
0xa3: {  	[tilespmem:s26], [sflag:$0x1] =	stream.indirect.gather [hbm4b:s4+s30], $0x80, s19, s30, $0xb8;
	[tilespmem:$0x1E800] =	vst v63  }
0xa4: {  	s20 =	simm.s32 $0x140  }
0xa5: {  	[tilespmem:s31], [sflag:$0x1] =	stream.indirect.gather [hbm4b:s4+s30], $0x80, s20, s30, $0xb8;
	[tilespmem:$0x1E800] =	vst v63  }
0xa6: {  	_ =	swait.ge [sflag:s14], $0x4000  }
0xa7: {  	s17 =	simm.s32 $0x400;
	[sflag:s14] =	ssyncset.done $0x0  }
0xa8: {  	s21 =	simm.s32 $0x180;
	s18 =	simm.s32 $0x1C0;
	[sflag:s14] =	ssyncadd.s32 $0xFFFFC000  }
0xa9: {  	[tilespmem:s0], [sflag:$0x2] =	stream.indirect.gather [hbm4b:s4+s30], $0x80, s21, s30, $0xb8;
	[tilespmem:$0x1E800] =	vst v63  }
.LBB2_6:
0xaa: {  	[tilespmem:s7], [sflag:$0x2] =	stream.indirect.gather [hbm4b:s4+s30], $0x80, s18, s30, $0xb8;
	[tilespmem:$0x1E800] =	vst v63  }
0xab: {  	s18 =	smov.u32 s17  }
0xac: {  	p0 =	sne.s32 s17, $0x4800;
	s17 =	sadd.s32 $0x400, s17;
	_ =	swait.ge [sflag:s8], $0x4000  }
0xad: {  	s18 =	sshra.s32 s18, $0x2;
	[sflag:s8] =	ssyncset.done $0x0  }
0xae: {  	s19 =	sadd.s32 $0x1400, s18;
	[sflag:s8] =	ssyncadd.s32 $0xFFFFC000  }
0xaf: {  	[spmem:s2] =	stream.indirect.scatter.add.f32 [tilespmem:s26], [sflag:$0x3], $0x80, s19, s1, $0xb8;
	[tilespmem:$0x1E800] =	vst v63  }
0xb0: {  	_ =	swait.ge [sflag:s9], $0x4000  }
0xb1: {  	[sflag:s9] =	ssyncset.done $0x0  }
0xb2: {  	s19 =	sadd.s32 $0x1480, s18;
	[sflag:s9] =	ssyncadd.s32 $0xFFFFC000  }
0xb3: {  	[spmem:s2] =	stream.indirect.scatter.add.f32 [tilespmem:s0], [sflag:$0x4], $0x80, s19, s1, $0xb8;
	[tilespmem:$0x1E800] =	vst v63  }
0xb4: {  	_ =	swait.ge [sflag:s13], $0x4000  }
0xb5: {  	[sflag:s13] =	ssyncset.done $0x0  }
0xb6: {  	s19 =	sadd.s32 $0x100, s18;
	[sflag:s13] =	ssyncadd.s32 $0xFFFFC000  }
0xb7: {  	[tilespmem:s26], [sflag:$0x1] =	stream.indirect.gather [hbm4b:s4+s30], $0x80, s19, s30, $0xb8;
	[tilespmem:$0x1E800] =	vst v63  }
0xb8: {  	s19 =	sadd.s32 $0x140, s18  }
0xb9: {  	[tilespmem:s31], [sflag:$0x1] =	stream.indirect.gather [hbm4b:s4+s30], $0x80, s19, s30, $0xb8;
	[tilespmem:$0x1E800] =	vst v63  }
.Ltmp2:
0xba: {  	_ =	swait.ge [sflag:s14], $0x4000;
	(pc) =	sbr.rel @p0 .LBB2_6-.Ltmp2, $4  }
0xbb: {  	[sflag:s14] =	ssyncset.done $0x0  }
0xbc: {  	s19 =	sadd.s32 $0x180, s18;
	[sflag:s14] =	ssyncadd.s32 $0xFFFFC000  }
0xbd: {  	[tilespmem:s0], [sflag:$0x2] =	stream.indirect.gather [hbm4b:s4+s30], $0x80, s19, s30, $0xb8;
	[tilespmem:$0x1E800] =	vst v63  }
0xbe: {  	s18 =	sadd.s32 $0x1C0, s18  }
0xbf: {  	[tilespmem:s7], [sflag:$0x2] =	stream.indirect.gather [hbm4b:s4+s30], $0x80, s18, s30, $0xb8;
	[tilespmem:$0x1E800] =	vst v63  }
0xc0: {  	_ =	swait.ge [sflag:s8], $0x4000  }
0xc1: {  	[sflag:s8] =	ssyncset.done $0x0  }
0xc2: {  	[sflag:s8] =	ssyncadd.s32 $0xFFFFC000  }
0xc3: {  	[spmem:s2] =	stream.indirect.scatter.add.f32 [tilespmem:s26], [sflag:$0x3], $0x80, s15, s1, $0xb8;
	[tilespmem:$0x1E800] =	vst v63  }
0xc4: {  	_ =	swait.ge [sflag:s9], $0x4000  }
0xc5: {  	[sflag:s9] =	ssyncset.done $0x0  }
0xc6: {  	[sflag:s9] =	ssyncadd.s32 $0xFFFFC000  }
0xc7: {  	[spmem:s2] =	stream.indirect.scatter.add.f32 [tilespmem:s0], [sflag:$0x4], $0x80, s16, s1, $0xb8;
	[tilespmem:$0x1E800] =	vst v63  }
0xc8: {  	_ =	swait.ge [sflag:s13], $0x4000  }
0xc9: {  	[sflag:s13] =	ssyncset.done $0x0  }
0xca: {  	[sflag:s13] =	ssyncadd.s32 $0xFFFFC000  }
0xcb: {  	_ =	swait.ge [sflag:s14], $0x4000  }
0xcc: {  	[sflag:s14] =	ssyncset.done $0x0  }
0xcd: {  	s17 =	stileid.u32;
	[sflag:s14] =	ssyncadd.s32 $0xFFFFC000  }
0xce: {  	s17 =	sshll.u32 s17, $0x6;
	[bflag:$0x0] =	sbarrier.arrive $0xFFFF  }
0xcf: {  	s18 =	sshrl.u32 s5, $0x3;
	s17 =	sor.u32 $0x1C05, s17;
	s19 =	rddreg [dreg:$0x4]  }
0xd0: {  	[hbm:s19], [sflag:s17] =	dma.local [spmem:s18], $0x2800  }
0xd1: {  	_ =	swait.ge [sflag:s28], $0x2800  }
0xd2: {  	[sflag:s28] =	ssyncset.done $0x0  }
0xd3: {  	s20 =	simm.s32 $0x200;
	s19 =	simm.s32 $0x0;
	[sflag:s28] =	ssyncadd.s32 $0xFFFFD800  }
.LBB2_8:
0xd4: {  	p0 =	sne.s32 s20, $0xFE00;
	[tilespmem:s19+$0x2870] =	vst v0  }
0xd5: {  	[tilespmem:s19+$0x2800] =	vst v0  }
0xd6: {  	[tilespmem:s19+$0x2810] =	vst v0  }
.Ltmp3:
0xd7: {  	[tilespmem:s19+$0x2820] =	vst v0;
	(pc) =	sbr.rel @p0 .LBB2_8-.Ltmp3, $4  }
0xd8: {  	[tilespmem:s19+$0x2830] =	vst v0  }
0xd9: {  	[tilespmem:s19+$0x2840] =	vst v0  }
0xda: {  	[tilespmem:s19+$0x2850] =	vst v0  }
0xdb: {  	[tilespmem:s19+$0x2860] =	vst v0;
	s19 =	sshra.s32 s20, $0x2;
	s20 =	sadd.s32 $0x200, s20  }
0xdc: {  	[tilespmem:s19+$0x2870] =	vst v0  }
0xdd: {  	[tilespmem:s19+$0x2800] =	vst v0  }
0xde: {  	[tilespmem:s19+$0x2810] =	vst v0  }
0xdf: {  	[tilespmem:s19+$0x2820] =	vst v0  }
0xe0: {  	[tilespmem:s19+$0x2830] =	vst v0  }
0xe1: {  	[tilespmem:s19+$0x2840] =	vst v0  }
0xe2: {  	[tilespmem:s19+$0x2850] =	vst v0  }
0xe3: {  	[tilespmem:s19+$0x2860] =	vst v0  }
0xe4: {  	[spmem:s5] =	stream.linear.scatter [tilespmem:s26], [sflag:$0x5], $0x4000, $0x38;
	[tilespmem:$0x1E800] =	vst v63  }
0xe5: {  	_ =	swait.ge [sflag:s28], $0x4000  }
0xe6: {  	[sflag:s28] =	ssyncset.done $0x0  }
0xe7: {  	[sflag:s28] =	ssyncadd.s32 $0xFFFFC000  }
0xe8: {  	[spmem:s10] =	stream.linear.scatter [tilespmem:s26], [sflag:$0x5], $0x4000, $0x38;
	[tilespmem:$0x1E800] =	vst v63  }
0xe9: {  	_ =	swait.ge [sflag:s28], $0x4000  }
0xea: {  	[sflag:s28] =	ssyncset.done $0x0  }
0xeb: {  	[sflag:s28] =	ssyncadd.s32 $0xFFFFC000  }
0xec: {  	[spmem:s11] =	stream.linear.scatter [tilespmem:s26], [sflag:$0x5], $0x4000, $0x38;
	[tilespmem:$0x1E800] =	vst v63  }
0xed: {  	_ =	swait.ge [sflag:s28], $0x4000  }
0xee: {  	[sflag:s28] =	ssyncset.done $0x0  }
0xef: {  	[sflag:s28] =	ssyncadd.s32 $0xFFFFC000  }
0xf0: {  	[spmem:s12] =	stream.linear.scatter [tilespmem:s26], [sflag:$0x5], $0x4000, $0x38;
	[tilespmem:$0x1E800] =	vst v63  }
0xf1: {  	_ =	swait.ge [sflag:s28], $0x4000  }
0xf2: {  	[sflag:s28] =	ssyncset.done $0x0  }
0xf3: {  	[sflag:s28] =	ssyncadd.s32 $0xFFFFC000  }
0xf4: {  	[spmem:s25] =	stream.linear.scatter [tilespmem:s26], [sflag:$0x5], $0x4000, $0x38;
	[tilespmem:$0x1E800] =	vst v63  }
0xf5: {  	_ =	swait.ge [sflag:s28], $0x4000  }
0xf6: {  	[sflag:s28] =	ssyncset.done $0x0  }
0xf7: {  	[sflag:s28] =	ssyncadd.s32 $0xFFFFC000  }
0xf8: {  	[bflag:$0x0] =	sbarrier.arrive $0xFFFF  }
0xf9: {  	s19 =	simm.s32 $0x0;
	s20 =	rddreg [dreg:$0xc]  }
0xfa: {  	[tilespmem:s19], [sflag:$0x5] =	stream.linear.gather [hbm4b:s20+s19], $0x1400, $0x38;
	[tilespmem:$0x1E800] =	vst v63  }
0xfb: {  	_ =	swait.ge [sflag:s28], $0x1400  }
0xfc: {  	[sflag:s28] =	ssyncset.done $0x0  }
0xfd: {  	s21 =	rddreg [dreg:$0xd];
	[sflag:s28] =	ssyncadd.s32 $0xFFFFEC00  }
0xfe: {  	[tilespmem:s29], [sflag:$0x5] =	stream.linear.gather [hbm4b:s21+s19], $0x1400, $0x38;
	[tilespmem:$0x1E800] =	vst v63  }
0xff: {  	_ =	swait.ge [sflag:s28], $0x1400  }
0x100: {  	[sflag:s28] =	ssyncset.done $0x0  }
0x101: {  	[sflag:s28] =	ssyncadd.s32 $0xFFFFEC00  }
0x102: {  	[tilespmem:s26], [sflag:$0x1] =	stream.indirect.gather [hbm4b:s4+s30], $0x80, s19, s30, $0xb8;
	[tilespmem:$0x1E800] =	vst v63  }
0x103: {  	_ = 	snop  }
0x104: {  	[tilespmem:s31], [sflag:$0x1] =	stream.indirect.gather [hbm4b:s4+s30], $0x80, s30, s30, $0xb8;
	[tilespmem:$0x1E800] =	vst v63  }
0x105: {  	_ = 	snop  }
0x106: {  	[tilespmem:s0], [sflag:$0x2] =	stream.indirect.gather [hbm4b:s4+s30], $0x80, s1, s30, $0xb8;
	[tilespmem:$0x1E800] =	vst v63  }
0x107: {  	_ = 	snop  }
0x108: {  	[tilespmem:s7], [sflag:$0x2] =	stream.indirect.gather [hbm4b:s4+s30], $0x80, s6, s30, $0xb8;
	[tilespmem:$0x1E800] =	vst v63  }
0x109: {  	_ =	swait.ge [sflag:s8], $0x4000  }
0x10a: {  	[sflag:s8] =	ssyncset.done $0x0  }
0x10b: {  	s21 =	simm.s32 $0x1400;
	[sflag:s8] =	ssyncadd.s32 $0xFFFFC000  }
0x10c: {  	[spmem:s2] =	stream.indirect.scatter.add.f32 [tilespmem:s26], [sflag:$0x3], $0x80, s21, s1, $0xb8;
	[tilespmem:$0x1E800] =	vst v63  }
0x10d: {  	_ =	swait.ge [sflag:s9], $0x4000  }
0x10e: {  	[sflag:s9] =	ssyncset.done $0x0  }
0x10f: {  	s20 =	simm.s32 $0x1480;
	[sflag:s9] =	ssyncadd.s32 $0xFFFFC000  }
0x110: {  	[spmem:s2] =	stream.indirect.scatter.add.f32 [tilespmem:s0], [sflag:$0x4], $0x80, s20, s1, $0xb8;
	[tilespmem:$0x1E800] =	vst v63  }
0x111: {  	_ =	swait.ge [sflag:s13], $0x4000  }
0x112: {  	[sflag:s13] =	ssyncset.done $0x0  }
0x113: {  	s21 =	simm.s32 $0x100;
	[sflag:s13] =	ssyncadd.s32 $0xFFFFC000  }
0x114: {  	[tilespmem:s26], [sflag:$0x1] =	stream.indirect.gather [hbm4b:s4+s30], $0x80, s21, s30, $0xb8;
	[tilespmem:$0x1E800] =	vst v63  }
0x115: {  	s20 =	simm.s32 $0x140  }
0x116: {  	[tilespmem:s31], [sflag:$0x1] =	stream.indirect.gather [hbm4b:s4+s30], $0x80, s20, s30, $0xb8;
	[tilespmem:$0x1E800] =	vst v63  }
0x117: {  	_ =	swait.ge [sflag:s14], $0x4000  }
0x118: {  	s19 =	simm.s32 $0x400;
	[sflag:s14] =	ssyncset.done $0x0  }
0x119: {  	s21 =	simm.s32 $0x180;
	s20 =	simm.s32 $0x1C0;
	[sflag:s14] =	ssyncadd.s32 $0xFFFFC000  }
0x11a: {  	[tilespmem:s0], [sflag:$0x2] =	stream.indirect.gather [hbm4b:s4+s30], $0x80, s21, s30, $0xb8;
	[tilespmem:$0x1E800] =	vst v63  }
.LBB2_10:
0x11b: {  	[tilespmem:s7], [sflag:$0x2] =	stream.indirect.gather [hbm4b:s4+s30], $0x80, s20, s30, $0xb8;
	[tilespmem:$0x1E800] =	vst v63  }
0x11c: {  	s20 =	smov.u32 s19  }
0x11d: {  	p0 =	sne.s32 s19, $0x4800;
	s19 =	sadd.s32 $0x400, s19;
	_ =	swait.ge [sflag:s8], $0x4000  }
0x11e: {  	s20 =	sshra.s32 s20, $0x2;
	[sflag:s8] =	ssyncset.done $0x0  }
0x11f: {  	s21 =	sadd.s32 $0x1400, s20;
	[sflag:s8] =	ssyncadd.s32 $0xFFFFC000  }
0x120: {  	[spmem:s2] =	stream.indirect.scatter.add.f32 [tilespmem:s26], [sflag:$0x3], $0x80, s21, s1, $0xb8;
	[tilespmem:$0x1E800] =	vst v63  }
0x121: {  	_ =	swait.ge [sflag:s9], $0x4000  }
0x122: {  	[sflag:s9] =	ssyncset.done $0x0  }
0x123: {  	s21 =	sadd.s32 $0x1480, s20;
	[sflag:s9] =	ssyncadd.s32 $0xFFFFC000  }
0x124: {  	[spmem:s2] =	stream.indirect.scatter.add.f32 [tilespmem:s0], [sflag:$0x4], $0x80, s21, s1, $0xb8;
	[tilespmem:$0x1E800] =	vst v63  }
0x125: {  	_ =	swait.ge [sflag:s13], $0x4000  }
0x126: {  	[sflag:s13] =	ssyncset.done $0x0  }
0x127: {  	s21 =	sadd.s32 $0x100, s20;
	[sflag:s13] =	ssyncadd.s32 $0xFFFFC000  }
0x128: {  	[tilespmem:s26], [sflag:$0x1] =	stream.indirect.gather [hbm4b:s4+s30], $0x80, s21, s30, $0xb8;
	[tilespmem:$0x1E800] =	vst v63  }
0x129: {  	s21 =	sadd.s32 $0x140, s20  }
0x12a: {  	[tilespmem:s31], [sflag:$0x1] =	stream.indirect.gather [hbm4b:s4+s30], $0x80, s21, s30, $0xb8;
	[tilespmem:$0x1E800] =	vst v63  }
.Ltmp4:
0x12b: {  	_ =	swait.ge [sflag:s14], $0x4000;
	(pc) =	sbr.rel @p0 .LBB2_10-.Ltmp4, $4  }
0x12c: {  	[sflag:s14] =	ssyncset.done $0x0  }
0x12d: {  	s21 =	sadd.s32 $0x180, s20;
	[sflag:s14] =	ssyncadd.s32 $0xFFFFC000  }
0x12e: {  	[tilespmem:s0], [sflag:$0x2] =	stream.indirect.gather [hbm4b:s4+s30], $0x80, s21, s30, $0xb8;
	[tilespmem:$0x1E800] =	vst v63  }
0x12f: {  	s20 =	sadd.s32 $0x1C0, s20  }
0x130: {  	[tilespmem:s7], [sflag:$0x2] =	stream.indirect.gather [hbm4b:s4+s30], $0x80, s20, s30, $0xb8;
	[tilespmem:$0x1E800] =	vst v63  }
0x131: {  	_ =	swait.ge [sflag:s8], $0x4000  }
0x132: {  	[sflag:s8] =	ssyncset.done $0x0  }
0x133: {  	[sflag:s8] =	ssyncadd.s32 $0xFFFFC000  }
0x134: {  	[spmem:s2] =	stream.indirect.scatter.add.f32 [tilespmem:s26], [sflag:$0x3], $0x80, s15, s1, $0xb8;
	[tilespmem:$0x1E800] =	vst v63  }
0x135: {  	_ =	swait.ge [sflag:s9], $0x4000  }
0x136: {  	[sflag:s9] =	ssyncset.done $0x0  }
0x137: {  	[sflag:s9] =	ssyncadd.s32 $0xFFFFC000  }
0x138: {  	[spmem:s2] =	stream.indirect.scatter.add.f32 [tilespmem:s0], [sflag:$0x4], $0x80, s16, s1, $0xb8;
	[tilespmem:$0x1E800] =	vst v63  }
0x139: {  	_ =	swait.ge [sflag:s13], $0x4000  }
0x13a: {  	[sflag:s13] =	ssyncset.done $0x0  }
0x13b: {  	[sflag:s13] =	ssyncadd.s32 $0xFFFFC000  }
0x13c: {  	_ =	swait.ge [sflag:s14], $0x4000  }
0x13d: {  	[sflag:s14] =	ssyncset.done $0x0  }
0x13e: {  	s19 =	simm.s32 $0x0;
	s21 =	rddreg [dreg:$0xe];
	[sflag:s14] =	ssyncadd.s32 $0xFFFFC000  }
0x13f: {  	[tilespmem:s19], [sflag:$0x5] =	stream.linear.gather [hbm4b:s21+s19], $0x1400, $0x38;
	[tilespmem:$0x1E800] =	vst v63  }
0x140: {  	_ =	swait.ge [sflag:s28], $0x1400  }
0x141: {  	[sflag:s28] =	ssyncset.done $0x0  }
0x142: {  	s21 =	rddreg [dreg:$0xf];
	[sflag:s28] =	ssyncadd.s32 $0xFFFFEC00  }
0x143: {  	[tilespmem:s29], [sflag:$0x5] =	stream.linear.gather [hbm4b:s21+s19], $0x1400, $0x38;
	[tilespmem:$0x1E800] =	vst v63  }
0x144: {  	_ =	swait.ge [sflag:s28], $0x1400  }
0x145: {  	[sflag:s28] =	ssyncset.done $0x0  }
0x146: {  	[sflag:s28] =	ssyncadd.s32 $0xFFFFEC00  }
0x147: {  	[tilespmem:s26], [sflag:$0x1] =	stream.indirect.gather [hbm4b:s4+s30], $0x80, s19, s30, $0xb8;
	[tilespmem:$0x1E800] =	vst v63  }
0x148: {  	_ = 	snop  }
0x149: {  	[tilespmem:s31], [sflag:$0x1] =	stream.indirect.gather [hbm4b:s4+s30], $0x80, s30, s30, $0xb8;
	[tilespmem:$0x1E800] =	vst v63  }
0x14a: {  	_ = 	snop  }
0x14b: {  	[tilespmem:s0], [sflag:$0x2] =	stream.indirect.gather [hbm4b:s4+s30], $0x80, s1, s30, $0xb8;
	[tilespmem:$0x1E800] =	vst v63  }
0x14c: {  	_ = 	snop  }
0x14d: {  	[tilespmem:s7], [sflag:$0x2] =	stream.indirect.gather [hbm4b:s4+s30], $0x80, s6, s30, $0xb8;
	[tilespmem:$0x1E800] =	vst v63  }
0x14e: {  	_ =	swait.ge [sflag:s8], $0x4000  }
0x14f: {  	[sflag:s8] =	ssyncset.done $0x0  }
0x150: {  	s21 =	simm.s32 $0x1400;
	[sflag:s8] =	ssyncadd.s32 $0xFFFFC000  }
0x151: {  	[spmem:s2] =	stream.indirect.scatter.add.f32 [tilespmem:s26], [sflag:$0x3], $0x80, s21, s1, $0xb8;
	[tilespmem:$0x1E800] =	vst v63  }
0x152: {  	_ =	swait.ge [sflag:s9], $0x4000  }
0x153: {  	[sflag:s9] =	ssyncset.done $0x0  }
0x154: {  	s20 =	simm.s32 $0x1480;
	[sflag:s9] =	ssyncadd.s32 $0xFFFFC000  }
0x155: {  	[spmem:s2] =	stream.indirect.scatter.add.f32 [tilespmem:s0], [sflag:$0x4], $0x80, s20, s1, $0xb8;
	[tilespmem:$0x1E800] =	vst v63  }
0x156: {  	_ =	swait.ge [sflag:s13], $0x4000  }
0x157: {  	[sflag:s13] =	ssyncset.done $0x0  }
0x158: {  	s21 =	simm.s32 $0x100;
	[sflag:s13] =	ssyncadd.s32 $0xFFFFC000  }
0x159: {  	[tilespmem:s26], [sflag:$0x1] =	stream.indirect.gather [hbm4b:s4+s30], $0x80, s21, s30, $0xb8;
	[tilespmem:$0x1E800] =	vst v63  }
0x15a: {  	s20 =	simm.s32 $0x140  }
0x15b: {  	[tilespmem:s31], [sflag:$0x1] =	stream.indirect.gather [hbm4b:s4+s30], $0x80, s20, s30, $0xb8;
	[tilespmem:$0x1E800] =	vst v63  }
0x15c: {  	_ =	swait.ge [sflag:s14], $0x4000  }
0x15d: {  	s19 =	simm.s32 $0x400;
	[sflag:s14] =	ssyncset.done $0x0  }
0x15e: {  	s21 =	simm.s32 $0x180;
	s20 =	simm.s32 $0x1C0;
	[sflag:s14] =	ssyncadd.s32 $0xFFFFC000  }
0x15f: {  	[tilespmem:s0], [sflag:$0x2] =	stream.indirect.gather [hbm4b:s4+s30], $0x80, s21, s30, $0xb8;
	[tilespmem:$0x1E800] =	vst v63  }
.LBB2_12:
0x160: {  	[tilespmem:s7], [sflag:$0x2] =	stream.indirect.gather [hbm4b:s4+s30], $0x80, s20, s30, $0xb8;
	[tilespmem:$0x1E800] =	vst v63  }
0x161: {  	s20 =	smov.u32 s19  }
0x162: {  	p0 =	sne.s32 s19, $0x4800;
	s19 =	sadd.s32 $0x400, s19;
	_ =	swait.ge [sflag:s8], $0x4000  }
0x163: {  	s20 =	sshra.s32 s20, $0x2;
	[sflag:s8] =	ssyncset.done $0x0  }
0x164: {  	s21 =	sadd.s32 $0x1400, s20;
	[sflag:s8] =	ssyncadd.s32 $0xFFFFC000  }
0x165: {  	[spmem:s2] =	stream.indirect.scatter.add.f32 [tilespmem:s26], [sflag:$0x3], $0x80, s21, s1, $0xb8;
	[tilespmem:$0x1E800] =	vst v63  }
0x166: {  	_ =	swait.ge [sflag:s9], $0x4000  }
0x167: {  	[sflag:s9] =	ssyncset.done $0x0  }
0x168: {  	s21 =	sadd.s32 $0x1480, s20;
	[sflag:s9] =	ssyncadd.s32 $0xFFFFC000  }
0x169: {  	[spmem:s2] =	stream.indirect.scatter.add.f32 [tilespmem:s0], [sflag:$0x4], $0x80, s21, s1, $0xb8;
	[tilespmem:$0x1E800] =	vst v63  }
0x16a: {  	_ =	swait.ge [sflag:s13], $0x4000  }
0x16b: {  	[sflag:s13] =	ssyncset.done $0x0  }
0x16c: {  	s21 =	sadd.s32 $0x100, s20;
	[sflag:s13] =	ssyncadd.s32 $0xFFFFC000  }
0x16d: {  	[tilespmem:s26], [sflag:$0x1] =	stream.indirect.gather [hbm4b:s4+s30], $0x80, s21, s30, $0xb8;
	[tilespmem:$0x1E800] =	vst v63  }
0x16e: {  	s21 =	sadd.s32 $0x140, s20  }
0x16f: {  	[tilespmem:s31], [sflag:$0x1] =	stream.indirect.gather [hbm4b:s4+s30], $0x80, s21, s30, $0xb8;
	[tilespmem:$0x1E800] =	vst v63  }
.Ltmp5:
0x170: {  	_ =	swait.ge [sflag:s14], $0x4000;
	(pc) =	sbr.rel @p0 .LBB2_12-.Ltmp5, $4  }
0x171: {  	[sflag:s14] =	ssyncset.done $0x0  }
0x172: {  	s21 =	sadd.s32 $0x180, s20;
	[sflag:s14] =	ssyncadd.s32 $0xFFFFC000  }
0x173: {  	[tilespmem:s0], [sflag:$0x2] =	stream.indirect.gather [hbm4b:s4+s30], $0x80, s21, s30, $0xb8;
	[tilespmem:$0x1E800] =	vst v63  }
0x174: {  	s20 =	sadd.s32 $0x1C0, s20  }
0x175: {  	[tilespmem:s7], [sflag:$0x2] =	stream.indirect.gather [hbm4b:s4+s30], $0x80, s20, s30, $0xb8;
	[tilespmem:$0x1E800] =	vst v63  }
0x176: {  	_ =	swait.ge [sflag:s8], $0x4000  }
0x177: {  	[sflag:s8] =	ssyncset.done $0x0  }
0x178: {  	[sflag:s8] =	ssyncadd.s32 $0xFFFFC000  }
0x179: {  	[spmem:s2] =	stream.indirect.scatter.add.f32 [tilespmem:s26], [sflag:$0x3], $0x80, s15, s1, $0xb8;
	[tilespmem:$0x1E800] =	vst v63  }
0x17a: {  	_ =	swait.ge [sflag:s9], $0x4000  }
0x17b: {  	[sflag:s9] =	ssyncset.done $0x0  }
0x17c: {  	[sflag:s9] =	ssyncadd.s32 $0xFFFFC000  }
0x17d: {  	[spmem:s2] =	stream.indirect.scatter.add.f32 [tilespmem:s0], [sflag:$0x4], $0x80, s16, s1, $0xb8;
	[tilespmem:$0x1E800] =	vst v63  }
0x17e: {  	_ =	swait.ge [sflag:s13], $0x4000  }
0x17f: {  	[sflag:s13] =	ssyncset.done $0x0  }
0x180: {  	[sflag:s13] =	ssyncadd.s32 $0xFFFFC000  }
0x181: {  	_ =	swait.ge [sflag:s14], $0x4000  }
0x182: {  	[sflag:s14] =	ssyncset.done $0x0  }
0x183: {  	[sflag:s14] =	ssyncadd.s32 $0xFFFFC000  }
0x184: {  	[bflag:$0x0] =	sbarrier.arrive $0xFFFF  }
0x185: {  	s19 =	rddreg [dreg:$0x5]  }
0x186: {  	[hbm:s19], [sflag:s17] =	dma.local [spmem:s18], $0x2800  }
0x187: {  	_ =	swait.ge [sflag:s28], $0x2800  }
0x188: {  	[sflag:s28] =	ssyncset.done $0x0  }
0x189: {  	s20 =	simm.s32 $0x200;
	s19 =	simm.s32 $0x0;
	[sflag:s28] =	ssyncadd.s32 $0xFFFFD800  }
.LBB2_14:
0x18a: {  	p0 =	sne.s32 s20, $0xFE00;
	[tilespmem:s19+$0x2870] =	vst v0  }
0x18b: {  	[tilespmem:s19+$0x2800] =	vst v0  }
0x18c: {  	[tilespmem:s19+$0x2810] =	vst v0  }
.Ltmp6:
0x18d: {  	[tilespmem:s19+$0x2820] =	vst v0;
	(pc) =	sbr.rel @p0 .LBB2_14-.Ltmp6, $4  }
0x18e: {  	[tilespmem:s19+$0x2830] =	vst v0  }
0x18f: {  	[tilespmem:s19+$0x2840] =	vst v0  }
0x190: {  	[tilespmem:s19+$0x2850] =	vst v0  }
0x191: {  	[tilespmem:s19+$0x2860] =	vst v0;
	s19 =	sshra.s32 s20, $0x2;
	s20 =	sadd.s32 $0x200, s20  }
0x192: {  	[tilespmem:s19+$0x2870] =	vst v0  }
0x193: {  	[tilespmem:s19+$0x2800] =	vst v0  }
0x194: {  	[tilespmem:s19+$0x2810] =	vst v0  }
0x195: {  	[tilespmem:s19+$0x2820] =	vst v0  }
0x196: {  	[tilespmem:s19+$0x2830] =	vst v0  }
0x197: {  	[tilespmem:s19+$0x2840] =	vst v0  }
0x198: {  	[tilespmem:s19+$0x2850] =	vst v0  }
0x199: {  	[tilespmem:s19+$0x2860] =	vst v0  }
0x19a: {  	[spmem:s5] =	stream.linear.scatter [tilespmem:s26], [sflag:$0x5], $0x4000, $0x38;
	[tilespmem:$0x1E800] =	vst v63  }
0x19b: {  	_ =	swait.ge [sflag:s28], $0x4000  }
0x19c: {  	[sflag:s28] =	ssyncset.done $0x0  }
0x19d: {  	[sflag:s28] =	ssyncadd.s32 $0xFFFFC000  }
0x19e: {  	[spmem:s10] =	stream.linear.scatter [tilespmem:s26], [sflag:$0x5], $0x4000, $0x38;
	[tilespmem:$0x1E800] =	vst v63  }
0x19f: {  	_ =	swait.ge [sflag:s28], $0x4000  }
0x1a0: {  	[sflag:s28] =	ssyncset.done $0x0  }
0x1a1: {  	[sflag:s28] =	ssyncadd.s32 $0xFFFFC000  }
0x1a2: {  	[spmem:s11] =	stream.linear.scatter [tilespmem:s26], [sflag:$0x5], $0x4000, $0x38;
	[tilespmem:$0x1E800] =	vst v63  }
0x1a3: {  	_ =	swait.ge [sflag:s28], $0x4000  }
0x1a4: {  	[sflag:s28] =	ssyncset.done $0x0  }
0x1a5: {  	[sflag:s28] =	ssyncadd.s32 $0xFFFFC000  }
0x1a6: {  	[spmem:s12] =	stream.linear.scatter [tilespmem:s26], [sflag:$0x5], $0x4000, $0x38;
	[tilespmem:$0x1E800] =	vst v63  }
0x1a7: {  	_ =	swait.ge [sflag:s28], $0x4000  }
0x1a8: {  	[sflag:s28] =	ssyncset.done $0x0  }
0x1a9: {  	[sflag:s28] =	ssyncadd.s32 $0xFFFFC000  }
0x1aa: {  	[spmem:s25] =	stream.linear.scatter [tilespmem:s26], [sflag:$0x5], $0x4000, $0x38;
	[tilespmem:$0x1E800] =	vst v63  }
0x1ab: {  	_ =	swait.ge [sflag:s28], $0x4000  }
0x1ac: {  	[sflag:s28] =	ssyncset.done $0x0  }
0x1ad: {  	[sflag:s28] =	ssyncadd.s32 $0xFFFFC000  }
0x1ae: {  	[bflag:$0x0] =	sbarrier.arrive $0xFFFF  }
0x1af: {  	s21 =	simm.s32 $0x0;
	s20 =	rddreg [dreg:$0x10]  }
0x1b0: {  	[tilespmem:s21], [sflag:$0x5] =	stream.linear.gather [hbm4b:s20+s21], $0x1400, $0x38;
	[tilespmem:$0x1E800] =	vst v63  }
0x1b1: {  	_ =	swait.ge [sflag:s28], $0x1400  }
0x1b2: {  	[sflag:s28] =	ssyncset.done $0x0  }
0x1b3: {  	[sflag:s28] =	ssyncadd.s32 $0xFFFFEC00  }
0x1b4: {  	[tilespmem:s29], [sflag:$0x5] =	stream.linear.gather [hbm4b:s22+s21], $0x1400, $0x38;
	[tilespmem:$0x1E800] =	vst v63  }
0x1b5: {  	_ =	swait.ge [sflag:s28], $0x1400  }
0x1b6: {  	[sflag:s28] =	ssyncset.done $0x0  }
0x1b7: {  	[sflag:s28] =	ssyncadd.s32 $0xFFFFEC00  }
0x1b8: {  	[tilespmem:s26], [sflag:$0x1] =	stream.indirect.gather [hbm4b:s4+s30], $0x80, s21, s30, $0xb8;
	[tilespmem:$0x1E800] =	vst v63  }
0x1b9: {  	_ = 	snop  }
0x1ba: {  	[tilespmem:s31], [sflag:$0x1] =	stream.indirect.gather [hbm4b:s4+s30], $0x80, s30, s30, $0xb8;
	[tilespmem:$0x1E800] =	vst v63  }
0x1bb: {  	_ = 	snop  }
0x1bc: {  	[tilespmem:s0], [sflag:$0x2] =	stream.indirect.gather [hbm4b:s4+s30], $0x80, s1, s30, $0xb8;
	[tilespmem:$0x1E800] =	vst v63  }
0x1bd: {  	_ = 	snop  }
0x1be: {  	[tilespmem:s7], [sflag:$0x2] =	stream.indirect.gather [hbm4b:s4+s30], $0x80, s6, s30, $0xb8;
	[tilespmem:$0x1E800] =	vst v63  }
0x1bf: {  	_ =	swait.ge [sflag:s8], $0x4000  }
0x1c0: {  	[sflag:s8] =	ssyncset.done $0x0  }
0x1c1: {  	s21 =	simm.s32 $0x1400;
	[sflag:s8] =	ssyncadd.s32 $0xFFFFC000  }
0x1c2: {  	[spmem:s2] =	stream.indirect.scatter.add.f32 [tilespmem:s26], [sflag:$0x3], $0x80, s21, s1, $0xb8;
	[tilespmem:$0x1E800] =	vst v63  }
0x1c3: {  	_ =	swait.ge [sflag:s9], $0x4000  }
0x1c4: {  	[sflag:s9] =	ssyncset.done $0x0  }
0x1c5: {  	s20 =	simm.s32 $0x1480;
	[sflag:s9] =	ssyncadd.s32 $0xFFFFC000  }
0x1c6: {  	[spmem:s2] =	stream.indirect.scatter.add.f32 [tilespmem:s0], [sflag:$0x4], $0x80, s20, s1, $0xb8;
	[tilespmem:$0x1E800] =	vst v63  }
0x1c7: {  	_ =	swait.ge [sflag:s13], $0x4000  }
0x1c8: {  	[sflag:s13] =	ssyncset.done $0x0  }
0x1c9: {  	s21 =	simm.s32 $0x100;
	[sflag:s13] =	ssyncadd.s32 $0xFFFFC000  }
0x1ca: {  	[tilespmem:s26], [sflag:$0x1] =	stream.indirect.gather [hbm4b:s4+s30], $0x80, s21, s30, $0xb8;
	[tilespmem:$0x1E800] =	vst v63  }
0x1cb: {  	s20 =	simm.s32 $0x140  }
0x1cc: {  	[tilespmem:s31], [sflag:$0x1] =	stream.indirect.gather [hbm4b:s4+s30], $0x80, s20, s30, $0xb8;
	[tilespmem:$0x1E800] =	vst v63  }
0x1cd: {  	_ =	swait.ge [sflag:s14], $0x4000  }
0x1ce: {  	s19 =	simm.s32 $0x400;
	[sflag:s14] =	ssyncset.done $0x0  }
0x1cf: {  	s21 =	simm.s32 $0x180;
	s20 =	simm.s32 $0x1C0;
	[sflag:s14] =	ssyncadd.s32 $0xFFFFC000  }
0x1d0: {  	[tilespmem:s0], [sflag:$0x2] =	stream.indirect.gather [hbm4b:s4+s30], $0x80, s21, s30, $0xb8;
	[tilespmem:$0x1E800] =	vst v63  }
.LBB2_16:
0x1d1: {  	[tilespmem:s7], [sflag:$0x2] =	stream.indirect.gather [hbm4b:s4+s30], $0x80, s20, s30, $0xb8;
	[tilespmem:$0x1E800] =	vst v63  }
0x1d2: {  	s20 =	smov.u32 s19  }
0x1d3: {  	p0 =	sne.s32 s19, $0x4800;
	s19 =	sadd.s32 $0x400, s19;
	_ =	swait.ge [sflag:s8], $0x4000  }
0x1d4: {  	s20 =	sshra.s32 s20, $0x2;
	[sflag:s8] =	ssyncset.done $0x0  }
0x1d5: {  	s21 =	sadd.s32 $0x1400, s20;
	[sflag:s8] =	ssyncadd.s32 $0xFFFFC000  }
0x1d6: {  	[spmem:s2] =	stream.indirect.scatter.add.f32 [tilespmem:s26], [sflag:$0x3], $0x80, s21, s1, $0xb8;
	[tilespmem:$0x1E800] =	vst v63  }
0x1d7: {  	_ =	swait.ge [sflag:s9], $0x4000  }
0x1d8: {  	[sflag:s9] =	ssyncset.done $0x0  }
0x1d9: {  	s21 =	sadd.s32 $0x1480, s20;
	[sflag:s9] =	ssyncadd.s32 $0xFFFFC000  }
0x1da: {  	[spmem:s2] =	stream.indirect.scatter.add.f32 [tilespmem:s0], [sflag:$0x4], $0x80, s21, s1, $0xb8;
	[tilespmem:$0x1E800] =	vst v63  }
0x1db: {  	_ =	swait.ge [sflag:s13], $0x4000  }
0x1dc: {  	[sflag:s13] =	ssyncset.done $0x0  }
0x1dd: {  	s21 =	sadd.s32 $0x100, s20;
	[sflag:s13] =	ssyncadd.s32 $0xFFFFC000  }
0x1de: {  	[tilespmem:s26], [sflag:$0x1] =	stream.indirect.gather [hbm4b:s4+s30], $0x80, s21, s30, $0xb8;
	[tilespmem:$0x1E800] =	vst v63  }
0x1df: {  	s21 =	sadd.s32 $0x140, s20  }
0x1e0: {  	[tilespmem:s31], [sflag:$0x1] =	stream.indirect.gather [hbm4b:s4+s30], $0x80, s21, s30, $0xb8;
	[tilespmem:$0x1E800] =	vst v63  }
.Ltmp7:
0x1e1: {  	_ =	swait.ge [sflag:s14], $0x4000;
	(pc) =	sbr.rel @p0 .LBB2_16-.Ltmp7, $4  }
0x1e2: {  	[sflag:s14] =	ssyncset.done $0x0  }
0x1e3: {  	s21 =	sadd.s32 $0x180, s20;
	[sflag:s14] =	ssyncadd.s32 $0xFFFFC000  }
0x1e4: {  	[tilespmem:s0], [sflag:$0x2] =	stream.indirect.gather [hbm4b:s4+s30], $0x80, s21, s30, $0xb8;
	[tilespmem:$0x1E800] =	vst v63  }
0x1e5: {  	s20 =	sadd.s32 $0x1C0, s20  }
0x1e6: {  	[tilespmem:s7], [sflag:$0x2] =	stream.indirect.gather [hbm4b:s4+s30], $0x80, s20, s30, $0xb8;
	[tilespmem:$0x1E800] =	vst v63  }
0x1e7: {  	_ =	swait.ge [sflag:s8], $0x4000  }
0x1e8: {  	[sflag:s8] =	ssyncset.done $0x0  }
0x1e9: {  	[sflag:s8] =	ssyncadd.s32 $0xFFFFC000  }
0x1ea: {  	[spmem:s2] =	stream.indirect.scatter.add.f32 [tilespmem:s26], [sflag:$0x3], $0x80, s15, s1, $0xb8;
	[tilespmem:$0x1E800] =	vst v63  }
0x1eb: {  	_ =	swait.ge [sflag:s9], $0x4000  }
0x1ec: {  	[sflag:s9] =	ssyncset.done $0x0  }
0x1ed: {  	[sflag:s9] =	ssyncadd.s32 $0xFFFFC000  }
0x1ee: {  	[spmem:s2] =	stream.indirect.scatter.add.f32 [tilespmem:s0], [sflag:$0x4], $0x80, s16, s1, $0xb8;
	[tilespmem:$0x1E800] =	vst v63  }
0x1ef: {  	_ =	swait.ge [sflag:s13], $0x4000  }
0x1f0: {  	[sflag:s13] =	ssyncset.done $0x0  }
0x1f1: {  	[sflag:s13] =	ssyncadd.s32 $0xFFFFC000  }
0x1f2: {  	_ =	swait.ge [sflag:s14], $0x4000  }
0x1f3: {  	[sflag:s14] =	ssyncset.done $0x0  }
0x1f4: {  	s19 =	simm.s32 $0x0;
	[sflag:s14] =	ssyncadd.s32 $0xFFFFC000  }
0x1f5: {  	[tilespmem:s19], [sflag:$0x5] =	stream.linear.gather [hbm4b:s23+s19], $0x1400, $0x38;
	[tilespmem:$0x1E800] =	vst v63  }
0x1f6: {  	_ =	swait.ge [sflag:s28], $0x1400  }
0x1f7: {  	[sflag:s28] =	ssyncset.done $0x0  }
0x1f8: {  	[sflag:s28] =	ssyncadd.s32 $0xFFFFEC00  }
0x1f9: {  	[tilespmem:s29], [sflag:$0x5] =	stream.linear.gather [hbm4b:s24+s19], $0x1400, $0x38;
	[tilespmem:$0x1E800] =	vst v63  }
0x1fa: {  	_ =	swait.ge [sflag:s28], $0x1400  }
0x1fb: {  	[sflag:s28] =	ssyncset.done $0x0  }
0x1fc: {  	[sflag:s28] =	ssyncadd.s32 $0xFFFFEC00  }
0x1fd: {  	[tilespmem:s26], [sflag:$0x1] =	stream.indirect.gather [hbm4b:s4+s30], $0x80, s19, s30, $0xb8;
	[tilespmem:$0x1E800] =	vst v63  }
0x1fe: {  	_ = 	snop  }
0x1ff: {  	[tilespmem:s31], [sflag:$0x1] =	stream.indirect.gather [hbm4b:s4+s30], $0x80, s30, s30, $0xb8;
	[tilespmem:$0x1E800] =	vst v63  }
0x200: {  	_ = 	snop  }
0x201: {  	[tilespmem:s0], [sflag:$0x2] =	stream.indirect.gather [hbm4b:s4+s30], $0x80, s1, s30, $0xb8;
	[tilespmem:$0x1E800] =	vst v63  }
0x202: {  	_ = 	snop  }
0x203: {  	[tilespmem:s7], [sflag:$0x2] =	stream.indirect.gather [hbm4b:s4+s30], $0x80, s6, s30, $0xb8;
	[tilespmem:$0x1E800] =	vst v63  }
0x204: {  	_ =	swait.ge [sflag:s8], $0x4000  }
0x205: {  	[sflag:s8] =	ssyncset.done $0x0  }
0x206: {  	s21 =	simm.s32 $0x1400;
	[sflag:s8] =	ssyncadd.s32 $0xFFFFC000  }
0x207: {  	[spmem:s2] =	stream.indirect.scatter.add.f32 [tilespmem:s26], [sflag:$0x3], $0x80, s21, s1, $0xb8;
	[tilespmem:$0x1E800] =	vst v63  }
0x208: {  	_ =	swait.ge [sflag:s9], $0x4000  }
0x209: {  	[sflag:s9] =	ssyncset.done $0x0  }
0x20a: {  	s20 =	simm.s32 $0x1480;
	[sflag:s9] =	ssyncadd.s32 $0xFFFFC000  }
0x20b: {  	[spmem:s2] =	stream.indirect.scatter.add.f32 [tilespmem:s0], [sflag:$0x4], $0x80, s20, s1, $0xb8;
	[tilespmem:$0x1E800] =	vst v63  }
0x20c: {  	_ =	swait.ge [sflag:s13], $0x4000  }
0x20d: {  	[sflag:s13] =	ssyncset.done $0x0  }
0x20e: {  	s21 =	simm.s32 $0x100;
	[sflag:s13] =	ssyncadd.s32 $0xFFFFC000  }
0x20f: {  	[tilespmem:s26], [sflag:$0x1] =	stream.indirect.gather [hbm4b:s4+s30], $0x80, s21, s30, $0xb8;
	[tilespmem:$0x1E800] =	vst v63  }
0x210: {  	s20 =	simm.s32 $0x140  }
0x211: {  	[tilespmem:s31], [sflag:$0x1] =	stream.indirect.gather [hbm4b:s4+s30], $0x80, s20, s30, $0xb8;
	[tilespmem:$0x1E800] =	vst v63  }
0x212: {  	_ =	swait.ge [sflag:s14], $0x4000  }
0x213: {  	s19 =	simm.s32 $0x400;
	[sflag:s14] =	ssyncset.done $0x0  }
0x214: {  	s21 =	simm.s32 $0x180;
	s20 =	simm.s32 $0x1C0;
	[sflag:s14] =	ssyncadd.s32 $0xFFFFC000  }
0x215: {  	[tilespmem:s0], [sflag:$0x2] =	stream.indirect.gather [hbm4b:s4+s30], $0x80, s21, s30, $0xb8;
	[tilespmem:$0x1E800] =	vst v63  }
.LBB2_18:
0x216: {  	[tilespmem:s7], [sflag:$0x2] =	stream.indirect.gather [hbm4b:s4+s30], $0x80, s20, s30, $0xb8;
	[tilespmem:$0x1E800] =	vst v63  }
0x217: {  	s20 =	smov.u32 s19  }
0x218: {  	p0 =	sne.s32 s19, $0x4800;
	s19 =	sadd.s32 $0x400, s19;
	_ =	swait.ge [sflag:s8], $0x4000  }
0x219: {  	s20 =	sshra.s32 s20, $0x2;
	[sflag:s8] =	ssyncset.done $0x0  }
0x21a: {  	s21 =	sadd.s32 $0x1400, s20;
	[sflag:s8] =	ssyncadd.s32 $0xFFFFC000  }
0x21b: {  	[spmem:s2] =	stream.indirect.scatter.add.f32 [tilespmem:s26], [sflag:$0x3], $0x80, s21, s1, $0xb8;
	[tilespmem:$0x1E800] =	vst v63  }
0x21c: {  	_ =	swait.ge [sflag:s9], $0x4000  }
0x21d: {  	[sflag:s9] =	ssyncset.done $0x0  }
0x21e: {  	s21 =	sadd.s32 $0x1480, s20;
	[sflag:s9] =	ssyncadd.s32 $0xFFFFC000  }
0x21f: {  	[spmem:s2] =	stream.indirect.scatter.add.f32 [tilespmem:s0], [sflag:$0x4], $0x80, s21, s1, $0xb8;
	[tilespmem:$0x1E800] =	vst v63  }
0x220: {  	_ =	swait.ge [sflag:s13], $0x4000  }
0x221: {  	[sflag:s13] =	ssyncset.done $0x0  }
0x222: {  	s21 =	sadd.s32 $0x100, s20;
	[sflag:s13] =	ssyncadd.s32 $0xFFFFC000  }
0x223: {  	[tilespmem:s26], [sflag:$0x1] =	stream.indirect.gather [hbm4b:s4+s30], $0x80, s21, s30, $0xb8;
	[tilespmem:$0x1E800] =	vst v63  }
0x224: {  	s21 =	sadd.s32 $0x140, s20  }
0x225: {  	[tilespmem:s31], [sflag:$0x1] =	stream.indirect.gather [hbm4b:s4+s30], $0x80, s21, s30, $0xb8;
	[tilespmem:$0x1E800] =	vst v63  }
.Ltmp8:
0x226: {  	_ =	swait.ge [sflag:s14], $0x4000;
	(pc) =	sbr.rel @p0 .LBB2_18-.Ltmp8, $4  }
0x227: {  	[sflag:s14] =	ssyncset.done $0x0  }
0x228: {  	s21 =	sadd.s32 $0x180, s20;
	[sflag:s14] =	ssyncadd.s32 $0xFFFFC000  }
0x229: {  	[tilespmem:s0], [sflag:$0x2] =	stream.indirect.gather [hbm4b:s4+s30], $0x80, s21, s30, $0xb8;
	[tilespmem:$0x1E800] =	vst v63  }
0x22a: {  	s20 =	sadd.s32 $0x1C0, s20  }
0x22b: {  	[tilespmem:s7], [sflag:$0x2] =	stream.indirect.gather [hbm4b:s4+s30], $0x80, s20, s30, $0xb8;
	[tilespmem:$0x1E800] =	vst v63  }
0x22c: {  	_ =	swait.ge [sflag:s8], $0x4000  }
0x22d: {  	[sflag:s8] =	ssyncset.done $0x0  }
0x22e: {  	[sflag:s8] =	ssyncadd.s32 $0xFFFFC000  }
0x22f: {  	[spmem:s2] =	stream.indirect.scatter.add.f32 [tilespmem:s26], [sflag:$0x3], $0x80, s15, s1, $0xb8;
	[tilespmem:$0x1E800] =	vst v63  }
0x230: {  	_ =	swait.ge [sflag:s9], $0x4000  }
0x231: {  	[sflag:s9] =	ssyncset.done $0x0  }
0x232: {  	[sflag:s9] =	ssyncadd.s32 $0xFFFFC000  }
0x233: {  	[spmem:s2] =	stream.indirect.scatter.add.f32 [tilespmem:s0], [sflag:$0x4], $0x80, s16, s1, $0xb8;
	[tilespmem:$0x1E800] =	vst v63  }
0x234: {  	_ =	swait.ge [sflag:s13], $0x4000  }
0x235: {  	[sflag:s13] =	ssyncset.done $0x0  }
0x236: {  	[sflag:s13] =	ssyncadd.s32 $0xFFFFC000  }
0x237: {  	_ =	swait.ge [sflag:s14], $0x4000  }
0x238: {  	[sflag:s14] =	ssyncset.done $0x0  }
0x239: {  	[sflag:s14] =	ssyncadd.s32 $0xFFFFC000  }
0x23a: {  	[bflag:$0x0] =	sbarrier.arrive $0xFFFF  }
0x23b: {  	s19 =	rddreg [dreg:$0x6]  }
0x23c: {  	[hbm:s19], [sflag:s17] =	dma.local [spmem:s18], $0x2800  }
0x23d: {  	_ =	swait.ge [sflag:s28], $0x2800  }
0x23e: {  	s3 =	sadd.s32 $0x1, s3;
	s21 =	rddreg [dreg:$0x7]  }
0x23f: {  	p0 =	sne.s32 s3, s21  }
.Ltmp9:
0x240: {  	_ = 	snop;
	(pc) =	sbr.rel @p0 .LBB2_1-.Ltmp9, $3  }
0x241: {  	_ =	sdelay $0x1  }
0x242: {  	[sflag:s28] =	ssyncset.done $0x0  }
0x243: {  	[sflag:s28] =	ssyncadd.s32 $0xFFFFD800  }
0x244: {  	_ =	sfence.sel $0x180000  }
0x245: {  	[bflag:$0x0] =	sbarrier.arrive $0xFFFF  }
0x246: {  	_ =	strace $0x9000004D  }
0x247: {  	s0 =	stileid.u32;
	[bflag:$0x2] =	sbarrier.arrive $0xFFFF  }
0x248: {  	p0 =	sne.s32 s0, $0x0;
	s0 =	rddreg [dreg:$0x3]  }
0x249: {  	s0 =	sadd.s32 @!p0 $0x100000, s0  }
0x24a: {  	[sflag:s0] =	ssyncadd.tile.s32 @!p0 $0x1;
	_ =	shalt  }
.Lfunc_end2:
_tile_overlayer_lowered:
.L_overlay_start_2:
0x24b: {  	(tag) =	ssettag $0x2  }
0x24c: {  	s0 =	rddreg [dreg:$0x0];
	s2 =	stileid.u32  }
0x24d: {  	s1 =	rddreg [dreg:$0x1];
	p0 =	sne.s32 s2, $0x0  }
0x24e: {  	s3 =	rddreg [dreg:$0x2];
	[bflag:$0x3] =	sbarrier.arrive $0xFFFF;
	s2 =	simm.s32 @!p0 $0x1C05  }
0x24f: {  	[timem:s3], [sflag:s2] =	dma.local @!p0 [hbm:s0], s1  }
0x250: {  	s0 =	simm.s32 @!p0 $0x5  }
0x251: {  	_ =	swait.ge @!p0 [sflag:s0], s1  }
0x252: {  	s1 =	ssub.s32 @!p0 $0x0, s1;
	[sflag:s0] =	ssyncset.done @!p0 $0x0  }
0x253: {  	[sflag:s0] =	ssyncadd.s32 @!p0 s1  }
0x254: {  	[bflag:$0x3] =	sbarrier.arrive $0xFFFF  }
0x255: {  	_ =	shalt  }

// kernel: kernel.8.cloned.1.call-start
scs
__scs_entry_jumppad:
0x0: {  	(pc) =	sbr.rel $0x88, $3  }
0x1: {  	(tag) =	ssettag $0x0;
	lr =	simm.s32 $0x1  }
0x2: {  	[smem:$0x3F8B] =	sst lr;
	_ =	strace $0xD0000000  }
0x3: {  	_ = 	snop  }
0x4: {  	_ = 	snop  }
0x5: {  	_ = 	snop  }
0x6: {  	_ = 	snop  }
0x7: {  	_ = 	snop  }
__scs_overlays_trampoline_lowered:
0x8: {  	[smem:$0x3F9A] =	sst s0  }
0x9: {  	[smem:$0x3F9B] =	sst s1  }
0xa: {  	[smem:$0x3F9C] =	sst s2  }
0xb: {  	[smem:$0x3F9D] =	sst s3  }
0xc: {  	[smem:$0x3F9E] =	sst s4  }
0xd: {  	[smem:$0x3F9F] =	sst s5  }
0xe: {  	[smem:$0x3FA0] =	sst s6  }
0xf: {  	[smem:$0x3FA1] =	sst s7  }
0x10: {  	[smem:$0x3FA2] =	sst s8  }
0x11: {  	[smem:$0x3FA3] =	sst s9;
	s0 =	simm.s32 @!p0 $0x0  }
0x12: {  	s1 =	sld [smem:$0x3F89];
	s0 =	simm.s32 @p0 $0x1  }
0x13: {  	[smem:$0x3FA4] =	sst s0;
	s0 =	simm.s32 @!p1 $0x0  }
0x14: {  	s2 =	sld [smem:$0x3F88];
	s0 =	simm.s32 @p1 $0x1  }
0x15: {  	[smem:$0x3FA5] =	sst s0;
	s0 =	simm.s32 @!p2 $0x0  }
0x16: {  	s3 =	sld [smem:$0x3FDB];
	s0 =	simm.s32 @p2 $0x1  }
0x17: {  	s4 =	simm.s32 $0x1BF5;
	[smem:$0x3FA7] =	sst s0  }
0x18: {  	s0 =	sld [smem:$0x3F8A];
	_ =	swait.ge [sflag:s4], $0x0  }
0x19: {  	s7 =	sld [smem:$0x3F8B]  }
0x1a: {  	s8 =	sadd.s32 $0xFFFFE003, lr  }
0x1b: {  	s9 =	sadd.s32 $0xFFFFFEF7, lr;
	s5 =	simm.s32 $0xFFFFFFFF;
	p2 =	slt.u32 s8, $0xFFFFF086  }
0x1c: {  	p1 =	slt.u32 s9, $0xF7A;
	s5 =	simm.s32 @!p2 $0x0  }
0x1d: {  	s5 =	simm.s32 @p1 $0x1;
	p0 =	seq.s32 s7, s2  }
0x1e: {  	s7 =	smul.u32 @!p0 $0xF7A, s2;
	p2 =	seq.s32 @!p0 s5, $0x0  }
0x1f: {  	s9 =	smul.u32 $0xF7A, s1;
	s8 =	simm.s32 @!p0 $0x1BF5;
	p2 =	por !p2, p0  }
0x20: {  	[sflag:s8] =	ssyncset.s32 @!p0 $0xFFFFF086;
	s6 =	sadd.s32 @!p0 s3, s7;
	s7 =	simm.s32 @!p0 $0x108  }
0x21: {  	s3 =	sadd.s32 s3, s9;
	s6 =	sadd.s32 @!p0 $0x88, s6;
	s7 =	simm.s32 @p2 $0x1082  }
0x22: {  	[simem:s7], [sflag:s8] =	dma.local @!p0 [hbm:s6], $0xF7A  }
0x23: {  	s9 =	sor.u32 $0xD0000000, s2;
	s6 =	simm.s32 $0x108;
	_ =	swait.ge @!p0 [sflag:s8], $0x0  }
0x24: {  	s3 =	sadd.s32 $0x88, s3;
	s6 =	simm.s32 @!p1 $0x1082;
	[sflag:s4] =	ssyncset.s32 $0xFFFFF086  }
0x25: {  	[simem:s6], [sflag:s4] =	dma.local [hbm:s3], $0xF7A  }
0x26: {  	[smem:$0x3F8B] =	sst s1;
	(tag) =	ssettag s2;
	_ =	strace s9  }
0x27: {  	s1 =	sld [smem:$0x3F9B]  }
0x28: {  	s2 =	sld [smem:$0x3F9C]  }
0x29: {  	s4 =	sld [smem:$0x3F9E]  }
0x2a: {  	p0 =	seq.s32 s5, $0x0;
	s5 =	sld [smem:$0x3F9F]  }
0x2b: {  	s6 =	sld [smem:$0x3FA0]  }
0x2c: {  	s7 =	sld [smem:$0x3FA1]  }
0x2d: {  	s3 =	simm.s32 $0x108;
	s8 =	sld [smem:$0x3FA2]  }
0x2e: {  	s3 =	simm.s32 @!p0 $0x1082;
	s9 =	sld [smem:$0x3FA3]  }
0x2f: {  	lr =	sadd.s32 s0, s3;
	s0 =	sld [smem:$0x3F9A]  }
0x30: {  	s3 =	sld [smem:$0x3F9D]  }
0x31: {  	[smem:$0x3FA6] =	sst s10  }
0x32: {  	s10 =	sld [smem:$0x3FA4];
	_ =	sdelay $0x3  }
0x33: {  	p0 =	seq.s32 s10, $0x1;
	s10 =	sld [smem:$0x3FA6];
	_ =	sdelay $0x3  }
0x34: {  	[smem:$0x3FA6] =	sst s10  }
0x35: {  	s10 =	sld [smem:$0x3FA5];
	_ =	sdelay $0x3  }
0x36: {  	p1 =	seq.s32 s10, $0x1;
	s10 =	sld [smem:$0x3FA6];
	_ =	sdelay $0x3  }
0x37: {  	[smem:$0x3FA6] =	sst s10  }
0x38: {  	s10 =	sld [smem:$0x3FA7]  }
0x39: {  	_ = 	snop;
	(pc) =	sbr.ind lr, $3  }
0x3a: {  	_ = 	snop  }
0x3b: {  	_ = 	snop  }
0x3c: {  	p2 =	seq.s32 s10, $0x1;
	s10 =	sld [smem:$0x3FA6]  }
0x3d: {  	_ =	shalt  }
0x3e: {  	_ =	shalt  }
0x3f: {  	_ =	shalt  }
0x40: {  	_ =	shalt  }
0x41: {  	_ =	shalt  }
0x42: {  	_ =	shalt  }
0x43: {  	_ =	shalt  }
0x44: {  	_ =	shalt  }
0x45: {  	_ =	shalt  }
0x46: {  	_ =	shalt  }
0x47: {  	_ =	shalt  }
0x48: {  	_ =	shalt  }
0x49: {  	_ =	shalt  }
0x4a: {  	_ =	shalt  }
0x4b: {  	_ =	shalt  }
0x4c: {  	_ =	shalt  }
0x4d: {  	_ =	shalt  }
0x4e: {  	_ =	shalt  }
0x4f: {  	_ =	shalt  }
0x50: {  	_ =	shalt  }
0x51: {  	_ =	shalt  }
0x52: {  	_ =	shalt  }
0x53: {  	_ =	shalt  }
0x54: {  	_ =	shalt  }
0x55: {  	_ =	shalt  }
0x56: {  	_ =	shalt  }
0x57: {  	_ =	shalt  }
0x58: {  	_ =	shalt  }
0x59: {  	_ =	shalt  }
0x5a: {  	_ =	shalt  }
0x5b: {  	_ =	shalt  }
0x5c: {  	_ =	shalt  }
0x5d: {  	_ =	shalt  }
0x5e: {  	_ =	shalt  }
0x5f: {  	_ =	shalt  }
0x60: {  	_ =	shalt  }
0x61: {  	_ =	shalt  }
0x62: {  	_ =	shalt  }
0x63: {  	_ =	shalt  }
0x64: {  	_ =	shalt  }
0x65: {  	_ =	shalt  }
0x66: {  	_ =	shalt  }
0x67: {  	_ =	shalt  }
0x68: {  	_ =	shalt  }
0x69: {  	_ =	shalt  }
0x6a: {  	_ =	shalt  }
0x6b: {  	_ =	shalt  }
0x6c: {  	_ =	shalt  }
0x6d: {  	_ =	shalt  }
0x6e: {  	_ =	shalt  }
0x6f: {  	_ =	shalt  }
0x70: {  	_ =	shalt  }
0x71: {  	_ =	shalt  }
0x72: {  	_ =	shalt  }
0x73: {  	_ =	shalt  }
0x74: {  	_ =	shalt  }
0x75: {  	_ =	shalt  }
0x76: {  	_ =	shalt  }
0x77: {  	_ =	shalt  }
0x78: {  	_ =	shalt  }
0x79: {  	_ =	shalt  }
0x7a: {  	_ =	shalt  }
0x7b: {  	_ =	shalt  }
0x7c: {  	_ =	shalt  }
0x7d: {  	_ =	shalt  }
0x7e: {  	_ =	shalt  }
0x7f: {  	_ =	shalt  }
0x80: {  	_ =	shalt  }
0x81: {  	_ =	shalt  }
0x82: {  	_ =	shalt  }
0x83: {  	_ =	shalt  }
0x84: {  	_ =	shalt  }
0x85: {  	_ =	shalt  }
0x86: {  	_ =	shalt  }
0x87: {  	_ =	shalt  }
.Lfunc_end0:
.L_simem_size_0:
called_computation_lowered:
.L_overlay_start_0:
0x88: {  	s2 =	sld [smem:$0x3FD9]  }
0x89: {  	s3 =	sld [smem:$0x3FFE];
	_ =	sdelay $0x1  }
0x8a: {  	s1 =	srdreg.scid  }
0x8b: {  	s0 =	sand.u32 $0x1, s1  }
0x8c: {  	s16 =	sshll.u32 s0, $0xA;
	s2 =	sadd.s32 s3, s2  }
0x8d: {  	s2 =	sadd.s32 s2, s16  }
0x8e: {  	[smem:$0x3FB2] =	sst s2  }
0x8f: {  	_ = 	snop  }
0x90: {  	(tm) =	ssettm $0x1  }
0x91: {  	s17 =	sld [smem:$0x3FFB];
	_ =	sdelay $0x3  }
0x92: {  	_ =	strace s17  }
0x93: {  	s2 =	sld [smem:$0x3FFC];
	_ =	sdelay $0x3  }
0x94: {  	_ =	strace s2  }
0x95: {  	s2 =	sld [smem:$0x3FFD];
	_ =	sdelay $0x3  }
0x96: {  	_ =	strace s2  }
0x97: {  	_ =	strace $0x8FFFFFFF  }
0x98: {  	s18 =	sld [smem:$0x3FDB];
	_ =	sdelay $0x1  }
0x99: {  	s19 =	simm.s32 $_scs_section_size  }
0x9a: {  	s4 =	simm.s32 $_size__tile_overlayer_lowered;
	s5 =	simm.s32 $_tile_overlayer_lowered  }
0x9b: {  	s22 =	simm.s32 $0x1BFF;
	s21 =	sshll.u32 s5, $0x1;
	s2 =	sadd.s32 s19, s18  }
0x9c: {  	s6 =	simm.s32 $0x0;
	s20 =	sshll.u32 s4, $0x1;
	s4 =	sadd.s32 s21, s2  }
0x9d: {  	[timem:s6], [sflag:s22] =	dma.local [hbm:s4], s20  }
0x9e: {  	_ =	swait.ge [sflag:s22], s20  }
0x9f: {  	s3 =	ssub.s32 $0x0, s20;
	[sflag:s22] =	ssyncset.done $0x0  }
0xa0: {  	[sflag:s22] =	ssyncadd.s32 s3;
	_ =	sdelay $0x1  }
0xa1: {  	s23 =	simm.s32 $0x1B8B  }
0xa2: {  	_ =	swait.ge [sflag:s23], $0x1  }
0xa3: {  	[sflag:s23] =	ssyncset.done $0x0  }
0xa4: {  	s25 =	simm.s32 $0x1B8E;
	s24 =	sld [smem:$0x3FFE];
	[sflag:s23] =	ssyncadd.s32 $0xFFFFFFFF  }
0xa5: {  	s26 =	simm.s32 $execute0_lowered;
	[smem:$0x3FD2] =	sst s25  }
0xa6: {  	s4 =	sshll.u32 s26, $0x1;
	_ =	strace $0x80000046;
	[dreg:$0x1] =	wrdreg $0xFFFFFFFF  }
0xa7: {  	s28 =	simm.s32 $_size_execute0_lowered;
	s2 =	sadd.s32 s2, s4;
	[dreg:$0x0] =	wrdreg $0x0  }
0xa8: {  	s4 =	sshll.u32 s28, $0x1;
	[dreg:$0x2] =	wrdreg s2  }
0xa9: {  	[dreg:$0x3] =	wrdreg s4  }
0xaa: {  	[dreg:$0x4] =	wrdreg $0xC0  }
0xab: {  	_ =	task [dreg:s6], $0x5FFFF  }
0xac: {  	[dreg:$0x1] =	wrdreg $0xFFFFFFFF  }
0xad: {  	[dreg:$0x0] =	wrdreg $0x60  }
0xae: {  	[dreg:$0x2] =	wrdreg s24  }
0xaf: {  	[dreg:$0x3] =	wrdreg $0xF1000  }
0xb0: {  	[dreg:$0x4] =	wrdreg $0x9  }
0xb1: {  	_ =	task.clear_ibuf [dreg:s6], $0x5FFFF;
	_ =	strace $0x90000046  }
0xb2: {  	s29 =	simm.s32 $0x9;
	_ =	strace $0x80000048  }
0xb3: {  	_ =	swait.ge [sflag:s29], $0x1  }
0xb4: {  	[sflag:s29] =	ssyncadd.s32 $0xFFFFFFFF  }
0xb5: {  	_ =	strace $0x90000048  }
0xb6: {  	_ =	sfence  }
0xb7: {  	s30 =	sld [smem:$0x0];
	_ =	sdelay $0x2  }
0xb8: {  	s31 =	sshll.u32 s1, $0xD;
	s1 =	sshrl.u32 s1, $0x2  }
0xb9: {  	s3 =	sand.u32 $0x4000, s31;
	s1 =	sadd.s32 s1, s30  }
0xba: {  	s0 =	sor.u32 s3, s0;
	s1 =	sshll.u32 s1, $0x11  }
0xbb: {  	s0 =	sor.u32 s1, s0  }
0xbc: {  	s0 =	sadd.s32 $0x8F2B, s0  }
0xbd: {  	[sflag:s0] =	ssyncadd.remote.s32 $0x1  }
0xbe: {  	_ =	sfence.sel $0xFFFF  }
0xbf: {  	[dreg:$0x0] =	wrdreg $0xFFFFFFFF;
	(pc) =	sbr.abs _section_cstart, $3  }
0xc0: {  	[dreg:$0x1] =	wrdreg $0xFFFFFFFF  }
0xc1: {  	_ =	task.clear_ibuf [dreg:s6], $0x2FFFF;
	_ =	strace $0x9FFFFFFF  }
0xc2: {  	(tm) =	ssettm $0x7FFFFFFF  }
0xc3: {  	_ =	shalt  }
tec
execute0_lowered:
.L_overlay_start_1:
0x0: {  	(tag) =	ssettag $0x1  }
0x1: {  	s4 =	rddreg [dreg:$0x0]  }
0x2: {  	s1 =	rddreg [dreg:$0x1]  }
0x3: {  	s0 =	rddreg [dreg:$0x2];
	s3 =	simm.s32 $0x0  }
0x4: {  	s5 =	srdreg.scid;
	s2 =	stileid.u32;
	s10 =	simm.s32 $0x80  }
0x5: {  	s11 =	simm.s32 $0xF000;
	s12 =	simm.s32 $0x1;
	s15 =	simm.s32 $0x20  }
0x6: {  	s16 =	simm.s32 $0x10;
	[smem:$0x7FF] =	sst s3;
	s7 =	smul.u32 $0x2800, s2  }
0x7: {  	s5 =	sand.u32 $0x1, s5;
	s6 =	sshll.u32 s2, $0x1;
	s9 =	smul.u32 $0x5000, s2  }
0x8: {  	s13 =	sshll.u32 s2, $0x6;
	_ =	strace $0x80000047;
	s6 =	sor.u32 s5, s6  }
0x9: {  	s8 =	sshll.u32 s5, $0x7;
	s5 =	ssub.s32 $0x2, s5;
	s13 =	sor.u32 $0x1C02, s13  }
0xa: {  	s6 =	smul.u32 $0x1E00, s6;
	s7 =	sor.u32 s8, s7;
	s30 =	sshrl.u32 s5, $0x1  }
0xb: {  	s31 =	sshrl.u32 s9, $0x2;
	s9 =	simm.s32 $0x2;
	s7 =	sshrl.u32 s7, $0x3  }
0xc: {  	s8 =	ssub.s32 s5, s30;
	s6 =	sadd.s32 s6, s4;
	s7 =	sadd.s32 s7, s4  }
0xd: {  	s4 =	sadd.s32 $0x2800, s6;
	s5 =	sadd.s32 $0x3E800, s7;
	s6 =	sadd.s32 s31, s1  }
0xe: {  	v0 =	vimm.f32 $1.000000000e+00;
	v1 =	vimm.f32 $0.0e+00;
	s7 =	smax.u32 s8, $0x1;
	s8 =	simm.s32 $0xF080;
	s14 =	sshrl.u32 s6, $0x3  }
.LBB2_1:
0xf: {  	[tilespmem:$0xF000] =	vst v0  }
0x10: {  	[tilespmem:$0xF080] =	vst v1  }
0x11: {  	[tilespmem:$0xF010] =	vst v0  }
0x12: {  	[tilespmem:$0xF090] =	vst v1  }
0x13: {  	[tilespmem:$0xF020] =	vst v0  }
0x14: {  	[tilespmem:$0xF0A0] =	vst v1  }
0x15: {  	[tilespmem:$0xF030] =	vst v0  }
0x16: {  	[tilespmem:$0xF0B0] =	vst v1  }
0x17: {  	[tilespmem:$0xF040] =	vst v0  }
0x18: {  	[tilespmem:$0xF0C0] =	vst v1  }
0x19: {  	[tilespmem:$0xF050] =	vst v0  }
0x1a: {  	[tilespmem:$0xF0D0] =	vst v1  }
0x1b: {  	[tilespmem:$0xF060] =	vst v0  }
0x1c: {  	[tilespmem:$0xF0E0] =	vst v1  }
0x1d: {  	[tilespmem:$0xF070] =	vst v0  }
0x1e: {  	[tilespmem:$0xF0F0] =	vst v1;
	s17 =	sadd.s32 $0x0, s6  }
0x1f: {  	[spmem:s17] =	stream.linear.scatter [tilespmem:s8], [sflag:$0x2], $0x80, $0x38;
	[tilespmem:$0x10500] =	vst v63  }
0x20: {  	s17 =	simm.s32 $0x200;
	_ =	swait.ge [sflag:s9], $0x80  }
.LBB2_2:
0x21: {  	s18 =	sshra.s32 s17, $0x2;
	[sflag:s9] =	ssyncset.done $0x0;
	p0 =	sne.s32 s17, $0x4E00  }
.Ltmp0:
0x22: {  	s18 =	sadd.s32 s18, s6;
	[sflag:s9] =	ssyncadd.s32 $0xFFFFFF80;
	(pc) =	sbr.rel @p0 .LBB2_2-.Ltmp0, $3  }
0x23: {  	[spmem:s18] =	stream.linear.scatter [tilespmem:s8], [sflag:$0x2], $0x80, $0x38;
	[tilespmem:$0x10500] =	vst v63  }
0x24: {  	s17 =	sadd.s32 $0x200, s17;
	_ =	sdelay $0x1  }
0x25: {  	_ =	swait.ge [sflag:s9], $0x80  }
0x26: {  	[sflag:s9] =	ssyncset.done $0x0  }
0x27: {  	[sflag:s9] =	ssyncadd.s32 $0xFFFFFF80  }
0x28: {  	s17 =	simm.s32 $0x0;
	[bflag:$0x0] =	sbarrier.arrive $0xFFFF  }
0x29: {  	[tilespmem:s17], [sflag:$0x2] =	stream.linear.gather [hbm4b:s4+s17], $0xF000, $0x38;
	[tilespmem:$0x10500] =	vst v63  }
0x2a: {  	_ =	swait.ge [sflag:s9], $0xF000  }
0x2b: {  	p0 =	por $0x1, $0x1;
	[sflag:s9] =	ssyncset.done $0x0  }
0x2c: {  	s19 =	simm.s32 @!p0 $0x1;
	[sflag:s9] =	ssyncadd.s32 $0xFFFF1000  }
0x2d: {  	[spmem:s1] =	stream.indirect.scatter.add.f32 [tilespmem:s11], [sflag:$0x1], $0x1, s17, s10, $0xb8;
	[tilespmem:$0x10500] =	vst v63  }
0x2e: {  	_ =	swait.ge @!p0 [sflag:s19], $0x80  }
0x2f: {  	s18 =	simm.s32 $0x1;
	[sflag:s19] =	ssyncset.done @!p0 $0x0  }
.LBB2_4:
0x30: {  	[sflag:s19] =	ssyncadd.s32 @!p0 $0xFFFFFF80  }
0x31: {  	s17 =	sadd.s32 $0x80, s17;
	s19 =	smov.u32 s18;
	s18 =	sadd.s32 $0x1, s18  }
0x32: {  	p1 =	sne.s32 s18, $0x1E0  }
0x33: {  	[spmem:s1] =	stream.indirect.scatter.add.f32 [tilespmem:s11], [sflag:$0x1], $0x1, s17, s10, $0xb8;
	[tilespmem:$0x10500] =	vst v63  }
.Ltmp1:
0x34: {  	_ = 	snop;
	(pc) =	sbr.rel @p1 .LBB2_4-.Ltmp1, $4  }
0x35: {  	p0 =	slt.u32 s19, $0x8  }
0x36: {  	s19 =	simm.s32 @!p0 $0x1  }
0x37: {  	_ =	swait.ge @!p0 [sflag:s19], $0x80  }
0x38: {  	[sflag:s19] =	ssyncset.done @!p0 $0x0  }
0x39: {  	[sflag:s19] =	ssyncadd.s32 @!p0 $0xFFFFFF80  }
0x3a: {  	_ =	swait.ge [sflag:s12], $0x80  }
0x3b: {  	[sflag:s12] =	ssyncset.done $0x0  }
0x3c: {  	[sflag:s12] =	ssyncadd.s32 $0xFFFFFF80  }
0x3d: {  	_ =	swait.ge [sflag:s12], $0x80  }
0x3e: {  	[sflag:s12] =	ssyncset.done $0x0  }
0x3f: {  	[sflag:s12] =	ssyncadd.s32 $0xFFFFFF80  }
0x40: {  	_ =	swait.ge [sflag:s12], $0x80  }
0x41: {  	[sflag:s12] =	ssyncset.done $0x0  }
0x42: {  	[sflag:s12] =	ssyncadd.s32 $0xFFFFFF80  }
0x43: {  	_ =	swait.ge [sflag:s12], $0x80  }
0x44: {  	[sflag:s12] =	ssyncset.done $0x0  }
0x45: {  	[sflag:s12] =	ssyncadd.s32 $0xFFFFFF80  }
0x46: {  	_ =	swait.ge [sflag:s12], $0x80  }
0x47: {  	[sflag:s12] =	ssyncset.done $0x0  }
0x48: {  	[sflag:s12] =	ssyncadd.s32 $0xFFFFFF80  }
0x49: {  	_ =	swait.ge [sflag:s12], $0x80  }
0x4a: {  	[sflag:s12] =	ssyncset.done $0x0  }
0x4b: {  	[sflag:s12] =	ssyncadd.s32 $0xFFFFFF80  }
0x4c: {  	_ =	swait.ge [sflag:s12], $0x80  }
0x4d: {  	[sflag:s12] =	ssyncset.done $0x0  }
0x4e: {  	[sflag:s12] =	ssyncadd.s32 $0xFFFFFF80  }
0x4f: {  	_ =	swait.ge [sflag:s12], $0x80  }
0x50: {  	s3 =	sadd.s32 $0x1, s3;
	[sflag:s12] =	ssyncset.done $0x0  }
0x51: {  	p0 =	sne.s32 s3, s7;
	[sflag:s12] =	ssyncadd.s32 $0xFFFFFF80  }
.Ltmp2:
0x52: {  	[bflag:$0x0] =	sbarrier.arrive $0xFFFF;
	(pc) =	sbr.rel @p0 .LBB2_1-.Ltmp2, $4  }
0x53: {  	[hbm:s5@s15], [sflag:s13] =	dma.strided [spmem:s14@s16], $0x280, s12, $0x10   }
0x54: {  	_ =	swait.ge [sflag:s9], $0x280  }
0x55: {  	[sflag:s9] =	ssyncset.done $0x0  }
0x56: {  	[sflag:s9] =	ssyncadd.s32 $0xFFFFFD80  }
0x57: {  	_ =	sfence.sel $0x180000  }
0x58: {  	[bflag:$0x0] =	sbarrier.arrive $0xFFFF  }
0x59: {  	p0 =	sne.s32 s2, $0x0;
	_ =	strace $0x90000047  }
0x5a: {  	s0 =	sadd.s32 @!p0 $0x100000, s0;
	[bflag:$0x2] =	sbarrier.arrive $0xFFFF  }
0x5b: {  	[sflag:s0] =	ssyncadd.tile.s32 @!p0 $0x1;
	_ =	shalt  }
.Lfunc_end2:
_tile_overlayer_lowered:
.L_overlay_start_2:
0x5c: {  	(tag) =	ssettag $0x2  }
0x5d: {  	s0 =	rddreg [dreg:$0x0];
	s2 =	stileid.u32  }
0x5e: {  	s1 =	rddreg [dreg:$0x1];
	p0 =	sne.s32 s2, $0x0  }
0x5f: {  	s3 =	rddreg [dreg:$0x2];
	[bflag:$0x3] =	sbarrier.arrive $0xFFFF;
	s2 =	simm.s32 @!p0 $0x1C02  }
0x60: {  	[timem:s3], [sflag:s2] =	dma.local @!p0 [hbm:s0], s1  }
0x61: {  	s0 =	simm.s32 @!p0 $0x2  }
0x62: {  	_ =	swait.ge @!p0 [sflag:s0], s1  }
0x63: {  	s1 =	ssub.s32 @!p0 $0x0, s1;
	[sflag:s0] =	ssyncset.done @!p0 $0x0  }
0x64: {  	[sflag:s0] =	ssyncadd.s32 @!p0 s1  }
0x65: {  	[bflag:$0x3] =	sbarrier.arrive $0xFFFF  }
0x66: {  	_ =	shalt  }

</sc_bundles>
